<compile_context>
chip_gen: v7x
topology: tpu7x:2x2x1
jax: 0.10.2.dev20260603
libtpu: 0.0.44.dev20260713+nightly
codegen_flags: <defaults>
</compile_context>

<pallas_src>
import functools

import jax
import jax.numpy as jnp
from jax import lax
from jax.experimental import pallas as pl
from jax.experimental.pallas import tpu as pltpu
from jax.experimental.pallas import tpu_sc as plsc

N = 10000
E = 320000
IN_F = 128
H1_F = 128
OUT_F = 64
FQ = 64

NC = 2
NS = 16
L = 16
NW = NC * NS
EPW = E // NW
C = 80
NCHUNK = EPW // C

BLK = 1024
NB = 10
N_PAD = NB * BLK
N2 = 2 * N_PAD
RPT2 = N2 // NS
DROW2 = N2 // L

_NEG_INF = -3.0e38



def _phase2_tables(el, er, m_ref, feat, g_refs, q_ref, el_ref, er_ref):
    max_el = m_ref[0, 0]
    max_er = m_ref[0, 1]
    mt = max_el + max_er
    P = jnp.exp(el - max_el)
    P2 = jnp.exp(0.2 * (el - max_el))
    q_ref[0, 0, 0, :] = jnp.exp(er - max_er)
    q_ref[1, 0, 0, :] = jnp.exp(0.2 * (er - max_er) - 0.8 * mt)
    el_ref[...] = el - max_el
    er_ref[...] = er + max_el
    for q in range(len(g_refs)):
        cols = feat[:, q * FQ:(q + 1) * FQ]
        g_refs[q][0] = (cols * P[:, None]).astype(jnp.bfloat16)
        g_refs[q][1] = (cols * P2[:, None]).astype(jnp.bfloat16)


def _featprep_tail(i, i0, feat_new, al_ref, ar_ref, g_refs, q_ref,
                   el_ref, er_ref, feat_s, el_s, er_s, m_s):

    @pl.when(i == 0)
    def _():
        m_s[0, 0] = _NEG_INF
        m_s[0, 1] = _NEG_INF

    @pl.when(i < NB)
    def _():
        feat = feat_new()
        feat_s[pl.ds(i0 * BLK, BLK), :] = feat
        el = jnp.sum(feat * al_ref[...][None, :], axis=1)
        er = jnp.sum(feat * ar_ref[...][None, :], axis=1)
        el_s[pl.ds(i0, 1), :] = el[None, :]
        er_s[pl.ds(i0, 1), :] = er[None, :]
        m_s[0, 0] = jnp.maximum(m_s[0, 0], jnp.max(el))
        m_s[0, 1] = jnp.maximum(m_s[0, 1], jnp.max(er))

    @pl.when(i >= NB)
    def _():
        feat = feat_s[pl.ds(i0 * BLK, BLK), :]
        el = el_s[pl.ds(i0, 1), :][0]
        er = er_s[pl.ds(i0, 1), :][0]
        _phase2_tables(el, er, m_s, feat, g_refs, q_ref, el_ref, er_ref)


def _make_tc_featprep(F_in, F_out):
    nq = F_out // FQ

    def body(x_ref, w_ref, al_ref, ar_ref, *rest):
        g_refs = rest[:nq]
        q_ref, el_ref, er_ref, feat_s, el_s, er_s, m_s = rest[nq:]
        i = pl.program_id(0)
        i0 = i % NB
        _featprep_tail(
            i, i0,
            lambda: jnp.dot(x_ref[...], w_ref[...],
                            preferred_element_type=jnp.float32),
            al_ref, ar_ref, g_refs, q_ref, el_ref, er_ref,
            feat_s, el_s, er_s, m_s)

    return pl.pallas_call(
        body,
        grid=(2 * NB,),
        in_specs=[
            pl.BlockSpec((BLK, F_in), lambda i: (i % NB, 0)),
            pl.BlockSpec((F_in, F_out), lambda i: (0, 0)),
            pl.BlockSpec((F_out,), lambda i: (0,)),
            pl.BlockSpec((F_out,), lambda i: (0,)),
        ],
        out_specs=(
            [pl.BlockSpec((2, BLK, FQ), lambda i: (0, i % NB, 0))] * nq
            + [
                pl.BlockSpec((2, 1, 1, BLK), lambda i: (0, i % NB, 0, 0)),
                pl.BlockSpec((BLK,), lambda i: (i % NB,)),
                pl.BlockSpec((BLK,), lambda i: (i % NB,)),
            ]
        ),
        out_shape=(
            [jax.ShapeDtypeStruct((2, N_PAD, FQ), jnp.bfloat16)] * nq
            + [
                jax.ShapeDtypeStruct((2, NB, 1, BLK), jnp.float32),
                jax.ShapeDtypeStruct((N_PAD,), jnp.float32),
                jax.ShapeDtypeStruct((N_PAD,), jnp.float32),
            ]
        ),
        scratch_shapes=[
            pltpu.VMEM((N_PAD, F_out), jnp.float32),
            pltpu.VMEM((NB, BLK), jnp.float32),
            pltpu.VMEM((NB, BLK), jnp.float32),
            pltpu.SMEM((1, 2), jnp.float32),
        ],
    )


def _recombine(acc_pairs, denp_ref, denn_ref, q_ref, b_ref):
    q = q_ref[0, 0, 0, :]
    q2 = q_ref[1, 0, 0, :]
    den = (q * jnp.sum(denp_ref[...], axis=0)
           + q2 * jnp.sum(denn_ref[...], axis=0))
    inv = 1.0 / (den + 1e-16)
    parts = []
    for ap, an in acc_pairs:
        pos = ap[0].astype(jnp.float32) + ap[1].astype(jnp.float32)
        neg = an[0].astype(jnp.float32) + an[1].astype(jnp.float32)
        parts.append(q[:, None] * pos + q2[:, None] * neg)
    h = jnp.concatenate(parts, axis=1) * inv[:, None] + b_ref[...][None, :]
    return jnp.where(h >= 0.0, h, 0.01 * h)


def _make_tc_midprep(F_in, F_out):
    nq_in = F_in // FQ
    nq = F_out // FQ

    def body(*args):
        a_flat = args[:2 * nq_in]
        a_pairs = [(a_flat[2 * k], a_flat[2 * k + 1]) for k in range(nq_in)]
        (denp_ref, denn_ref, q1_ref, b_ref,
         w_ref, al_ref, ar_ref) = args[2 * nq_in:2 * nq_in + 7]
        rest = args[2 * nq_in + 7:]
        g_refs = rest[:nq]
        q_ref, el_ref, er_ref, feat_s, el_s, er_s, m_s = rest[nq:]
        i = pl.program_id(0)
        i0 = i % NB

        def feat_new():
            h = _recombine(a_pairs, denp_ref, denn_ref, q1_ref, b_ref)
            return jnp.dot(h, w_ref[...], preferred_element_type=jnp.float32)

        _featprep_tail(i, i0, feat_new, al_ref, ar_ref, g_refs, q_ref,
                       el_ref, er_ref, feat_s, el_s, er_s, m_s)

    return pl.pallas_call(
        body,
        grid=(2 * NB,),
        in_specs=(
            [pl.BlockSpec((NC, BLK, FQ), lambda i: (0, i % NB, 0)),
             pl.BlockSpec((NC, BLK, FQ), lambda i: (0, NB + i % NB, 0))]
            * nq_in
            + [
                pl.BlockSpec((NW, BLK), lambda i: (0, i % NB)),
                pl.BlockSpec((NW, BLK), lambda i: (0, NB + i % NB)),
                pl.BlockSpec((2, 1, 1, BLK), lambda i: (0, i % NB, 0, 0)),
                pl.BlockSpec((F_in,), lambda i: (0,)),
                pl.BlockSpec((F_in, F_out), lambda i: (0, 0)),
                pl.BlockSpec((F_out,), lambda i: (0,)),
                pl.BlockSpec((F_out,), lambda i: (0,)),
            ]
        ),
        out_specs=(
            [pl.BlockSpec((2, BLK, FQ), lambda i: (0, i % NB, 0))] * nq
            + [
                pl.BlockSpec((2, 1, 1, BLK), lambda i: (0, i % NB, 0, 0)),
                pl.BlockSpec((BLK,), lambda i: (i % NB,)),
                pl.BlockSpec((BLK,), lambda i: (i % NB,)),
            ]
        ),
        out_shape=(
            [jax.ShapeDtypeStruct((2, N_PAD, FQ), jnp.bfloat16)] * nq
            + [
                jax.ShapeDtypeStruct((2, NB, 1, BLK), jnp.float32),
                jax.ShapeDtypeStruct((N_PAD,), jnp.float32),
                jax.ShapeDtypeStruct((N_PAD,), jnp.float32),
            ]
        ),
        scratch_shapes=[
            pltpu.VMEM((N_PAD, F_out), jnp.float32),
            pltpu.VMEM((NB, BLK), jnp.float32),
            pltpu.VMEM((NB, BLK), jnp.float32),
            pltpu.SMEM((1, 2), jnp.float32),
        ],
    )


def _final_body(a0p, a0n, denp_ref, denn_ref, q_ref, b_ref, out_ref):
    i = pl.program_id(0)
    h = _recombine(((a0p, a0n),), denp_ref, denn_ref, q_ref, b_ref)
    row = i * BLK + lax.broadcasted_iota(jnp.int32, (BLK, 1), 0)
    h = jnp.where(row < N, h, 0.0)

    @pl.when(i == 0)
    def _():
        out_ref[...] = jnp.zeros_like(out_ref)

    out_ref[...] += jnp.sum(h, axis=0, keepdims=True)

    @pl.when(i == NB - 1)
    def _():
        out_ref[...] *= jnp.float32(1.0 / N)


def _make_tc_final(F):
    nq = F // FQ
    return pl.pallas_call(
        _final_body,
        grid=(NB,),
        in_specs=(
            [pl.BlockSpec((NC, BLK, FQ), lambda i: (0, i, 0)),
             pl.BlockSpec((NC, BLK, FQ), lambda i: (0, NB + i, 0))] * nq
            + [
                pl.BlockSpec((NW, BLK), lambda i: (0, i)),
                pl.BlockSpec((NW, BLK), lambda i: (0, NB + i)),
                pl.BlockSpec((2, 1, 1, BLK), lambda i: (0, i, 0, 0)),
                pl.BlockSpec((F,), lambda i: (0,)),
            ]
        ),
        out_specs=pl.BlockSpec((1, F), lambda i: (0, 0)),
        out_shape=jax.ShapeDtypeStruct((1, F), jnp.float32),
    )



def _make_sc_edge(nparts):
    mesh = plsc.VectorSubcoreMesh(core_axis_name="c", subcore_axis_name="s")

    @functools.partial(
        pl.kernel,
        out_type=(
            [jax.ShapeDtypeStruct((NC, N2, FQ), jnp.bfloat16)] * nparts
            + [jax.ShapeDtypeStruct((NW, N2), jnp.float32)]
        ),
        mesh=mesh,
        compiler_params=pltpu.CompilerParams(
            needs_layout_passes=False, use_tc_tiling_on_sc=False),
        scratch_types=[
            pltpu.VMEM((EPW,), jnp.int32),
            pltpu.VMEM((EPW,), jnp.int32),
            pltpu.VMEM((N_PAD,), jnp.float32),
            pltpu.VMEM((N_PAD,), jnp.float32),
            pltpu.VMEM((N2,), jnp.float32),
            pltpu.VMEM((4, C, FQ), jnp.bfloat16),
            pltpu.SemaphoreType.DMA,
            pltpu.SemaphoreType.DMA,
            pltpu.SemaphoreType.DMA,
            pltpu.SemaphoreType.DMA,
            pltpu.SemaphoreType.DMA,
            pltpu.SemaphoreType.DMA,
            pltpu.SemaphoreType.DMA,
            pltpu.SemaphoreType.DMA,
            pltpu.VMEM_SHARED((N2, FQ), jnp.bfloat16),
        ],
    )
    def sc_edge(*args):
        (ei_h, el_h, er_h) = args[:3]
        g_hs = args[3:3 + nparts]
        agg_outs = args[3 + nparts:3 + 2 * nparts]
        den_out = args[3 + 2 * nparts]
        (src1, dst1, el_v, er_v, den_v, rows_v,
         g0, g1, g2, g3, s0, s1, s2, s3, agg_sh) = args[4 + 2 * nparts:]
        gsems = (g0, g1, g2, g3)
        ssems = (s0, s1, s2, s3)

        cid = lax.axis_index("c")
        sid = lax.axis_index("s")
        wid = cid * NS + sid
        base = sid * RPT2

        pltpu.sync_copy(ei_h.at[0, pl.ds(wid * EPW, EPW)], src1)
        pltpu.sync_copy(ei_h.at[1, pl.ds(wid * EPW, EPW)], dst1)
        pltpu.sync_copy(el_h, el_v)
        pltpu.sync_copy(er_h, er_v)

        zvec = jnp.zeros((L,), jnp.float32)
        zvec_b = jnp.zeros((2 * L,), jnp.bfloat16)

        def _zero_acc_slice():
            def zrow(r, carry):
                rows_v[0, r, pl.ds(0, 2 * L)] = zvec_b
                rows_v[0, r, pl.ds(2 * L, 2 * L)] = zvec_b
                return carry

            lax.fori_loop(0, C, zrow, 0)
            for t in range(RPT2 // C):
                pltpu.sync_copy(rows_v.at[0],
                                agg_sh.at[pl.ds(base + t * C, C)])

        _zero_acc_slice()

        def zden(r, carry):
            den_v[pl.ds(r * L, L)] = zvec
            return carry

        lax.fori_loop(0, DROW2, zden, 0)

        def passa(t, carry):
            s_idx = src1[pl.ds(t * L, L)]
            d_idx = dst1[pl.ds(t * L, L)]
            els = plsc.load_gather(el_v, [s_idx])
            e = els + plsc.load_gather(er_v, [d_idx])
            neg = e < 0.0
            adj = jnp.where(neg, N_PAD, 0).astype(jnp.int32)
            si = s_idx + adj
            di = d_idx + adj
            src1[pl.ds(t * L, L)] = si
            dst1[pl.ds(t * L, L)] = di
            v = jnp.exp(jnp.where(neg, 0.2 * els, els))
            plsc.addupdate_scatter(den_v, [di], v)
            return carry

        lax.fori_loop(0, EPW // L, passa, 0)
        pltpu.sync_copy(den_v, den_out.at[wid])

        for p in range(nparts):
            plsc.subcore_barrier()

            g_h = g_hs[p]
            for b in range(4):
                pltpu.async_copy(g_h.at[src1.at[pl.ds(b * C, C)]],
                                 rows_v.at[b], gsems[b])

            def passb(i, carry):
                j4 = 4 * i
                for b in range(4):
                    j = j4 + b
                    pltpu.make_async_copy(
                        g_h.at[src1.at[pl.ds(j * C, C)]],
                        rows_v.at[b], gsems[b]).wait()
                    pltpu.async_copy(
                        rows_v.at[b], agg_sh.at[dst1.at[pl.ds(j * C, C)]],
                        ssems[b], add=True)
                for b in range(4):
                    j = j4 + b
                    pltpu.make_async_copy(
                        rows_v.at[b], agg_sh.at[dst1.at[pl.ds(j * C, C)]],
                        ssems[b]).wait()

                    @pl.when(j + 4 < NCHUNK)
                    def _():
                        pltpu.async_copy(
                            g_h.at[src1.at[pl.ds((j + 4) * C, C)]],
                            rows_v.at[b], gsems[b])
                return carry

            lax.fori_loop(0, NCHUNK // 4, passb, 0)
            jt = NCHUNK - 1
            pltpu.make_async_copy(
                g_h.at[src1.at[pl.ds(jt * C, C)]], rows_v.at[0], gsems[0]).wait()
            pltpu.sync_copy(rows_v.at[0],
                            agg_sh.at[dst1.at[pl.ds(jt * C, C)]], add=True)

            plsc.subcore_barrier()

            pltpu.sync_copy(agg_sh.at[pl.ds(base, RPT2)],
                            agg_outs[p].at[cid, pl.ds(base, RPT2)])
            if p + 1 < nparts:
                _zero_acc_slice()

    return sc_edge


_tc_featprep1 = _make_tc_featprep(IN_F, H1_F)
_tc_midprep = _make_tc_midprep(H1_F, OUT_F)
_tc_final = _make_tc_final(OUT_F)
_sc_edge1 = _make_sc_edge(H1_F // FQ)
_sc_edge2 = _make_sc_edge(OUT_F // FQ)


def kernel(x, edge_index, W1, attn_l1, attn_r1, b1, W2, attn_l2, attn_r2, b2):
    x_pad = jnp.pad(x, ((0, N_PAD - N), (0, 0)))

    g10, g11, q1, el1, er1 = _tc_featprep1(x_pad, W1, attn_l1, attn_r1)
    a0, a1, den1 = _sc_edge1(
        edge_index, el1, er1, g10.reshape(N2, FQ), g11.reshape(N2, FQ))

    g20, q2, el2, er2 = _tc_midprep(
        a0, a0, a1, a1, den1, den1, q1, b1, W2, attn_l2, attn_r2)
    c0, den2 = _sc_edge2(edge_index, el2, er2, g20.reshape(N2, FQ))

    return _tc_final(c0, c0, den2, den2, q2, b2)

# --- scband reference (transcript-rebuilt; emitter-appended) ---
"""Pipeline reference for scband-gec-22814866276592 (READ-ONLY COPY).

The authoritative reference and input builder live on the scoring server;
editing this copy changes nothing except your own understanding.
"""

import jax, jax.numpy as jnp
import numpy as np

N = 10000
E = 320000
IN_F = 128
H1_F = 128
OUT_F = 64


def setup_inputs(seed: int = 0) -> dict:
    key = jax.random.key(seed)
    ks = jax.random.split(key, 12)
    x = jax.random.normal(ks[0], (N, IN_F), dtype=jnp.float32)
    edge_index = jax.random.randint(ks[1], (2, E), 0, N, dtype=jnp.int32)
    W1 = jax.random.normal(ks[2], (IN_F, H1_F), dtype=jnp.float32) * (1.0 / np.sqrt(IN_F))
    attn_l1 = jax.random.normal(ks[3], (H1_F,), dtype=jnp.float32) * (1.0 / np.sqrt(H1_F))
    attn_r1 = jax.random.normal(ks[4], (H1_F,), dtype=jnp.float32) * (1.0 / np.sqrt(H1_F))
    b1 = jnp.zeros((H1_F,), dtype=jnp.float32)
    W2 = jax.random.normal(ks[5], (H1_F, OUT_F), dtype=jnp.float32) * (1.0 / np.sqrt(H1_F))
    attn_l2 = jax.random.normal(ks[6], (OUT_F,), dtype=jnp.float32) * (1.0 / np.sqrt(OUT_F))
    attn_r2 = jax.random.normal(ks[7], (OUT_F,), dtype=jnp.float32) * (1.0 / np.sqrt(OUT_F))
    b2 = jnp.zeros((OUT_F,), dtype=jnp.float32)
    return {"x": x, "edge_index": edge_index, "W1": W1, "attn_l1": attn_l1, "attn_r1": attn_r1, "b1": b1, "W2": W2, "attn_l2": attn_l2, "attn_r2": attn_r2, "b2": b2}


def _gat_conv(h, src, dst, W, attn_l, attn_r, b):
    # Single-head DGL-style GATConv
    feat = h @ W                                  # [N, out]
    el = (feat * attn_l).sum(axis=-1)             # [N]
    er = (feat * attn_r).sum(axis=-1)             # [N]
    e = jax.nn.leaky_relu(el[src] + er[dst], negative_slope=0.2)  # [E]
    # edge softmax over incoming edges of each dst node
    emax = jax.ops.segment_max(e, dst, num_segments=N)
    emax = jnp.where(jnp.isfinite(emax), emax, 0.0)
    ee = jnp.exp(e - emax[dst])
    denom = jax.ops.segment_sum(ee, dst, num_segments=N)
    alpha = ee / (denom[dst] + 1e-16)             # [E]
    msg = feat[src] * alpha[:, None]              # [E, out] gather + weight
    out = jax.ops.segment_sum(msg, dst, num_segments=N)  # scatter-add
    return out + b


def reference(x, edge_index, W1, attn_l1, attn_r1, b1, W2, attn_l2, attn_r2, b2):
    src = edge_index[0]
    dst = edge_index[1]
    h = _gat_conv(x, src, dst, W1, attn_l1, attn_r1, b1)
    h = jax.nn.leaky_relu(h, negative_slope=0.01)
    h = _gat_conv(h, src, dst, W2, attn_l2, attn_r2, b2)
    h = jax.nn.leaky_relu(h, negative_slope=0.01)
    # dgl.mean_nodes over a single graph -> [1, OUT_F]
    return jnp.mean(h, axis=0, keepdims=True)

if __name__ == "__main__":
    import jax
    _d = setup_inputs()
    print(jax.jit(kernel)(*tuple(_d.values())))

</pallas_src>

<mosaic_0001>
#map = affine_map<(d0, d1) -> (0, 0)>
#map1 = affine_map<(d0, d1) -> (0)>
#map2 = affine_map<(d0, d1) -> (0, 0, 0)>
module attributes {stable_mosaic.version = 14 : i64} {
  func.func @sc_edge(%arg0: i32, %arg1: i32, %arg2: memref<2x320000xi32, #tpu.memory_space<hbm>>, %arg3: memref<10240xf32, #tpu.memory_space<hbm>>, %arg4: memref<10240xf32, #tpu.memory_space<hbm>>, %arg5: memref<20480x64xbf16, #tpu.memory_space<hbm>>, %arg6: memref<20480x64xbf16, #tpu.memory_space<hbm>>, %arg7: memref<2x20480x64xbf16, #tpu.memory_space<hbm>>, %arg8: memref<2x20480x64xbf16, #tpu.memory_space<hbm>>, %arg9: memref<32x20480xf32, #tpu.memory_space<hbm>>, %arg10: memref<10000xi32, #tpu.memory_space<vmem>>, %arg11: memref<10000xi32, #tpu.memory_space<vmem>>, %arg12: memref<10240xf32, #tpu.memory_space<vmem>>, %arg13: memref<10240xf32, #tpu.memory_space<vmem>>, %arg14: memref<20480xf32, #tpu.memory_space<vmem>>, %arg15: memref<4x80x64xbf16, #tpu.memory_space<vmem>>, %arg16: memref<!tpu.dma_semaphore, #tpu.memory_space<semaphore_mem>>, %arg17: memref<!tpu.dma_semaphore, #tpu.memory_space<semaphore_mem>>, %arg18: memref<!tpu.dma_semaphore, #tpu.memory_space<semaphore_mem>>, %arg19: memref<!tpu.dma_semaphore, #tpu.memory_space<semaphore_mem>>, %arg20: memref<!tpu.dma_semaphore, #tpu.memory_space<semaphore_mem>>, %arg21: memref<!tpu.dma_semaphore, #tpu.memory_space<semaphore_mem>>, %arg22: memref<!tpu.dma_semaphore, #tpu.memory_space<semaphore_mem>>, %arg23: memref<!tpu.dma_semaphore, #tpu.memory_space<semaphore_mem>>, %arg24: memref<20480x64xbf16, #tpu.memory_space<vmem_shared>>) attributes {dimension_semantics = [#tpu.dimension_semantics<core_parallel>, #tpu.dimension_semantics<subcore_parallel>], iteration_bounds = array<i64: 2, 16>, scalar_prefetch = 0 : i64, scratch_operands = 15 : i64, tpu.core_type = #tpu.core_type<sc_vector_subcore>, window_params = [{transform_indices = #map}, {transform_indices = #map1}, {transform_indices = #map1}, {transform_indices = #map}, {transform_indices = #map}, {transform_indices = #map2}, {transform_indices = #map2}, {transform_indices = #map}]} {
    %mul3A = arith.constant 16 : i32
    %mul3A_0 = arith.muli %arg0, %mul3A : i32
    %add3A = arith.addi %mul3A_0, %arg1 : i32
    %mul3A_1 = arith.constant 1280 : i32
    %mul3A_2 = arith.muli %arg1, %mul3A_1 : i32
    %mul3A_3 = arith.constant 10000 : i32
    %mul3A_4 = arith.muli %add3A, %mul3A_3 : i32
    %run_scoped3A = arith.constant 0 : i32
    "tpu.region"() ({
      %run_scoped3A_245 = tpu.sem_alloc : memref<!tpu.dma_semaphore, #tpu.memory_space<semaphore_mem>>
      %dma_start3A_246 = tpu.memref_slice %arg2[%run_scoped3A, %mul3A_4] : memref<2x320000xi32, #tpu.memory_space<hbm>> -> memref<1x10000xi32, #tpu.memory_space<hbm>>
      %dma_start3A_247 = tpu.memref_squeeze %dma_start3A_246 : memref<1x10000xi32, #tpu.memory_space<hbm>> -> memref<10000xi32, #tpu.memory_space<hbm>>
      %dma_start3A_248 = tpu.memref_slice %arg2[%run_scoped3A, %mul3A_4] : memref<2x320000xi32, #tpu.memory_space<hbm>> -> memref<1x10000xi32, #tpu.memory_space<hbm>>
      %dma_start3A_249 = tpu.memref_squeeze %dma_start3A_248 : memref<1x10000xi32, #tpu.memory_space<hbm>> -> memref<10000xi32, #tpu.memory_space<hbm>>
      tpu.enqueue_dma source(%dma_start3A_249 : memref<10000xi32, #tpu.memory_space<hbm>>) target(%arg10 : memref<10000xi32, #tpu.memory_space<vmem>>) target_semaphore(%run_scoped3A_245 : memref<!tpu.dma_semaphore, #tpu.memory_space<semaphore_mem>>)
      %dma_wait3A_250 = tpu.memref_slice %arg2[%run_scoped3A, %mul3A_4] : memref<2x320000xi32, #tpu.memory_space<hbm>> -> memref<1x10000xi32, #tpu.memory_space<hbm>>
      %dma_wait3A_251 = tpu.memref_squeeze %dma_wait3A_250 : memref<1x10000xi32, #tpu.memory_space<hbm>> -> memref<10000xi32, #tpu.memory_space<hbm>>
      %dma_wait3A_252 = tpu.memref_slice %arg2[%run_scoped3A, %mul3A_4] : memref<2x320000xi32, #tpu.memory_space<hbm>> -> memref<1x10000xi32, #tpu.memory_space<hbm>>
      %dma_wait3A_253 = tpu.memref_squeeze %dma_wait3A_252 : memref<1x10000xi32, #tpu.memory_space<hbm>> -> memref<10000xi32, #tpu.memory_space<hbm>>
      tpu.wait_dma2 semaphore(%run_scoped3A_245 : memref<!tpu.dma_semaphore, #tpu.memory_space<semaphore_mem>>) src(%dma_wait3A_253 : memref<10000xi32, #tpu.memory_space<hbm>>) dst(%arg10 : memref<10000xi32, #tpu.memory_space<vmem>>)
      tpu.yield
    }) : () -> ()
    %mul3A_5 = arith.constant 10000 : i32
    %mul3A_6 = arith.muli %add3A, %mul3A_5 : i32
    %run_scoped3A_7 = arith.constant 1 : i32
    "tpu.region"() ({
      %run_scoped3A_245 = tpu.sem_alloc : memref<!tpu.dma_semaphore, #tpu.memory_space<semaphore_mem>>
      %dma_start3A_246 = tpu.memref_slice %arg2[%run_scoped3A_7, %mul3A_6] : memref<2x320000xi32, #tpu.memory_space<hbm>> -> memref<1x10000xi32, #tpu.memory_space<hbm>>
      %dma_start3A_247 = tpu.memref_squeeze %dma_start3A_246 : memref<1x10000xi32, #tpu.memory_space<hbm>> -> memref<10000xi32, #tpu.memory_space<hbm>>
      %dma_start3A_248 = tpu.memref_slice %arg2[%run_scoped3A_7, %mul3A_6] : memref<2x320000xi32, #tpu.memory_space<hbm>> -> memref<1x10000xi32, #tpu.memory_space<hbm>>
      %dma_start3A_249 = tpu.memref_squeeze %dma_start3A_248 : memref<1x10000xi32, #tpu.memory_space<hbm>> -> memref<10000xi32, #tpu.memory_space<hbm>>
      tpu.enqueue_dma source(%dma_start3A_249 : memref<10000xi32, #tpu.memory_space<hbm>>) target(%arg11 : memref<10000xi32, #tpu.memory_space<vmem>>) target_semaphore(%run_scoped3A_245 : memref<!tpu.dma_semaphore, #tpu.memory_space<semaphore_mem>>)
      %dma_wait3A_250 = tpu.memref_slice %arg2[%run_scoped3A_7, %mul3A_6] : memref<2x320000xi32, #tpu.memory_space<hbm>> -> memref<1x10000xi32, #tpu.memory_space<hbm>>
      %dma_wait3A_251 = tpu.memref_squeeze %dma_wait3A_250 : memref<1x10000xi32, #tpu.memory_space<hbm>> -> memref<10000xi32, #tpu.memory_space<hbm>>
      %dma_wait3A_252 = tpu.memref_slice %arg2[%run_scoped3A_7, %mul3A_6] : memref<2x320000xi32, #tpu.memory_space<hbm>> -> memref<1x10000xi32, #tpu.memory_space<hbm>>
      %dma_wait3A_253 = tpu.memref_squeeze %dma_wait3A_252 : memref<1x10000xi32, #tpu.memory_space<hbm>> -> memref<10000xi32, #tpu.memory_space<hbm>>
      tpu.wait_dma2 semaphore(%run_scoped3A_245 : memref<!tpu.dma_semaphore, #tpu.memory_space<semaphore_mem>>) src(%dma_wait3A_253 : memref<10000xi32, #tpu.memory_space<hbm>>) dst(%arg11 : memref<10000xi32, #tpu.memory_space<vmem>>)
      tpu.yield
    }) : () -> ()
    "tpu.region"() ({
      %run_scoped3A_245 = tpu.sem_alloc : memref<!tpu.dma_semaphore, #tpu.memory_space<semaphore_mem>>
      tpu.enqueue_dma source(%arg3 : memref<10240xf32, #tpu.memory_space<hbm>>) target(%arg12 : memref<10240xf32, #tpu.memory_space<vmem>>) target_semaphore(%run_scoped3A_245 : memref<!tpu.dma_semaphore, #tpu.memory_space<semaphore_mem>>)
      tpu.wait_dma2 semaphore(%run_scoped3A_245 : memref<!tpu.dma_semaphore, #tpu.memory_space<semaphore_mem>>) src(%arg3 : memref<10240xf32, #tpu.memory_space<hbm>>) dst(%arg12 : memref<10240xf32, #tpu.memory_space<vmem>>)
      tpu.yield
    }) : () -> ()
    "tpu.region"() ({
      %run_scoped3A_245 = tpu.sem_alloc : memref<!tpu.dma_semaphore, #tpu.memory_space<semaphore_mem>>
      tpu.enqueue_dma source(%arg4 : memref<10240xf32, #tpu.memory_space<hbm>>) target(%arg13 : memref<10240xf32, #tpu.memory_space<vmem>>) target_semaphore(%run_scoped3A_245 : memref<!tpu.dma_semaphore, #tpu.memory_space<semaphore_mem>>)
      tpu.wait_dma2 semaphore(%run_scoped3A_245 : memref<!tpu.dma_semaphore, #tpu.memory_space<semaphore_mem>>) src(%arg4 : memref<10240xf32, #tpu.memory_space<hbm>>) dst(%arg13 : memref<10240xf32, #tpu.memory_space<vmem>>)
      tpu.yield
    }) : () -> ()
    %broadcast_in_dim3A = arith.constant 0.000000e+00 : f32
    %broadcast_in_dim3A_8 = vector.broadcast %broadcast_in_dim3A : f32 to vector<16xf32>
    %broadcast_in_dim3A_9 = arith.constant 0.000000e+00 : bf16
    %broadcast_in_dim3A_10 = vector.broadcast %broadcast_in_dim3A_9 : bf16 to vector<32xbf16>
    %scan3A = arith.constant 0 : i32
    %scan3A_11 = arith.constant 0 : i32
    %scan3A_12 = arith.constant 80 : i32
    %scan3A_13 = arith.addi %scan3A_11, %scan3A_12 : i32
    %scan3A_14 = arith.constant 1 : i32
    scf.for %scan3A_245 = %scan3A_11 to %scan3A_13 step %scan3A_14  : i32 {
      %swap3A = arith.constant 0 : i32
      %swap3A_246 = arith.index_cast %swap3A : i32 to index
      %swap3A_247 = arith.index_cast %scan3A_245 : i32 to index
      %swap3A_248 = arith.constant 0 : index
      %swap3A_249 = tpu.vector_load %arg15[%swap3A_246, %swap3A_247, %swap3A_248] {strides = array<i32>} : memref<4x80x64xbf16, #tpu.memory_space<vmem>>, vector<32xbf16>,
      tpu.vector_store %arg15[%swap3A_246, %swap3A_247, %swap3A_248], %broadcast_in_dim3A_10 {strides = array<i32>} : memref<4x80x64xbf16, #tpu.memory_space<vmem>>, vector<32xbf16>,
      %swap3A_250 = arith.constant 0 : i32
      %swap3A_251 = arith.index_cast %swap3A_250 : i32 to index
      %swap3A_252 = arith.index_cast %scan3A_245 : i32 to index
      %swap3A_253 = arith.constant 32 : index
      %swap3A_254 = tpu.vector_load %arg15[%swap3A_251, %swap3A_252, %swap3A_253] {strides = array<i32>} : memref<4x80x64xbf16, #tpu.memory_space<vmem>>, vector<32xbf16>,
      tpu.vector_store %arg15[%swap3A_251, %swap3A_252, %swap3A_253], %broadcast_in_dim3A_10 {strides = array<i32>} : memref<4x80x64xbf16, #tpu.memory_space<vmem>>, vector<32xbf16>,
    }
    %scan3A_15 = arith.constant 80 : i32
    %add3A_16 = arith.constant 0 : i32
    %add3A_17 = arith.addi %mul3A_2, %add3A_16 : i32
    %run_scoped3A_18 = arith.constant 0 : i32
    "tpu.region"() ({
      %run_scoped3A_245 = tpu.sem_alloc : memref<!tpu.dma_semaphore, #tpu.memory_space<semaphore_mem>>
      %dma_start3A_246 = arith.constant 0 : i32
      %dma_start3A_247 = arith.constant 0 : i32
      %dma_start3A_248 = tpu.memref_slice %arg15[%run_scoped3A_18, %dma_start3A_246, %dma_start3A_247] : memref<4x80x64xbf16, #tpu.memory_space<vmem>> -> memref<1x80x64xbf16, #tpu.memory_space<vmem>>
      %dma_start3A_249 = tpu.memref_squeeze %dma_start3A_248 : memref<1x80x64xbf16, #tpu.memory_space<vmem>> -> memref<80x64xbf16, #tpu.memory_space<vmem>>
      %dma_start3A_250 = arith.constant 0 : i32
      %dma_start3A_251 = tpu.memref_slice %arg24[%add3A_17, %dma_start3A_250] : memref<20480x64xbf16, #tpu.memory_space<vmem_shared>> -> memref<80x64xbf16, #tpu.memory_space<vmem_shared>>
      %dma_start3A_252 = arith.constant 0 : i32
      %dma_start3A_253 = tpu.memref_slice %arg24[%add3A_17, %dma_start3A_252] : memref<20480x64xbf16, #tpu.memory_space<vmem_shared>> -> memref<80x64xbf16, #tpu.memory_space<vmem_shared>>
      %dma_start3A_254 = arith.constant 0 : i32
      %dma_start3A_255 = arith.constant 0 : i32
      %dma_start3A_256 = tpu.memref_slice %arg15[%run_scoped3A_18, %dma_start3A_254, %dma_start3A_255] : memref<4x80x64xbf16, #tpu.memory_space<vmem>> -> memref<1x80x64xbf16, #tpu.memory_space<vmem>>
      %dma_start3A_257 = tpu.memref_squeeze %dma_start3A_256 : memref<1x80x64xbf16, #tpu.memory_space<vmem>> -> memref<80x64xbf16, #tpu.memory_space<vmem>>
      tpu.enqueue_dma source(%dma_start3A_257 : memref<80x64xbf16, #tpu.memory_space<vmem>>) target(%dma_start3A_253 : memref<80x64xbf16, #tpu.memory_space<vmem_shared>>) target_semaphore(%run_scoped3A_245 : memref<!tpu.dma_semaphore, #tpu.memory_space<semaphore_mem>>)
      %dma_wait3A_258 = arith.constant 0 : i32
      %dma_wait3A_259 = arith.constant 0 : i32
      %dma_wait3A_260 = tpu.memref_slice %arg15[%run_scoped3A_18, %dma_wait3A_258, %dma_wait3A_259] : memref<4x80x64xbf16, #tpu.memory_space<vmem>> -> memref<1x80x64xbf16, #tpu.memory_space<vmem>>
      %dma_wait3A_261 = tpu.memref_squeeze %dma_wait3A_260 : memref<1x80x64xbf16, #tpu.memory_space<vmem>> -> memref<80x64xbf16, #tpu.memory_space<vmem>>
      %dma_wait3A_262 = arith.constant 0 : i32
      %dma_wait3A_263 = tpu.memref_slice %arg24[%add3A_17, %dma_wait3A_262] : memref<20480x64xbf16, #tpu.memory_space<vmem_shared>> -> memref<80x64xbf16, #tpu.memory_space<vmem_shared>>
      %dma_wait3A_264 = arith.constant 0 : i32
      %dma_wait3A_265 = tpu.memref_slice %arg24[%add3A_17, %dma_wait3A_264] : memref<20480x64xbf16, #tpu.memory_space<vmem_shared>> -> memref<80x64xbf16, #tpu.memory_space<vmem_shared>>
      %dma_wait3A_266 = arith.constant 0 : i32
      %dma_wait3A_267 = arith.constant 0 : i32
      %dma_wait3A_268 = tpu.memref_slice %arg15[%run_scoped3A_18, %dma_wait3A_266, %dma_wait3A_267] : memref<4x80x64xbf16, #tpu.memory_space<vmem>> -> memref<1x80x64xbf16, #tpu.memory_space<vmem>>
      %dma_wait3A_269 = tpu.memref_squeeze %dma_wait3A_268 : memref<1x80x64xbf16, #tpu.memory_space<vmem>> -> memref<80x64xbf16, #tpu.memory_space<vmem>>
      tpu.wait_dma2 semaphore(%run_scoped3A_245 : memref<!tpu.dma_semaphore, #tpu.memory_space<semaphore_mem>>) src(%dma_wait3A_269 : memref<80x64xbf16, #tpu.memory_space<vmem>>) dst(%dma_wait3A_265 : memref<80x64xbf16, #tpu.memory_space<vmem_shared>>)
      tpu.yield
    }) : () -> ()
    %add3A_19 = arith.constant 80 : i32
    %add3A_20 = arith.addi %mul3A_2, %add3A_19 : i32
    %run_scoped3A_21 = arith.constant 0 : i32
    "tpu.region"() ({
      %run_scoped3A_245 = tpu.sem_alloc : memref<!tpu.dma_semaphore, #tpu.memory_space<semaphore_mem>>
      %dma_start3A_246 = arith.constant 0 : i32
      %dma_start3A_247 = arith.constant 0 : i32
      %dma_start3A_248 = tpu.memref_slice %arg15[%run_scoped3A_21, %dma_start3A_246, %dma_start3A_247] : memref<4x80x64xbf16, #tpu.memory_space<vmem>> -> memref<1x80x64xbf16, #tpu.memory_space<vmem>>
      %dma_start3A_249 = tpu.memref_squeeze %dma_start3A_248 : memref<1x80x64xbf16, #tpu.memory_space<vmem>> -> memref<80x64xbf16, #tpu.memory_space<vmem>>
      %dma_start3A_250 = arith.constant 0 : i32
      %dma_start3A_251 = tpu.memref_slice %arg24[%add3A_20, %dma_start3A_250] : memref<20480x64xbf16, #tpu.memory_space<vmem_shared>> -> memref<80x64xbf16, #tpu.memory_space<vmem_shared>>
      %dma_start3A_252 = arith.constant 0 : i32
      %dma_start3A_253 = tpu.memref_slice %arg24[%add3A_20, %dma_start3A_252] : memref<20480x64xbf16, #tpu.memory_space<vmem_shared>> -> memref<80x64xbf16, #tpu.memory_space<vmem_shared>>
      %dma_start3A_254 = arith.constant 0 : i32
      %dma_start3A_255 = arith.constant 0 : i32
      %dma_start3A_256 = tpu.memref_slice %arg15[%run_scoped3A_21, %dma_start3A_254, %dma_start3A_255] : memref<4x80x64xbf16, #tpu.memory_space<vmem>> -> memref<1x80x64xbf16, #tpu.memory_space<vmem>>
      %dma_start3A_257 = tpu.memref_squeeze %dma_start3A_256 : memref<1x80x64xbf16, #tpu.memory_space<vmem>> -> memref<80x64xbf16, #tpu.memory_space<vmem>>
      tpu.enqueue_dma source(%dma_start3A_257 : memref<80x64xbf16, #tpu.memory_space<vmem>>) target(%dma_start3A_253 : memref<80x64xbf16, #tpu.memory_space<vmem_shared>>) target_semaphore(%run_scoped3A_245 : memref<!tpu.dma_semaphore, #tpu.memory_space<semaphore_mem>>)
      %dma_wait3A_258 = arith.constant 0 : i32
      %dma_wait3A_259 = arith.constant 0 : i32
      %dma_wait3A_260 = tpu.memref_slice %arg15[%run_scoped3A_21, %dma_wait3A_258, %dma_wait3A_259] : memref<4x80x64xbf16, #tpu.memory_space<vmem>> -> memref<1x80x64xbf16, #tpu.memory_space<vmem>>
      %dma_wait3A_261 = tpu.memref_squeeze %dma_wait3A_260 : memref<1x80x64xbf16, #tpu.memory_space<vmem>> -> memref<80x64xbf16, #tpu.memory_space<vmem>>
      %dma_wait3A_262 = arith.constant 0 : i32
      %dma_wait3A_263 = tpu.memref_slice %arg24[%add3A_20, %dma_wait3A_262] : memref<20480x64xbf16, #tpu.memory_space<vmem_shared>> -> memref<80x64xbf16, #tpu.memory_space<vmem_shared>>
      %dma_wait3A_264 = arith.constant 0 : i32
      %dma_wait3A_265 = tpu.memref_slice %arg24[%add3A_20, %dma_wait3A_264] : memref<20480x64xbf16, #tpu.memory_space<vmem_shared>> -> memref<80x64xbf16, #tpu.memory_space<vmem_shared>>
      %dma_wait3A_266 = arith.constant 0 : i32
      %dma_wait3A_267 = arith.constant 0 : i32
      %dma_wait3A_268 = tpu.memref_slice %arg15[%run_scoped3A_21, %dma_wait3A_266, %dma_wait3A_267] : memref<4x80x64xbf16, #tpu.memory_space<vmem>> -> memref<1x80x64xbf16, #tpu.memory_space<vmem>>
      %dma_wait3A_269 = tpu.memref_squeeze %dma_wait3A_268 : memref<1x80x64xbf16, #tpu.memory_space<vmem>> -> memref<80x64xbf16, #tpu.memory_space<vmem>>
      tpu.wait_dma2 semaphore(%run_scoped3A_245 : memref<!tpu.dma_semaphore, #tpu.memory_space<semaphore_mem>>) src(%dma_wait3A_269 : memref<80x64xbf16, #tpu.memory_space<vmem>>) dst(%dma_wait3A_265 : memref<80x64xbf16, #tpu.memory_space<vmem_shared>>)
      tpu.yield
    }) : () -> ()
    %add3A_22 = arith.constant 160 : i32
    %add3A_23 = arith.addi %mul3A_2, %add3A_22 : i32
    %run_scoped3A_24 = arith.constant 0 : i32
    "tpu.region"() ({
      %run_scoped3A_245 = tpu.sem_alloc : memref<!tpu.dma_semaphore, #tpu.memory_space<semaphore_mem>>
      %dma_start3A_246 = arith.constant 0 : i32
      %dma_start3A_247 = arith.constant 0 : i32
      %dma_start3A_248 = tpu.memref_slice %arg15[%run_scoped3A_24, %dma_start3A_246, %dma_start3A_247] : memref<4x80x64xbf16, #tpu.memory_space<vmem>> -> memref<1x80x64xbf16, #tpu.memory_space<vmem>>
      %dma_start3A_249 = tpu.memref_squeeze %dma_start3A_248 : memref<1x80x64xbf16, #tpu.memory_space<vmem>> -> memref<80x64xbf16, #tpu.memory_space<vmem>>
      %dma_start3A_250 = arith.constant 0 : i32
      %dma_start3A_251 = tpu.memref_slice %arg24[%add3A_23, %dma_start3A_250] : memref<20480x64xbf16, #tpu.memory_space<vmem_shared>> -> memref<80x64xbf16, #tpu.memory_space<vmem_shared>>
      %dma_start3A_252 = arith.constant 0 : i32
      %dma_start3A_253 = tpu.memref_slice %arg24[%add3A_23, %dma_start3A_252] : memref<20480x64xbf16, #tpu.memory_space<vmem_shared>> -> memref<80x64xbf16, #tpu.memory_space<vmem_shared>>
      %dma_start3A_254 = arith.constant 0 : i32
      %dma_start3A_255 = arith.constant 0 : i32
      %dma_start3A_256 = tpu.memref_slice %arg15[%run_scoped3A_24, %dma_start3A_254, %dma_start3A_255] : memref<4x80x64xbf16, #tpu.memory_space<vmem>> -> memref<1x80x64xbf16, #tpu.memory_space<vmem>>
      %dma_start3A_257 = tpu.memref_squeeze %dma_start3A_256 : memref<1x80x64xbf16, #tpu.memory_space<vmem>> -> memref<80x64xbf16, #tpu.memory_space<vmem>>
      tpu.enqueue_dma source(%dma_start3A_257 : memref<80x64xbf16, #tpu.memory_space<vmem>>) target(%dma_start3A_253 : memref<80x64xbf16, #tpu.memory_space<vmem_shared>>) target_semaphore(%run_scoped3A_245 : memref<!tpu.dma_semaphore, #tpu.memory_space<semaphore_mem>>)
      %dma_wait3A_258 = arith.constant 0 : i32
      %dma_wait3A_259 = arith.constant 0 : i32
      %dma_wait3A_260 = tpu.memref_slice %arg15[%run_scoped3A_24, %dma_wait3A_258, %dma_wait3A_259] : memref<4x80x64xbf16, #tpu.memory_space<vmem>> -> memref<1x80x64xbf16, #tpu.memory_space<vmem>>
      %dma_wait3A_261 = tpu.memref_squeeze %dma_wait3A_260 : memref<1x80x64xbf16, #tpu.memory_space<vmem>> -> memref<80x64xbf16, #tpu.memory_space<vmem>>
      %dma_wait3A_262 = arith.constant 0 : i32
      %dma_wait3A_263 = tpu.memref_slice %arg24[%add3A_23, %dma_wait3A_262] : memref<20480x64xbf16, #tpu.memory_space<vmem_shared>> -> memref<80x64xbf16, #tpu.memory_space<vmem_shared>>
      %dma_wait3A_264 = arith.constant 0 : i32
      %dma_wait3A_265 = tpu.memref_slice %arg24[%add3A_23, %dma_wait3A_264] : memref<20480x64xbf16, #tpu.memory_space<vmem_shared>> -> memref<80x64xbf16, #tpu.memory_space<vmem_shared>>
      %dma_wait3A_266 = arith.constant 0 : i32
      %dma_wait3A_267 = arith.constant 0 : i32
      %dma_wait3A_268 = tpu.memref_slice %arg15[%run_scoped3A_24, %dma_wait3A_266, %dma_wait3A_267] : memref<4x80x64xbf16, #tpu.memory_space<vmem>> -> memref<1x80x64xbf16, #tpu.memory_space<vmem>>
      %dma_wait3A_269 = tpu.memref_squeeze %dma_wait3A_268 : memref<1x80x64xbf16, #tpu.memory_space<vmem>> -> memref<80x64xbf16, #tpu.memory_space<vmem>>
      tpu.wait_dma2 semaphore(%run_scoped3A_245 : memref<!tpu.dma_semaphore, #tpu.memory_space<semaphore_mem>>) src(%dma_wait3A_269 : memref<80x64xbf16, #tpu.memory_space<vmem>>) dst(%dma_wait3A_265 : memref<80x64xbf16, #tpu.memory_space<vmem_shared>>)
      tpu.yield
    }) : () -> ()
    %add3A_25 = arith.constant 240 : i32
    %add3A_26 = arith.addi %mul3A_2, %add3A_25 : i32
    %run_scoped3A_27 = arith.constant 0 : i32
    "tpu.region"() ({
      %run_scoped3A_245 = tpu.sem_alloc : memref<!tpu.dma_semaphore, #tpu.memory_space<semaphore_mem>>
      %dma_start3A_246 = arith.constant 0 : i32
      %dma_start3A_247 = arith.constant 0 : i32
      %dma_start3A_248 = tpu.memref_slice %arg15[%run_scoped3A_27, %dma_start3A_246, %dma_start3A_247] : memref<4x80x64xbf16, #tpu.memory_space<vmem>> -> memref<1x80x64xbf16, #tpu.memory_space<vmem>>
      %dma_start3A_249 = tpu.memref_squeeze %dma_start3A_248 : memref<1x80x64xbf16, #tpu.memory_space<vmem>> -> memref<80x64xbf16, #tpu.memory_space<vmem>>
      %dma_start3A_250 = arith.constant 0 : i32
      %dma_start3A_251 = tpu.memref_slice %arg24[%add3A_26, %dma_start3A_250] : memref<20480x64xbf16, #tpu.memory_space<vmem_shared>> -> memref<80x64xbf16, #tpu.memory_space<vmem_shared>>
      %dma_start3A_252 = arith.constant 0 : i32
      %dma_start3A_253 = tpu.memref_slice %arg24[%add3A_26, %dma_start3A_252] : memref<20480x64xbf16, #tpu.memory_space<vmem_shared>> -> memref<80x64xbf16, #tpu.memory_space<vmem_shared>>
      %dma_start3A_254 = arith.constant 0 : i32
      %dma_start3A_255 = arith.constant 0 : i32
      %dma_start3A_256 = tpu.memref_slice %arg15[%run_scoped3A_27, %dma_start3A_254, %dma_start3A_255] : memref<4x80x64xbf16, #tpu.memory_space<vmem>> -> memref<1x80x64xbf16, #tpu.memory_space<vmem>>
      %dma_start3A_257 = tpu.memref_squeeze %dma_start3A_256 : memref<1x80x64xbf16, #tpu.memory_space<vmem>> -> memref<80x64xbf16, #tpu.memory_space<vmem>>
      tpu.enqueue_dma source(%dma_start3A_257 : memref<80x64xbf16, #tpu.memory_space<vmem>>) target(%dma_start3A_253 : memref<80x64xbf16, #tpu.memory_space<vmem_shared>>) target_semaphore(%run_scoped3A_245 : memref<!tpu.dma_semaphore, #tpu.memory_space<semaphore_mem>>)
      %dma_wait3A_258 = arith.constant 0 : i32
      %dma_wait3A_259 = arith.constant 0 : i32
      %dma_wait3A_260 = tpu.memref_slice %arg15[%run_scoped3A_27, %dma_wait3A_258, %dma_wait3A_259] : memref<4x80x64xbf16, #tpu.memory_space<vmem>> -> memref<1x80x64xbf16, #tpu.memory_space<vmem>>
      %dma_wait3A_261 = tpu.memref_squeeze %dma_wait3A_260 : memref<1x80x64xbf16, #tpu.memory_space<vmem>> -> memref<80x64xbf16, #tpu.memory_space<vmem>>
      %dma_wait3A_262 = arith.constant 0 : i32
      %dma_wait3A_263 = tpu.memref_slice %arg24[%add3A_26, %dma_wait3A_262] : memref<20480x64xbf16, #tpu.memory_space<vmem_shared>> -> memref<80x64xbf16, #tpu.memory_space<vmem_shared>>
      %dma_wait3A_264 = arith.constant 0 : i32
      %dma_wait3A_265 = tpu.memref_slice %arg24[%add3A_26, %dma_wait3A_264] : memref<20480x64xbf16, #tpu.memory_space<vmem_shared>> -> memref<80x64xbf16, #tpu.memory_space<vmem_shared>>
      %dma_wait3A_266 = arith.constant 0 : i32
      %dma_wait3A_267 = arith.constant 0 : i32
      %dma_wait3A_268 = tpu.memref_slice %arg15[%run_scoped3A_27, %dma_wait3A_266, %dma_wait3A_267] : memref<4x80x64xbf16, #tpu.memory_space<vmem>> -> memref<1x80x64xbf16, #tpu.memory_space<vmem>>
      %dma_wait3A_269 = tpu.memref_squeeze %dma_wait3A_268 : memref<1x80x64xbf16, #tpu.memory_space<vmem>> -> memref<80x64xbf16, #tpu.memory_space<vmem>>
      tpu.wait_dma2 semaphore(%run_scoped3A_245 : memref<!tpu.dma_semaphore, #tpu.memory_space<semaphore_mem>>) src(%dma_wait3A_269 : memref<80x64xbf16, #tpu.memory_space<vmem>>) dst(%dma_wait3A_265 : memref<80x64xbf16, #tpu.memory_space<vmem_shared>>)
      tpu.yield
    }) : () -> ()
    %add3A_28 = arith.constant 320 : i32
    %add3A_29 = arith.addi %mul3A_2, %add3A_28 : i32
    %run_scoped3A_30 = arith.constant 0 : i32
    "tpu.region"() ({
      %run_scoped3A_245 = tpu.sem_alloc : memref<!tpu.dma_semaphore, #tpu.memory_space<semaphore_mem>>
      %dma_start3A_246 = arith.constant 0 : i32
      %dma_start3A_247 = arith.constant 0 : i32
      %dma_start3A_248 = tpu.memref_slice %arg15[%run_scoped3A_30, %dma_start3A_246, %dma_start3A_247] : memref<4x80x64xbf16, #tpu.memory_space<vmem>> -> memref<1x80x64xbf16, #tpu.memory_space<vmem>>
      %dma_start3A_249 = tpu.memref_squeeze %dma_start3A_248 : memref<1x80x64xbf16, #tpu.memory_space<vmem>> -> memref<80x64xbf16, #tpu.memory_space<vmem>>
      %dma_start3A_250 = arith.constant 0 : i32
      %dma_start3A_251 = tpu.memref_slice %arg24[%add3A_29, %dma_start3A_250] : memref<20480x64xbf16, #tpu.memory_space<vmem_shared>> -> memref<80x64xbf16, #tpu.memory_space<vmem_shared>>
      %dma_start3A_252 = arith.constant 0 : i32
      %dma_start3A_253 = tpu.memref_slice %arg24[%add3A_29, %dma_start3A_252] : memref<20480x64xbf16, #tpu.memory_space<vmem_shared>> -> memref<80x64xbf16, #tpu.memory_space<vmem_shared>>
      %dma_start3A_254 = arith.constant 0 : i32
      %dma_start3A_255 = arith.constant 0 : i32
      %dma_start3A_256 = tpu.memref_slice %arg15[%run_scoped3A_30, %dma_start3A_254, %dma_start3A_255] : memref<4x80x64xbf16, #tpu.memory_space<vmem>> -> memref<1x80x64xbf16, #tpu.memory_space<vmem>>
      %dma_start3A_257 = tpu.memref_squeeze %dma_start3A_256 : memref<1x80x64xbf16, #tpu.memory_space<vmem>> -> memref<80x64xbf16, #tpu.memory_space<vmem>>
      tpu.enqueue_dma source(%dma_start3A_257 : memref<80x64xbf16, #tpu.memory_space<vmem>>) target(%dma_start3A_253 : memref<80x64xbf16, #tpu.memory_space<vmem_shared>>) target_semaphore(%run_scoped3A_245 : memref<!tpu.dma_semaphore, #tpu.memory_space<semaphore_mem>>)
      %dma_wait3A_258 = arith.constant 0 : i32
      %dma_wait3A_259 = arith.constant 0 : i32
      %dma_wait3A_260 = tpu.memref_slice %arg15[%run_scoped3A_30, %dma_wait3A_258, %dma_wait3A_259] : memref<4x80x64xbf16, #tpu.memory_space<vmem>> -> memref<1x80x64xbf16, #tpu.memory_space<vmem>>
      %dma_wait3A_261 = tpu.memref_squeeze %dma_wait3A_260 : memref<1x80x64xbf16, #tpu.memory_space<vmem>> -> memref<80x64xbf16, #tpu.memory_space<vmem>>
      %dma_wait3A_262 = arith.constant 0 : i32
      %dma_wait3A_263 = tpu.memref_slice %arg24[%add3A_29, %dma_wait3A_262] : memref<20480x64xbf16, #tpu.memory_space<vmem_shared>> -> memref<80x64xbf16, #tpu.memory_space<vmem_shared>>
      %dma_wait3A_264 = arith.constant 0 : i32
      %dma_wait3A_265 = tpu.memref_slice %arg24[%add3A_29, %dma_wait3A_264] : memref<20480x64xbf16, #tpu.memory_space<vmem_shared>> -> memref<80x64xbf16, #tpu.memory_space<vmem_shared>>
      %dma_wait3A_266 = arith.constant 0 : i32
      %dma_wait3A_267 = arith.constant 0 : i32
      %dma_wait3A_268 = tpu.memref_slice %arg15[%run_scoped3A_30, %dma_wait3A_266, %dma_wait3A_267] : memref<4x80x64xbf16, #tpu.memory_space<vmem>> -> memref<1x80x64xbf16, #tpu.memory_space<vmem>>
      %dma_wait3A_269 = tpu.memref_squeeze %dma_wait3A_268 : memref<1x80x64xbf16, #tpu.memory_space<vmem>> -> memref<80x64xbf16, #tpu.memory_space<vmem>>
      tpu.wait_dma2 semaphore(%run_scoped3A_245 : memref<!tpu.dma_semaphore, #tpu.memory_space<semaphore_mem>>) src(%dma_wait3A_269 : memref<80x64xbf16, #tpu.memory_space<vmem>>) dst(%dma_wait3A_265 : memref<80x64xbf16, #tpu.memory_space<vmem_shared>>)
      tpu.yield
    }) : () -> ()
    %add3A_31 = arith.constant 400 : i32
    %add3A_32 = arith.addi %mul3A_2, %add3A_31 : i32
    %run_scoped3A_33 = arith.constant 0 : i32
    "tpu.region"() ({
      %run_scoped3A_245 = tpu.sem_alloc : memref<!tpu.dma_semaphore, #tpu.memory_space<semaphore_mem>>
      %dma_start3A_246 = arith.constant 0 : i32
      %dma_start3A_247 = arith.constant 0 : i32
      %dma_start3A_248 = tpu.memref_slice %arg15[%run_scoped3A_33, %dma_start3A_246, %dma_start3A_247] : memref<4x80x64xbf16, #tpu.memory_space<vmem>> -> memref<1x80x64xbf16, #tpu.memory_space<vmem>>
      %dma_start3A_249 = tpu.memref_squeeze %dma_start3A_248 : memref<1x80x64xbf16, #tpu.memory_space<vmem>> -> memref<80x64xbf16, #tpu.memory_space<vmem>>
      %dma_start3A_250 = arith.constant 0 : i32
      %dma_start3A_251 = tpu.memref_slice %arg24[%add3A_32, %dma_start3A_250] : memref<20480x64xbf16, #tpu.memory_space<vmem_shared>> -> memref<80x64xbf16, #tpu.memory_space<vmem_shared>>
      %dma_start3A_252 = arith.constant 0 : i32
      %dma_start3A_253 = tpu.memref_slice %arg24[%add3A_32, %dma_start3A_252] : memref<20480x64xbf16, #tpu.memory_space<vmem_shared>> -> memref<80x64xbf16, #tpu.memory_space<vmem_shared>>
      %dma_start3A_254 = arith.constant 0 : i32
      %dma_start3A_255 = arith.constant 0 : i32
      %dma_start3A_256 = tpu.memref_slice %arg15[%run_scoped3A_33, %dma_start3A_254, %dma_start3A_255] : memref<4x80x64xbf16, #tpu.memory_space<vmem>> -> memref<1x80x64xbf16, #tpu.memory_space<vmem>>
      %dma_start3A_257 = tpu.memref_squeeze %dma_start3A_256 : memref<1x80x64xbf16, #tpu.memory_space<vmem>> -> memref<80x64xbf16, #tpu.memory_space<vmem>>
      tpu.enqueue_dma source(%dma_start3A_257 : memref<80x64xbf16, #tpu.memory_space<vmem>>) target(%dma_start3A_253 : memref<80x64xbf16, #tpu.memory_space<vmem_shared>>) target_semaphore(%run_scoped3A_245 : memref<!tpu.dma_semaphore, #tpu.memory_space<semaphore_mem>>)
      %dma_wait3A_258 = arith.constant 0 : i32
      %dma_wait3A_259 = arith.constant 0 : i32
      %dma_wait3A_260 = tpu.memref_slice %arg15[%run_scoped3A_33, %dma_wait3A_258, %dma_wait3A_259] : memref<4x80x64xbf16, #tpu.memory_space<vmem>> -> memref<1x80x64xbf16, #tpu.memory_space<vmem>>
      %dma_wait3A_261 = tpu.memref_squeeze %dma_wait3A_260 : memref<1x80x64xbf16, #tpu.memory_space<vmem>> -> memref<80x64xbf16, #tpu.memory_space<vmem>>
      %dma_wait3A_262 = arith.constant 0 : i32
      %dma_wait3A_263 = tpu.memref_slice %arg24[%add3A_32, %dma_wait3A_262] : memref<20480x64xbf16, #tpu.memory_space<vmem_shared>> -> memref<80x64xbf16, #tpu.memory_space<vmem_shared>>
      %dma_wait3A_264 = arith.constant 0 : i32
      %dma_wait3A_265 = tpu.memref_slice %arg24[%add3A_32, %dma_wait3A_264] : memref<20480x64xbf16, #tpu.memory_space<vmem_shared>> -> memref<80x64xbf16, #tpu.memory_space<vmem_shared>>
      %dma_wait3A_266 = arith.constant 0 : i32
      %dma_wait3A_267 = arith.constant 0 : i32
      %dma_wait3A_268 = tpu.memref_slice %arg15[%run_scoped3A_33, %dma_wait3A_266, %dma_wait3A_267] : memref<4x80x64xbf16, #tpu.memory_space<vmem>> -> memref<1x80x64xbf16, #tpu.memory_space<vmem>>
      %dma_wait3A_269 = tpu.memref_squeeze %dma_wait3A_268 : memref<1x80x64xbf16, #tpu.memory_space<vmem>> -> memref<80x64xbf16, #tpu.memory_space<vmem>>
      tpu.wait_dma2 semaphore(%run_scoped3A_245 : memref<!tpu.dma_semaphore, #tpu.memory_space<semaphore_mem>>) src(%dma_wait3A_269 : memref<80x64xbf16, #tpu.memory_space<vmem>>) dst(%dma_wait3A_265 : memref<80x64xbf16, #tpu.memory_space<vmem_shared>>)
      tpu.yield
    }) : () -> ()
    %add3A_34 = arith.constant 480 : i32
    %add3A_35 = arith.addi %mul3A_2, %add3A_34 : i32
    %run_scoped3A_36 = arith.constant 0 : i32
    "tpu.region"() ({
      %run_scoped3A_245 = tpu.sem_alloc : memref<!tpu.dma_semaphore, #tpu.memory_space<semaphore_mem>>
      %dma_start3A_246 = arith.constant 0 : i32
      %dma_start3A_247 = arith.constant 0 : i32
      %dma_start3A_248 = tpu.memref_slice %arg15[%run_scoped3A_36, %dma_start3A_246, %dma_start3A_247] : memref<4x80x64xbf16, #tpu.memory_space<vmem>> -> memref<1x80x64xbf16, #tpu.memory_space<vmem>>
      %dma_start3A_249 = tpu.memref_squeeze %dma_start3A_248 : memref<1x80x64xbf16, #tpu.memory_space<vmem>> -> memref<80x64xbf16, #tpu.memory_space<vmem>>
      %dma_start3A_250 = arith.constant 0 : i32
      %dma_start3A_251 = tpu.memref_slice %arg24[%add3A_35, %dma_start3A_250] : memref<20480x64xbf16, #tpu.memory_space<vmem_shared>> -> memref<80x64xbf16, #tpu.memory_space<vmem_shared>>
      %dma_start3A_252 = arith.constant 0 : i32
      %dma_start3A_253 = tpu.memref_slice %arg24[%add3A_35, %dma_start3A_252] : memref<20480x64xbf16, #tpu.memory_space<vmem_shared>> -> memref<80x64xbf16, #tpu.memory_space<vmem_shared>>
      %dma_start3A_254 = arith.constant 0 : i32
      %dma_start3A_255 = arith.constant 0 : i32
      %dma_start3A_256 = tpu.memref_slice %arg15[%run_scoped3A_36, %dma_start3A_254, %dma_start3A_255] : memref<4x80x64xbf16, #tpu.memory_space<vmem>> -> memref<1x80x64xbf16, #tpu.memory_space<vmem>>
      %dma_start3A_257 = tpu.memref_squeeze %dma_start3A_256 : memref<1x80x64xbf16, #tpu.memory_space<vmem>> -> memref<80x64xbf16, #tpu.memory_space<vmem>>
      tpu.enqueue_dma source(%dma_start3A_257 : memref<80x64xbf16, #tpu.memory_space<vmem>>) target(%dma_start3A_253 : memref<80x64xbf16, #tpu.memory_space<vmem_shared>>) target_semaphore(%run_scoped3A_245 : memref<!tpu.dma_semaphore, #tpu.memory_space<semaphore_mem>>)
      %dma_wait3A_258 = arith.constant 0 : i32
      %dma_wait3A_259 = arith.constant 0 : i32
      %dma_wait3A_260 = tpu.memref_slice %arg15[%run_scoped3A_36, %dma_wait3A_258, %dma_wait3A_259] : memref<4x80x64xbf16, #tpu.memory_space<vmem>> -> memref<1x80x64xbf16, #tpu.memory_space<vmem>>
      %dma_wait3A_261 = tpu.memref_squeeze %dma_wait3A_260 : memref<1x80x64xbf16, #tpu.memory_space<vmem>> -> memref<80x64xbf16, #tpu.memory_space<vmem>>
      %dma_wait3A_262 = arith.constant 0 : i32
      %dma_wait3A_263 = tpu.memref_slice %arg24[%add3A_35, %dma_wait3A_262] : memref<20480x64xbf16, #tpu.memory_space<vmem_shared>> -> memref<80x64xbf16, #tpu.memory_space<vmem_shared>>
      %dma_wait3A_264 = arith.constant 0 : i32
      %dma_wait3A_265 = tpu.memref_slice %arg24[%add3A_35, %dma_wait3A_264] : memref<20480x64xbf16, #tpu.memory_space<vmem_shared>> -> memref<80x64xbf16, #tpu.memory_space<vmem_shared>>
      %dma_wait3A_266 = arith.constant 0 : i32
      %dma_wait3A_267 = arith.constant 0 : i32
      %dma_wait3A_268 = tpu.memref_slice %arg15[%run_scoped3A_36, %dma_wait3A_266, %dma_wait3A_267] : memref<4x80x64xbf16, #tpu.memory_space<vmem>> -> memref<1x80x64xbf16, #tpu.memory_space<vmem>>
      %dma_wait3A_269 = tpu.memref_squeeze %dma_wait3A_268 : memref<1x80x64xbf16, #tpu.memory_space<vmem>> -> memref<80x64xbf16, #tpu.memory_space<vmem>>
      tpu.wait_dma2 semaphore(%run_scoped3A_245 : memref<!tpu.dma_semaphore, #tpu.memory_space<semaphore_mem>>) src(%dma_wait3A_269 : memref<80x64xbf16, #tpu.memory_space<vmem>>) dst(%dma_wait3A_265 : memref<80x64xbf16, #tpu.memory_space<vmem_shared>>)
      tpu.yield
    }) : () -> ()
    %add3A_37 = arith.constant 560 : i32
    %add3A_38 = arith.addi %mul3A_2, %add3A_37 : i32
    %run_scoped3A_39 = arith.constant 0 : i32
    "tpu.region"() ({
      %run_scoped3A_245 = tpu.sem_alloc : memref<!tpu.dma_semaphore, #tpu.memory_space<semaphore_mem>>
      %dma_start3A_246 = arith.constant 0 : i32
      %dma_start3A_247 = arith.constant 0 : i32
      %dma_start3A_248 = tpu.memref_slice %arg15[%run_scoped3A_39, %dma_start3A_246, %dma_start3A_247] : memref<4x80x64xbf16, #tpu.memory_space<vmem>> -> memref<1x80x64xbf16, #tpu.memory_space<vmem>>
      %dma_start3A_249 = tpu.memref_squeeze %dma_start3A_248 : memref<1x80x64xbf16, #tpu.memory_space<vmem>> -> memref<80x64xbf16, #tpu.memory_space<vmem>>
      %dma_start3A_250 = arith.constant 0 : i32
      %dma_start3A_251 = tpu.memref_slice %arg24[%add3A_38, %dma_start3A_250] : memref<20480x64xbf16, #tpu.memory_space<vmem_shared>> -> memref<80x64xbf16, #tpu.memory_space<vmem_shared>>
      %dma_start3A_252 = arith.constant 0 : i32
      %dma_start3A_253 = tpu.memref_slice %arg24[%add3A_38, %dma_start3A_252] : memref<20480x64xbf16, #tpu.memory_space<vmem_shared>> -> memref<80x64xbf16, #tpu.memory_space<vmem_shared>>
      %dma_start3A_254 = arith.constant 0 : i32
      %dma_start3A_255 = arith.constant 0 : i32
      %dma_start3A_256 = tpu.memref_slice %arg15[%run_scoped3A_39, %dma_start3A_254, %dma_start3A_255] : memref<4x80x64xbf16, #tpu.memory_space<vmem>> -> memref<1x80x64xbf16, #tpu.memory_space<vmem>>
      %dma_start3A_257 = tpu.memref_squeeze %dma_start3A_256 : memref<1x80x64xbf16, #tpu.memory_space<vmem>> -> memref<80x64xbf16, #tpu.memory_space<vmem>>
      tpu.enqueue_dma source(%dma_start3A_257 : memref<80x64xbf16, #tpu.memory_space<vmem>>) target(%dma_start3A_253 : memref<80x64xbf16, #tpu.memory_space<vmem_shared>>) target_semaphore(%run_scoped3A_245 : memref<!tpu.dma_semaphore, #tpu.memory_space<semaphore_mem>>)
      %dma_wait3A_258 = arith.constant 0 : i32
      %dma_wait3A_259 = arith.constant 0 : i32
      %dma_wait3A_260 = tpu.memref_slice %arg15[%run_scoped3A_39, %dma_wait3A_258, %dma_wait3A_259] : memref<4x80x64xbf16, #tpu.memory_space<vmem>> -> memref<1x80x64xbf16, #tpu.memory_space<vmem>>
      %dma_wait3A_261 = tpu.memref_squeeze %dma_wait3A_260 : memref<1x80x64xbf16, #tpu.memory_space<vmem>> -> memref<80x64xbf16, #tpu.memory_space<vmem>>
      %dma_wait3A_262 = arith.constant 0 : i32
      %dma_wait3A_263 = tpu.memref_slice %arg24[%add3A_38, %dma_wait3A_262] : memref<20480x64xbf16, #tpu.memory_space<vmem_shared>> -> memref<80x64xbf16, #tpu.memory_space<vmem_shared>>
      %dma_wait3A_264 = arith.constant 0 : i32
      %dma_wait3A_265 = tpu.memref_slice %arg24[%add3A_38, %dma_wait3A_264] : memref<20480x64xbf16, #tpu.memory_space<vmem_shared>> -> memref<80x64xbf16, #tpu.memory_space<vmem_shared>>
      %dma_wait3A_266 = arith.constant 0 : i32
      %dma_wait3A_267 = arith.constant 0 : i32
      %dma_wait3A_268 = tpu.memref_slice %arg15[%run_scoped3A_39, %dma_wait3A_266, %dma_wait3A_267] : memref<4x80x64xbf16, #tpu.memory_space<vmem>> -> memref<1x80x64xbf16, #tpu.memory_space<vmem>>
      %dma_wait3A_269 = tpu.memref_squeeze %dma_wait3A_268 : memref<1x80x64xbf16, #tpu.memory_space<vmem>> -> memref<80x64xbf16, #tpu.memory_space<vmem>>
      tpu.wait_dma2 semaphore(%run_scoped3A_245 : memref<!tpu.dma_semaphore, #tpu.memory_space<semaphore_mem>>) src(%dma_wait3A_269 : memref<80x64xbf16, #tpu.memory_space<vmem>>) dst(%dma_wait3A_265 : memref<80x64xbf16, #tpu.memory_space<vmem_shared>>)
      tpu.yield
    }) : () -> ()
    %add3A_40 = arith.constant 640 : i32
    %add3A_41 = arith.addi %mul3A_2, %add3A_40 : i32
    %run_scoped3A_42 = arith.constant 0 : i32
    "tpu.region"() ({
      %run_scoped3A_245 = tpu.sem_alloc : memref<!tpu.dma_semaphore, #tpu.memory_space<semaphore_mem>>
      %dma_start3A_246 = arith.constant 0 : i32
      %dma_start3A_247 = arith.constant 0 : i32
      %dma_start3A_248 = tpu.memref_slice %arg15[%run_scoped3A_42, %dma_start3A_246, %dma_start3A_247] : memref<4x80x64xbf16, #tpu.memory_space<vmem>> -> memref<1x80x64xbf16, #tpu.memory_space<vmem>>
      %dma_start3A_249 = tpu.memref_squeeze %dma_start3A_248 : memref<1x80x64xbf16, #tpu.memory_space<vmem>> -> memref<80x64xbf16, #tpu.memory_space<vmem>>
      %dma_start3A_250 = arith.constant 0 : i32
      %dma_start3A_251 = tpu.memref_slice %arg24[%add3A_41, %dma_start3A_250] : memref<20480x64xbf16, #tpu.memory_space<vmem_shared>> -> memref<80x64xbf16, #tpu.memory_space<vmem_shared>>
      %dma_start3A_252 = arith.constant 0 : i32
      %dma_start3A_253 = tpu.memref_slice %arg24[%add3A_41, %dma_start3A_252] : memref<20480x64xbf16, #tpu.memory_space<vmem_shared>> -> memref<80x64xbf16, #tpu.memory_space<vmem_shared>>
      %dma_start3A_254 = arith.constant 0 : i32
      %dma_start3A_255 = arith.constant 0 : i32
      %dma_start3A_256 = tpu.memref_slice %arg15[%run_scoped3A_42, %dma_start3A_254, %dma_start3A_255] : memref<4x80x64xbf16, #tpu.memory_space<vmem>> -> memref<1x80x64xbf16, #tpu.memory_space<vmem>>
      %dma_start3A_257 = tpu.memref_squeeze %dma_start3A_256 : memref<1x80x64xbf16, #tpu.memory_space<vmem>> -> memref<80x64xbf16, #tpu.memory_space<vmem>>
      tpu.enqueue_dma source(%dma_start3A_257 : memref<80x64xbf16, #tpu.memory_space<vmem>>) target(%dma_start3A_253 : memref<80x64xbf16, #tpu.memory_space<vmem_shared>>) target_semaphore(%run_scoped3A_245 : memref<!tpu.dma_semaphore, #tpu.memory_space<semaphore_mem>>)
      %dma_wait3A_258 = arith.constant 0 : i32
      %dma_wait3A_259 = arith.constant 0 : i32
      %dma_wait3A_260 = tpu.memref_slice %arg15[%run_scoped3A_42, %dma_wait3A_258, %dma_wait3A_259] : memref<4x80x64xbf16, #tpu.memory_space<vmem>> -> memref<1x80x64xbf16, #tpu.memory_space<vmem>>
      %dma_wait3A_261 = tpu.memref_squeeze %dma_wait3A_260 : memref<1x80x64xbf16, #tpu.memory_space<vmem>> -> memref<80x64xbf16, #tpu.memory_space<vmem>>
      %dma_wait3A_262 = arith.constant 0 : i32
      %dma_wait3A_263 = tpu.memref_slice %arg24[%add3A_41, %dma_wait3A_262] : memref<20480x64xbf16, #tpu.memory_space<vmem_shared>> -> memref<80x64xbf16, #tpu.memory_space<vmem_shared>>
      %dma_wait3A_264 = arith.constant 0 : i32
      %dma_wait3A_265 = tpu.memref_slice %arg24[%add3A_41, %dma_wait3A_264] : memref<20480x64xbf16, #tpu.memory_space<vmem_shared>> -> memref<80x64xbf16, #tpu.memory_space<vmem_shared>>
      %dma_wait3A_266 = arith.constant 0 : i32
      %dma_wait3A_267 = arith.constant 0 : i32
      %dma_wait3A_268 = tpu.memref_slice %arg15[%run_scoped3A_42, %dma_wait3A_266, %dma_wait3A_267] : memref<4x80x64xbf16, #tpu.memory_space<vmem>> -> memref<1x80x64xbf16, #tpu.memory_space<vmem>>
      %dma_wait3A_269 = tpu.memref_squeeze %dma_wait3A_268 : memref<1x80x64xbf16, #tpu.memory_space<vmem>> -> memref<80x64xbf16, #tpu.memory_space<vmem>>
      tpu.wait_dma2 semaphore(%run_scoped3A_245 : memref<!tpu.dma_semaphore, #tpu.memory_space<semaphore_mem>>) src(%dma_wait3A_269 : memref<80x64xbf16, #tpu.memory_space<vmem>>) dst(%dma_wait3A_265 : memref<80x64xbf16, #tpu.memory_space<vmem_shared>>)
      tpu.yield
    }) : () -> ()
    %add3A_43 = arith.constant 720 : i32
    %add3A_44 = arith.addi %mul3A_2, %add3A_43 : i32
    %run_scoped3A_45 = arith.constant 0 : i32
    "tpu.region"() ({
      %run_scoped3A_245 = tpu.sem_alloc : memref<!tpu.dma_semaphore, #tpu.memory_space<semaphore_mem>>
      %dma_start3A_246 = arith.constant 0 : i32
      %dma_start3A_247 = arith.constant 0 : i32
      %dma_start3A_248 = tpu.memref_slice %arg15[%run_scoped3A_45, %dma_start3A_246, %dma_start3A_247] : memref<4x80x64xbf16, #tpu.memory_space<vmem>> -> memref<1x80x64xbf16, #tpu.memory_space<vmem>>
      %dma_start3A_249 = tpu.memref_squeeze %dma_start3A_248 : memref<1x80x64xbf16, #tpu.memory_space<vmem>> -> memref<80x64xbf16, #tpu.memory_space<vmem>>
      %dma_start3A_250 = arith.constant 0 : i32
      %dma_start3A_251 = tpu.memref_slice %arg24[%add3A_44, %dma_start3A_250] : memref<20480x64xbf16, #tpu.memory_space<vmem_shared>> -> memref<80x64xbf16, #tpu.memory_space<vmem_shared>>
      %dma_start3A_252 = arith.constant 0 : i32
      %dma_start3A_253 = tpu.memref_slice %arg24[%add3A_44, %dma_start3A_252] : memref<20480x64xbf16, #tpu.memory_space<vmem_shared>> -> memref<80x64xbf16, #tpu.memory_space<vmem_shared>>
      %dma_start3A_254 = arith.constant 0 : i32
      %dma_start3A_255 = arith.constant 0 : i32
      %dma_start3A_256 = tpu.memref_slice %arg15[%run_scoped3A_45, %dma_start3A_254, %dma_start3A_255] : memref<4x80x64xbf16, #tpu.memory_space<vmem>> -> memref<1x80x64xbf16, #tpu.memory_space<vmem>>
      %dma_start3A_257 = tpu.memref_squeeze %dma_start3A_256 : memref<1x80x64xbf16, #tpu.memory_space<vmem>> -> memref<80x64xbf16, #tpu.memory_space<vmem>>
      tpu.enqueue_dma source(%dma_start3A_257 : memref<80x64xbf16, #tpu.memory_space<vmem>>) target(%dma_start3A_253 : memref<80x64xbf16, #tpu.memory_space<vmem_shared>>) target_semaphore(%run_scoped3A_245 : memref<!tpu.dma_semaphore, #tpu.memory_space<semaphore_mem>>)
      %dma_wait3A_258 = arith.constant 0 : i32
      %dma_wait3A_259 = arith.constant 0 : i32
      %dma_wait3A_260 = tpu.memref_slice %arg15[%run_scoped3A_45, %dma_wait3A_258, %dma_wait3A_259] : memref<4x80x64xbf16, #tpu.memory_space<vmem>> -> memref<1x80x64xbf16, #tpu.memory_space<vmem>>
      %dma_wait3A_261 = tpu.memref_squeeze %dma_wait3A_260 : memref<1x80x64xbf16, #tpu.memory_space<vmem>> -> memref<80x64xbf16, #tpu.memory_space<vmem>>
      %dma_wait3A_262 = arith.constant 0 : i32
      %dma_wait3A_263 = tpu.memref_slice %arg24[%add3A_44, %dma_wait3A_262] : memref<20480x64xbf16, #tpu.memory_space<vmem_shared>> -> memref<80x64xbf16, #tpu.memory_space<vmem_shared>>
      %dma_wait3A_264 = arith.constant 0 : i32
      %dma_wait3A_265 = tpu.memref_slice %arg24[%add3A_44, %dma_wait3A_264] : memref<20480x64xbf16, #tpu.memory_space<vmem_shared>> -> memref<80x64xbf16, #tpu.memory_space<vmem_shared>>
      %dma_wait3A_266 = arith.constant 0 : i32
      %dma_wait3A_267 = arith.constant 0 : i32
      %dma_wait3A_268 = tpu.memref_slice %arg15[%run_scoped3A_45, %dma_wait3A_266, %dma_wait3A_267] : memref<4x80x64xbf16, #tpu.memory_space<vmem>> -> memref<1x80x64xbf16, #tpu.memory_space<vmem>>
      %dma_wait3A_269 = tpu.memref_squeeze %dma_wait3A_268 : memref<1x80x64xbf16, #tpu.memory_space<vmem>> -> memref<80x64xbf16, #tpu.memory_space<vmem>>
      tpu.wait_dma2 semaphore(%run_scoped3A_245 : memref<!tpu.dma_semaphore, #tpu.memory_space<semaphore_mem>>) src(%dma_wait3A_269 : memref<80x64xbf16, #tpu.memory_space<vmem>>) dst(%dma_wait3A_265 : memref<80x64xbf16, #tpu.memory_space<vmem_shared>>)
      tpu.yield
    }) : () -> ()
    %add3A_46 = arith.constant 800 : i32
    %add3A_47 = arith.addi %mul3A_2, %add3A_46 : i32
    %run_scoped3A_48 = arith.constant 0 : i32
    "tpu.region"() ({
      %run_scoped3A_245 = tpu.sem_alloc : memref<!tpu.dma_semaphore, #tpu.memory_space<semaphore_mem>>
      %dma_start3A_246 = arith.constant 0 : i32
      %dma_start3A_247 = arith.constant 0 : i32
      %dma_start3A_248 = tpu.memref_slice %arg15[%run_scoped3A_48, %dma_start3A_246, %dma_start3A_247] : memref<4x80x64xbf16, #tpu.memory_space<vmem>> -> memref<1x80x64xbf16, #tpu.memory_space<vmem>>
      %dma_start3A_249 = tpu.memref_squeeze %dma_start3A_248 : memref<1x80x64xbf16, #tpu.memory_space<vmem>> -> memref<80x64xbf16, #tpu.memory_space<vmem>>
      %dma_start3A_250 = arith.constant 0 : i32
      %dma_start3A_251 = tpu.memref_slice %arg24[%add3A_47, %dma_start3A_250] : memref<20480x64xbf16, #tpu.memory_space<vmem_shared>> -> memref<80x64xbf16, #tpu.memory_space<vmem_shared>>
      %dma_start3A_252 = arith.constant 0 : i32
      %dma_start3A_253 = tpu.memref_slice %arg24[%add3A_47, %dma_start3A_252] : memref<20480x64xbf16, #tpu.memory_space<vmem_shared>> -> memref<80x64xbf16, #tpu.memory_space<vmem_shared>>
      %dma_start3A_254 = arith.constant 0 : i32
      %dma_start3A_255 = arith.constant 0 : i32
      %dma_start3A_256 = tpu.memref_slice %arg15[%run_scoped3A_48, %dma_start3A_254, %dma_start3A_255] : memref<4x80x64xbf16, #tpu.memory_space<vmem>> -> memref<1x80x64xbf16, #tpu.memory_space<vmem>>
      %dma_start3A_257 = tpu.memref_squeeze %dma_start3A_256 : memref<1x80x64xbf16, #tpu.memory_space<vmem>> -> memref<80x64xbf16, #tpu.memory_space<vmem>>
      tpu.enqueue_dma source(%dma_start3A_257 : memref<80x64xbf16, #tpu.memory_space<vmem>>) target(%dma_start3A_253 : memref<80x64xbf16, #tpu.memory_space<vmem_shared>>) target_semaphore(%run_scoped3A_245 : memref<!tpu.dma_semaphore, #tpu.memory_space<semaphore_mem>>)
      %dma_wait3A_258 = arith.constant 0 : i32
      %dma_wait3A_259 = arith.constant 0 : i32
      %dma_wait3A_260 = tpu.memref_slice %arg15[%run_scoped3A_48, %dma_wait3A_258, %dma_wait3A_259] : memref<4x80x64xbf16, #tpu.memory_space<vmem>> -> memref<1x80x64xbf16, #tpu.memory_space<vmem>>
      %dma_wait3A_261 = tpu.memref_squeeze %dma_wait3A_260 : memref<1x80x64xbf16, #tpu.memory_space<vmem>> -> memref<80x64xbf16, #tpu.memory_space<vmem>>
      %dma_wait3A_262 = arith.constant 0 : i32
      %dma_wait3A_263 = tpu.memref_slice %arg24[%add3A_47, %dma_wait3A_262] : memref<20480x64xbf16, #tpu.memory_space<vmem_shared>> -> memref<80x64xbf16, #tpu.memory_space<vmem_shared>>
      %dma_wait3A_264 = arith.constant 0 : i32
      %dma_wait3A_265 = tpu.memref_slice %arg24[%add3A_47, %dma_wait3A_264] : memref<20480x64xbf16, #tpu.memory_space<vmem_shared>> -> memref<80x64xbf16, #tpu.memory_space<vmem_shared>>
      %dma_wait3A_266 = arith.constant 0 : i32
      %dma_wait3A_267 = arith.constant 0 : i32
      %dma_wait3A_268 = tpu.memref_slice %arg15[%run_scoped3A_48, %dma_wait3A_266, %dma_wait3A_267] : memref<4x80x64xbf16, #tpu.memory_space<vmem>> -> memref<1x80x64xbf16, #tpu.memory_space<vmem>>
      %dma_wait3A_269 = tpu.memref_squeeze %dma_wait3A_268 : memref<1x80x64xbf16, #tpu.memory_space<vmem>> -> memref<80x64xbf16, #tpu.memory_space<vmem>>
      tpu.wait_dma2 semaphore(%run_scoped3A_245 : memref<!tpu.dma_semaphore, #tpu.memory_space<semaphore_mem>>) src(%dma_wait3A_269 : memref<80x64xbf16, #tpu.memory_space<vmem>>) dst(%dma_wait3A_265 : memref<80x64xbf16, #tpu.memory_space<vmem_shared>>)
      tpu.yield
    }) : () -> ()
    %add3A_49 = arith.constant 880 : i32
    %add3A_50 = arith.addi %mul3A_2, %add3A_49 : i32
    %run_scoped3A_51 = arith.constant 0 : i32
    "tpu.region"() ({
      %run_scoped3A_245 = tpu.sem_alloc : memref<!tpu.dma_semaphore, #tpu.memory_space<semaphore_mem>>
      %dma_start3A_246 = arith.constant 0 : i32
      %dma_start3A_247 = arith.constant 0 : i32
      %dma_start3A_248 = tpu.memref_slice %arg15[%run_scoped3A_51, %dma_start3A_246, %dma_start3A_247] : memref<4x80x64xbf16, #tpu.memory_space<vmem>> -> memref<1x80x64xbf16, #tpu.memory_space<vmem>>
      %dma_start3A_249 = tpu.memref_squeeze %dma_start3A_248 : memref<1x80x64xbf16, #tpu.memory_space<vmem>> -> memref<80x64xbf16, #tpu.memory_space<vmem>>
      %dma_start3A_250 = arith.constant 0 : i32
      %dma_start3A_251 = tpu.memref_slice %arg24[%add3A_50, %dma_start3A_250] : memref<20480x64xbf16, #tpu.memory_space<vmem_shared>> -> memref<80x64xbf16, #tpu.memory_space<vmem_shared>>
      %dma_start3A_252 = arith.constant 0 : i32
      %dma_start3A_253 = tpu.memref_slice %arg24[%add3A_50, %dma_start3A_252] : memref<20480x64xbf16, #tpu.memory_space<vmem_shared>> -> memref<80x64xbf16, #tpu.memory_space<vmem_shared>>
      %dma_start3A_254 = arith.constant 0 : i32
      %dma_start3A_255 = arith.constant 0 : i32
      %dma_start3A_256 = tpu.memref_slice %arg15[%run_scoped3A_51, %dma_start3A_254, %dma_start3A_255] : memref<4x80x64xbf16, #tpu.memory_space<vmem>> -> memref<1x80x64xbf16, #tpu.memory_space<vmem>>
      %dma_start3A_257 = tpu.memref_squeeze %dma_start3A_256 : memref<1x80x64xbf16, #tpu.memory_space<vmem>> -> memref<80x64xbf16, #tpu.memory_space<vmem>>
      tpu.enqueue_dma source(%dma_start3A_257 : memref<80x64xbf16, #tpu.memory_space<vmem>>) target(%dma_start3A_253 : memref<80x64xbf16, #tpu.memory_space<vmem_shared>>) target_semaphore(%run_scoped3A_245 : memref<!tpu.dma_semaphore, #tpu.memory_space<semaphore_mem>>)
      %dma_wait3A_258 = arith.constant 0 : i32
      %dma_wait3A_259 = arith.constant 0 : i32
      %dma_wait3A_260 = tpu.memref_slice %arg15[%run_scoped3A_51, %dma_wait3A_258, %dma_wait3A_259] : memref<4x80x64xbf16, #tpu.memory_space<vmem>> -> memref<1x80x64xbf16, #tpu.memory_space<vmem>>
      %dma_wait3A_261 = tpu.memref_squeeze %dma_wait3A_260 : memref<1x80x64xbf16, #tpu.memory_space<vmem>> -> memref<80x64xbf16, #tpu.memory_space<vmem>>
      %dma_wait3A_262 = arith.constant 0 : i32
      %dma_wait3A_263 = tpu.memref_slice %arg24[%add3A_50, %dma_wait3A_262] : memref<20480x64xbf16, #tpu.memory_space<vmem_shared>> -> memref<80x64xbf16, #tpu.memory_space<vmem_shared>>
      %dma_wait3A_264 = arith.constant 0 : i32
      %dma_wait3A_265 = tpu.memref_slice %arg24[%add3A_50, %dma_wait3A_264] : memref<20480x64xbf16, #tpu.memory_space<vmem_shared>> -> memref<80x64xbf16, #tpu.memory_space<vmem_shared>>
      %dma_wait3A_266 = arith.constant 0 : i32
      %dma_wait3A_267 = arith.constant 0 : i32
      %dma_wait3A_268 = tpu.memref_slice %arg15[%run_scoped3A_51, %dma_wait3A_266, %dma_wait3A_267] : memref<4x80x64xbf16, #tpu.memory_space<vmem>> -> memref<1x80x64xbf16, #tpu.memory_space<vmem>>
      %dma_wait3A_269 = tpu.memref_squeeze %dma_wait3A_268 : memref<1x80x64xbf16, #tpu.memory_space<vmem>> -> memref<80x64xbf16, #tpu.memory_space<vmem>>
      tpu.wait_dma2 semaphore(%run_scoped3A_245 : memref<!tpu.dma_semaphore, #tpu.memory_space<semaphore_mem>>) src(%dma_wait3A_269 : memref<80x64xbf16, #tpu.memory_space<vmem>>) dst(%dma_wait3A_265 : memref<80x64xbf16, #tpu.memory_space<vmem_shared>>)
      tpu.yield
    }) : () -> ()
    %add3A_52 = arith.constant 960 : i32
    %add3A_53 = arith.addi %mul3A_2, %add3A_52 : i32
    %run_scoped3A_54 = arith.constant 0 : i32
    "tpu.region"() ({
      %run_scoped3A_245 = tpu.sem_alloc : memref<!tpu.dma_semaphore, #tpu.memory_space<semaphore_mem>>
      %dma_start3A_246 = arith.constant 0 : i32
      %dma_start3A_247 = arith.constant 0 : i32
      %dma_start3A_248 = tpu.memref_slice %arg15[%run_scoped3A_54, %dma_start3A_246, %dma_start3A_247] : memref<4x80x64xbf16, #tpu.memory_space<vmem>> -> memref<1x80x64xbf16, #tpu.memory_space<vmem>>
      %dma_start3A_249 = tpu.memref_squeeze %dma_start3A_248 : memref<1x80x64xbf16, #tpu.memory_space<vmem>> -> memref<80x64xbf16, #tpu.memory_space<vmem>>
      %dma_start3A_250 = arith.constant 0 : i32
      %dma_start3A_251 = tpu.memref_slice %arg24[%add3A_53, %dma_start3A_250] : memref<20480x64xbf16, #tpu.memory_space<vmem_shared>> -> memref<80x64xbf16, #tpu.memory_space<vmem_shared>>
      %dma_start3A_252 = arith.constant 0 : i32
      %dma_start3A_253 = tpu.memref_slice %arg24[%add3A_53, %dma_start3A_252] : memref<20480x64xbf16, #tpu.memory_space<vmem_shared>> -> memref<80x64xbf16, #tpu.memory_space<vmem_shared>>
      %dma_start3A_254 = arith.constant 0 : i32
      %dma_start3A_255 = arith.constant 0 : i32
      %dma_start3A_256 = tpu.memref_slice %arg15[%run_scoped3A_54, %dma_start3A_254, %dma_start3A_255] : memref<4x80x64xbf16, #tpu.memory_space<vmem>> -> memref<1x80x64xbf16, #tpu.memory_space<vmem>>
      %dma_start3A_257 = tpu.memref_squeeze %dma_start3A_256 : memref<1x80x64xbf16, #tpu.memory_space<vmem>> -> memref<80x64xbf16, #tpu.memory_space<vmem>>
      tpu.enqueue_dma source(%dma_start3A_257 : memref<80x64xbf16, #tpu.memory_space<vmem>>) target(%dma_start3A_253 : memref<80x64xbf16, #tpu.memory_space<vmem_shared>>) target_semaphore(%run_scoped3A_245 : memref<!tpu.dma_semaphore, #tpu.memory_space<semaphore_mem>>)
      %dma_wait3A_258 = arith.constant 0 : i32
      %dma_wait3A_259 = arith.constant 0 : i32
      %dma_wait3A_260 = tpu.memref_slice %arg15[%run_scoped3A_54, %dma_wait3A_258, %dma_wait3A_259] : memref<4x80x64xbf16, #tpu.memory_space<vmem>> -> memref<1x80x64xbf16, #tpu.memory_space<vmem>>
      %dma_wait3A_261 = tpu.memref_squeeze %dma_wait3A_260 : memref<1x80x64xbf16, #tpu.memory_space<vmem>> -> memref<80x64xbf16, #tpu.memory_space<vmem>>
      %dma_wait3A_262 = arith.constant 0 : i32
      %dma_wait3A_263 = tpu.memref_slice %arg24[%add3A_53, %dma_wait3A_262] : memref<20480x64xbf16, #tpu.memory_space<vmem_shared>> -> memref<80x64xbf16, #tpu.memory_space<vmem_shared>>
      %dma_wait3A_264 = arith.constant 0 : i32
      %dma_wait3A_265 = tpu.memref_slice %arg24[%add3A_53, %dma_wait3A_264] : memref<20480x64xbf16, #tpu.memory_space<vmem_shared>> -> memref<80x64xbf16, #tpu.memory_space<vmem_shared>>
      %dma_wait3A_266 = arith.constant 0 : i32
      %dma_wait3A_267 = arith.constant 0 : i32
      %dma_wait3A_268 = tpu.memref_slice %arg15[%run_scoped3A_54, %dma_wait3A_266, %dma_wait3A_267] : memref<4x80x64xbf16, #tpu.memory_space<vmem>> -> memref<1x80x64xbf16, #tpu.memory_space<vmem>>
      %dma_wait3A_269 = tpu.memref_squeeze %dma_wait3A_268 : memref<1x80x64xbf16, #tpu.memory_space<vmem>> -> memref<80x64xbf16, #tpu.memory_space<vmem>>
      tpu.wait_dma2 semaphore(%run_scoped3A_245 : memref<!tpu.dma_semaphore, #tpu.memory_space<semaphore_mem>>) src(%dma_wait3A_269 : memref<80x64xbf16, #tpu.memory_space<vmem>>) dst(%dma_wait3A_265 : memref<80x64xbf16, #tpu.memory_space<vmem_shared>>)
      tpu.yield
    }) : () -> ()
    %add3A_55 = arith.constant 1040 : i32
    %add3A_56 = arith.addi %mul3A_2, %add3A_55 : i32
    %run_scoped3A_57 = arith.constant 0 : i32
    "tpu.region"() ({
      %run_scoped3A_245 = tpu.sem_alloc : memref<!tpu.dma_semaphore, #tpu.memory_space<semaphore_mem>>
      %dma_start3A_246 = arith.constant 0 : i32
      %dma_start3A_247 = arith.constant 0 : i32
      %dma_start3A_248 = tpu.memref_slice %arg15[%run_scoped3A_57, %dma_start3A_246, %dma_start3A_247] : memref<4x80x64xbf16, #tpu.memory_space<vmem>> -> memref<1x80x64xbf16, #tpu.memory_space<vmem>>
      %dma_start3A_249 = tpu.memref_squeeze %dma_start3A_248 : memref<1x80x64xbf16, #tpu.memory_space<vmem>> -> memref<80x64xbf16, #tpu.memory_space<vmem>>
      %dma_start3A_250 = arith.constant 0 : i32
      %dma_start3A_251 = tpu.memref_slice %arg24[%add3A_56, %dma_start3A_250] : memref<20480x64xbf16, #tpu.memory_space<vmem_shared>> -> memref<80x64xbf16, #tpu.memory_space<vmem_shared>>
      %dma_start3A_252 = arith.constant 0 : i32
      %dma_start3A_253 = tpu.memref_slice %arg24[%add3A_56, %dma_start3A_252] : memref<20480x64xbf16, #tpu.memory_space<vmem_shared>> -> memref<80x64xbf16, #tpu.memory_space<vmem_shared>>
      %dma_start3A_254 = arith.constant 0 : i32
      %dma_start3A_255 = arith.constant 0 : i32
      %dma_start3A_256 = tpu.memref_slice %arg15[%run_scoped3A_57, %dma_start3A_254, %dma_start3A_255] : memref<4x80x64xbf16, #tpu.memory_space<vmem>> -> memref<1x80x64xbf16, #tpu.memory_space<vmem>>
      %dma_start3A_257 = tpu.memref_squeeze %dma_start3A_256 : memref<1x80x64xbf16, #tpu.memory_space<vmem>> -> memref<80x64xbf16, #tpu.memory_space<vmem>>
      tpu.enqueue_dma source(%dma_start3A_257 : memref<80x64xbf16, #tpu.memory_space<vmem>>) target(%dma_start3A_253 : memref<80x64xbf16, #tpu.memory_space<vmem_shared>>) target_semaphore(%run_scoped3A_245 : memref<!tpu.dma_semaphore, #tpu.memory_space<semaphore_mem>>)
      %dma_wait3A_258 = arith.constant 0 : i32
      %dma_wait3A_259 = arith.constant 0 : i32
      %dma_wait3A_260 = tpu.memref_slice %arg15[%run_scoped3A_57, %dma_wait3A_258, %dma_wait3A_259] : memref<4x80x64xbf16, #tpu.memory_space<vmem>> -> memref<1x80x64xbf16, #tpu.memory_space<vmem>>
      %dma_wait3A_261 = tpu.memref_squeeze %dma_wait3A_260 : memref<1x80x64xbf16, #tpu.memory_space<vmem>> -> memref<80x64xbf16, #tpu.memory_space<vmem>>
      %dma_wait3A_262 = arith.constant 0 : i32
      %dma_wait3A_263 = tpu.memref_slice %arg24[%add3A_56, %dma_wait3A_262] : memref<20480x64xbf16, #tpu.memory_space<vmem_shared>> -> memref<80x64xbf16, #tpu.memory_space<vmem_shared>>
      %dma_wait3A_264 = arith.constant 0 : i32
      %dma_wait3A_265 = tpu.memref_slice %arg24[%add3A_56, %dma_wait3A_264] : memref<20480x64xbf16, #tpu.memory_space<vmem_shared>> -> memref<80x64xbf16, #tpu.memory_space<vmem_shared>>
      %dma_wait3A_266 = arith.constant 0 : i32
      %dma_wait3A_267 = arith.constant 0 : i32
      %dma_wait3A_268 = tpu.memref_slice %arg15[%run_scoped3A_57, %dma_wait3A_266, %dma_wait3A_267] : memref<4x80x64xbf16, #tpu.memory_space<vmem>> -> memref<1x80x64xbf16, #tpu.memory_space<vmem>>
      %dma_wait3A_269 = tpu.memref_squeeze %dma_wait3A_268 : memref<1x80x64xbf16, #tpu.memory_space<vmem>> -> memref<80x64xbf16, #tpu.memory_space<vmem>>
      tpu.wait_dma2 semaphore(%run_scoped3A_245 : memref<!tpu.dma_semaphore, #tpu.memory_space<semaphore_mem>>) src(%dma_wait3A_269 : memref<80x64xbf16, #tpu.memory_space<vmem>>) dst(%dma_wait3A_265 : memref<80x64xbf16, #tpu.memory_space<vmem_shared>>)
      tpu.yield
    }) : () -> ()
    %add3A_58 = arith.constant 1120 : i32
    %add3A_59 = arith.addi %mul3A_2, %add3A_58 : i32
    %run_scoped3A_60 = arith.constant 0 : i32
    "tpu.region"() ({
      %run_scoped3A_245 = tpu.sem_alloc : memref<!tpu.dma_semaphore, #tpu.memory_space<semaphore_mem>>
      %dma_start3A_246 = arith.constant 0 : i32
      %dma_start3A_247 = arith.constant 0 : i32
      %dma_start3A_248 = tpu.memref_slice %arg15[%run_scoped3A_60, %dma_start3A_246, %dma_start3A_247] : memref<4x80x64xbf16, #tpu.memory_space<vmem>> -> memref<1x80x64xbf16, #tpu.memory_space<vmem>>
      %dma_start3A_249 = tpu.memref_squeeze %dma_start3A_248 : memref<1x80x64xbf16, #tpu.memory_space<vmem>> -> memref<80x64xbf16, #tpu.memory_space<vmem>>
      %dma_start3A_250 = arith.constant 0 : i32
      %dma_start3A_251 = tpu.memref_slice %arg24[%add3A_59, %dma_start3A_250] : memref<20480x64xbf16, #tpu.memory_space<vmem_shared>> -> memref<80x64xbf16, #tpu.memory_space<vmem_shared>>
      %dma_start3A_252 = arith.constant 0 : i32
      %dma_start3A_253 = tpu.memref_slice %arg24[%add3A_59, %dma_start3A_252] : memref<20480x64xbf16, #tpu.memory_space<vmem_shared>> -> memref<80x64xbf16, #tpu.memory_space<vmem_shared>>
      %dma_start3A_254 = arith.constant 0 : i32
      %dma_start3A_255 = arith.constant 0 : i32
      %dma_start3A_256 = tpu.memref_slice %arg15[%run_scoped3A_60, %dma_start3A_254, %dma_start3A_255] : memref<4x80x64xbf16, #tpu.memory_space<vmem>> -> memref<1x80x64xbf16, #tpu.memory_space<vmem>>
      %dma_start3A_257 = tpu.memref_squeeze %dma_start3A_256 : memref<1x80x64xbf16, #tpu.memory_space<vmem>> -> memref<80x64xbf16, #tpu.memory_space<vmem>>
      tpu.enqueue_dma source(%dma_start3A_257 : memref<80x64xbf16, #tpu.memory_space<vmem>>) target(%dma_start3A_253 : memref<80x64xbf16, #tpu.memory_space<vmem_shared>>) target_semaphore(%run_scoped3A_245 : memref<!tpu.dma_semaphore, #tpu.memory_space<semaphore_mem>>)
      %dma_wait3A_258 = arith.constant 0 : i32
      %dma_wait3A_259 = arith.constant 0 : i32
      %dma_wait3A_260 = tpu.memref_slice %arg15[%run_scoped3A_60, %dma_wait3A_258, %dma_wait3A_259] : memref<4x80x64xbf16, #tpu.memory_space<vmem>> -> memref<1x80x64xbf16, #tpu.memory_space<vmem>>
      %dma_wait3A_261 = tpu.memref_squeeze %dma_wait3A_260 : memref<1x80x64xbf16, #tpu.memory_space<vmem>> -> memref<80x64xbf16, #tpu.memory_space<vmem>>
      %dma_wait3A_262 = arith.constant 0 : i32
      %dma_wait3A_263 = tpu.memref_slice %arg24[%add3A_59, %dma_wait3A_262] : memref<20480x64xbf16, #tpu.memory_space<vmem_shared>> -> memref<80x64xbf16, #tpu.memory_space<vmem_shared>>
      %dma_wait3A_264 = arith.constant 0 : i32
      %dma_wait3A_265 = tpu.memref_slice %arg24[%add3A_59, %dma_wait3A_264] : memref<20480x64xbf16, #tpu.memory_space<vmem_shared>> -> memref<80x64xbf16, #tpu.memory_space<vmem_shared>>
      %dma_wait3A_266 = arith.constant 0 : i32
      %dma_wait3A_267 = arith.constant 0 : i32
      %dma_wait3A_268 = tpu.memref_slice %arg15[%run_scoped3A_60, %dma_wait3A_266, %dma_wait3A_267] : memref<4x80x64xbf16, #tpu.memory_space<vmem>> -> memref<1x80x64xbf16, #tpu.memory_space<vmem>>
      %dma_wait3A_269 = tpu.memref_squeeze %dma_wait3A_268 : memref<1x80x64xbf16, #tpu.memory_space<vmem>> -> memref<80x64xbf16, #tpu.memory_space<vmem>>
      tpu.wait_dma2 semaphore(%run_scoped3A_245 : memref<!tpu.dma_semaphore, #tpu.memory_space<semaphore_mem>>) src(%dma_wait3A_269 : memref<80x64xbf16, #tpu.memory_space<vmem>>) dst(%dma_wait3A_265 : memref<80x64xbf16, #tpu.memory_space<vmem_shared>>)
      tpu.yield
    }) : () -> ()
    %add3A_61 = arith.constant 1200 : i32
    %add3A_62 = arith.addi %mul3A_2, %add3A_61 : i32
    %run_scoped3A_63 = arith.constant 0 : i32
    "tpu.region"() ({
      %run_scoped3A_245 = tpu.sem_alloc : memref<!tpu.dma_semaphore, #tpu.memory_space<semaphore_mem>>
      %dma_start3A_246 = arith.constant 0 : i32
      %dma_start3A_247 = arith.constant 0 : i32
      %dma_start3A_248 = tpu.memref_slice %arg15[%run_scoped3A_63, %dma_start3A_246, %dma_start3A_247] : memref<4x80x64xbf16, #tpu.memory_space<vmem>> -> memref<1x80x64xbf16, #tpu.memory_space<vmem>>
      %dma_start3A_249 = tpu.memref_squeeze %dma_start3A_248 : memref<1x80x64xbf16, #tpu.memory_space<vmem>> -> memref<80x64xbf16, #tpu.memory_space<vmem>>
      %dma_start3A_250 = arith.constant 0 : i32
      %dma_start3A_251 = tpu.memref_slice %arg24[%add3A_62, %dma_start3A_250] : memref<20480x64xbf16, #tpu.memory_space<vmem_shared>> -> memref<80x64xbf16, #tpu.memory_space<vmem_shared>>
      %dma_start3A_252 = arith.constant 0 : i32
      %dma_start3A_253 = tpu.memref_slice %arg24[%add3A_62, %dma_start3A_252] : memref<20480x64xbf16, #tpu.memory_space<vmem_shared>> -> memref<80x64xbf16, #tpu.memory_space<vmem_shared>>
      %dma_start3A_254 = arith.constant 0 : i32
      %dma_start3A_255 = arith.constant 0 : i32
      %dma_start3A_256 = tpu.memref_slice %arg15[%run_scoped3A_63, %dma_start3A_254, %dma_start3A_255] : memref<4x80x64xbf16, #tpu.memory_space<vmem>> -> memref<1x80x64xbf16, #tpu.memory_space<vmem>>
      %dma_start3A_257 = tpu.memref_squeeze %dma_start3A_256 : memref<1x80x64xbf16, #tpu.memory_space<vmem>> -> memref<80x64xbf16, #tpu.memory_space<vmem>>
      tpu.enqueue_dma source(%dma_start3A_257 : memref<80x64xbf16, #tpu.memory_space<vmem>>) target(%dma_start3A_253 : memref<80x64xbf16, #tpu.memory_space<vmem_shared>>) target_semaphore(%run_scoped3A_245 : memref<!tpu.dma_semaphore, #tpu.memory_space<semaphore_mem>>)
      %dma_wait3A_258 = arith.constant 0 : i32
      %dma_wait3A_259 = arith.constant 0 : i32
      %dma_wait3A_260 = tpu.memref_slice %arg15[%run_scoped3A_63, %dma_wait3A_258, %dma_wait3A_259] : memref<4x80x64xbf16, #tpu.memory_space<vmem>> -> memref<1x80x64xbf16, #tpu.memory_space<vmem>>
      %dma_wait3A_261 = tpu.memref_squeeze %dma_wait3A_260 : memref<1x80x64xbf16, #tpu.memory_space<vmem>> -> memref<80x64xbf16, #tpu.memory_space<vmem>>
      %dma_wait3A_262 = arith.constant 0 : i32
      %dma_wait3A_263 = tpu.memref_slice %arg24[%add3A_62, %dma_wait3A_262] : memref<20480x64xbf16, #tpu.memory_space<vmem_shared>> -> memref<80x64xbf16, #tpu.memory_space<vmem_shared>>
      %dma_wait3A_264 = arith.constant 0 : i32
      %dma_wait3A_265 = tpu.memref_slice %arg24[%add3A_62, %dma_wait3A_264] : memref<20480x64xbf16, #tpu.memory_space<vmem_shared>> -> memref<80x64xbf16, #tpu.memory_space<vmem_shared>>
      %dma_wait3A_266 = arith.constant 0 : i32
      %dma_wait3A_267 = arith.constant 0 : i32
      %dma_wait3A_268 = tpu.memref_slice %arg15[%run_scoped3A_63, %dma_wait3A_266, %dma_wait3A_267] : memref<4x80x64xbf16, #tpu.memory_space<vmem>> -> memref<1x80x64xbf16, #tpu.memory_space<vmem>>
      %dma_wait3A_269 = tpu.memref_squeeze %dma_wait3A_268 : memref<1x80x64xbf16, #tpu.memory_space<vmem>> -> memref<80x64xbf16, #tpu.memory_space<vmem>>
      tpu.wait_dma2 semaphore(%run_scoped3A_245 : memref<!tpu.dma_semaphore, #tpu.memory_space<semaphore_mem>>) src(%dma_wait3A_269 : memref<80x64xbf16, #tpu.memory_space<vmem>>) dst(%dma_wait3A_265 : memref<80x64xbf16, #tpu.memory_space<vmem_shared>>)
      tpu.yield
    }) : () -> ()
    %scan3A_64 = arith.constant 0 : i32
    %scan3A_65 = arith.constant 0 : i32
    %scan3A_66 = arith.constant 1280 : i32
    %scan3A_67 = arith.addi %scan3A_65, %scan3A_66 : i32
    %scan3A_68 = arith.constant 1 : i32
    scf.for %scan3A_245 = %scan3A_65 to %scan3A_67 step %scan3A_68  : i32 {
      %mul3A_246 = arith.constant 16 : i32
      %mul3A_247 = arith.muli %scan3A_245, %mul3A_246 : i32
      %swap3A = arith.index_cast %mul3A_247 : i32 to index
      %swap3A_248 = tpu.vector_load %arg14[%swap3A] {strides = array<i32>} : memref<20480xf32, #tpu.memory_space<vmem>>, vector<16xf32>,
      tpu.vector_store %arg14[%swap3A], %broadcast_in_dim3A_8 {strides = array<i32>} : memref<20480xf32, #tpu.memory_space<vmem>>, vector<16xf32>,
    }
    %scan3A_69 = arith.constant 1280 : i32
    %scan3A_70 = arith.constant 0 : i32
    %scan3A_71 = arith.constant 0 : i32
    %scan3A_72 = arith.constant 625 : i32
    %scan3A_73 = arith.addi %scan3A_71, %scan3A_72 : i32
    %scan3A_74 = arith.constant 1 : i32
    scf.for %scan3A_245 = %scan3A_71 to %scan3A_73 step %scan3A_74  : i32 {
      %mul3A_246 = arith.constant 16 : i32
      %mul3A_247 = arith.muli %scan3A_245, %mul3A_246 : i32
      %get3A = arith.index_cast %mul3A_247 : i32 to index
      %get3A_248 = tpu.vector_load %arg10[%get3A] {strides = array<i32>} : memref<10000xi32, #tpu.memory_space<vmem>>, vector<16xi32>,
      %mul3A_249 = arith.constant 16 : i32
      %mul3A_250 = arith.muli %scan3A_245, %mul3A_249 : i32
      %get3A_251 = arith.index_cast %mul3A_250 : i32 to index
      %get3A_252 = tpu.vector_load %arg11[%get3A_251] {strides = array<i32>} : memref<10000xi32, #tpu.memory_space<vmem>>, vector<16xi32>,
      %gather3A = tpu.vector_load_idx %arg12[%get3A_248] : memref<10240xf32, #tpu.memory_space<vmem>>[vector<16xi32>], vector<16xf32>,
      %gather3A_253 = tpu.vector_load_idx %arg13[%get3A_252] : memref<10240xf32, #tpu.memory_space<vmem>>[vector<16xi32>], vector<16xf32>,
      %add3A_254 = arith.addf %gather3A, %gather3A_253 : vector<16xf32>
      %lt3A = arith.constant 0.000000e+00 : f32
      %lt3A_255 = vector.broadcast %lt3A : f32 to vector<16xf32>
      %lt3A_256 = arith.cmpf olt, %add3A_254, %lt3A_255 : vector<16xf32>
      %jit3A = arith.constant 10240 : i32
      %jit3A_257 = arith.constant 0 : i32
      %broadcast_in_dim3A_258 = vector.broadcast %jit3A : i32 to vector<16xi32>
      %broadcast_in_dim3A_259 = vector.broadcast %jit3A_257 : i32 to vector<16xi32>
      %select_n3A = arith.select %lt3A_256, %broadcast_in_dim3A_258, %broadcast_in_dim3A_259 : vector<16xi1>, vector<16xi32>
      %add3A_260 = arith.addi %get3A_248, %select_n3A : vector<16xi32>
      %add3A_261 = arith.addi %get3A_252, %select_n3A : vector<16xi32>
      %mul3A_262 = arith.constant 16 : i32
      %mul3A_263 = arith.muli %scan3A_245, %mul3A_262 : i32
      %swap3A = arith.index_cast %mul3A_263 : i32 to index
      %swap3A_264 = tpu.vector_load %arg10[%swap3A] {strides = array<i32>} : memref<10000xi32, #tpu.memory_space<vmem>>, vector<16xi32>,
      tpu.vector_store %arg10[%swap3A], %add3A_260 {strides = array<i32>} : memref<10000xi32, #tpu.memory_space<vmem>>, vector<16xi32>,
      %mul3A_265 = arith.constant 16 : i32
      %mul3A_266 = arith.muli %scan3A_245, %mul3A_265 : i32
      %swap3A_267 = arith.index_cast %mul3A_266 : i32 to index
      %swap3A_268 = tpu.vector_load %arg11[%swap3A_267] {strides = array<i32>} : memref<10000xi32, #tpu.memory_space<vmem>>, vector<16xi32>,
      tpu.vector_store %arg11[%swap3A_267], %add3A_261 {strides = array<i32>} : memref<10000xi32, #tpu.memory_space<vmem>>, vector<16xi32>,
      %mul3A_269 = arith.constant 2.000000e-01 : f32
      %mul3A_270 = vector.broadcast %mul3A_269 : f32 to vector<16xf32>
      %mul3A_271 = arith.mulf %mul3A_270, %gather3A : vector<16xf32>
      %select_n3A_272 = arith.select %lt3A_256, %mul3A_271, %gather3A : vector<16xi1>, vector<16xf32>
      %exp3A = math.exp %select_n3A_272 : vector<16xf32>
      tpu.vector_store_idx %arg14[%add3A_261], %exp3A {add = true} : memref<20480xf32, #tpu.memory_space<vmem>>[vector<16xi32>], vector<16xf32>,
    }
    %scan3A_75 = arith.constant 625 : i32
    "tpu.region"() ({
      %run_scoped3A_245 = tpu.sem_alloc : memref<!tpu.dma_semaphore, #tpu.memory_space<semaphore_mem>>
      %dma_start3A_246 = arith.constant 0 : i32
      %dma_start3A_247 = tpu.memref_slice %arg9[%add3A, %dma_start3A_246] : memref<32x20480xf32, #tpu.memory_space<hbm>> -> memref<1x20480xf32, #tpu.memory_space<hbm>>
      %dma_start3A_248 = tpu.memref_squeeze %dma_start3A_247 : memref<1x20480xf32, #tpu.memory_space<hbm>> -> memref<20480xf32, #tpu.memory_space<hbm>>
      %dma_start3A_249 = arith.constant 0 : i32
      %dma_start3A_250 = tpu.memref_slice %arg9[%add3A, %dma_start3A_249] : memref<32x20480xf32, #tpu.memory_space<hbm>> -> memref<1x20480xf32, #tpu.memory_space<hbm>>
      %dma_start3A_251 = tpu.memref_squeeze %dma_start3A_250 : memref<1x20480xf32, #tpu.memory_space<hbm>> -> memref<20480xf32, #tpu.memory_space<hbm>>
      tpu.enqueue_dma source(%arg14 : memref<20480xf32, #tpu.memory_space<vmem>>) target(%dma_start3A_251 : memref<20480xf32, #tpu.memory_space<hbm>>) target_semaphore(%run_scoped3A_245 : memref<!tpu.dma_semaphore, #tpu.memory_space<semaphore_mem>>)
      %dma_wait3A_252 = arith.constant 0 : i32
      %dma_wait3A_253 = tpu.memref_slice %arg9[%add3A, %dma_wait3A_252] : memref<32x20480xf32, #tpu.memory_space<hbm>> -> memref<1x20480xf32, #tpu.memory_space<hbm>>
      %dma_wait3A_254 = tpu.memref_squeeze %dma_wait3A_253 : memref<1x20480xf32, #tpu.memory_space<hbm>> -> memref<20480xf32, #tpu.memory_space<hbm>>
      %dma_wait3A_255 = arith.constant 0 : i32
      %dma_wait3A_256 = tpu.memref_slice %arg9[%add3A, %dma_wait3A_255] : memref<32x20480xf32, #tpu.memory_space<hbm>> -> memref<1x20480xf32, #tpu.memory_space<hbm>>
      %dma_wait3A_257 = tpu.memref_squeeze %dma_wait3A_256 : memref<1x20480xf32, #tpu.memory_space<hbm>> -> memref<20480xf32, #tpu.memory_space<hbm>>
      tpu.wait_dma2 semaphore(%run_scoped3A_245 : memref<!tpu.dma_semaphore, #tpu.memory_space<semaphore_mem>>) src(%arg14 : memref<20480xf32, #tpu.memory_space<vmem>>) dst(%dma_wait3A_257 : memref<20480xf32, #tpu.memory_space<hbm>>)
      tpu.yield
    }) : () -> ()
    %barrier3A = arith.constant 0 : index
    tpu.barrier barrier_id(%barrier3A)
    %dma_start3A = arith.constant 0 : i32
    %dma_start3A_76 = arith.constant 0 : i32
    %dma_start3A_77 = arith.constant 0 : i32
    %dma_start3A_78 = tpu.memref_slice %arg15[%dma_start3A, %dma_start3A_76, %dma_start3A_77] : memref<4x80x64xbf16, #tpu.memory_space<vmem>> -> memref<1x80x64xbf16, #tpu.memory_space<vmem>>
    %dma_start3A_79 = tpu.memref_squeeze %dma_start3A_78 : memref<1x80x64xbf16, #tpu.memory_space<vmem>> -> memref<80x64xbf16, #tpu.memory_space<vmem>>
    %dma_start3A_80 = arith.constant 0 : i32
    %dma_start3A_81 = tpu.memref_slice %arg10[%dma_start3A_80] : memref<10000xi32, #tpu.memory_space<vmem>> -> memref<80xi32, #tpu.memory_space<vmem>>
    %dma_start3A_82 = arith.constant 0 : i32
    %dma_start3A_83 = arith.constant 0 : i32
    %dma_start3A_84 = tpu.memref_slice %arg5[%dma_start3A_82, %dma_start3A_83] : memref<20480x64xbf16, #tpu.memory_space<hbm>> -> memref<20480x64xbf16, #tpu.memory_space<hbm>>
    tpu.enqueue_indirect_dma source(%dma_start3A_84 : memref<20480x64xbf16, #tpu.memory_space<hbm>>) target(%dma_start3A_79 : memref<80x64xbf16, #tpu.memory_space<vmem>>) offsets(%dma_start3A_81 : memref<80xi32, #tpu.memory_space<vmem>>) semaphore(%arg16 : memref<!tpu.dma_semaphore, #tpu.memory_space<semaphore_mem>>)
    %dma_start3A_85 = arith.constant 1 : i32
    %dma_start3A_86 = arith.constant 0 : i32
    %dma_start3A_87 = arith.constant 0 : i32
    %dma_start3A_88 = tpu.memref_slice %arg15[%dma_start3A_85, %dma_start3A_86, %dma_start3A_87] : memref<4x80x64xbf16, #tpu.memory_space<vmem>> -> memref<1x80x64xbf16, #tpu.memory_space<vmem>>
    %dma_start3A_89 = tpu.memref_squeeze %dma_start3A_88 : memref<1x80x64xbf16, #tpu.memory_space<vmem>> -> memref<80x64xbf16, #tpu.memory_space<vmem>>
    %dma_start3A_90 = arith.constant 80 : i32
    %dma_start3A_91 = tpu.memref_slice %arg10[%dma_start3A_90] : memref<10000xi32, #tpu.memory_space<vmem>> -> memref<80xi32, #tpu.memory_space<vmem>>
    %dma_start3A_92 = arith.constant 0 : i32
    %dma_start3A_93 = arith.constant 0 : i32
    %dma_start3A_94 = tpu.memref_slice %arg5[%dma_start3A_92, %dma_start3A_93] : memref<20480x64xbf16, #tpu.memory_space<hbm>> -> memref<20480x64xbf16, #tpu.memory_space<hbm>>
    tpu.enqueue_indirect_dma source(%dma_start3A_94 : memref<20480x64xbf16, #tpu.memory_space<hbm>>) target(%dma_start3A_89 : memref<80x64xbf16, #tpu.memory_space<vmem>>) offsets(%dma_start3A_91 : memref<80xi32, #tpu.memory_space<vmem>>) semaphore(%arg17 : memref<!tpu.dma_semaphore, #tpu.memory_space<semaphore_mem>>)
    %dma_start3A_95 = arith.constant 2 : i32
    %dma_start3A_96 = arith.constant 0 : i32
    %dma_start3A_97 = arith.constant 0 : i32
    %dma_start3A_98 = tpu.memref_slice %arg15[%dma_start3A_95, %dma_start3A_96, %dma_start3A_97] : memref<4x80x64xbf16, #tpu.memory_space<vmem>> -> memref<1x80x64xbf16, #tpu.memory_space<vmem>>
    %dma_start3A_99 = tpu.memref_squeeze %dma_start3A_98 : memref<1x80x64xbf16, #tpu.memory_space<vmem>> -> memref<80x64xbf16, #tpu.memory_space<vmem>>
    %dma_start3A_100 = arith.constant 160 : i32
    %dma_start3A_101 = tpu.memref_slice %arg10[%dma_start3A_100] : memref<10000xi32, #tpu.memory_space<vmem>> -> memref<80xi32, #tpu.memory_space<vmem>>
    %dma_start3A_102 = arith.constant 0 : i32
    %dma_start3A_103 = arith.constant 0 : i32
    %dma_start3A_104 = tpu.memref_slice %arg5[%dma_start3A_102, %dma_start3A_103] : memref<20480x64xbf16, #tpu.memory_space<hbm>> -> memref<20480x64xbf16, #tpu.memory_space<hbm>>
    tpu.enqueue_indirect_dma source(%dma_start3A_104 : memref<20480x64xbf16, #tpu.memory_space<hbm>>) target(%dma_start3A_99 : memref<80x64xbf16, #tpu.memory_space<vmem>>) offsets(%dma_start3A_101 : memref<80xi32, #tpu.memory_space<vmem>>) semaphore(%arg18 : memref<!tpu.dma_semaphore, #tpu.memory_space<semaphore_mem>>)
    %dma_start3A_105 = arith.constant 3 : i32
    %dma_start3A_106 = arith.constant 0 : i32
    %dma_start3A_107 = arith.constant 0 : i32
    %dma_start3A_108 = tpu.memref_slice %arg15[%dma_start3A_105, %dma_start3A_106, %dma_start3A_107] : memref<4x80x64xbf16, #tpu.memory_space<vmem>> -> memref<1x80x64xbf16, #tpu.memory_space<vmem>>
    %dma_start3A_109 = tpu.memref_squeeze %dma_start3A_108 : memref<1x80x64xbf16, #tpu.memory_space<vmem>> -> memref<80x64xbf16, #tpu.memory_space<vmem>>
    %dma_start3A_110 = arith.constant 240 : i32
    %dma_start3A_111 = tpu.memref_slice %arg10[%dma_start3A_110] : memref<10000xi32, #tpu.memory_space<vmem>> -> memref<80xi32, #tpu.memory_space<vmem>>
    %dma_start3A_112 = arith.constant 0 : i32
    %dma_start3A_113 = arith.constant 0 : i32
    %dma_start3A_114 = tpu.memref_slice %arg5[%dma_start3A_112, %dma_start3A_113] : memref<20480x64xbf16, #tpu.memory_space<hbm>> -> memref<20480x64xbf16, #tpu.memory_space<hbm>>
    tpu.enqueue_indirect_dma source(%dma_start3A_114 : memref<20480x64xbf16, #tpu.memory_space<hbm>>) target(%dma_start3A_109 : memref<80x64xbf16, #tpu.memory_space<vmem>>) offsets(%dma_start3A_111 : memref<80xi32, #tpu.memory_space<vmem>>) semaphore(%arg19 : memref<!tpu.dma_semaphore, #tpu.memory_space<semaphore_mem>>)
    %scan3A_115 = arith.constant 0 : i32
    %scan3A_116 = arith.constant 0 : i32
    %scan3A_117 = arith.constant 31 : i32
    %scan3A_118 = arith.addi %scan3A_116, %scan3A_117 : i32
    %scan3A_119 = arith.constant 1 : i32
    scf.for %scan3A_245 = %scan3A_116 to %scan3A_118 step %scan3A_119  : i32 {
      %mul3A_246 = arith.constant 4 : i32
      %mul3A_247 = arith.muli %mul3A_246, %scan3A_245 : i32
      %add3A_248 = arith.constant 0 : i32
      %add3A_249 = arith.addi %mul3A_247, %add3A_248 : i32
      %mul3A_250 = arith.constant 80 : i32
      %mul3A_251 = arith.muli %add3A_249, %mul3A_250 : i32
      %dma_wait3A_252 = arith.constant 0 : i32
      %dma_wait3A_253 = arith.constant 0 : i32
      %dma_wait3A_254 = arith.constant 0 : i32
      %dma_wait3A_255 = tpu.memref_slice %arg15[%dma_wait3A_252, %dma_wait3A_253, %dma_wait3A_254] : memref<4x80x64xbf16, #tpu.memory_space<vmem>> -> memref<1x80x64xbf16, #tpu.memory_space<vmem>>
      %dma_wait3A_256 = tpu.memref_squeeze %dma_wait3A_255 : memref<1x80x64xbf16, #tpu.memory_space<vmem>> -> memref<80x64xbf16, #tpu.memory_space<vmem>>
      %dma_wait3A_257 = tpu.memref_slice %arg10[%mul3A_251] : memref<10000xi32, #tpu.memory_space<vmem>> -> memref<80xi32, #tpu.memory_space<vmem>>
      %dma_wait3A_258 = arith.constant 0 : i32
      %dma_wait3A_259 = arith.constant 0 : i32
      %dma_wait3A_260 = tpu.memref_slice %arg5[%dma_wait3A_258, %dma_wait3A_259] : memref<20480x64xbf16, #tpu.memory_space<hbm>> -> memref<20480x64xbf16, #tpu.memory_space<hbm>>
      tpu.wait_indirect_dma semaphore(%arg16 : memref<!tpu.dma_semaphore, #tpu.memory_space<semaphore_mem>>) src(%dma_wait3A_260 : memref<20480x64xbf16, #tpu.memory_space<hbm>>) dst(%dma_wait3A_256 : memref<80x64xbf16, #tpu.memory_space<vmem>>)
      %mul3A_261 = arith.constant 80 : i32
      %mul3A_262 = arith.muli %add3A_249, %mul3A_261 : i32
      %dma_start3A_263 = arith.constant 0 : i32
      %dma_start3A_264 = arith.constant 0 : i32
      %dma_start3A_265 = arith.constant 0 : i32
      %dma_start3A_266 = tpu.memref_slice %arg15[%dma_start3A_263, %dma_start3A_264, %dma_start3A_265] : memref<4x80x64xbf16, #tpu.memory_space<vmem>> -> memref<1x80x64xbf16, #tpu.memory_space<vmem>>
      %dma_start3A_267 = tpu.memref_squeeze %dma_start3A_266 : memref<1x80x64xbf16, #tpu.memory_space<vmem>> -> memref<80x64xbf16, #tpu.memory_space<vmem>>
      %dma_start3A_268 = tpu.memref_slice %arg11[%mul3A_262] : memref<10000xi32, #tpu.memory_space<vmem>> -> memref<80xi32, #tpu.memory_space<vmem>>
      %dma_start3A_269 = arith.constant 0 : i32
      %dma_start3A_270 = arith.constant 0 : i32
      %dma_start3A_271 = tpu.memref_slice %arg24[%dma_start3A_269, %dma_start3A_270] : memref<20480x64xbf16, #tpu.memory_space<vmem_shared>> -> memref<20480x64xbf16, #tpu.memory_space<vmem_shared>>
      tpu.enqueue_indirect_dma source(%dma_start3A_267 : memref<80x64xbf16, #tpu.memory_space<vmem>>) target(%dma_start3A_271 : memref<20480x64xbf16, #tpu.memory_space<vmem_shared>>) offsets(%dma_start3A_268 : memref<80xi32, #tpu.memory_space<vmem>>) semaphore(%arg20 : memref<!tpu.dma_semaphore, #tpu.memory_space<semaphore_mem>>) {add = true}
      %add3A_272 = arith.constant 1 : i32
      %add3A_273 = arith.addi %mul3A_247, %add3A_272 : i32
      %mul3A_274 = arith.constant 80 : i32
      %mul3A_275 = arith.muli %add3A_273, %mul3A_274 : i32
      %dma_wait3A_276 = arith.constant 1 : i32
      %dma_wait3A_277 = arith.constant 0 : i32
      %dma_wait3A_278 = arith.constant 0 : i32
      %dma_wait3A_279 = tpu.memref_slice %arg15[%dma_wait3A_276, %dma_wait3A_277, %dma_wait3A_278] : memref<4x80x64xbf16, #tpu.memory_space<vmem>> -> memref<1x80x64xbf16, #tpu.memory_space<vmem>>
      %dma_wait3A_280 = tpu.memref_squeeze %dma_wait3A_279 : memref<1x80x64xbf16, #tpu.memory_space<vmem>> -> memref<80x64xbf16, #tpu.memory_space<vmem>>
      %dma_wait3A_281 = tpu.memref_slice %arg10[%mul3A_275] : memref<10000xi32, #tpu.memory_space<vmem>> -> memref<80xi32, #tpu.memory_space<vmem>>
      %dma_wait3A_282 = arith.constant 0 : i32
      %dma_wait3A_283 = arith.constant 0 : i32
      %dma_wait3A_284 = tpu.memref_slice %arg5[%dma_wait3A_282, %dma_wait3A_283] : memref<20480x64xbf16, #tpu.memory_space<hbm>> -> memref<20480x64xbf16, #tpu.memory_space<hbm>>
      tpu.wait_indirect_dma semaphore(%arg17 : memref<!tpu.dma_semaphore, #tpu.memory_space<semaphore_mem>>) src(%dma_wait3A_284 : memref<20480x64xbf16, #tpu.memory_space<hbm>>) dst(%dma_wait3A_280 : memref<80x64xbf16, #tpu.memory_space<vmem>>)
      %mul3A_285 = arith.constant 80 : i32
      %mul3A_286 = arith.muli %add3A_273, %mul3A_285 : i32
      %dma_start3A_287 = arith.constant 1 : i32
      %dma_start3A_288 = arith.constant 0 : i32
      %dma_start3A_289 = arith.constant 0 : i32
      %dma_start3A_290 = tpu.memref_slice %arg15[%dma_start3A_287, %dma_start3A_288, %dma_start3A_289] : memref<4x80x64xbf16, #tpu.memory_space<vmem>> -> memref<1x80x64xbf16, #tpu.memory_space<vmem>>
      %dma_start3A_291 = tpu.memref_squeeze %dma_start3A_290 : memref<1x80x64xbf16, #tpu.memory_space<vmem>> -> memref<80x64xbf16, #tpu.memory_space<vmem>>
      %dma_start3A_292 = tpu.memref_slice %arg11[%mul3A_286] : memref<10000xi32, #tpu.memory_space<vmem>> -> memref<80xi32, #tpu.memory_space<vmem>>
      %dma_start3A_293 = arith.constant 0 : i32
      %dma_start3A_294 = arith.constant 0 : i32
      %dma_start3A_295 = tpu.memref_slice %arg24[%dma_start3A_293, %dma_start3A_294] : memref<20480x64xbf16, #tpu.memory_space<vmem_shared>> -> memref<20480x64xbf16, #tpu.memory_space<vmem_shared>>
      tpu.enqueue_indirect_dma source(%dma_start3A_291 : memref<80x64xbf16, #tpu.memory_space<vmem>>) target(%dma_start3A_295 : memref<20480x64xbf16, #tpu.memory_space<vmem_shared>>) offsets(%dma_start3A_292 : memref<80xi32, #tpu.memory_space<vmem>>) semaphore(%arg21 : memref<!tpu.dma_semaphore, #tpu.memory_space<semaphore_mem>>) {add = true}
      %add3A_296 = arith.constant 2 : i32
      %add3A_297 = arith.addi %mul3A_247, %add3A_296 : i32
      %mul3A_298 = arith.constant 80 : i32
      %mul3A_299 = arith.muli %add3A_297, %mul3A_298 : i32
      %dma_wait3A_300 = arith.constant 2 : i32
      %dma_wait3A_301 = arith.constant 0 : i32
      %dma_wait3A_302 = arith.constant 0 : i32
      %dma_wait3A_303 = tpu.memref_slice %arg15[%dma_wait3A_300, %dma_wait3A_301, %dma_wait3A_302] : memref<4x80x64xbf16, #tpu.memory_space<vmem>> -> memref<1x80x64xbf16, #tpu.memory_space<vmem>>
      %dma_wait3A_304 = tpu.memref_squeeze %dma_wait3A_303 : memref<1x80x64xbf16, #tpu.memory_space<vmem>> -> memref<80x64xbf16, #tpu.memory_space<vmem>>
      %dma_wait3A_305 = tpu.memref_slice %arg10[%mul3A_299] : memref<10000xi32, #tpu.memory_space<vmem>> -> memref<80xi32, #tpu.memory_space<vmem>>
      %dma_wait3A_306 = arith.constant 0 : i32
      %dma_wait3A_307 = arith.constant 0 : i32
      %dma_wait3A_308 = tpu.memref_slice %arg5[%dma_wait3A_306, %dma_wait3A_307] : memref<20480x64xbf16, #tpu.memory_space<hbm>> -> memref<20480x64xbf16, #tpu.memory_space<hbm>>
      tpu.wait_indirect_dma semaphore(%arg18 : memref<!tpu.dma_semaphore, #tpu.memory_space<semaphore_mem>>) src(%dma_wait3A_308 : memref<20480x64xbf16, #tpu.memory_space<hbm>>) dst(%dma_wait3A_304 : memref<80x64xbf16, #tpu.memory_space<vmem>>)
      %mul3A_309 = arith.constant 80 : i32
      %mul3A_310 = arith.muli %add3A_297, %mul3A_309 : i32
      %dma_start3A_311 = arith.constant 2 : i32
      %dma_start3A_312 = arith.constant 0 : i32
      %dma_start3A_313 = arith.constant 0 : i32
      %dma_start3A_314 = tpu.memref_slice %arg15[%dma_start3A_311, %dma_start3A_312, %dma_start3A_313] : memref<4x80x64xbf16, #tpu.memory_space<vmem>> -> memref<1x80x64xbf16, #tpu.memory_space<vmem>>
      %dma_start3A_315 = tpu.memref_squeeze %dma_start3A_314 : memref<1x80x64xbf16, #tpu.memory_space<vmem>> -> memref<80x64xbf16, #tpu.memory_space<vmem>>
      %dma_start3A_316 = tpu.memref_slice %arg11[%mul3A_310] : memref<10000xi32, #tpu.memory_space<vmem>> -> memref<80xi32, #tpu.memory_space<vmem>>
      %dma_start3A_317 = arith.constant 0 : i32
      %dma_start3A_318 = arith.constant 0 : i32
      %dma_start3A_319 = tpu.memref_slice %arg24[%dma_start3A_317, %dma_start3A_318] : memref<20480x64xbf16, #tpu.memory_space<vmem_shared>> -> memref<20480x64xbf16, #tpu.memory_space<vmem_shared>>
      tpu.enqueue_indirect_dma source(%dma_start3A_315 : memref<80x64xbf16, #tpu.memory_space<vmem>>) target(%dma_start3A_319 : memref<20480x64xbf16, #tpu.memory_space<vmem_shared>>) offsets(%dma_start3A_316 : memref<80xi32, #tpu.memory_space<vmem>>) semaphore(%arg22 : memref<!tpu.dma_semaphore, #tpu.memory_space<semaphore_mem>>) {add = true}
      %add3A_320 = arith.constant 3 : i32
      %add3A_321 = arith.addi %mul3A_247, %add3A_320 : i32
      %mul3A_322 = arith.constant 80 : i32
      %mul3A_323 = arith.muli %add3A_321, %mul3A_322 : i32
      %dma_wait3A_324 = arith.constant 3 : i32
      %dma_wait3A_325 = arith.constant 0 : i32
      %dma_wait3A_326 = arith.constant 0 : i32
      %dma_wait3A_327 = tpu.memref_slice %arg15[%dma_wait3A_324, %dma_wait3A_325, %dma_wait3A_326] : memref<4x80x64xbf16, #tpu.memory_space<vmem>> -> memref<1x80x64xbf16, #tpu.memory_space<vmem>>
      %dma_wait3A_328 = tpu.memref_squeeze %dma_wait3A_327 : memref<1x80x64xbf16, #tpu.memory_space<vmem>> -> memref<80x64xbf16, #tpu.memory_space<vmem>>
      %dma_wait3A_329 = tpu.memref_slice %arg10[%mul3A_323] : memref<10000xi32, #tpu.memory_space<vmem>> -> memref<80xi32, #tpu.memory_space<vmem>>
      %dma_wait3A_330 = arith.constant 0 : i32
      %dma_wait3A_331 = arith.constant 0 : i32
      %dma_wait3A_332 = tpu.memref_slice %arg5[%dma_wait3A_330, %dma_wait3A_331] : memref<20480x64xbf16, #tpu.memory_space<hbm>> -> memref<20480x64xbf16, #tpu.memory_space<hbm>>
      tpu.wait_indirect_dma semaphore(%arg19 : memref<!tpu.dma_semaphore, #tpu.memory_space<semaphore_mem>>) src(%dma_wait3A_332 : memref<20480x64xbf16, #tpu.memory_space<hbm>>) dst(%dma_wait3A_328 : memref<80x64xbf16, #tpu.memory_space<vmem>>)
      %mul3A_333 = arith.constant 80 : i32
      %mul3A_334 = arith.muli %add3A_321, %mul3A_333 : i32
      %dma_start3A_335 = arith.constant 3 : i32
      %dma_start3A_336 = arith.constant 0 : i32
      %dma_start3A_337 = arith.constant 0 : i32
      %dma_start3A_338 = tpu.memref_slice %arg15[%dma_start3A_335, %dma_start3A_336, %dma_start3A_337] : memref<4x80x64xbf16, #tpu.memory_space<vmem>> -> memref<1x80x64xbf16, #tpu.memory_space<vmem>>
      %dma_start3A_339 = tpu.memref_squeeze %dma_start3A_338 : memref<1x80x64xbf16, #tpu.memory_space<vmem>> -> memref<80x64xbf16, #tpu.memory_space<vmem>>
      %dma_start3A_340 = tpu.memref_slice %arg11[%mul3A_334] : memref<10000xi32, #tpu.memory_space<vmem>> -> memref<80xi32, #tpu.memory_space<vmem>>
      %dma_start3A_341 = arith.constant 0 : i32
      %dma_start3A_342 = arith.constant 0 : i32
      %dma_start3A_343 = tpu.memref_slice %arg24[%dma_start3A_341, %dma_start3A_342] : memref<20480x64xbf16, #tpu.memory_space<vmem_shared>> -> memref<20480x64xbf16, #tpu.memory_space<vmem_shared>>
      tpu.enqueue_indirect_dma source(%dma_start3A_339 : memref<80x64xbf16, #tpu.memory_space<vmem>>) target(%dma_start3A_343 : memref<20480x64xbf16, #tpu.memory_space<vmem_shared>>) offsets(%dma_start3A_340 : memref<80xi32, #tpu.memory_space<vmem>>) semaphore(%arg23 : memref<!tpu.dma_semaphore, #tpu.memory_space<semaphore_mem>>) {add = true}
      %add3A_344 = arith.constant 0 : i32
      %add3A_345 = arith.addi %mul3A_247, %add3A_344 : i32
      %mul3A_346 = arith.constant 80 : i32
      %mul3A_347 = arith.muli %add3A_345, %mul3A_346 : i32
      %dma_wait3A_348 = arith.constant 0 : i32
      %dma_wait3A_349 = arith.constant 0 : i32
      %dma_wait3A_350 = arith.constant 0 : i32
      %dma_wait3A_351 = tpu.memref_slice %arg15[%dma_wait3A_348, %dma_wait3A_349, %dma_wait3A_350] : memref<4x80x64xbf16, #tpu.memory_space<vmem>> -> memref<1x80x64xbf16, #tpu.memory_space<vmem>>
      %dma_wait3A_352 = tpu.memref_squeeze %dma_wait3A_351 : memref<1x80x64xbf16, #tpu.memory_space<vmem>> -> memref<80x64xbf16, #tpu.memory_space<vmem>>
      %dma_wait3A_353 = tpu.memref_slice %arg11[%mul3A_347] : memref<10000xi32, #tpu.memory_space<vmem>> -> memref<80xi32, #tpu.memory_space<vmem>>
      %dma_wait3A_354 = arith.constant 0 : i32
      %dma_wait3A_355 = arith.constant 0 : i32
      %dma_wait3A_356 = tpu.memref_slice %arg24[%dma_wait3A_354, %dma_wait3A_355] : memref<20480x64xbf16, #tpu.memory_space<vmem_shared>> -> memref<20480x64xbf16, #tpu.memory_space<vmem_shared>>
      tpu.wait_indirect_dma semaphore(%arg20 : memref<!tpu.dma_semaphore, #tpu.memory_space<semaphore_mem>>) src(%dma_wait3A_352 : memref<80x64xbf16, #tpu.memory_space<vmem>>) dst(%dma_wait3A_356 : memref<20480x64xbf16, #tpu.memory_space<vmem_shared>>)
      %add3A_357 = arith.constant 4 : i32
      %add3A_358 = arith.addi %add3A_345, %add3A_357 : i32
      %lt3A = arith.constant 125 : i32
      %lt3A_359 = arith.cmpi slt, %add3A_358, %lt3A : i32
      %convert_element_type3A = arith.extui %lt3A_359 : i1 to i32
      %cond3A = arith.constant 0 : i32
      %cond3A_360 = arith.cmpi ne, %convert_element_type3A, %cond3A : i32
      scf.if %cond3A_360 {
        %add3A_421 = arith.constant 4 : i32
        %add3A_422 = arith.addi %add3A_345, %add3A_421 : i32
        %mul3A_423 = arith.constant 80 : i32
        %mul3A_424 = arith.muli %add3A_422, %mul3A_423 : i32
        %dma_start3A_425 = arith.constant 0 : i32
        %dma_start3A_426 = arith.constant 0 : i32
        %dma_start3A_427 = arith.constant 0 : i32
        %dma_start3A_428 = tpu.memref_slice %arg15[%dma_start3A_425, %dma_start3A_426, %dma_start3A_427] : memref<4x80x64xbf16, #tpu.memory_space<vmem>> -> memref<1x80x64xbf16, #tpu.memory_space<vmem>>
        %dma_start3A_429 = tpu.memref_squeeze %dma_start3A_428 : memref<1x80x64xbf16, #tpu.memory_space<vmem>> -> memref<80x64xbf16, #tpu.memory_space<vmem>>
        %dma_start3A_430 = tpu.memref_slice %arg10[%mul3A_424] : memref<10000xi32, #tpu.memory_space<vmem>> -> memref<80xi32, #tpu.memory_space<vmem>>
        %dma_start3A_431 = arith.constant 0 : i32
        %dma_start3A_432 = arith.constant 0 : i32
        %dma_start3A_433 = tpu.memref_slice %arg5[%dma_start3A_431, %dma_start3A_432] : memref<20480x64xbf16, #tpu.memory_space<hbm>> -> memref<20480x64xbf16, #tpu.memory_space<hbm>>
        tpu.enqueue_indirect_dma source(%dma_start3A_433 : memref<20480x64xbf16, #tpu.memory_space<hbm>>) target(%dma_start3A_429 : memref<80x64xbf16, #tpu.memory_space<vmem>>) offsets(%dma_start3A_430 : memref<80xi32, #tpu.memory_space<vmem>>) semaphore(%arg16 : memref<!tpu.dma_semaphore, #tpu.memory_space<semaphore_mem>>)
      } else {
      }
      %add3A_361 = arith.constant 1 : i32
      %add3A_362 = arith.addi %mul3A_247, %add3A_361 : i32
      %mul3A_363 = arith.constant 80 : i32
      %mul3A_364 = arith.muli %add3A_362, %mul3A_363 : i32
      %dma_wait3A_365 = arith.constant 1 : i32
      %dma_wait3A_366 = arith.constant 0 : i32
      %dma_wait3A_367 = arith.constant 0 : i32
      %dma_wait3A_368 = tpu.memref_slice %arg15[%dma_wait3A_365, %dma_wait3A_366, %dma_wait3A_367] : memref<4x80x64xbf16, #tpu.memory_space<vmem>> -> memref<1x80x64xbf16, #tpu.memory_space<vmem>>
      %dma_wait3A_369 = tpu.memref_squeeze %dma_wait3A_368 : memref<1x80x64xbf16, #tpu.memory_space<vmem>> -> memref<80x64xbf16, #tpu.memory_space<vmem>>
      %dma_wait3A_370 = tpu.memref_slice %arg11[%mul3A_364] : memref<10000xi32, #tpu.memory_space<vmem>> -> memref<80xi32, #tpu.memory_space<vmem>>
      %dma_wait3A_371 = arith.constant 0 : i32
      %dma_wait3A_372 = arith.constant 0 : i32
      %dma_wait3A_373 = tpu.memref_slice %arg24[%dma_wait3A_371, %dma_wait3A_372] : memref<20480x64xbf16, #tpu.memory_space<vmem_shared>> -> memref<20480x64xbf16, #tpu.memory_space<vmem_shared>>
      tpu.wait_indirect_dma semaphore(%arg21 : memref<!tpu.dma_semaphore, #tpu.memory_space<semaphore_mem>>) src(%dma_wait3A_369 : memref<80x64xbf16, #tpu.memory_space<vmem>>) dst(%dma_wait3A_373 : memref<20480x64xbf16, #tpu.memory_space<vmem_shared>>)
      %add3A_374 = arith.constant 4 : i32
      %add3A_375 = arith.addi %add3A_362, %add3A_374 : i32
      %lt3A_376 = arith.constant 125 : i32
      %lt3A_377 = arith.cmpi slt, %add3A_375, %lt3A_376 : i32
      %convert_element_type3A_378 = arith.extui %lt3A_377 : i1 to i32
      %cond3A_379 = arith.constant 0 : i32
      %cond3A_380 = arith.cmpi ne, %convert_element_type3A_378, %cond3A_379 : i32
      scf.if %cond3A_380 {
        %add3A_421 = arith.constant 4 : i32
        %add3A_422 = arith.addi %add3A_362, %add3A_421 : i32
        %mul3A_423 = arith.constant 80 : i32
        %mul3A_424 = arith.muli %add3A_422, %mul3A_423 : i32
        %dma_start3A_425 = arith.constant 1 : i32
        %dma_start3A_426 = arith.constant 0 : i32
        %dma_start3A_427 = arith.constant 0 : i32
        %dma_start3A_428 = tpu.memref_slice %arg15[%dma_start3A_425, %dma_start3A_426, %dma_start3A_427] : memref<4x80x64xbf16, #tpu.memory_space<vmem>> -> memref<1x80x64xbf16, #tpu.memory_space<vmem>>
        %dma_start3A_429 = tpu.memref_squeeze %dma_start3A_428 : memref<1x80x64xbf16, #tpu.memory_space<vmem>> -> memref<80x64xbf16, #tpu.memory_space<vmem>>
        %dma_start3A_430 = tpu.memref_slice %arg10[%mul3A_424] : memref<10000xi32, #tpu.memory_space<vmem>> -> memref<80xi32, #tpu.memory_space<vmem>>
        %dma_start3A_431 = arith.constant 0 : i32
        %dma_start3A_432 = arith.constant 0 : i32
        %dma_start3A_433 = tpu.memref_slice %arg5[%dma_start3A_431, %dma_start3A_432] : memref<20480x64xbf16, #tpu.memory_space<hbm>> -> memref<20480x64xbf16, #tpu.memory_space<hbm>>
        tpu.enqueue_indirect_dma source(%dma_start3A_433 : memref<20480x64xbf16, #tpu.memory_space<hbm>>) target(%dma_start3A_429 : memref<80x64xbf16, #tpu.memory_space<vmem>>) offsets(%dma_start3A_430 : memref<80xi32, #tpu.memory_space<vmem>>) semaphore(%arg17 : memref<!tpu.dma_semaphore, #tpu.memory_space<semaphore_mem>>)
      } else {
      }
      %add3A_381 = arith.constant 2 : i32
      %add3A_382 = arith.addi %mul3A_247, %add3A_381 : i32
      %mul3A_383 = arith.constant 80 : i32
      %mul3A_384 = arith.muli %add3A_382, %mul3A_383 : i32
      %dma_wait3A_385 = arith.constant 2 : i32
      %dma_wait3A_386 = arith.constant 0 : i32
      %dma_wait3A_387 = arith.constant 0 : i32
      %dma_wait3A_388 = tpu.memref_slice %arg15[%dma_wait3A_385, %dma_wait3A_386, %dma_wait3A_387] : memref<4x80x64xbf16, #tpu.memory_space<vmem>> -> memref<1x80x64xbf16, #tpu.memory_space<vmem>>
      %dma_wait3A_389 = tpu.memref_squeeze %dma_wait3A_388 : memref<1x80x64xbf16, #tpu.memory_space<vmem>> -> memref<80x64xbf16, #tpu.memory_space<vmem>>
      %dma_wait3A_390 = tpu.memref_slice %arg11[%mul3A_384] : memref<10000xi32, #tpu.memory_space<vmem>> -> memref<80xi32, #tpu.memory_space<vmem>>
      %dma_wait3A_391 = arith.constant 0 : i32
      %dma_wait3A_392 = arith.constant 0 : i32
      %dma_wait3A_393 = tpu.memref_slice %arg24[%dma_wait3A_391, %dma_wait3A_392] : memref<20480x64xbf16, #tpu.memory_space<vmem_shared>> -> memref<20480x64xbf16, #tpu.memory_space<vmem_shared>>
      tpu.wait_indirect_dma semaphore(%arg22 : memref<!tpu.dma_semaphore, #tpu.memory_space<semaphore_mem>>) src(%dma_wait3A_389 : memref<80x64xbf16, #tpu.memory_space<vmem>>) dst(%dma_wait3A_393 : memref<20480x64xbf16, #tpu.memory_space<vmem_shared>>)
      %add3A_394 = arith.constant 4 : i32
      %add3A_395 = arith.addi %add3A_382, %add3A_394 : i32
      %lt3A_396 = arith.constant 125 : i32
      %lt3A_397 = arith.cmpi slt, %add3A_395, %lt3A_396 : i32
      %convert_element_type3A_398 = arith.extui %lt3A_397 : i1 to i32
      %cond3A_399 = arith.constant 0 : i32
      %cond3A_400 = arith.cmpi ne, %convert_element_type3A_398, %cond3A_399 : i32
      scf.if %cond3A_400 {
        %add3A_421 = arith.constant 4 : i32
        %add3A_422 = arith.addi %add3A_382, %add3A_421 : i32
        %mul3A_423 = arith.constant 80 : i32
        %mul3A_424 = arith.muli %add3A_422, %mul3A_423 : i32
        %dma_start3A_425 = arith.constant 2 : i32
        %dma_start3A_426 = arith.constant 0 : i32
        %dma_start3A_427 = arith.constant 0 : i32
        %dma_start3A_428 = tpu.memref_slice %arg15[%dma_start3A_425, %dma_start3A_426, %dma_start3A_427] : memref<4x80x64xbf16, #tpu.memory_space<vmem>> -> memref<1x80x64xbf16, #tpu.memory_space<vmem>>
        %dma_start3A_429 = tpu.memref_squeeze %dma_start3A_428 : memref<1x80x64xbf16, #tpu.memory_space<vmem>> -> memref<80x64xbf16, #tpu.memory_space<vmem>>
        %dma_start3A_430 = tpu.memref_slice %arg10[%mul3A_424] : memref<10000xi32, #tpu.memory_space<vmem>> -> memref<80xi32, #tpu.memory_space<vmem>>
        %dma_start3A_431 = arith.constant 0 : i32
        %dma_start3A_432 = arith.constant 0 : i32
        %dma_start3A_433 = tpu.memref_slice %arg5[%dma_start3A_431, %dma_start3A_432] : memref<20480x64xbf16, #tpu.memory_space<hbm>> -> memref<20480x64xbf16, #tpu.memory_space<hbm>>
        tpu.enqueue_indirect_dma source(%dma_start3A_433 : memref<20480x64xbf16, #tpu.memory_space<hbm>>) target(%dma_start3A_429 : memref<80x64xbf16, #tpu.memory_space<vmem>>) offsets(%dma_start3A_430 : memref<80xi32, #tpu.memory_space<vmem>>) semaphore(%arg18 : memref<!tpu.dma_semaphore, #tpu.memory_space<semaphore_mem>>)
      } else {
      }
      %add3A_401 = arith.constant 3 : i32
      %add3A_402 = arith.addi %mul3A_247, %add3A_401 : i32
      %mul3A_403 = arith.constant 80 : i32
      %mul3A_404 = arith.muli %add3A_402, %mul3A_403 : i32
      %dma_wait3A_405 = arith.constant 3 : i32
      %dma_wait3A_406 = arith.constant 0 : i32
      %dma_wait3A_407 = arith.constant 0 : i32
      %dma_wait3A_408 = tpu.memref_slice %arg15[%dma_wait3A_405, %dma_wait3A_406, %dma_wait3A_407] : memref<4x80x64xbf16, #tpu.memory_space<vmem>> -> memref<1x80x64xbf16, #tpu.memory_space<vmem>>
      %dma_wait3A_409 = tpu.memref_squeeze %dma_wait3A_408 : memref<1x80x64xbf16, #tpu.memory_space<vmem>> -> memref<80x64xbf16, #tpu.memory_space<vmem>>
      %dma_wait3A_410 = tpu.memref_slice %arg11[%mul3A_404] : memref<10000xi32, #tpu.memory_space<vmem>> -> memref<80xi32, #tpu.memory_space<vmem>>
      %dma_wait3A_411 = arith.constant 0 : i32
      %dma_wait3A_412 = arith.constant 0 : i32
      %dma_wait3A_413 = tpu.memref_slice %arg24[%dma_wait3A_411, %dma_wait3A_412] : memref<20480x64xbf16, #tpu.memory_space<vmem_shared>> -> memref<20480x64xbf16, #tpu.memory_space<vmem_shared>>
      tpu.wait_indirect_dma semaphore(%arg23 : memref<!tpu.dma_semaphore, #tpu.memory_space<semaphore_mem>>) src(%dma_wait3A_409 : memref<80x64xbf16, #tpu.memory_space<vmem>>) dst(%dma_wait3A_413 : memref<20480x64xbf16, #tpu.memory_space<vmem_shared>>)
      %add3A_414 = arith.constant 4 : i32
      %add3A_415 = arith.addi %add3A_402, %add3A_414 : i32
      %lt3A_416 = arith.constant 125 : i32
      %lt3A_417 = arith.cmpi slt, %add3A_415, %lt3A_416 : i32
      %convert_element_type3A_418 = arith.extui %lt3A_417 : i1 to i32
      %cond3A_419 = arith.constant 0 : i32
      %cond3A_420 = arith.cmpi ne, %convert_element_type3A_418, %cond3A_419 : i32
      scf.if %cond3A_420 {
        %add3A_421 = arith.constant 4 : i32
        %add3A_422 = arith.addi %add3A_402, %add3A_421 : i32
        %mul3A_423 = arith.constant 80 : i32
        %mul3A_424 = arith.muli %add3A_422, %mul3A_423 : i32
        %dma_start3A_425 = arith.constant 3 : i32
        %dma_start3A_426 = arith.constant 0 : i32
        %dma_start3A_427 = arith.constant 0 : i32
        %dma_start3A_428 = tpu.memref_slice %arg15[%dma_start3A_425, %dma_start3A_426, %dma_start3A_427] : memref<4x80x64xbf16, #tpu.memory_space<vmem>> -> memref<1x80x64xbf16, #tpu.memory_space<vmem>>
        %dma_start3A_429 = tpu.memref_squeeze %dma_start3A_428 : memref<1x80x64xbf16, #tpu.memory_space<vmem>> -> memref<80x64xbf16, #tpu.memory_space<vmem>>
        %dma_start3A_430 = tpu.memref_slice %arg10[%mul3A_424] : memref<10000xi32, #tpu.memory_space<vmem>> -> memref<80xi32, #tpu.memory_space<vmem>>
        %dma_start3A_431 = arith.constant 0 : i32
        %dma_start3A_432 = arith.constant 0 : i32
        %dma_start3A_433 = tpu.memref_slice %arg5[%dma_start3A_431, %dma_start3A_432] : memref<20480x64xbf16, #tpu.memory_space<hbm>> -> memref<20480x64xbf16, #tpu.memory_space<hbm>>
        tpu.enqueue_indirect_dma source(%dma_start3A_433 : memref<20480x64xbf16, #tpu.memory_space<hbm>>) target(%dma_start3A_429 : memref<80x64xbf16, #tpu.memory_space<vmem>>) offsets(%dma_start3A_430 : memref<80xi32, #tpu.memory_space<vmem>>) semaphore(%arg19 : memref<!tpu.dma_semaphore, #tpu.memory_space<semaphore_mem>>)
      } else {
      }
    }
    %scan3A_120 = arith.constant 31 : i32
    %dma_wait3A = arith.constant 0 : i32
    %dma_wait3A_121 = arith.constant 0 : i32
    %dma_wait3A_122 = arith.constant 0 : i32
    %dma_wait3A_123 = tpu.memref_slice %arg15[%dma_wait3A, %dma_wait3A_121, %dma_wait3A_122] : memref<4x80x64xbf16, #tpu.memory_space<vmem>> -> memref<1x80x64xbf16, #tpu.memory_space<vmem>>
    %dma_wait3A_124 = tpu.memref_squeeze %dma_wait3A_123 : memref<1x80x64xbf16, #tpu.memory_space<vmem>> -> memref<80x64xbf16, #tpu.memory_space<vmem>>
    %dma_wait3A_125 = arith.constant 9920 : i32
    %dma_wait3A_126 = tpu.memref_slice %arg10[%dma_wait3A_125] : memref<10000xi32, #tpu.memory_space<vmem>> -> memref<80xi32, #tpu.memory_space<vmem>>
    %dma_wait3A_127 = arith.constant 0 : i32
    %dma_wait3A_128 = arith.constant 0 : i32
    %dma_wait3A_129 = tpu.memref_slice %arg5[%dma_wait3A_127, %dma_wait3A_128] : memref<20480x64xbf16, #tpu.memory_space<hbm>> -> memref<20480x64xbf16, #tpu.memory_space<hbm>>
    tpu.wait_indirect_dma semaphore(%arg16 : memref<!tpu.dma_semaphore, #tpu.memory_space<semaphore_mem>>) src(%dma_wait3A_129 : memref<20480x64xbf16, #tpu.memory_space<hbm>>) dst(%dma_wait3A_124 : memref<80x64xbf16, #tpu.memory_space<vmem>>)
    %run_scoped3A_130 = arith.constant 0 : i32
    "tpu.region"() ({
      %run_scoped3A_245 = tpu.sem_alloc : memref<!tpu.dma_semaphore, #tpu.memory_space<semaphore_mem>>
      %dma_start3A_246 = arith.constant 0 : i32
      %dma_start3A_247 = arith.constant 0 : i32
      %dma_start3A_248 = tpu.memref_slice %arg15[%run_scoped3A_130, %dma_start3A_246, %dma_start3A_247] : memref<4x80x64xbf16, #tpu.memory_space<vmem>> -> memref<1x80x64xbf16, #tpu.memory_space<vmem>>
      %dma_start3A_249 = tpu.memref_squeeze %dma_start3A_248 : memref<1x80x64xbf16, #tpu.memory_space<vmem>> -> memref<80x64xbf16, #tpu.memory_space<vmem>>
      %dma_start3A_250 = arith.constant 9920 : i32
      %dma_start3A_251 = tpu.memref_slice %arg11[%dma_start3A_250] : memref<10000xi32, #tpu.memory_space<vmem>> -> memref<80xi32, #tpu.memory_space<vmem>>
      %dma_start3A_252 = arith.constant 0 : i32
      %dma_start3A_253 = arith.constant 0 : i32
      %dma_start3A_254 = tpu.memref_slice %arg24[%dma_start3A_252, %dma_start3A_253] : memref<20480x64xbf16, #tpu.memory_space<vmem_shared>> -> memref<20480x64xbf16, #tpu.memory_space<vmem_shared>>
      tpu.enqueue_indirect_dma source(%dma_start3A_249 : memref<80x64xbf16, #tpu.memory_space<vmem>>) target(%dma_start3A_254 : memref<20480x64xbf16, #tpu.memory_space<vmem_shared>>) offsets(%dma_start3A_251 : memref<80xi32, #tpu.memory_space<vmem>>) semaphore(%run_scoped3A_245 : memref<!tpu.dma_semaphore, #tpu.memory_space<semaphore_mem>>) {add = true}
      %dma_wait3A_255 = arith.constant 0 : i32
      %dma_wait3A_256 = arith.constant 0 : i32
      %dma_wait3A_257 = tpu.memref_slice %arg15[%run_scoped3A_130, %dma_wait3A_255, %dma_wait3A_256] : memref<4x80x64xbf16, #tpu.memory_space<vmem>> -> memref<1x80x64xbf16, #tpu.memory_space<vmem>>
      %dma_wait3A_258 = tpu.memref_squeeze %dma_wait3A_257 : memref<1x80x64xbf16, #tpu.memory_space<vmem>> -> memref<80x64xbf16, #tpu.memory_space<vmem>>
      %dma_wait3A_259 = arith.constant 9920 : i32
      %dma_wait3A_260 = tpu.memref_slice %arg11[%dma_wait3A_259] : memref<10000xi32, #tpu.memory_space<vmem>> -> memref<80xi32, #tpu.memory_space<vmem>>
      %dma_wait3A_261 = arith.constant 0 : i32
      %dma_wait3A_262 = arith.constant 0 : i32
      %dma_wait3A_263 = tpu.memref_slice %arg24[%dma_wait3A_261, %dma_wait3A_262] : memref<20480x64xbf16, #tpu.memory_space<vmem_shared>> -> memref<20480x64xbf16, #tpu.memory_space<vmem_shared>>
      tpu.wait_indirect_dma semaphore(%run_scoped3A_245 : memref<!tpu.dma_semaphore, #tpu.memory_space<semaphore_mem>>) src(%dma_wait3A_258 : memref<80x64xbf16, #tpu.memory_space<vmem>>) dst(%dma_wait3A_263 : memref<20480x64xbf16, #tpu.memory_space<vmem_shared>>)
      tpu.yield
    }) : () -> ()
    %barrier3A_131 = arith.constant 0 : index
    tpu.barrier barrier_id(%barrier3A_131)
    "tpu.region"() ({
      %run_scoped3A_245 = tpu.sem_alloc : memref<!tpu.dma_semaphore, #tpu.memory_space<semaphore_mem>>
      %dma_start3A_246 = arith.constant 0 : i32
      %dma_start3A_247 = tpu.memref_slice %arg7[%arg0, %mul3A_2, %dma_start3A_246] : memref<2x20480x64xbf16, #tpu.memory_space<hbm>> -> memref<1x1280x64xbf16, #tpu.memory_space<hbm>>
      %dma_start3A_248 = tpu.memref_squeeze %dma_start3A_247 : memref<1x1280x64xbf16, #tpu.memory_space<hbm>> -> memref<1280x64xbf16, #tpu.memory_space<hbm>>
      %dma_start3A_249 = arith.constant 0 : i32
      %dma_start3A_250 = tpu.memref_slice %arg24[%mul3A_2, %dma_start3A_249] : memref<20480x64xbf16, #tpu.memory_space<vmem_shared>> -> memref<1280x64xbf16, #tpu.memory_space<vmem_shared>>
      tpu.enqueue_dma source(%dma_start3A_250 : memref<1280x64xbf16, #tpu.memory_space<vmem_shared>>) target(%dma_start3A_248 : memref<1280x64xbf16, #tpu.memory_space<hbm>>) target_semaphore(%run_scoped3A_245 : memref<!tpu.dma_semaphore, #tpu.memory_space<semaphore_mem>>)
      %dma_wait3A_251 = arith.constant 0 : i32
      %dma_wait3A_252 = tpu.memref_slice %arg7[%arg0, %mul3A_2, %dma_wait3A_251] : memref<2x20480x64xbf16, #tpu.memory_space<hbm>> -> memref<1x1280x64xbf16, #tpu.memory_space<hbm>>
      %dma_wait3A_253 = tpu.memref_squeeze %dma_wait3A_252 : memref<1x1280x64xbf16, #tpu.memory_space<hbm>> -> memref<1280x64xbf16, #tpu.memory_space<hbm>>
      %dma_wait3A_254 = arith.constant 0 : i32
      %dma_wait3A_255 = tpu.memref_slice %arg24[%mul3A_2, %dma_wait3A_254] : memref<20480x64xbf16, #tpu.memory_space<vmem_shared>> -> memref<1280x64xbf16, #tpu.memory_space<vmem_shared>>
      tpu.wait_dma2 semaphore(%run_scoped3A_245 : memref<!tpu.dma_semaphore, #tpu.memory_space<semaphore_mem>>) src(%dma_wait3A_255 : memref<1280x64xbf16, #tpu.memory_space<vmem_shared>>) dst(%dma_wait3A_253 : memref<1280x64xbf16, #tpu.memory_space<hbm>>)
      tpu.yield
    }) : () -> ()
    %scan3A_132 = arith.constant 0 : i32
    %scan3A_133 = arith.constant 0 : i32
    %scan3A_134 = arith.constant 80 : i32
    %scan3A_135 = arith.addi %scan3A_133, %scan3A_134 : i32
    %scan3A_136 = arith.constant 1 : i32
    scf.for %scan3A_245 = %scan3A_133 to %scan3A_135 step %scan3A_136  : i32 {
      %swap3A = arith.constant 0 : i32
      %swap3A_246 = arith.index_cast %swap3A : i32 to index
      %swap3A_247 = arith.index_cast %scan3A_245 : i32 to index
      %swap3A_248 = arith.constant 0 : index
      %swap3A_249 = tpu.vector_load %arg15[%swap3A_246, %swap3A_247, %swap3A_248] {strides = array<i32>} : memref<4x80x64xbf16, #tpu.memory_space<vmem>>, vector<32xbf16>,
      tpu.vector_store %arg15[%swap3A_246, %swap3A_247, %swap3A_248], %broadcast_in_dim3A_10 {strides = array<i32>} : memref<4x80x64xbf16, #tpu.memory_space<vmem>>, vector<32xbf16>,
      %swap3A_250 = arith.constant 0 : i32
      %swap3A_251 = arith.index_cast %swap3A_250 : i32 to index
      %swap3A_252 = arith.index_cast %scan3A_245 : i32 to index
      %swap3A_253 = arith.constant 32 : index
      %swap3A_254 = tpu.vector_load %arg15[%swap3A_251, %swap3A_252, %swap3A_253] {strides = array<i32>} : memref<4x80x64xbf16, #tpu.memory_space<vmem>>, vector<32xbf16>,
      tpu.vector_store %arg15[%swap3A_251, %swap3A_252, %swap3A_253], %broadcast_in_dim3A_10 {strides = array<i32>} : memref<4x80x64xbf16, #tpu.memory_space<vmem>>, vector<32xbf16>,
    }
    %scan3A_137 = arith.constant 80 : i32
    %add3A_138 = arith.constant 0 : i32
    %add3A_139 = arith.addi %mul3A_2, %add3A_138 : i32
    %run_scoped3A_140 = arith.constant 0 : i32
    "tpu.region"() ({
      %run_scoped3A_245 = tpu.sem_alloc : memref<!tpu.dma_semaphore, #tpu.memory_space<semaphore_mem>>
      %dma_start3A_246 = arith.constant 0 : i32
      %dma_start3A_247 = arith.constant 0 : i32
      %dma_start3A_248 = tpu.memref_slice %arg15[%run_scoped3A_140, %dma_start3A_246, %dma_start3A_247] : memref<4x80x64xbf16, #tpu.memory_space<vmem>> -> memref<1x80x64xbf16, #tpu.memory_space<vmem>>
      %dma_start3A_249 = tpu.memref_squeeze %dma_start3A_248 : memref<1x80x64xbf16, #tpu.memory_space<vmem>> -> memref<80x64xbf16, #tpu.memory_space<vmem>>
      %dma_start3A_250 = arith.constant 0 : i32
      %dma_start3A_251 = tpu.memref_slice %arg24[%add3A_139, %dma_start3A_250] : memref<20480x64xbf16, #tpu.memory_space<vmem_shared>> -> memref<80x64xbf16, #tpu.memory_space<vmem_shared>>
      %dma_start3A_252 = arith.constant 0 : i32
      %dma_start3A_253 = tpu.memref_slice %arg24[%add3A_139, %dma_start3A_252] : memref<20480x64xbf16, #tpu.memory_space<vmem_shared>> -> memref<80x64xbf16, #tpu.memory_space<vmem_shared>>
      %dma_start3A_254 = arith.constant 0 : i32
      %dma_start3A_255 = arith.constant 0 : i32
      %dma_start3A_256 = tpu.memref_slice %arg15[%run_scoped3A_140, %dma_start3A_254, %dma_start3A_255] : memref<4x80x64xbf16, #tpu.memory_space<vmem>> -> memref<1x80x64xbf16, #tpu.memory_space<vmem>>
      %dma_start3A_257 = tpu.memref_squeeze %dma_start3A_256 : memref<1x80x64xbf16, #tpu.memory_space<vmem>> -> memref<80x64xbf16, #tpu.memory_space<vmem>>
      tpu.enqueue_dma source(%dma_start3A_257 : memref<80x64xbf16, #tpu.memory_space<vmem>>) target(%dma_start3A_253 : memref<80x64xbf16, #tpu.memory_space<vmem_shared>>) target_semaphore(%run_scoped3A_245 : memref<!tpu.dma_semaphore, #tpu.memory_space<semaphore_mem>>)
      %dma_wait3A_258 = arith.constant 0 : i32
      %dma_wait3A_259 = arith.constant 0 : i32
      %dma_wait3A_260 = tpu.memref_slice %arg15[%run_scoped3A_140, %dma_wait3A_258, %dma_wait3A_259] : memref<4x80x64xbf16, #tpu.memory_space<vmem>> -> memref<1x80x64xbf16, #tpu.memory_space<vmem>>
      %dma_wait3A_261 = tpu.memref_squeeze %dma_wait3A_260 : memref<1x80x64xbf16, #tpu.memory_space<vmem>> -> memref<80x64xbf16, #tpu.memory_space<vmem>>
      %dma_wait3A_262 = arith.constant 0 : i32
      %dma_wait3A_263 = tpu.memref_slice %arg24[%add3A_139, %dma_wait3A_262] : memref<20480x64xbf16, #tpu.memory_space<vmem_shared>> -> memref<80x64xbf16, #tpu.memory_space<vmem_shared>>
      %dma_wait3A_264 = arith.constant 0 : i32
      %dma_wait3A_265 = tpu.memref_slice %arg24[%add3A_139, %dma_wait3A_264] : memref<20480x64xbf16, #tpu.memory_space<vmem_shared>> -> memref<80x64xbf16, #tpu.memory_space<vmem_shared>>
      %dma_wait3A_266 = arith.constant 0 : i32
      %dma_wait3A_267 = arith.constant 0 : i32
      %dma_wait3A_268 = tpu.memref_slice %arg15[%run_scoped3A_140, %dma_wait3A_266, %dma_wait3A_267] : memref<4x80x64xbf16, #tpu.memory_space<vmem>> -> memref<1x80x64xbf16, #tpu.memory_space<vmem>>
      %dma_wait3A_269 = tpu.memref_squeeze %dma_wait3A_268 : memref<1x80x64xbf16, #tpu.memory_space<vmem>> -> memref<80x64xbf16, #tpu.memory_space<vmem>>
      tpu.wait_dma2 semaphore(%run_scoped3A_245 : memref<!tpu.dma_semaphore, #tpu.memory_space<semaphore_mem>>) src(%dma_wait3A_269 : memref<80x64xbf16, #tpu.memory_space<vmem>>) dst(%dma_wait3A_265 : memref<80x64xbf16, #tpu.memory_space<vmem_shared>>)
      tpu.yield
    }) : () -> ()
    %add3A_141 = arith.constant 80 : i32
    %add3A_142 = arith.addi %mul3A_2, %add3A_141 : i32
    %run_scoped3A_143 = arith.constant 0 : i32
    "tpu.region"() ({
      %run_scoped3A_245 = tpu.sem_alloc : memref<!tpu.dma_semaphore, #tpu.memory_space<semaphore_mem>>
      %dma_start3A_246 = arith.constant 0 : i32
      %dma_start3A_247 = arith.constant 0 : i32
      %dma_start3A_248 = tpu.memref_slice %arg15[%run_scoped3A_143, %dma_start3A_246, %dma_start3A_247] : memref<4x80x64xbf16, #tpu.memory_space<vmem>> -> memref<1x80x64xbf16, #tpu.memory_space<vmem>>
      %dma_start3A_249 = tpu.memref_squeeze %dma_start3A_248 : memref<1x80x64xbf16, #tpu.memory_space<vmem>> -> memref<80x64xbf16, #tpu.memory_space<vmem>>
      %dma_start3A_250 = arith.constant 0 : i32
      %dma_start3A_251 = tpu.memref_slice %arg24[%add3A_142, %dma_start3A_250] : memref<20480x64xbf16, #tpu.memory_space<vmem_shared>> -> memref<80x64xbf16, #tpu.memory_space<vmem_shared>>
      %dma_start3A_252 = arith.constant 0 : i32
      %dma_start3A_253 = tpu.memref_slice %arg24[%add3A_142, %dma_start3A_252] : memref<20480x64xbf16, #tpu.memory_space<vmem_shared>> -> memref<80x64xbf16, #tpu.memory_space<vmem_shared>>
      %dma_start3A_254 = arith.constant 0 : i32
      %dma_start3A_255 = arith.constant 0 : i32
      %dma_start3A_256 = tpu.memref_slice %arg15[%run_scoped3A_143, %dma_start3A_254, %dma_start3A_255] : memref<4x80x64xbf16, #tpu.memory_space<vmem>> -> memref<1x80x64xbf16, #tpu.memory_space<vmem>>
      %dma_start3A_257 = tpu.memref_squeeze %dma_start3A_256 : memref<1x80x64xbf16, #tpu.memory_space<vmem>> -> memref<80x64xbf16, #tpu.memory_space<vmem>>
      tpu.enqueue_dma source(%dma_start3A_257 : memref<80x64xbf16, #tpu.memory_space<vmem>>) target(%dma_start3A_253 : memref<80x64xbf16, #tpu.memory_space<vmem_shared>>) target_semaphore(%run_scoped3A_245 : memref<!tpu.dma_semaphore, #tpu.memory_space<semaphore_mem>>)
      %dma_wait3A_258 = arith.constant 0 : i32
      %dma_wait3A_259 = arith.constant 0 : i32
      %dma_wait3A_260 = tpu.memref_slice %arg15[%run_scoped3A_143, %dma_wait3A_258, %dma_wait3A_259] : memref<4x80x64xbf16, #tpu.memory_space<vmem>> -> memref<1x80x64xbf16, #tpu.memory_space<vmem>>
      %dma_wait3A_261 = tpu.memref_squeeze %dma_wait3A_260 : memref<1x80x64xbf16, #tpu.memory_space<vmem>> -> memref<80x64xbf16, #tpu.memory_space<vmem>>
      %dma_wait3A_262 = arith.constant 0 : i32
      %dma_wait3A_263 = tpu.memref_slice %arg24[%add3A_142, %dma_wait3A_262] : memref<20480x64xbf16, #tpu.memory_space<vmem_shared>> -> memref<80x64xbf16, #tpu.memory_space<vmem_shared>>
      %dma_wait3A_264 = arith.constant 0 : i32
      %dma_wait3A_265 = tpu.memref_slice %arg24[%add3A_142, %dma_wait3A_264] : memref<20480x64xbf16, #tpu.memory_space<vmem_shared>> -> memref<80x64xbf16, #tpu.memory_space<vmem_shared>>
      %dma_wait3A_266 = arith.constant 0 : i32
      %dma_wait3A_267 = arith.constant 0 : i32
      %dma_wait3A_268 = tpu.memref_slice %arg15[%run_scoped3A_143, %dma_wait3A_266, %dma_wait3A_267] : memref<4x80x64xbf16, #tpu.memory_space<vmem>> -> memref<1x80x64xbf16, #tpu.memory_space<vmem>>
      %dma_wait3A_269 = tpu.memref_squeeze %dma_wait3A_268 : memref<1x80x64xbf16, #tpu.memory_space<vmem>> -> memref<80x64xbf16, #tpu.memory_space<vmem>>
      tpu.wait_dma2 semaphore(%run_scoped3A_245 : memref<!tpu.dma_semaphore, #tpu.memory_space<semaphore_mem>>) src(%dma_wait3A_269 : memref<80x64xbf16, #tpu.memory_space<vmem>>) dst(%dma_wait3A_265 : memref<80x64xbf16, #tpu.memory_space<vmem_shared>>)
      tpu.yield
    }) : () -> ()
    %add3A_144 = arith.constant 160 : i32
    %add3A_145 = arith.addi %mul3A_2, %add3A_144 : i32
    %run_scoped3A_146 = arith.constant 0 : i32
    "tpu.region"() ({
      %run_scoped3A_245 = tpu.sem_alloc : memref<!tpu.dma_semaphore, #tpu.memory_space<semaphore_mem>>
      %dma_start3A_246 = arith.constant 0 : i32
      %dma_start3A_247 = arith.constant 0 : i32
      %dma_start3A_248 = tpu.memref_slice %arg15[%run_scoped3A_146, %dma_start3A_246, %dma_start3A_247] : memref<4x80x64xbf16, #tpu.memory_space<vmem>> -> memref<1x80x64xbf16, #tpu.memory_space<vmem>>
      %dma_start3A_249 = tpu.memref_squeeze %dma_start3A_248 : memref<1x80x64xbf16, #tpu.memory_space<vmem>> -> memref<80x64xbf16, #tpu.memory_space<vmem>>
      %dma_start3A_250 = arith.constant 0 : i32
      %dma_start3A_251 = tpu.memref_slice %arg24[%add3A_145, %dma_start3A_250] : memref<20480x64xbf16, #tpu.memory_space<vmem_shared>> -> memref<80x64xbf16, #tpu.memory_space<vmem_shared>>
      %dma_start3A_252 = arith.constant 0 : i32
      %dma_start3A_253 = tpu.memref_slice %arg24[%add3A_145, %dma_start3A_252] : memref<20480x64xbf16, #tpu.memory_space<vmem_shared>> -> memref<80x64xbf16, #tpu.memory_space<vmem_shared>>
      %dma_start3A_254 = arith.constant 0 : i32
      %dma_start3A_255 = arith.constant 0 : i32
      %dma_start3A_256 = tpu.memref_slice %arg15[%run_scoped3A_146, %dma_start3A_254, %dma_start3A_255] : memref<4x80x64xbf16, #tpu.memory_space<vmem>> -> memref<1x80x64xbf16, #tpu.memory_space<vmem>>
      %dma_start3A_257 = tpu.memref_squeeze %dma_start3A_256 : memref<1x80x64xbf16, #tpu.memory_space<vmem>> -> memref<80x64xbf16, #tpu.memory_space<vmem>>
      tpu.enqueue_dma source(%dma_start3A_257 : memref<80x64xbf16, #tpu.memory_space<vmem>>) target(%dma_start3A_253 : memref<80x64xbf16, #tpu.memory_space<vmem_shared>>) target_semaphore(%run_scoped3A_245 : memref<!tpu.dma_semaphore, #tpu.memory_space<semaphore_mem>>)
      %dma_wait3A_258 = arith.constant 0 : i32
      %dma_wait3A_259 = arith.constant 0 : i32
      %dma_wait3A_260 = tpu.memref_slice %arg15[%run_scoped3A_146, %dma_wait3A_258, %dma_wait3A_259] : memref<4x80x64xbf16, #tpu.memory_space<vmem>> -> memref<1x80x64xbf16, #tpu.memory_space<vmem>>
      %dma_wait3A_261 = tpu.memref_squeeze %dma_wait3A_260 : memref<1x80x64xbf16, #tpu.memory_space<vmem>> -> memref<80x64xbf16, #tpu.memory_space<vmem>>
      %dma_wait3A_262 = arith.constant 0 : i32
      %dma_wait3A_263 = tpu.memref_slice %arg24[%add3A_145, %dma_wait3A_262] : memref<20480x64xbf16, #tpu.memory_space<vmem_shared>> -> memref<80x64xbf16, #tpu.memory_space<vmem_shared>>
      %dma_wait3A_264 = arith.constant 0 : i32
      %dma_wait3A_265 = tpu.memref_slice %arg24[%add3A_145, %dma_wait3A_264] : memref<20480x64xbf16, #tpu.memory_space<vmem_shared>> -> memref<80x64xbf16, #tpu.memory_space<vmem_shared>>
      %dma_wait3A_266 = arith.constant 0 : i32
      %dma_wait3A_267 = arith.constant 0 : i32
      %dma_wait3A_268 = tpu.memref_slice %arg15[%run_scoped3A_146, %dma_wait3A_266, %dma_wait3A_267] : memref<4x80x64xbf16, #tpu.memory_space<vmem>> -> memref<1x80x64xbf16, #tpu.memory_space<vmem>>
      %dma_wait3A_269 = tpu.memref_squeeze %dma_wait3A_268 : memref<1x80x64xbf16, #tpu.memory_space<vmem>> -> memref<80x64xbf16, #tpu.memory_space<vmem>>
      tpu.wait_dma2 semaphore(%run_scoped3A_245 : memref<!tpu.dma_semaphore, #tpu.memory_space<semaphore_mem>>) src(%dma_wait3A_269 : memref<80x64xbf16, #tpu.memory_space<vmem>>) dst(%dma_wait3A_265 : memref<80x64xbf16, #tpu.memory_space<vmem_shared>>)
      tpu.yield
    }) : () -> ()
    %add3A_147 = arith.constant 240 : i32
    %add3A_148 = arith.addi %mul3A_2, %add3A_147 : i32
    %run_scoped3A_149 = arith.constant 0 : i32
    "tpu.region"() ({
      %run_scoped3A_245 = tpu.sem_alloc : memref<!tpu.dma_semaphore, #tpu.memory_space<semaphore_mem>>
      %dma_start3A_246 = arith.constant 0 : i32
      %dma_start3A_247 = arith.constant 0 : i32
      %dma_start3A_248 = tpu.memref_slice %arg15[%run_scoped3A_149, %dma_start3A_246, %dma_start3A_247] : memref<4x80x64xbf16, #tpu.memory_space<vmem>> -> memref<1x80x64xbf16, #tpu.memory_space<vmem>>
      %dma_start3A_249 = tpu.memref_squeeze %dma_start3A_248 : memref<1x80x64xbf16, #tpu.memory_space<vmem>> -> memref<80x64xbf16, #tpu.memory_space<vmem>>
      %dma_start3A_250 = arith.constant 0 : i32
      %dma_start3A_251 = tpu.memref_slice %arg24[%add3A_148, %dma_start3A_250] : memref<20480x64xbf16, #tpu.memory_space<vmem_shared>> -> memref<80x64xbf16, #tpu.memory_space<vmem_shared>>
      %dma_start3A_252 = arith.constant 0 : i32
      %dma_start3A_253 = tpu.memref_slice %arg24[%add3A_148, %dma_start3A_252] : memref<20480x64xbf16, #tpu.memory_space<vmem_shared>> -> memref<80x64xbf16, #tpu.memory_space<vmem_shared>>
      %dma_start3A_254 = arith.constant 0 : i32
      %dma_start3A_255 = arith.constant 0 : i32
      %dma_start3A_256 = tpu.memref_slice %arg15[%run_scoped3A_149, %dma_start3A_254, %dma_start3A_255] : memref<4x80x64xbf16, #tpu.memory_space<vmem>> -> memref<1x80x64xbf16, #tpu.memory_space<vmem>>
      %dma_start3A_257 = tpu.memref_squeeze %dma_start3A_256 : memref<1x80x64xbf16, #tpu.memory_space<vmem>> -> memref<80x64xbf16, #tpu.memory_space<vmem>>
      tpu.enqueue_dma source(%dma_start3A_257 : memref<80x64xbf16, #tpu.memory_space<vmem>>) target(%dma_start3A_253 : memref<80x64xbf16, #tpu.memory_space<vmem_shared>>) target_semaphore(%run_scoped3A_245 : memref<!tpu.dma_semaphore, #tpu.memory_space<semaphore_mem>>)
      %dma_wait3A_258 = arith.constant 0 : i32
      %dma_wait3A_259 = arith.constant 0 : i32
      %dma_wait3A_260 = tpu.memref_slice %arg15[%run_scoped3A_149, %dma_wait3A_258, %dma_wait3A_259] : memref<4x80x64xbf16, #tpu.memory_space<vmem>> -> memref<1x80x64xbf16, #tpu.memory_space<vmem>>
      %dma_wait3A_261 = tpu.memref_squeeze %dma_wait3A_260 : memref<1x80x64xbf16, #tpu.memory_space<vmem>> -> memref<80x64xbf16, #tpu.memory_space<vmem>>
      %dma_wait3A_262 = arith.constant 0 : i32
      %dma_wait3A_263 = tpu.memref_slice %arg24[%add3A_148, %dma_wait3A_262] : memref<20480x64xbf16, #tpu.memory_space<vmem_shared>> -> memref<80x64xbf16, #tpu.memory_space<vmem_shared>>
      %dma_wait3A_264 = arith.constant 0 : i32
      %dma_wait3A_265 = tpu.memref_slice %arg24[%add3A_148, %dma_wait3A_264] : memref<20480x64xbf16, #tpu.memory_space<vmem_shared>> -> memref<80x64xbf16, #tpu.memory_space<vmem_shared>>
      %dma_wait3A_266 = arith.constant 0 : i32
      %dma_wait3A_267 = arith.constant 0 : i32
      %dma_wait3A_268 = tpu.memref_slice %arg15[%run_scoped3A_149, %dma_wait3A_266, %dma_wait3A_267] : memref<4x80x64xbf16, #tpu.memory_space<vmem>> -> memref<1x80x64xbf16, #tpu.memory_space<vmem>>
      %dma_wait3A_269 = tpu.memref_squeeze %dma_wait3A_268 : memref<1x80x64xbf16, #tpu.memory_space<vmem>> -> memref<80x64xbf16, #tpu.memory_space<vmem>>
      tpu.wait_dma2 semaphore(%run_scoped3A_245 : memref<!tpu.dma_semaphore, #tpu.memory_space<semaphore_mem>>) src(%dma_wait3A_269 : memref<80x64xbf16, #tpu.memory_space<vmem>>) dst(%dma_wait3A_265 : memref<80x64xbf16, #tpu.memory_space<vmem_shared>>)
      tpu.yield
    }) : () -> ()
    %add3A_150 = arith.constant 320 : i32
    %add3A_151 = arith.addi %mul3A_2, %add3A_150 : i32
    %run_scoped3A_152 = arith.constant 0 : i32
    "tpu.region"() ({
      %run_scoped3A_245 = tpu.sem_alloc : memref<!tpu.dma_semaphore, #tpu.memory_space<semaphore_mem>>
      %dma_start3A_246 = arith.constant 0 : i32
      %dma_start3A_247 = arith.constant 0 : i32
      %dma_start3A_248 = tpu.memref_slice %arg15[%run_scoped3A_152, %dma_start3A_246, %dma_start3A_247] : memref<4x80x64xbf16, #tpu.memory_space<vmem>> -> memref<1x80x64xbf16, #tpu.memory_space<vmem>>
      %dma_start3A_249 = tpu.memref_squeeze %dma_start3A_248 : memref<1x80x64xbf16, #tpu.memory_space<vmem>> -> memref<80x64xbf16, #tpu.memory_space<vmem>>
      %dma_start3A_250 = arith.constant 0 : i32
      %dma_start3A_251 = tpu.memref_slice %arg24[%add3A_151, %dma_start3A_250] : memref<20480x64xbf16, #tpu.memory_space<vmem_shared>> -> memref<80x64xbf16, #tpu.memory_space<vmem_shared>>
      %dma_start3A_252 = arith.constant 0 : i32
      %dma_start3A_253 = tpu.memref_slice %arg24[%add3A_151, %dma_start3A_252] : memref<20480x64xbf16, #tpu.memory_space<vmem_shared>> -> memref<80x64xbf16, #tpu.memory_space<vmem_shared>>
      %dma_start3A_254 = arith.constant 0 : i32
      %dma_start3A_255 = arith.constant 0 : i32
      %dma_start3A_256 = tpu.memref_slice %arg15[%run_scoped3A_152, %dma_start3A_254, %dma_start3A_255] : memref<4x80x64xbf16, #tpu.memory_space<vmem>> -> memref<1x80x64xbf16, #tpu.memory_space<vmem>>
      %dma_start3A_257 = tpu.memref_squeeze %dma_start3A_256 : memref<1x80x64xbf16, #tpu.memory_space<vmem>> -> memref<80x64xbf16, #tpu.memory_space<vmem>>
      tpu.enqueue_dma source(%dma_start3A_257 : memref<80x64xbf16, #tpu.memory_space<vmem>>) target(%dma_start3A_253 : memref<80x64xbf16, #tpu.memory_space<vmem_shared>>) target_semaphore(%run_scoped3A_245 : memref<!tpu.dma_semaphore, #tpu.memory_space<semaphore_mem>>)
      %dma_wait3A_258 = arith.constant 0 : i32
      %dma_wait3A_259 = arith.constant 0 : i32
      %dma_wait3A_260 = tpu.memref_slice %arg15[%run_scoped3A_152, %dma_wait3A_258, %dma_wait3A_259] : memref<4x80x64xbf16, #tpu.memory_space<vmem>> -> memref<1x80x64xbf16, #tpu.memory_space<vmem>>
      %dma_wait3A_261 = tpu.memref_squeeze %dma_wait3A_260 : memref<1x80x64xbf16, #tpu.memory_space<vmem>> -> memref<80x64xbf16, #tpu.memory_space<vmem>>
      %dma_wait3A_262 = arith.constant 0 : i32
      %dma_wait3A_263 = tpu.memref_slice %arg24[%add3A_151, %dma_wait3A_262] : memref<20480x64xbf16, #tpu.memory_space<vmem_shared>> -> memref<80x64xbf16, #tpu.memory_space<vmem_shared>>
      %dma_wait3A_264 = arith.constant 0 : i32
      %dma_wait3A_265 = tpu.memref_slice %arg24[%add3A_151, %dma_wait3A_264] : memref<20480x64xbf16, #tpu.memory_space<vmem_shared>> -> memref<80x64xbf16, #tpu.memory_space<vmem_shared>>
      %dma_wait3A_266 = arith.constant 0 : i32
      %dma_wait3A_267 = arith.constant 0 : i32
      %dma_wait3A_268 = tpu.memref_slice %arg15[%run_scoped3A_152, %dma_wait3A_266, %dma_wait3A_267] : memref<4x80x64xbf16, #tpu.memory_space<vmem>> -> memref<1x80x64xbf16, #tpu.memory_space<vmem>>
      %dma_wait3A_269 = tpu.memref_squeeze %dma_wait3A_268 : memref<1x80x64xbf16, #tpu.memory_space<vmem>> -> memref<80x64xbf16, #tpu.memory_space<vmem>>
      tpu.wait_dma2 semaphore(%run_scoped3A_245 : memref<!tpu.dma_semaphore, #tpu.memory_space<semaphore_mem>>) src(%dma_wait3A_269 : memref<80x64xbf16, #tpu.memory_space<vmem>>) dst(%dma_wait3A_265 : memref<80x64xbf16, #tpu.memory_space<vmem_shared>>)
      tpu.yield
    }) : () -> ()
    %add3A_153 = arith.constant 400 : i32
    %add3A_154 = arith.addi %mul3A_2, %add3A_153 : i32
    %run_scoped3A_155 = arith.constant 0 : i32
    "tpu.region"() ({
      %run_scoped3A_245 = tpu.sem_alloc : memref<!tpu.dma_semaphore, #tpu.memory_space<semaphore_mem>>
      %dma_start3A_246 = arith.constant 0 : i32
      %dma_start3A_247 = arith.constant 0 : i32
      %dma_start3A_248 = tpu.memref_slice %arg15[%run_scoped3A_155, %dma_start3A_246, %dma_start3A_247] : memref<4x80x64xbf16, #tpu.memory_space<vmem>> -> memref<1x80x64xbf16, #tpu.memory_space<vmem>>
      %dma_start3A_249 = tpu.memref_squeeze %dma_start3A_248 : memref<1x80x64xbf16, #tpu.memory_space<vmem>> -> memref<80x64xbf16, #tpu.memory_space<vmem>>
      %dma_start3A_250 = arith.constant 0 : i32
      %dma_start3A_251 = tpu.memref_slice %arg24[%add3A_154, %dma_start3A_250] : memref<20480x64xbf16, #tpu.memory_space<vmem_shared>> -> memref<80x64xbf16, #tpu.memory_space<vmem_shared>>
      %dma_start3A_252 = arith.constant 0 : i32
      %dma_start3A_253 = tpu.memref_slice %arg24[%add3A_154, %dma_start3A_252] : memref<20480x64xbf16, #tpu.memory_space<vmem_shared>> -> memref<80x64xbf16, #tpu.memory_space<vmem_shared>>
      %dma_start3A_254 = arith.constant 0 : i32
      %dma_start3A_255 = arith.constant 0 : i32
      %dma_start3A_256 = tpu.memref_slice %arg15[%run_scoped3A_155, %dma_start3A_254, %dma_start3A_255] : memref<4x80x64xbf16, #tpu.memory_space<vmem>> -> memref<1x80x64xbf16, #tpu.memory_space<vmem>>
      %dma_start3A_257 = tpu.memref_squeeze %dma_start3A_256 : memref<1x80x64xbf16, #tpu.memory_space<vmem>> -> memref<80x64xbf16, #tpu.memory_space<vmem>>
      tpu.enqueue_dma source(%dma_start3A_257 : memref<80x64xbf16, #tpu.memory_space<vmem>>) target(%dma_start3A_253 : memref<80x64xbf16, #tpu.memory_space<vmem_shared>>) target_semaphore(%run_scoped3A_245 : memref<!tpu.dma_semaphore, #tpu.memory_space<semaphore_mem>>)
      %dma_wait3A_258 = arith.constant 0 : i32
      %dma_wait3A_259 = arith.constant 0 : i32
      %dma_wait3A_260 = tpu.memref_slice %arg15[%run_scoped3A_155, %dma_wait3A_258, %dma_wait3A_259] : memref<4x80x64xbf16, #tpu.memory_space<vmem>> -> memref<1x80x64xbf16, #tpu.memory_space<vmem>>
      %dma_wait3A_261 = tpu.memref_squeeze %dma_wait3A_260 : memref<1x80x64xbf16, #tpu.memory_space<vmem>> -> memref<80x64xbf16, #tpu.memory_space<vmem>>
      %dma_wait3A_262 = arith.constant 0 : i32
      %dma_wait3A_263 = tpu.memref_slice %arg24[%add3A_154, %dma_wait3A_262] : memref<20480x64xbf16, #tpu.memory_space<vmem_shared>> -> memref<80x64xbf16, #tpu.memory_space<vmem_shared>>
      %dma_wait3A_264 = arith.constant 0 : i32
      %dma_wait3A_265 = tpu.memref_slice %arg24[%add3A_154, %dma_wait3A_264] : memref<20480x64xbf16, #tpu.memory_space<vmem_shared>> -> memref<80x64xbf16, #tpu.memory_space<vmem_shared>>
      %dma_wait3A_266 = arith.constant 0 : i32
      %dma_wait3A_267 = arith.constant 0 : i32
      %dma_wait3A_268 = tpu.memref_slice %arg15[%run_scoped3A_155, %dma_wait3A_266, %dma_wait3A_267] : memref<4x80x64xbf16, #tpu.memory_space<vmem>> -> memref<1x80x64xbf16, #tpu.memory_space<vmem>>
      %dma_wait3A_269 = tpu.memref_squeeze %dma_wait3A_268 : memref<1x80x64xbf16, #tpu.memory_space<vmem>> -> memref<80x64xbf16, #tpu.memory_space<vmem>>
      tpu.wait_dma2 semaphore(%run_scoped3A_245 : memref<!tpu.dma_semaphore, #tpu.memory_space<semaphore_mem>>) src(%dma_wait3A_269 : memref<80x64xbf16, #tpu.memory_space<vmem>>) dst(%dma_wait3A_265 : memref<80x64xbf16, #tpu.memory_space<vmem_shared>>)
      tpu.yield
    }) : () -> ()
    %add3A_156 = arith.constant 480 : i32
    %add3A_157 = arith.addi %mul3A_2, %add3A_156 : i32
    %run_scoped3A_158 = arith.constant 0 : i32
    "tpu.region"() ({
      %run_scoped3A_245 = tpu.sem_alloc : memref<!tpu.dma_semaphore, #tpu.memory_space<semaphore_mem>>
      %dma_start3A_246 = arith.constant 0 : i32
      %dma_start3A_247 = arith.constant 0 : i32
      %dma_start3A_248 = tpu.memref_slice %arg15[%run_scoped3A_158, %dma_start3A_246, %dma_start3A_247] : memref<4x80x64xbf16, #tpu.memory_space<vmem>> -> memref<1x80x64xbf16, #tpu.memory_space<vmem>>
      %dma_start3A_249 = tpu.memref_squeeze %dma_start3A_248 : memref<1x80x64xbf16, #tpu.memory_space<vmem>> -> memref<80x64xbf16, #tpu.memory_space<vmem>>
      %dma_start3A_250 = arith.constant 0 : i32
      %dma_start3A_251 = tpu.memref_slice %arg24[%add3A_157, %dma_start3A_250] : memref<20480x64xbf16, #tpu.memory_space<vmem_shared>> -> memref<80x64xbf16, #tpu.memory_space<vmem_shared>>
      %dma_start3A_252 = arith.constant 0 : i32
      %dma_start3A_253 = tpu.memref_slice %arg24[%add3A_157, %dma_start3A_252] : memref<20480x64xbf16, #tpu.memory_space<vmem_shared>> -> memref<80x64xbf16, #tpu.memory_space<vmem_shared>>
      %dma_start3A_254 = arith.constant 0 : i32
      %dma_start3A_255 = arith.constant 0 : i32
      %dma_start3A_256 = tpu.memref_slice %arg15[%run_scoped3A_158, %dma_start3A_254, %dma_start3A_255] : memref<4x80x64xbf16, #tpu.memory_space<vmem>> -> memref<1x80x64xbf16, #tpu.memory_space<vmem>>
      %dma_start3A_257 = tpu.memref_squeeze %dma_start3A_256 : memref<1x80x64xbf16, #tpu.memory_space<vmem>> -> memref<80x64xbf16, #tpu.memory_space<vmem>>
      tpu.enqueue_dma source(%dma_start3A_257 : memref<80x64xbf16, #tpu.memory_space<vmem>>) target(%dma_start3A_253 : memref<80x64xbf16, #tpu.memory_space<vmem_shared>>) target_semaphore(%run_scoped3A_245 : memref<!tpu.dma_semaphore, #tpu.memory_space<semaphore_mem>>)
      %dma_wait3A_258 = arith.constant 0 : i32
      %dma_wait3A_259 = arith.constant 0 : i32
      %dma_wait3A_260 = tpu.memref_slice %arg15[%run_scoped3A_158, %dma_wait3A_258, %dma_wait3A_259] : memref<4x80x64xbf16, #tpu.memory_space<vmem>> -> memref<1x80x64xbf16, #tpu.memory_space<vmem>>
      %dma_wait3A_261 = tpu.memref_squeeze %dma_wait3A_260 : memref<1x80x64xbf16, #tpu.memory_space<vmem>> -> memref<80x64xbf16, #tpu.memory_space<vmem>>
      %dma_wait3A_262 = arith.constant 0 : i32
      %dma_wait3A_263 = tpu.memref_slice %arg24[%add3A_157, %dma_wait3A_262] : memref<20480x64xbf16, #tpu.memory_space<vmem_shared>> -> memref<80x64xbf16, #tpu.memory_space<vmem_shared>>
      %dma_wait3A_264 = arith.constant 0 : i32
      %dma_wait3A_265 = tpu.memref_slice %arg24[%add3A_157, %dma_wait3A_264] : memref<20480x64xbf16, #tpu.memory_space<vmem_shared>> -> memref<80x64xbf16, #tpu.memory_space<vmem_shared>>
      %dma_wait3A_266 = arith.constant 0 : i32
      %dma_wait3A_267 = arith.constant 0 : i32
      %dma_wait3A_268 = tpu.memref_slice %arg15[%run_scoped3A_158, %dma_wait3A_266, %dma_wait3A_267] : memref<4x80x64xbf16, #tpu.memory_space<vmem>> -> memref<1x80x64xbf16, #tpu.memory_space<vmem>>
      %dma_wait3A_269 = tpu.memref_squeeze %dma_wait3A_268 : memref<1x80x64xbf16, #tpu.memory_space<vmem>> -> memref<80x64xbf16, #tpu.memory_space<vmem>>
      tpu.wait_dma2 semaphore(%run_scoped3A_245 : memref<!tpu.dma_semaphore, #tpu.memory_space<semaphore_mem>>) src(%dma_wait3A_269 : memref<80x64xbf16, #tpu.memory_space<vmem>>) dst(%dma_wait3A_265 : memref<80x64xbf16, #tpu.memory_space<vmem_shared>>)
      tpu.yield
    }) : () -> ()
    %add3A_159 = arith.constant 560 : i32
    %add3A_160 = arith.addi %mul3A_2, %add3A_159 : i32
    %run_scoped3A_161 = arith.constant 0 : i32
    "tpu.region"() ({
      %run_scoped3A_245 = tpu.sem_alloc : memref<!tpu.dma_semaphore, #tpu.memory_space<semaphore_mem>>
      %dma_start3A_246 = arith.constant 0 : i32
      %dma_start3A_247 = arith.constant 0 : i32
      %dma_start3A_248 = tpu.memref_slice %arg15[%run_scoped3A_161, %dma_start3A_246, %dma_start3A_247] : memref<4x80x64xbf16, #tpu.memory_space<vmem>> -> memref<1x80x64xbf16, #tpu.memory_space<vmem>>
      %dma_start3A_249 = tpu.memref_squeeze %dma_start3A_248 : memref<1x80x64xbf16, #tpu.memory_space<vmem>> -> memref<80x64xbf16, #tpu.memory_space<vmem>>
      %dma_start3A_250 = arith.constant 0 : i32
      %dma_start3A_251 = tpu.memref_slice %arg24[%add3A_160, %dma_start3A_250] : memref<20480x64xbf16, #tpu.memory_space<vmem_shared>> -> memref<80x64xbf16, #tpu.memory_space<vmem_shared>>
      %dma_start3A_252 = arith.constant 0 : i32
      %dma_start3A_253 = tpu.memref_slice %arg24[%add3A_160, %dma_start3A_252] : memref<20480x64xbf16, #tpu.memory_space<vmem_shared>> -> memref<80x64xbf16, #tpu.memory_space<vmem_shared>>
      %dma_start3A_254 = arith.constant 0 : i32
      %dma_start3A_255 = arith.constant 0 : i32
      %dma_start3A_256 = tpu.memref_slice %arg15[%run_scoped3A_161, %dma_start3A_254, %dma_start3A_255] : memref<4x80x64xbf16, #tpu.memory_space<vmem>> -> memref<1x80x64xbf16, #tpu.memory_space<vmem>>
      %dma_start3A_257 = tpu.memref_squeeze %dma_start3A_256 : memref<1x80x64xbf16, #tpu.memory_space<vmem>> -> memref<80x64xbf16, #tpu.memory_space<vmem>>
      tpu.enqueue_dma source(%dma_start3A_257 : memref<80x64xbf16, #tpu.memory_space<vmem>>) target(%dma_start3A_253 : memref<80x64xbf16, #tpu.memory_space<vmem_shared>>) target_semaphore(%run_scoped3A_245 : memref<!tpu.dma_semaphore, #tpu.memory_space<semaphore_mem>>)
      %dma_wait3A_258 = arith.constant 0 : i32
      %dma_wait3A_259 = arith.constant 0 : i32
      %dma_wait3A_260 = tpu.memref_slice %arg15[%run_scoped3A_161, %dma_wait3A_258, %dma_wait3A_259] : memref<4x80x64xbf16, #tpu.memory_space<vmem>> -> memref<1x80x64xbf16, #tpu.memory_space<vmem>>
      %dma_wait3A_261 = tpu.memref_squeeze %dma_wait3A_260 : memref<1x80x64xbf16, #tpu.memory_space<vmem>> -> memref<80x64xbf16, #tpu.memory_space<vmem>>
      %dma_wait3A_262 = arith.constant 0 : i32
      %dma_wait3A_263 = tpu.memref_slice %arg24[%add3A_160, %dma_wait3A_262] : memref<20480x64xbf16, #tpu.memory_space<vmem_shared>> -> memref<80x64xbf16, #tpu.memory_space<vmem_shared>>
      %dma_wait3A_264 = arith.constant 0 : i32
      %dma_wait3A_265 = tpu.memref_slice %arg24[%add3A_160, %dma_wait3A_264] : memref<20480x64xbf16, #tpu.memory_space<vmem_shared>> -> memref<80x64xbf16, #tpu.memory_space<vmem_shared>>
      %dma_wait3A_266 = arith.constant 0 : i32
      %dma_wait3A_267 = arith.constant 0 : i32
      %dma_wait3A_268 = tpu.memref_slice %arg15[%run_scoped3A_161, %dma_wait3A_266, %dma_wait3A_267] : memref<4x80x64xbf16, #tpu.memory_space<vmem>> -> memref<1x80x64xbf16, #tpu.memory_space<vmem>>
      %dma_wait3A_269 = tpu.memref_squeeze %dma_wait3A_268 : memref<1x80x64xbf16, #tpu.memory_space<vmem>> -> memref<80x64xbf16, #tpu.memory_space<vmem>>
      tpu.wait_dma2 semaphore(%run_scoped3A_245 : memref<!tpu.dma_semaphore, #tpu.memory_space<semaphore_mem>>) src(%dma_wait3A_269 : memref<80x64xbf16, #tpu.memory_space<vmem>>) dst(%dma_wait3A_265 : memref<80x64xbf16, #tpu.memory_space<vmem_shared>>)
      tpu.yield
    }) : () -> ()
    %add3A_162 = arith.constant 640 : i32
    %add3A_163 = arith.addi %mul3A_2, %add3A_162 : i32
    %run_scoped3A_164 = arith.constant 0 : i32
    "tpu.region"() ({
      %run_scoped3A_245 = tpu.sem_alloc : memref<!tpu.dma_semaphore, #tpu.memory_space<semaphore_mem>>
      %dma_start3A_246 = arith.constant 0 : i32
      %dma_start3A_247 = arith.constant 0 : i32
      %dma_start3A_248 = tpu.memref_slice %arg15[%run_scoped3A_164, %dma_start3A_246, %dma_start3A_247] : memref<4x80x64xbf16, #tpu.memory_space<vmem>> -> memref<1x80x64xbf16, #tpu.memory_space<vmem>>
      %dma_start3A_249 = tpu.memref_squeeze %dma_start3A_248 : memref<1x80x64xbf16, #tpu.memory_space<vmem>> -> memref<80x64xbf16, #tpu.memory_space<vmem>>
      %dma_start3A_250 = arith.constant 0 : i32
      %dma_start3A_251 = tpu.memref_slice %arg24[%add3A_163, %dma_start3A_250] : memref<20480x64xbf16, #tpu.memory_space<vmem_shared>> -> memref<80x64xbf16, #tpu.memory_space<vmem_shared>>
      %dma_start3A_252 = arith.constant 0 : i32
      %dma_start3A_253 = tpu.memref_slice %arg24[%add3A_163, %dma_start3A_252] : memref<20480x64xbf16, #tpu.memory_space<vmem_shared>> -> memref<80x64xbf16, #tpu.memory_space<vmem_shared>>
      %dma_start3A_254 = arith.constant 0 : i32
      %dma_start3A_255 = arith.constant 0 : i32
      %dma_start3A_256 = tpu.memref_slice %arg15[%run_scoped3A_164, %dma_start3A_254, %dma_start3A_255] : memref<4x80x64xbf16, #tpu.memory_space<vmem>> -> memref<1x80x64xbf16, #tpu.memory_space<vmem>>
      %dma_start3A_257 = tpu.memref_squeeze %dma_start3A_256 : memref<1x80x64xbf16, #tpu.memory_space<vmem>> -> memref<80x64xbf16, #tpu.memory_space<vmem>>
      tpu.enqueue_dma source(%dma_start3A_257 : memref<80x64xbf16, #tpu.memory_space<vmem>>) target(%dma_start3A_253 : memref<80x64xbf16, #tpu.memory_space<vmem_shared>>) target_semaphore(%run_scoped3A_245 : memref<!tpu.dma_semaphore, #tpu.memory_space<semaphore_mem>>)
      %dma_wait3A_258 = arith.constant 0 : i32
      %dma_wait3A_259 = arith.constant 0 : i32
      %dma_wait3A_260 = tpu.memref_slice %arg15[%run_scoped3A_164, %dma_wait3A_258, %dma_wait3A_259] : memref<4x80x64xbf16, #tpu.memory_space<vmem>> -> memref<1x80x64xbf16, #tpu.memory_space<vmem>>
      %dma_wait3A_261 = tpu.memref_squeeze %dma_wait3A_260 : memref<1x80x64xbf16, #tpu.memory_space<vmem>> -> memref<80x64xbf16, #tpu.memory_space<vmem>>
      %dma_wait3A_262 = arith.constant 0 : i32
      %dma_wait3A_263 = tpu.memref_slice %arg24[%add3A_163, %dma_wait3A_262] : memref<20480x64xbf16, #tpu.memory_space<vmem_shared>> -> memref<80x64xbf16, #tpu.memory_space<vmem_shared>>
      %dma_wait3A_264 = arith.constant 0 : i32
      %dma_wait3A_265 = tpu.memref_slice %arg24[%add3A_163, %dma_wait3A_264] : memref<20480x64xbf16, #tpu.memory_space<vmem_shared>> -> memref<80x64xbf16, #tpu.memory_space<vmem_shared>>
      %dma_wait3A_266 = arith.constant 0 : i32
      %dma_wait3A_267 = arith.constant 0 : i32
      %dma_wait3A_268 = tpu.memref_slice %arg15[%run_scoped3A_164, %dma_wait3A_266, %dma_wait3A_267] : memref<4x80x64xbf16, #tpu.memory_space<vmem>> -> memref<1x80x64xbf16, #tpu.memory_space<vmem>>
      %dma_wait3A_269 = tpu.memref_squeeze %dma_wait3A_268 : memref<1x80x64xbf16, #tpu.memory_space<vmem>> -> memref<80x64xbf16, #tpu.memory_space<vmem>>
      tpu.wait_dma2 semaphore(%run_scoped3A_245 : memref<!tpu.dma_semaphore, #tpu.memory_space<semaphore_mem>>) src(%dma_wait3A_269 : memref<80x64xbf16, #tpu.memory_space<vmem>>) dst(%dma_wait3A_265 : memref<80x64xbf16, #tpu.memory_space<vmem_shared>>)
      tpu.yield
    }) : () -> ()
    %add3A_165 = arith.constant 720 : i32
    %add3A_166 = arith.addi %mul3A_2, %add3A_165 : i32
    %run_scoped3A_167 = arith.constant 0 : i32
    "tpu.region"() ({
      %run_scoped3A_245 = tpu.sem_alloc : memref<!tpu.dma_semaphore, #tpu.memory_space<semaphore_mem>>
      %dma_start3A_246 = arith.constant 0 : i32
      %dma_start3A_247 = arith.constant 0 : i32
      %dma_start3A_248 = tpu.memref_slice %arg15[%run_scoped3A_167, %dma_start3A_246, %dma_start3A_247] : memref<4x80x64xbf16, #tpu.memory_space<vmem>> -> memref<1x80x64xbf16, #tpu.memory_space<vmem>>
      %dma_start3A_249 = tpu.memref_squeeze %dma_start3A_248 : memref<1x80x64xbf16, #tpu.memory_space<vmem>> -> memref<80x64xbf16, #tpu.memory_space<vmem>>
      %dma_start3A_250 = arith.constant 0 : i32
      %dma_start3A_251 = tpu.memref_slice %arg24[%add3A_166, %dma_start3A_250] : memref<20480x64xbf16, #tpu.memory_space<vmem_shared>> -> memref<80x64xbf16, #tpu.memory_space<vmem_shared>>
      %dma_start3A_252 = arith.constant 0 : i32
      %dma_start3A_253 = tpu.memref_slice %arg24[%add3A_166, %dma_start3A_252] : memref<20480x64xbf16, #tpu.memory_space<vmem_shared>> -> memref<80x64xbf16, #tpu.memory_space<vmem_shared>>
      %dma_start3A_254 = arith.constant 0 : i32
      %dma_start3A_255 = arith.constant 0 : i32
      %dma_start3A_256 = tpu.memref_slice %arg15[%run_scoped3A_167, %dma_start3A_254, %dma_start3A_255] : memref<4x80x64xbf16, #tpu.memory_space<vmem>> -> memref<1x80x64xbf16, #tpu.memory_space<vmem>>
      %dma_start3A_257 = tpu.memref_squeeze %dma_start3A_256 : memref<1x80x64xbf16, #tpu.memory_space<vmem>> -> memref<80x64xbf16, #tpu.memory_space<vmem>>
      tpu.enqueue_dma source(%dma_start3A_257 : memref<80x64xbf16, #tpu.memory_space<vmem>>) target(%dma_start3A_253 : memref<80x64xbf16, #tpu.memory_space<vmem_shared>>) target_semaphore(%run_scoped3A_245 : memref<!tpu.dma_semaphore, #tpu.memory_space<semaphore_mem>>)
      %dma_wait3A_258 = arith.constant 0 : i32
      %dma_wait3A_259 = arith.constant 0 : i32
      %dma_wait3A_260 = tpu.memref_slice %arg15[%run_scoped3A_167, %dma_wait3A_258, %dma_wait3A_259] : memref<4x80x64xbf16, #tpu.memory_space<vmem>> -> memref<1x80x64xbf16, #tpu.memory_space<vmem>>
      %dma_wait3A_261 = tpu.memref_squeeze %dma_wait3A_260 : memref<1x80x64xbf16, #tpu.memory_space<vmem>> -> memref<80x64xbf16, #tpu.memory_space<vmem>>
      %dma_wait3A_262 = arith.constant 0 : i32
      %dma_wait3A_263 = tpu.memref_slice %arg24[%add3A_166, %dma_wait3A_262] : memref<20480x64xbf16, #tpu.memory_space<vmem_shared>> -> memref<80x64xbf16, #tpu.memory_space<vmem_shared>>
      %dma_wait3A_264 = arith.constant 0 : i32
      %dma_wait3A_265 = tpu.memref_slice %arg24[%add3A_166, %dma_wait3A_264] : memref<20480x64xbf16, #tpu.memory_space<vmem_shared>> -> memref<80x64xbf16, #tpu.memory_space<vmem_shared>>
      %dma_wait3A_266 = arith.constant 0 : i32
      %dma_wait3A_267 = arith.constant 0 : i32
      %dma_wait3A_268 = tpu.memref_slice %arg15[%run_scoped3A_167, %dma_wait3A_266, %dma_wait3A_267] : memref<4x80x64xbf16, #tpu.memory_space<vmem>> -> memref<1x80x64xbf16, #tpu.memory_space<vmem>>
      %dma_wait3A_269 = tpu.memref_squeeze %dma_wait3A_268 : memref<1x80x64xbf16, #tpu.memory_space<vmem>> -> memref<80x64xbf16, #tpu.memory_space<vmem>>
      tpu.wait_dma2 semaphore(%run_scoped3A_245 : memref<!tpu.dma_semaphore, #tpu.memory_space<semaphore_mem>>) src(%dma_wait3A_269 : memref<80x64xbf16, #tpu.memory_space<vmem>>) dst(%dma_wait3A_265 : memref<80x64xbf16, #tpu.memory_space<vmem_shared>>)
      tpu.yield
    }) : () -> ()
    %add3A_168 = arith.constant 800 : i32
    %add3A_169 = arith.addi %mul3A_2, %add3A_168 : i32
    %run_scoped3A_170 = arith.constant 0 : i32
    "tpu.region"() ({
      %run_scoped3A_245 = tpu.sem_alloc : memref<!tpu.dma_semaphore, #tpu.memory_space<semaphore_mem>>
      %dma_start3A_246 = arith.constant 0 : i32
      %dma_start3A_247 = arith.constant 0 : i32
      %dma_start3A_248 = tpu.memref_slice %arg15[%run_scoped3A_170, %dma_start3A_246, %dma_start3A_247] : memref<4x80x64xbf16, #tpu.memory_space<vmem>> -> memref<1x80x64xbf16, #tpu.memory_space<vmem>>
      %dma_start3A_249 = tpu.memref_squeeze %dma_start3A_248 : memref<1x80x64xbf16, #tpu.memory_space<vmem>> -> memref<80x64xbf16, #tpu.memory_space<vmem>>
      %dma_start3A_250 = arith.constant 0 : i32
      %dma_start3A_251 = tpu.memref_slice %arg24[%add3A_169, %dma_start3A_250] : memref<20480x64xbf16, #tpu.memory_space<vmem_shared>> -> memref<80x64xbf16, #tpu.memory_space<vmem_shared>>
      %dma_start3A_252 = arith.constant 0 : i32
      %dma_start3A_253 = tpu.memref_slice %arg24[%add3A_169, %dma_start3A_252] : memref<20480x64xbf16, #tpu.memory_space<vmem_shared>> -> memref<80x64xbf16, #tpu.memory_space<vmem_shared>>
      %dma_start3A_254 = arith.constant 0 : i32
      %dma_start3A_255 = arith.constant 0 : i32
      %dma_start3A_256 = tpu.memref_slice %arg15[%run_scoped3A_170, %dma_start3A_254, %dma_start3A_255] : memref<4x80x64xbf16, #tpu.memory_space<vmem>> -> memref<1x80x64xbf16, #tpu.memory_space<vmem>>
      %dma_start3A_257 = tpu.memref_squeeze %dma_start3A_256 : memref<1x80x64xbf16, #tpu.memory_space<vmem>> -> memref<80x64xbf16, #tpu.memory_space<vmem>>
      tpu.enqueue_dma source(%dma_start3A_257 : memref<80x64xbf16, #tpu.memory_space<vmem>>) target(%dma_start3A_253 : memref<80x64xbf16, #tpu.memory_space<vmem_shared>>) target_semaphore(%run_scoped3A_245 : memref<!tpu.dma_semaphore, #tpu.memory_space<semaphore_mem>>)
      %dma_wait3A_258 = arith.constant 0 : i32
      %dma_wait3A_259 = arith.constant 0 : i32
      %dma_wait3A_260 = tpu.memref_slice %arg15[%run_scoped3A_170, %dma_wait3A_258, %dma_wait3A_259] : memref<4x80x64xbf16, #tpu.memory_space<vmem>> -> memref<1x80x64xbf16, #tpu.memory_space<vmem>>
      %dma_wait3A_261 = tpu.memref_squeeze %dma_wait3A_260 : memref<1x80x64xbf16, #tpu.memory_space<vmem>> -> memref<80x64xbf16, #tpu.memory_space<vmem>>
      %dma_wait3A_262 = arith.constant 0 : i32
      %dma_wait3A_263 = tpu.memref_slice %arg24[%add3A_169, %dma_wait3A_262] : memref<20480x64xbf16, #tpu.memory_space<vmem_shared>> -> memref<80x64xbf16, #tpu.memory_space<vmem_shared>>
      %dma_wait3A_264 = arith.constant 0 : i32
      %dma_wait3A_265 = tpu.memref_slice %arg24[%add3A_169, %dma_wait3A_264] : memref<20480x64xbf16, #tpu.memory_space<vmem_shared>> -> memref<80x64xbf16, #tpu.memory_space<vmem_shared>>
      %dma_wait3A_266 = arith.constant 0 : i32
      %dma_wait3A_267 = arith.constant 0 : i32
      %dma_wait3A_268 = tpu.memref_slice %arg15[%run_scoped3A_170, %dma_wait3A_266, %dma_wait3A_267] : memref<4x80x64xbf16, #tpu.memory_space<vmem>> -> memref<1x80x64xbf16, #tpu.memory_space<vmem>>
      %dma_wait3A_269 = tpu.memref_squeeze %dma_wait3A_268 : memref<1x80x64xbf16, #tpu.memory_space<vmem>> -> memref<80x64xbf16, #tpu.memory_space<vmem>>
      tpu.wait_dma2 semaphore(%run_scoped3A_245 : memref<!tpu.dma_semaphore, #tpu.memory_space<semaphore_mem>>) src(%dma_wait3A_269 : memref<80x64xbf16, #tpu.memory_space<vmem>>) dst(%dma_wait3A_265 : memref<80x64xbf16, #tpu.memory_space<vmem_shared>>)
      tpu.yield
    }) : () -> ()
    %add3A_171 = arith.constant 880 : i32
    %add3A_172 = arith.addi %mul3A_2, %add3A_171 : i32
    %run_scoped3A_173 = arith.constant 0 : i32
    "tpu.region"() ({
      %run_scoped3A_245 = tpu.sem_alloc : memref<!tpu.dma_semaphore, #tpu.memory_space<semaphore_mem>>
      %dma_start3A_246 = arith.constant 0 : i32
      %dma_start3A_247 = arith.constant 0 : i32
      %dma_start3A_248 = tpu.memref_slice %arg15[%run_scoped3A_173, %dma_start3A_246, %dma_start3A_247] : memref<4x80x64xbf16, #tpu.memory_space<vmem>> -> memref<1x80x64xbf16, #tpu.memory_space<vmem>>
      %dma_start3A_249 = tpu.memref_squeeze %dma_start3A_248 : memref<1x80x64xbf16, #tpu.memory_space<vmem>> -> memref<80x64xbf16, #tpu.memory_space<vmem>>
      %dma_start3A_250 = arith.constant 0 : i32
      %dma_start3A_251 = tpu.memref_slice %arg24[%add3A_172, %dma_start3A_250] : memref<20480x64xbf16, #tpu.memory_space<vmem_shared>> -> memref<80x64xbf16, #tpu.memory_space<vmem_shared>>
      %dma_start3A_252 = arith.constant 0 : i32
      %dma_start3A_253 = tpu.memref_slice %arg24[%add3A_172, %dma_start3A_252] : memref<20480x64xbf16, #tpu.memory_space<vmem_shared>> -> memref<80x64xbf16, #tpu.memory_space<vmem_shared>>
      %dma_start3A_254 = arith.constant 0 : i32
      %dma_start3A_255 = arith.constant 0 : i32
      %dma_start3A_256 = tpu.memref_slice %arg15[%run_scoped3A_173, %dma_start3A_254, %dma_start3A_255] : memref<4x80x64xbf16, #tpu.memory_space<vmem>> -> memref<1x80x64xbf16, #tpu.memory_space<vmem>>
      %dma_start3A_257 = tpu.memref_squeeze %dma_start3A_256 : memref<1x80x64xbf16, #tpu.memory_space<vmem>> -> memref<80x64xbf16, #tpu.memory_space<vmem>>
      tpu.enqueue_dma source(%dma_start3A_257 : memref<80x64xbf16, #tpu.memory_space<vmem>>) target(%dma_start3A_253 : memref<80x64xbf16, #tpu.memory_space<vmem_shared>>) target_semaphore(%run_scoped3A_245 : memref<!tpu.dma_semaphore, #tpu.memory_space<semaphore_mem>>)
      %dma_wait3A_258 = arith.constant 0 : i32
      %dma_wait3A_259 = arith.constant 0 : i32
      %dma_wait3A_260 = tpu.memref_slice %arg15[%run_scoped3A_173, %dma_wait3A_258, %dma_wait3A_259] : memref<4x80x64xbf16, #tpu.memory_space<vmem>> -> memref<1x80x64xbf16, #tpu.memory_space<vmem>>
      %dma_wait3A_261 = tpu.memref_squeeze %dma_wait3A_260 : memref<1x80x64xbf16, #tpu.memory_space<vmem>> -> memref<80x64xbf16, #tpu.memory_space<vmem>>
      %dma_wait3A_262 = arith.constant 0 : i32
      %dma_wait3A_263 = tpu.memref_slice %arg24[%add3A_172, %dma_wait3A_262] : memref<20480x64xbf16, #tpu.memory_space<vmem_shared>> -> memref<80x64xbf16, #tpu.memory_space<vmem_shared>>
      %dma_wait3A_264 = arith.constant 0 : i32
      %dma_wait3A_265 = tpu.memref_slice %arg24[%add3A_172, %dma_wait3A_264] : memref<20480x64xbf16, #tpu.memory_space<vmem_shared>> -> memref<80x64xbf16, #tpu.memory_space<vmem_shared>>
      %dma_wait3A_266 = arith.constant 0 : i32
      %dma_wait3A_267 = arith.constant 0 : i32
      %dma_wait3A_268 = tpu.memref_slice %arg15[%run_scoped3A_173, %dma_wait3A_266, %dma_wait3A_267] : memref<4x80x64xbf16, #tpu.memory_space<vmem>> -> memref<1x80x64xbf16, #tpu.memory_space<vmem>>
      %dma_wait3A_269 = tpu.memref_squeeze %dma_wait3A_268 : memref<1x80x64xbf16, #tpu.memory_space<vmem>> -> memref<80x64xbf16, #tpu.memory_space<vmem>>
      tpu.wait_dma2 semaphore(%run_scoped3A_245 : memref<!tpu.dma_semaphore, #tpu.memory_space<semaphore_mem>>) src(%dma_wait3A_269 : memref<80x64xbf16, #tpu.memory_space<vmem>>) dst(%dma_wait3A_265 : memref<80x64xbf16, #tpu.memory_space<vmem_shared>>)
      tpu.yield
    }) : () -> ()
    %add3A_174 = arith.constant 960 : i32
    %add3A_175 = arith.addi %mul3A_2, %add3A_174 : i32
    %run_scoped3A_176 = arith.constant 0 : i32
    "tpu.region"() ({
      %run_scoped3A_245 = tpu.sem_alloc : memref<!tpu.dma_semaphore, #tpu.memory_space<semaphore_mem>>
      %dma_start3A_246 = arith.constant 0 : i32
      %dma_start3A_247 = arith.constant 0 : i32
      %dma_start3A_248 = tpu.memref_slice %arg15[%run_scoped3A_176, %dma_start3A_246, %dma_start3A_247] : memref<4x80x64xbf16, #tpu.memory_space<vmem>> -> memref<1x80x64xbf16, #tpu.memory_space<vmem>>
      %dma_start3A_249 = tpu.memref_squeeze %dma_start3A_248 : memref<1x80x64xbf16, #tpu.memory_space<vmem>> -> memref<80x64xbf16, #tpu.memory_space<vmem>>
      %dma_start3A_250 = arith.constant 0 : i32
      %dma_start3A_251 = tpu.memref_slice %arg24[%add3A_175, %dma_start3A_250] : memref<20480x64xbf16, #tpu.memory_space<vmem_shared>> -> memref<80x64xbf16, #tpu.memory_space<vmem_shared>>
      %dma_start3A_252 = arith.constant 0 : i32
      %dma_start3A_253 = tpu.memref_slice %arg24[%add3A_175, %dma_start3A_252] : memref<20480x64xbf16, #tpu.memory_space<vmem_shared>> -> memref<80x64xbf16, #tpu.memory_space<vmem_shared>>
      %dma_start3A_254 = arith.constant 0 : i32
      %dma_start3A_255 = arith.constant 0 : i32
      %dma_start3A_256 = tpu.memref_slice %arg15[%run_scoped3A_176, %dma_start3A_254, %dma_start3A_255] : memref<4x80x64xbf16, #tpu.memory_space<vmem>> -> memref<1x80x64xbf16, #tpu.memory_space<vmem>>
      %dma_start3A_257 = tpu.memref_squeeze %dma_start3A_256 : memref<1x80x64xbf16, #tpu.memory_space<vmem>> -> memref<80x64xbf16, #tpu.memory_space<vmem>>
      tpu.enqueue_dma source(%dma_start3A_257 : memref<80x64xbf16, #tpu.memory_space<vmem>>) target(%dma_start3A_253 : memref<80x64xbf16, #tpu.memory_space<vmem_shared>>) target_semaphore(%run_scoped3A_245 : memref<!tpu.dma_semaphore, #tpu.memory_space<semaphore_mem>>)
      %dma_wait3A_258 = arith.constant 0 : i32
      %dma_wait3A_259 = arith.constant 0 : i32
      %dma_wait3A_260 = tpu.memref_slice %arg15[%run_scoped3A_176, %dma_wait3A_258, %dma_wait3A_259] : memref<4x80x64xbf16, #tpu.memory_space<vmem>> -> memref<1x80x64xbf16, #tpu.memory_space<vmem>>
      %dma_wait3A_261 = tpu.memref_squeeze %dma_wait3A_260 : memref<1x80x64xbf16, #tpu.memory_space<vmem>> -> memref<80x64xbf16, #tpu.memory_space<vmem>>
      %dma_wait3A_262 = arith.constant 0 : i32
      %dma_wait3A_263 = tpu.memref_slice %arg24[%add3A_175, %dma_wait3A_262] : memref<20480x64xbf16, #tpu.memory_space<vmem_shared>> -> memref<80x64xbf16, #tpu.memory_space<vmem_shared>>
      %dma_wait3A_264 = arith.constant 0 : i32
      %dma_wait3A_265 = tpu.memref_slice %arg24[%add3A_175, %dma_wait3A_264] : memref<20480x64xbf16, #tpu.memory_space<vmem_shared>> -> memref<80x64xbf16, #tpu.memory_space<vmem_shared>>
      %dma_wait3A_266 = arith.constant 0 : i32
      %dma_wait3A_267 = arith.constant 0 : i32
      %dma_wait3A_268 = tpu.memref_slice %arg15[%run_scoped3A_176, %dma_wait3A_266, %dma_wait3A_267] : memref<4x80x64xbf16, #tpu.memory_space<vmem>> -> memref<1x80x64xbf16, #tpu.memory_space<vmem>>
      %dma_wait3A_269 = tpu.memref_squeeze %dma_wait3A_268 : memref<1x80x64xbf16, #tpu.memory_space<vmem>> -> memref<80x64xbf16, #tpu.memory_space<vmem>>
      tpu.wait_dma2 semaphore(%run_scoped3A_245 : memref<!tpu.dma_semaphore, #tpu.memory_space<semaphore_mem>>) src(%dma_wait3A_269 : memref<80x64xbf16, #tpu.memory_space<vmem>>) dst(%dma_wait3A_265 : memref<80x64xbf16, #tpu.memory_space<vmem_shared>>)
      tpu.yield
    }) : () -> ()
    %add3A_177 = arith.constant 1040 : i32
    %add3A_178 = arith.addi %mul3A_2, %add3A_177 : i32
    %run_scoped3A_179 = arith.constant 0 : i32
    "tpu.region"() ({
      %run_scoped3A_245 = tpu.sem_alloc : memref<!tpu.dma_semaphore, #tpu.memory_space<semaphore_mem>>
      %dma_start3A_246 = arith.constant 0 : i32
      %dma_start3A_247 = arith.constant 0 : i32
      %dma_start3A_248 = tpu.memref_slice %arg15[%run_scoped3A_179, %dma_start3A_246, %dma_start3A_247] : memref<4x80x64xbf16, #tpu.memory_space<vmem>> -> memref<1x80x64xbf16, #tpu.memory_space<vmem>>
      %dma_start3A_249 = tpu.memref_squeeze %dma_start3A_248 : memref<1x80x64xbf16, #tpu.memory_space<vmem>> -> memref<80x64xbf16, #tpu.memory_space<vmem>>
      %dma_start3A_250 = arith.constant 0 : i32
      %dma_start3A_251 = tpu.memref_slice %arg24[%add3A_178, %dma_start3A_250] : memref<20480x64xbf16, #tpu.memory_space<vmem_shared>> -> memref<80x64xbf16, #tpu.memory_space<vmem_shared>>
      %dma_start3A_252 = arith.constant 0 : i32
      %dma_start3A_253 = tpu.memref_slice %arg24[%add3A_178, %dma_start3A_252] : memref<20480x64xbf16, #tpu.memory_space<vmem_shared>> -> memref<80x64xbf16, #tpu.memory_space<vmem_shared>>
      %dma_start3A_254 = arith.constant 0 : i32
      %dma_start3A_255 = arith.constant 0 : i32
      %dma_start3A_256 = tpu.memref_slice %arg15[%run_scoped3A_179, %dma_start3A_254, %dma_start3A_255] : memref<4x80x64xbf16, #tpu.memory_space<vmem>> -> memref<1x80x64xbf16, #tpu.memory_space<vmem>>
      %dma_start3A_257 = tpu.memref_squeeze %dma_start3A_256 : memref<1x80x64xbf16, #tpu.memory_space<vmem>> -> memref<80x64xbf16, #tpu.memory_space<vmem>>
      tpu.enqueue_dma source(%dma_start3A_257 : memref<80x64xbf16, #tpu.memory_space<vmem>>) target(%dma_start3A_253 : memref<80x64xbf16, #tpu.memory_space<vmem_shared>>) target_semaphore(%run_scoped3A_245 : memref<!tpu.dma_semaphore, #tpu.memory_space<semaphore_mem>>)
      %dma_wait3A_258 = arith.constant 0 : i32
      %dma_wait3A_259 = arith.constant 0 : i32
      %dma_wait3A_260 = tpu.memref_slice %arg15[%run_scoped3A_179, %dma_wait3A_258, %dma_wait3A_259] : memref<4x80x64xbf16, #tpu.memory_space<vmem>> -> memref<1x80x64xbf16, #tpu.memory_space<vmem>>
      %dma_wait3A_261 = tpu.memref_squeeze %dma_wait3A_260 : memref<1x80x64xbf16, #tpu.memory_space<vmem>> -> memref<80x64xbf16, #tpu.memory_space<vmem>>
      %dma_wait3A_262 = arith.constant 0 : i32
      %dma_wait3A_263 = tpu.memref_slice %arg24[%add3A_178, %dma_wait3A_262] : memref<20480x64xbf16, #tpu.memory_space<vmem_shared>> -> memref<80x64xbf16, #tpu.memory_space<vmem_shared>>
      %dma_wait3A_264 = arith.constant 0 : i32
      %dma_wait3A_265 = tpu.memref_slice %arg24[%add3A_178, %dma_wait3A_264] : memref<20480x64xbf16, #tpu.memory_space<vmem_shared>> -> memref<80x64xbf16, #tpu.memory_space<vmem_shared>>
      %dma_wait3A_266 = arith.constant 0 : i32
      %dma_wait3A_267 = arith.constant 0 : i32
      %dma_wait3A_268 = tpu.memref_slice %arg15[%run_scoped3A_179, %dma_wait3A_266, %dma_wait3A_267] : memref<4x80x64xbf16, #tpu.memory_space<vmem>> -> memref<1x80x64xbf16, #tpu.memory_space<vmem>>
      %dma_wait3A_269 = tpu.memref_squeeze %dma_wait3A_268 : memref<1x80x64xbf16, #tpu.memory_space<vmem>> -> memref<80x64xbf16, #tpu.memory_space<vmem>>
      tpu.wait_dma2 semaphore(%run_scoped3A_245 : memref<!tpu.dma_semaphore, #tpu.memory_space<semaphore_mem>>) src(%dma_wait3A_269 : memref<80x64xbf16, #tpu.memory_space<vmem>>) dst(%dma_wait3A_265 : memref<80x64xbf16, #tpu.memory_space<vmem_shared>>)
      tpu.yield
    }) : () -> ()
    %add3A_180 = arith.constant 1120 : i32
    %add3A_181 = arith.addi %mul3A_2, %add3A_180 : i32
    %run_scoped3A_182 = arith.constant 0 : i32
    "tpu.region"() ({
      %run_scoped3A_245 = tpu.sem_alloc : memref<!tpu.dma_semaphore, #tpu.memory_space<semaphore_mem>>
      %dma_start3A_246 = arith.constant 0 : i32
      %dma_start3A_247 = arith.constant 0 : i32
      %dma_start3A_248 = tpu.memref_slice %arg15[%run_scoped3A_182, %dma_start3A_246, %dma_start3A_247] : memref<4x80x64xbf16, #tpu.memory_space<vmem>> -> memref<1x80x64xbf16, #tpu.memory_space<vmem>>
      %dma_start3A_249 = tpu.memref_squeeze %dma_start3A_248 : memref<1x80x64xbf16, #tpu.memory_space<vmem>> -> memref<80x64xbf16, #tpu.memory_space<vmem>>
      %dma_start3A_250 = arith.constant 0 : i32
      %dma_start3A_251 = tpu.memref_slice %arg24[%add3A_181, %dma_start3A_250] : memref<20480x64xbf16, #tpu.memory_space<vmem_shared>> -> memref<80x64xbf16, #tpu.memory_space<vmem_shared>>
      %dma_start3A_252 = arith.constant 0 : i32
      %dma_start3A_253 = tpu.memref_slice %arg24[%add3A_181, %dma_start3A_252] : memref<20480x64xbf16, #tpu.memory_space<vmem_shared>> -> memref<80x64xbf16, #tpu.memory_space<vmem_shared>>
      %dma_start3A_254 = arith.constant 0 : i32
      %dma_start3A_255 = arith.constant 0 : i32
      %dma_start3A_256 = tpu.memref_slice %arg15[%run_scoped3A_182, %dma_start3A_254, %dma_start3A_255] : memref<4x80x64xbf16, #tpu.memory_space<vmem>> -> memref<1x80x64xbf16, #tpu.memory_space<vmem>>
      %dma_start3A_257 = tpu.memref_squeeze %dma_start3A_256 : memref<1x80x64xbf16, #tpu.memory_space<vmem>> -> memref<80x64xbf16, #tpu.memory_space<vmem>>
      tpu.enqueue_dma source(%dma_start3A_257 : memref<80x64xbf16, #tpu.memory_space<vmem>>) target(%dma_start3A_253 : memref<80x64xbf16, #tpu.memory_space<vmem_shared>>) target_semaphore(%run_scoped3A_245 : memref<!tpu.dma_semaphore, #tpu.memory_space<semaphore_mem>>)
      %dma_wait3A_258 = arith.constant 0 : i32
      %dma_wait3A_259 = arith.constant 0 : i32
      %dma_wait3A_260 = tpu.memref_slice %arg15[%run_scoped3A_182, %dma_wait3A_258, %dma_wait3A_259] : memref<4x80x64xbf16, #tpu.memory_space<vmem>> -> memref<1x80x64xbf16, #tpu.memory_space<vmem>>
      %dma_wait3A_261 = tpu.memref_squeeze %dma_wait3A_260 : memref<1x80x64xbf16, #tpu.memory_space<vmem>> -> memref<80x64xbf16, #tpu.memory_space<vmem>>
      %dma_wait3A_262 = arith.constant 0 : i32
      %dma_wait3A_263 = tpu.memref_slice %arg24[%add3A_181, %dma_wait3A_262] : memref<20480x64xbf16, #tpu.memory_space<vmem_shared>> -> memref<80x64xbf16, #tpu.memory_space<vmem_shared>>
      %dma_wait3A_264 = arith.constant 0 : i32
      %dma_wait3A_265 = tpu.memref_slice %arg24[%add3A_181, %dma_wait3A_264] : memref<20480x64xbf16, #tpu.memory_space<vmem_shared>> -> memref<80x64xbf16, #tpu.memory_space<vmem_shared>>
      %dma_wait3A_266 = arith.constant 0 : i32
      %dma_wait3A_267 = arith.constant 0 : i32
      %dma_wait3A_268 = tpu.memref_slice %arg15[%run_scoped3A_182, %dma_wait3A_266, %dma_wait3A_267] : memref<4x80x64xbf16, #tpu.memory_space<vmem>> -> memref<1x80x64xbf16, #tpu.memory_space<vmem>>
      %dma_wait3A_269 = tpu.memref_squeeze %dma_wait3A_268 : memref<1x80x64xbf16, #tpu.memory_space<vmem>> -> memref<80x64xbf16, #tpu.memory_space<vmem>>
      tpu.wait_dma2 semaphore(%run_scoped3A_245 : memref<!tpu.dma_semaphore, #tpu.memory_space<semaphore_mem>>) src(%dma_wait3A_269 : memref<80x64xbf16, #tpu.memory_space<vmem>>) dst(%dma_wait3A_265 : memref<80x64xbf16, #tpu.memory_space<vmem_shared>>)
      tpu.yield
    }) : () -> ()
    %add3A_183 = arith.constant 1200 : i32
    %add3A_184 = arith.addi %mul3A_2, %add3A_183 : i32
    %run_scoped3A_185 = arith.constant 0 : i32
    "tpu.region"() ({
      %run_scoped3A_245 = tpu.sem_alloc : memref<!tpu.dma_semaphore, #tpu.memory_space<semaphore_mem>>
      %dma_start3A_246 = arith.constant 0 : i32
      %dma_start3A_247 = arith.constant 0 : i32
      %dma_start3A_248 = tpu.memref_slice %arg15[%run_scoped3A_185, %dma_start3A_246, %dma_start3A_247] : memref<4x80x64xbf16, #tpu.memory_space<vmem>> -> memref<1x80x64xbf16, #tpu.memory_space<vmem>>
      %dma_start3A_249 = tpu.memref_squeeze %dma_start3A_248 : memref<1x80x64xbf16, #tpu.memory_space<vmem>> -> memref<80x64xbf16, #tpu.memory_space<vmem>>
      %dma_start3A_250 = arith.constant 0 : i32
      %dma_start3A_251 = tpu.memref_slice %arg24[%add3A_184, %dma_start3A_250] : memref<20480x64xbf16, #tpu.memory_space<vmem_shared>> -> memref<80x64xbf16, #tpu.memory_space<vmem_shared>>
      %dma_start3A_252 = arith.constant 0 : i32
      %dma_start3A_253 = tpu.memref_slice %arg24[%add3A_184, %dma_start3A_252] : memref<20480x64xbf16, #tpu.memory_space<vmem_shared>> -> memref<80x64xbf16, #tpu.memory_space<vmem_shared>>
      %dma_start3A_254 = arith.constant 0 : i32
      %dma_start3A_255 = arith.constant 0 : i32
      %dma_start3A_256 = tpu.memref_slice %arg15[%run_scoped3A_185, %dma_start3A_254, %dma_start3A_255] : memref<4x80x64xbf16, #tpu.memory_space<vmem>> -> memref<1x80x64xbf16, #tpu.memory_space<vmem>>
      %dma_start3A_257 = tpu.memref_squeeze %dma_start3A_256 : memref<1x80x64xbf16, #tpu.memory_space<vmem>> -> memref<80x64xbf16, #tpu.memory_space<vmem>>
      tpu.enqueue_dma source(%dma_start3A_257 : memref<80x64xbf16, #tpu.memory_space<vmem>>) target(%dma_start3A_253 : memref<80x64xbf16, #tpu.memory_space<vmem_shared>>) target_semaphore(%run_scoped3A_245 : memref<!tpu.dma_semaphore, #tpu.memory_space<semaphore_mem>>)
      %dma_wait3A_258 = arith.constant 0 : i32
      %dma_wait3A_259 = arith.constant 0 : i32
      %dma_wait3A_260 = tpu.memref_slice %arg15[%run_scoped3A_185, %dma_wait3A_258, %dma_wait3A_259] : memref<4x80x64xbf16, #tpu.memory_space<vmem>> -> memref<1x80x64xbf16, #tpu.memory_space<vmem>>
      %dma_wait3A_261 = tpu.memref_squeeze %dma_wait3A_260 : memref<1x80x64xbf16, #tpu.memory_space<vmem>> -> memref<80x64xbf16, #tpu.memory_space<vmem>>
      %dma_wait3A_262 = arith.constant 0 : i32
      %dma_wait3A_263 = tpu.memref_slice %arg24[%add3A_184, %dma_wait3A_262] : memref<20480x64xbf16, #tpu.memory_space<vmem_shared>> -> memref<80x64xbf16, #tpu.memory_space<vmem_shared>>
      %dma_wait3A_264 = arith.constant 0 : i32
      %dma_wait3A_265 = tpu.memref_slice %arg24[%add3A_184, %dma_wait3A_264] : memref<20480x64xbf16, #tpu.memory_space<vmem_shared>> -> memref<80x64xbf16, #tpu.memory_space<vmem_shared>>
      %dma_wait3A_266 = arith.constant 0 : i32
      %dma_wait3A_267 = arith.constant 0 : i32
      %dma_wait3A_268 = tpu.memref_slice %arg15[%run_scoped3A_185, %dma_wait3A_266, %dma_wait3A_267] : memref<4x80x64xbf16, #tpu.memory_space<vmem>> -> memref<1x80x64xbf16, #tpu.memory_space<vmem>>
      %dma_wait3A_269 = tpu.memref_squeeze %dma_wait3A_268 : memref<1x80x64xbf16, #tpu.memory_space<vmem>> -> memref<80x64xbf16, #tpu.memory_space<vmem>>
      tpu.wait_dma2 semaphore(%run_scoped3A_245 : memref<!tpu.dma_semaphore, #tpu.memory_space<semaphore_mem>>) src(%dma_wait3A_269 : memref<80x64xbf16, #tpu.memory_space<vmem>>) dst(%dma_wait3A_265 : memref<80x64xbf16, #tpu.memory_space<vmem_shared>>)
      tpu.yield
    }) : () -> ()
    %barrier3A_186 = arith.constant 0 : index
    tpu.barrier barrier_id(%barrier3A_186)
    %dma_start3A_187 = arith.constant 0 : i32
    %dma_start3A_188 = arith.constant 0 : i32
    %dma_start3A_189 = arith.constant 0 : i32
    %dma_start3A_190 = tpu.memref_slice %arg15[%dma_start3A_187, %dma_start3A_188, %dma_start3A_189] : memref<4x80x64xbf16, #tpu.memory_space<vmem>> -> memref<1x80x64xbf16, #tpu.memory_space<vmem>>
    %dma_start3A_191 = tpu.memref_squeeze %dma_start3A_190 : memref<1x80x64xbf16, #tpu.memory_space<vmem>> -> memref<80x64xbf16, #tpu.memory_space<vmem>>
    %dma_start3A_192 = arith.constant 0 : i32
    %dma_start3A_193 = tpu.memref_slice %arg10[%dma_start3A_192] : memref<10000xi32, #tpu.memory_space<vmem>> -> memref<80xi32, #tpu.memory_space<vmem>>
    %dma_start3A_194 = arith.constant 0 : i32
    %dma_start3A_195 = arith.constant 0 : i32
    %dma_start3A_196 = tpu.memref_slice %arg6[%dma_start3A_194, %dma_start3A_195] : memref<20480x64xbf16, #tpu.memory_space<hbm>> -> memref<20480x64xbf16, #tpu.memory_space<hbm>>
    tpu.enqueue_indirect_dma source(%dma_start3A_196 : memref<20480x64xbf16, #tpu.memory_space<hbm>>) target(%dma_start3A_191 : memref<80x64xbf16, #tpu.memory_space<vmem>>) offsets(%dma_start3A_193 : memref<80xi32, #tpu.memory_space<vmem>>) semaphore(%arg16 : memref<!tpu.dma_semaphore, #tpu.memory_space<semaphore_mem>>)
    %dma_start3A_197 = arith.constant 1 : i32
    %dma_start3A_198 = arith.constant 0 : i32
    %dma_start3A_199 = arith.constant 0 : i32
    %dma_start3A_200 = tpu.memref_slice %arg15[%dma_start3A_197, %dma_start3A_198, %dma_start3A_199] : memref<4x80x64xbf16, #tpu.memory_space<vmem>> -> memref<1x80x64xbf16, #tpu.memory_space<vmem>>
    %dma_start3A_201 = tpu.memref_squeeze %dma_start3A_200 : memref<1x80x64xbf16, #tpu.memory_space<vmem>> -> memref<80x64xbf16, #tpu.memory_space<vmem>>
    %dma_start3A_202 = arith.constant 80 : i32
    %dma_start3A_203 = tpu.memref_slice %arg10[%dma_start3A_202] : memref<10000xi32, #tpu.memory_space<vmem>> -> memref<80xi32, #tpu.memory_space<vmem>>
    %dma_start3A_204 = arith.constant 0 : i32
    %dma_start3A_205 = arith.constant 0 : i32
    %dma_start3A_206 = tpu.memref_slice %arg6[%dma_start3A_204, %dma_start3A_205] : memref<20480x64xbf16, #tpu.memory_space<hbm>> -> memref<20480x64xbf16, #tpu.memory_space<hbm>>
    tpu.enqueue_indirect_dma source(%dma_start3A_206 : memref<20480x64xbf16, #tpu.memory_space<hbm>>) target(%dma_start3A_201 : memref<80x64xbf16, #tpu.memory_space<vmem>>) offsets(%dma_start3A_203 : memref<80xi32, #tpu.memory_space<vmem>>) semaphore(%arg17 : memref<!tpu.dma_semaphore, #tpu.memory_space<semaphore_mem>>)
    %dma_start3A_207 = arith.constant 2 : i32
    %dma_start3A_208 = arith.constant 0 : i32
    %dma_start3A_209 = arith.constant 0 : i32
    %dma_start3A_210 = tpu.memref_slice %arg15[%dma_start3A_207, %dma_start3A_208, %dma_start3A_209] : memref<4x80x64xbf16, #tpu.memory_space<vmem>> -> memref<1x80x64xbf16, #tpu.memory_space<vmem>>
    %dma_start3A_211 = tpu.memref_squeeze %dma_start3A_210 : memref<1x80x64xbf16, #tpu.memory_space<vmem>> -> memref<80x64xbf16, #tpu.memory_space<vmem>>
    %dma_start3A_212 = arith.constant 160 : i32
    %dma_start3A_213 = tpu.memref_slice %arg10[%dma_start3A_212] : memref<10000xi32, #tpu.memory_space<vmem>> -> memref<80xi32, #tpu.memory_space<vmem>>
    %dma_start3A_214 = arith.constant 0 : i32
    %dma_start3A_215 = arith.constant 0 : i32
    %dma_start3A_216 = tpu.memref_slice %arg6[%dma_start3A_214, %dma_start3A_215] : memref<20480x64xbf16, #tpu.memory_space<hbm>> -> memref<20480x64xbf16, #tpu.memory_space<hbm>>
    tpu.enqueue_indirect_dma source(%dma_start3A_216 : memref<20480x64xbf16, #tpu.memory_space<hbm>>) target(%dma_start3A_211 : memref<80x64xbf16, #tpu.memory_space<vmem>>) offsets(%dma_start3A_213 : memref<80xi32, #tpu.memory_space<vmem>>) semaphore(%arg18 : memref<!tpu.dma_semaphore, #tpu.memory_space<semaphore_mem>>)
    %dma_start3A_217 = arith.constant 3 : i32
    %dma_start3A_218 = arith.constant 0 : i32
    %dma_start3A_219 = arith.constant 0 : i32
    %dma_start3A_220 = tpu.memref_slice %arg15[%dma_start3A_217, %dma_start3A_218, %dma_start3A_219] : memref<4x80x64xbf16, #tpu.memory_space<vmem>> -> memref<1x80x64xbf16, #tpu.memory_space<vmem>>
    %dma_start3A_221 = tpu.memref_squeeze %dma_start3A_220 : memref<1x80x64xbf16, #tpu.memory_space<vmem>> -> memref<80x64xbf16, #tpu.memory_space<vmem>>
    %dma_start3A_222 = arith.constant 240 : i32
    %dma_start3A_223 = tpu.memref_slice %arg10[%dma_start3A_222] : memref<10000xi32, #tpu.memory_space<vmem>> -> memref<80xi32, #tpu.memory_space<vmem>>
    %dma_start3A_224 = arith.constant 0 : i32
    %dma_start3A_225 = arith.constant 0 : i32
    %dma_start3A_226 = tpu.memref_slice %arg6[%dma_start3A_224, %dma_start3A_225] : memref<20480x64xbf16, #tpu.memory_space<hbm>> -> memref<20480x64xbf16, #tpu.memory_space<hbm>>
    tpu.enqueue_indirect_dma source(%dma_start3A_226 : memref<20480x64xbf16, #tpu.memory_space<hbm>>) target(%dma_start3A_221 : memref<80x64xbf16, #tpu.memory_space<vmem>>) offsets(%dma_start3A_223 : memref<80xi32, #tpu.memory_space<vmem>>) semaphore(%arg19 : memref<!tpu.dma_semaphore, #tpu.memory_space<semaphore_mem>>)
    %scan3A_227 = arith.constant 0 : i32
    %scan3A_228 = arith.constant 0 : i32
    %scan3A_229 = arith.constant 31 : i32
    %scan3A_230 = arith.addi %scan3A_228, %scan3A_229 : i32
    %scan3A_231 = arith.constant 1 : i32
    scf.for %scan3A_245 = %scan3A_228 to %scan3A_230 step %scan3A_231  : i32 {
      %mul3A_246 = arith.constant 4 : i32
      %mul3A_247 = arith.muli %mul3A_246, %scan3A_245 : i32
      %add3A_248 = arith.constant 0 : i32
      %add3A_249 = arith.addi %mul3A_247, %add3A_248 : i32
      %mul3A_250 = arith.constant 80 : i32
      %mul3A_251 = arith.muli %add3A_249, %mul3A_250 : i32
      %dma_wait3A_252 = arith.constant 0 : i32
      %dma_wait3A_253 = arith.constant 0 : i32
      %dma_wait3A_254 = arith.constant 0 : i32
      %dma_wait3A_255 = tpu.memref_slice %arg15[%dma_wait3A_252, %dma_wait3A_253, %dma_wait3A_254] : memref<4x80x64xbf16, #tpu.memory_space<vmem>> -> memref<1x80x64xbf16, #tpu.memory_space<vmem>>
      %dma_wait3A_256 = tpu.memref_squeeze %dma_wait3A_255 : memref<1x80x64xbf16, #tpu.memory_space<vmem>> -> memref<80x64xbf16, #tpu.memory_space<vmem>>
      %dma_wait3A_257 = tpu.memref_slice %arg10[%mul3A_251] : memref<10000xi32, #tpu.memory_space<vmem>> -> memref<80xi32, #tpu.memory_space<vmem>>
      %dma_wait3A_258 = arith.constant 0 : i32
      %dma_wait3A_259 = arith.constant 0 : i32
      %dma_wait3A_260 = tpu.memref_slice %arg6[%dma_wait3A_258, %dma_wait3A_259] : memref<20480x64xbf16, #tpu.memory_space<hbm>> -> memref<20480x64xbf16, #tpu.memory_space<hbm>>
      tpu.wait_indirect_dma semaphore(%arg16 : memref<!tpu.dma_semaphore, #tpu.memory_space<semaphore_mem>>) src(%dma_wait3A_260 : memref<20480x64xbf16, #tpu.memory_space<hbm>>) dst(%dma_wait3A_256 : memref<80x64xbf16, #tpu.memory_space<vmem>>)
      %mul3A_261 = arith.constant 80 : i32
      %mul3A_262 = arith.muli %add3A_249, %mul3A_261 : i32
      %dma_start3A_263 = arith.constant 0 : i32
      %dma_start3A_264 = arith.constant 0 : i32
      %dma_start3A_265 = arith.constant 0 : i32
      %dma_start3A_266 = tpu.memref_slice %arg15[%dma_start3A_263, %dma_start3A_264, %dma_start3A_265] : memref<4x80x64xbf16, #tpu.memory_space<vmem>> -> memref<1x80x64xbf16, #tpu.memory_space<vmem>>
      %dma_start3A_267 = tpu.memref_squeeze %dma_start3A_266 : memref<1x80x64xbf16, #tpu.memory_space<vmem>> -> memref<80x64xbf16, #tpu.memory_space<vmem>>
      %dma_start3A_268 = tpu.memref_slice %arg11[%mul3A_262] : memref<10000xi32, #tpu.memory_space<vmem>> -> memref<80xi32, #tpu.memory_space<vmem>>
      %dma_start3A_269 = arith.constant 0 : i32
      %dma_start3A_270 = arith.constant 0 : i32
      %dma_start3A_271 = tpu.memref_slice %arg24[%dma_start3A_269, %dma_start3A_270] : memref<20480x64xbf16, #tpu.memory_space<vmem_shared>> -> memref<20480x64xbf16, #tpu.memory_space<vmem_shared>>
      tpu.enqueue_indirect_dma source(%dma_start3A_267 : memref<80x64xbf16, #tpu.memory_space<vmem>>) target(%dma_start3A_271 : memref<20480x64xbf16, #tpu.memory_space<vmem_shared>>) offsets(%dma_start3A_268 : memref<80xi32, #tpu.memory_space<vmem>>) semaphore(%arg20 : memref<!tpu.dma_semaphore, #tpu.memory_space<semaphore_mem>>) {add = true}
      %add3A_272 = arith.constant 1 : i32
      %add3A_273 = arith.addi %mul3A_247, %add3A_272 : i32
      %mul3A_274 = arith.constant 80 : i32
      %mul3A_275 = arith.muli %add3A_273, %mul3A_274 : i32
      %dma_wait3A_276 = arith.constant 1 : i32
      %dma_wait3A_277 = arith.constant 0 : i32
      %dma_wait3A_278 = arith.constant 0 : i32
      %dma_wait3A_279 = tpu.memref_slice %arg15[%dma_wait3A_276, %dma_wait3A_277, %dma_wait3A_278] : memref<4x80x64xbf16, #tpu.memory_space<vmem>> -> memref<1x80x64xbf16, #tpu.memory_space<vmem>>
      %dma_wait3A_280 = tpu.memref_squeeze %dma_wait3A_279 : memref<1x80x64xbf16, #tpu.memory_space<vmem>> -> memref<80x64xbf16, #tpu.memory_space<vmem>>
      %dma_wait3A_281 = tpu.memref_slice %arg10[%mul3A_275] : memref<10000xi32, #tpu.memory_space<vmem>> -> memref<80xi32, #tpu.memory_space<vmem>>
      %dma_wait3A_282 = arith.constant 0 : i32
      %dma_wait3A_283 = arith.constant 0 : i32
      %dma_wait3A_284 = tpu.memref_slice %arg6[%dma_wait3A_282, %dma_wait3A_283] : memref<20480x64xbf16, #tpu.memory_space<hbm>> -> memref<20480x64xbf16, #tpu.memory_space<hbm>>
      tpu.wait_indirect_dma semaphore(%arg17 : memref<!tpu.dma_semaphore, #tpu.memory_space<semaphore_mem>>) src(%dma_wait3A_284 : memref<20480x64xbf16, #tpu.memory_space<hbm>>) dst(%dma_wait3A_280 : memref<80x64xbf16, #tpu.memory_space<vmem>>)
      %mul3A_285 = arith.constant 80 : i32
      %mul3A_286 = arith.muli %add3A_273, %mul3A_285 : i32
      %dma_start3A_287 = arith.constant 1 : i32
      %dma_start3A_288 = arith.constant 0 : i32
      %dma_start3A_289 = arith.constant 0 : i32
      %dma_start3A_290 = tpu.memref_slice %arg15[%dma_start3A_287, %dma_start3A_288, %dma_start3A_289] : memref<4x80x64xbf16, #tpu.memory_space<vmem>> -> memref<1x80x64xbf16, #tpu.memory_space<vmem>>
      %dma_start3A_291 = tpu.memref_squeeze %dma_start3A_290 : memref<1x80x64xbf16, #tpu.memory_space<vmem>> -> memref<80x64xbf16, #tpu.memory_space<vmem>>
      %dma_start3A_292 = tpu.memref_slice %arg11[%mul3A_286] : memref<10000xi32, #tpu.memory_space<vmem>> -> memref<80xi32, #tpu.memory_space<vmem>>
      %dma_start3A_293 = arith.constant 0 : i32
      %dma_start3A_294 = arith.constant 0 : i32
      %dma_start3A_295 = tpu.memref_slice %arg24[%dma_start3A_293, %dma_start3A_294] : memref<20480x64xbf16, #tpu.memory_space<vmem_shared>> -> memref<20480x64xbf16, #tpu.memory_space<vmem_shared>>
      tpu.enqueue_indirect_dma source(%dma_start3A_291 : memref<80x64xbf16, #tpu.memory_space<vmem>>) target(%dma_start3A_295 : memref<20480x64xbf16, #tpu.memory_space<vmem_shared>>) offsets(%dma_start3A_292 : memref<80xi32, #tpu.memory_space<vmem>>) semaphore(%arg21 : memref<!tpu.dma_semaphore, #tpu.memory_space<semaphore_mem>>) {add = true}
      %add3A_296 = arith.constant 2 : i32
      %add3A_297 = arith.addi %mul3A_247, %add3A_296 : i32
      %mul3A_298 = arith.constant 80 : i32
      %mul3A_299 = arith.muli %add3A_297, %mul3A_298 : i32
      %dma_wait3A_300 = arith.constant 2 : i32
      %dma_wait3A_301 = arith.constant 0 : i32
      %dma_wait3A_302 = arith.constant 0 : i32
      %dma_wait3A_303 = tpu.memref_slice %arg15[%dma_wait3A_300, %dma_wait3A_301, %dma_wait3A_302] : memref<4x80x64xbf16, #tpu.memory_space<vmem>> -> memref<1x80x64xbf16, #tpu.memory_space<vmem>>
      %dma_wait3A_304 = tpu.memref_squeeze %dma_wait3A_303 : memref<1x80x64xbf16, #tpu.memory_space<vmem>> -> memref<80x64xbf16, #tpu.memory_space<vmem>>
      %dma_wait3A_305 = tpu.memref_slice %arg10[%mul3A_299] : memref<10000xi32, #tpu.memory_space<vmem>> -> memref<80xi32, #tpu.memory_space<vmem>>
      %dma_wait3A_306 = arith.constant 0 : i32
      %dma_wait3A_307 = arith.constant 0 : i32
      %dma_wait3A_308 = tpu.memref_slice %arg6[%dma_wait3A_306, %dma_wait3A_307] : memref<20480x64xbf16, #tpu.memory_space<hbm>> -> memref<20480x64xbf16, #tpu.memory_space<hbm>>
      tpu.wait_indirect_dma semaphore(%arg18 : memref<!tpu.dma_semaphore, #tpu.memory_space<semaphore_mem>>) src(%dma_wait3A_308 : memref<20480x64xbf16, #tpu.memory_space<hbm>>) dst(%dma_wait3A_304 : memref<80x64xbf16, #tpu.memory_space<vmem>>)
      %mul3A_309 = arith.constant 80 : i32
      %mul3A_310 = arith.muli %add3A_297, %mul3A_309 : i32
      %dma_start3A_311 = arith.constant 2 : i32
      %dma_start3A_312 = arith.constant 0 : i32
      %dma_start3A_313 = arith.constant 0 : i32
      %dma_start3A_314 = tpu.memref_slice %arg15[%dma_start3A_311, %dma_start3A_312, %dma_start3A_313] : memref<4x80x64xbf16, #tpu.memory_space<vmem>> -> memref<1x80x64xbf16, #tpu.memory_space<vmem>>
      %dma_start3A_315 = tpu.memref_squeeze %dma_start3A_314 : memref<1x80x64xbf16, #tpu.memory_space<vmem>> -> memref<80x64xbf16, #tpu.memory_space<vmem>>
      %dma_start3A_316 = tpu.memref_slice %arg11[%mul3A_310] : memref<10000xi32, #tpu.memory_space<vmem>> -> memref<80xi32, #tpu.memory_space<vmem>>
      %dma_start3A_317 = arith.constant 0 : i32
      %dma_start3A_318 = arith.constant 0 : i32
      %dma_start3A_319 = tpu.memref_slice %arg24[%dma_start3A_317, %dma_start3A_318] : memref<20480x64xbf16, #tpu.memory_space<vmem_shared>> -> memref<20480x64xbf16, #tpu.memory_space<vmem_shared>>
      tpu.enqueue_indirect_dma source(%dma_start3A_315 : memref<80x64xbf16, #tpu.memory_space<vmem>>) target(%dma_start3A_319 : memref<20480x64xbf16, #tpu.memory_space<vmem_shared>>) offsets(%dma_start3A_316 : memref<80xi32, #tpu.memory_space<vmem>>) semaphore(%arg22 : memref<!tpu.dma_semaphore, #tpu.memory_space<semaphore_mem>>) {add = true}
      %add3A_320 = arith.constant 3 : i32
      %add3A_321 = arith.addi %mul3A_247, %add3A_320 : i32
      %mul3A_322 = arith.constant 80 : i32
      %mul3A_323 = arith.muli %add3A_321, %mul3A_322 : i32
      %dma_wait3A_324 = arith.constant 3 : i32
      %dma_wait3A_325 = arith.constant 0 : i32
      %dma_wait3A_326 = arith.constant 0 : i32
      %dma_wait3A_327 = tpu.memref_slice %arg15[%dma_wait3A_324, %dma_wait3A_325, %dma_wait3A_326] : memref<4x80x64xbf16, #tpu.memory_space<vmem>> -> memref<1x80x64xbf16, #tpu.memory_space<vmem>>
      %dma_wait3A_328 = tpu.memref_squeeze %dma_wait3A_327 : memref<1x80x64xbf16, #tpu.memory_space<vmem>> -> memref<80x64xbf16, #tpu.memory_space<vmem>>
      %dma_wait3A_329 = tpu.memref_slice %arg10[%mul3A_323] : memref<10000xi32, #tpu.memory_space<vmem>> -> memref<80xi32, #tpu.memory_space<vmem>>
      %dma_wait3A_330 = arith.constant 0 : i32
      %dma_wait3A_331 = arith.constant 0 : i32
      %dma_wait3A_332 = tpu.memref_slice %arg6[%dma_wait3A_330, %dma_wait3A_331] : memref<20480x64xbf16, #tpu.memory_space<hbm>> -> memref<20480x64xbf16, #tpu.memory_space<hbm>>
      tpu.wait_indirect_dma semaphore(%arg19 : memref<!tpu.dma_semaphore, #tpu.memory_space<semaphore_mem>>) src(%dma_wait3A_332 : memref<20480x64xbf16, #tpu.memory_space<hbm>>) dst(%dma_wait3A_328 : memref<80x64xbf16, #tpu.memory_space<vmem>>)
      %mul3A_333 = arith.constant 80 : i32
      %mul3A_334 = arith.muli %add3A_321, %mul3A_333 : i32
      %dma_start3A_335 = arith.constant 3 : i32
      %dma_start3A_336 = arith.constant 0 : i32
      %dma_start3A_337 = arith.constant 0 : i32
      %dma_start3A_338 = tpu.memref_slice %arg15[%dma_start3A_335, %dma_start3A_336, %dma_start3A_337] : memref<4x80x64xbf16, #tpu.memory_space<vmem>> -> memref<1x80x64xbf16, #tpu.memory_space<vmem>>
      %dma_start3A_339 = tpu.memref_squeeze %dma_start3A_338 : memref<1x80x64xbf16, #tpu.memory_space<vmem>> -> memref<80x64xbf16, #tpu.memory_space<vmem>>
      %dma_start3A_340 = tpu.memref_slice %arg11[%mul3A_334] : memref<10000xi32, #tpu.memory_space<vmem>> -> memref<80xi32, #tpu.memory_space<vmem>>
      %dma_start3A_341 = arith.constant 0 : i32
      %dma_start3A_342 = arith.constant 0 : i32
      %dma_start3A_343 = tpu.memref_slice %arg24[%dma_start3A_341, %dma_start3A_342] : memref<20480x64xbf16, #tpu.memory_space<vmem_shared>> -> memref<20480x64xbf16, #tpu.memory_space<vmem_shared>>
      tpu.enqueue_indirect_dma source(%dma_start3A_339 : memref<80x64xbf16, #tpu.memory_space<vmem>>) target(%dma_start3A_343 : memref<20480x64xbf16, #tpu.memory_space<vmem_shared>>) offsets(%dma_start3A_340 : memref<80xi32, #tpu.memory_space<vmem>>) semaphore(%arg23 : memref<!tpu.dma_semaphore, #tpu.memory_space<semaphore_mem>>) {add = true}
      %add3A_344 = arith.constant 0 : i32
      %add3A_345 = arith.addi %mul3A_247, %add3A_344 : i32
      %mul3A_346 = arith.constant 80 : i32
      %mul3A_347 = arith.muli %add3A_345, %mul3A_346 : i32
      %dma_wait3A_348 = arith.constant 0 : i32
      %dma_wait3A_349 = arith.constant 0 : i32
      %dma_wait3A_350 = arith.constant 0 : i32
      %dma_wait3A_351 = tpu.memref_slice %arg15[%dma_wait3A_348, %dma_wait3A_349, %dma_wait3A_350] : memref<4x80x64xbf16, #tpu.memory_space<vmem>> -> memref<1x80x64xbf16, #tpu.memory_space<vmem>>
      %dma_wait3A_352 = tpu.memref_squeeze %dma_wait3A_351 : memref<1x80x64xbf16, #tpu.memory_space<vmem>> -> memref<80x64xbf16, #tpu.memory_space<vmem>>
      %dma_wait3A_353 = tpu.memref_slice %arg11[%mul3A_347] : memref<10000xi32, #tpu.memory_space<vmem>> -> memref<80xi32, #tpu.memory_space<vmem>>
      %dma_wait3A_354 = arith.constant 0 : i32
      %dma_wait3A_355 = arith.constant 0 : i32
      %dma_wait3A_356 = tpu.memref_slice %arg24[%dma_wait3A_354, %dma_wait3A_355] : memref<20480x64xbf16, #tpu.memory_space<vmem_shared>> -> memref<20480x64xbf16, #tpu.memory_space<vmem_shared>>
      tpu.wait_indirect_dma semaphore(%arg20 : memref<!tpu.dma_semaphore, #tpu.memory_space<semaphore_mem>>) src(%dma_wait3A_352 : memref<80x64xbf16, #tpu.memory_space<vmem>>) dst(%dma_wait3A_356 : memref<20480x64xbf16, #tpu.memory_space<vmem_shared>>)
      %add3A_357 = arith.constant 4 : i32
      %add3A_358 = arith.addi %add3A_345, %add3A_357 : i32
      %lt3A = arith.constant 125 : i32
      %lt3A_359 = arith.cmpi slt, %add3A_358, %lt3A : i32
      %convert_element_type3A = arith.extui %lt3A_359 : i1 to i32
      %cond3A = arith.constant 0 : i32
      %cond3A_360 = arith.cmpi ne, %convert_element_type3A, %cond3A : i32
      scf.if %cond3A_360 {
        %add3A_421 = arith.constant 4 : i32
        %add3A_422 = arith.addi %add3A_345, %add3A_421 : i32
        %mul3A_423 = arith.constant 80 : i32
        %mul3A_424 = arith.muli %add3A_422, %mul3A_423 : i32
        %dma_start3A_425 = arith.constant 0 : i32
        %dma_start3A_426 = arith.constant 0 : i32
        %dma_start3A_427 = arith.constant 0 : i32
        %dma_start3A_428 = tpu.memref_slice %arg15[%dma_start3A_425, %dma_start3A_426, %dma_start3A_427] : memref<4x80x64xbf16, #tpu.memory_space<vmem>> -> memref<1x80x64xbf16, #tpu.memory_space<vmem>>
        %dma_start3A_429 = tpu.memref_squeeze %dma_start3A_428 : memref<1x80x64xbf16, #tpu.memory_space<vmem>> -> memref<80x64xbf16, #tpu.memory_space<vmem>>
        %dma_start3A_430 = tpu.memref_slice %arg10[%mul3A_424] : memref<10000xi32, #tpu.memory_space<vmem>> -> memref<80xi32, #tpu.memory_space<vmem>>
        %dma_start3A_431 = arith.constant 0 : i32
        %dma_start3A_432 = arith.constant 0 : i32
        %dma_start3A_433 = tpu.memref_slice %arg6[%dma_start3A_431, %dma_start3A_432] : memref<20480x64xbf16, #tpu.memory_space<hbm>> -> memref<20480x64xbf16, #tpu.memory_space<hbm>>
        tpu.enqueue_indirect_dma source(%dma_start3A_433 : memref<20480x64xbf16, #tpu.memory_space<hbm>>) target(%dma_start3A_429 : memref<80x64xbf16, #tpu.memory_space<vmem>>) offsets(%dma_start3A_430 : memref<80xi32, #tpu.memory_space<vmem>>) semaphore(%arg16 : memref<!tpu.dma_semaphore, #tpu.memory_space<semaphore_mem>>)
      } else {
      }
      %add3A_361 = arith.constant 1 : i32
      %add3A_362 = arith.addi %mul3A_247, %add3A_361 : i32
      %mul3A_363 = arith.constant 80 : i32
      %mul3A_364 = arith.muli %add3A_362, %mul3A_363 : i32
      %dma_wait3A_365 = arith.constant 1 : i32
      %dma_wait3A_366 = arith.constant 0 : i32
      %dma_wait3A_367 = arith.constant 0 : i32
      %dma_wait3A_368 = tpu.memref_slice %arg15[%dma_wait3A_365, %dma_wait3A_366, %dma_wait3A_367] : memref<4x80x64xbf16, #tpu.memory_space<vmem>> -> memref<1x80x64xbf16, #tpu.memory_space<vmem>>
      %dma_wait3A_369 = tpu.memref_squeeze %dma_wait3A_368 : memref<1x80x64xbf16, #tpu.memory_space<vmem>> -> memref<80x64xbf16, #tpu.memory_space<vmem>>
      %dma_wait3A_370 = tpu.memref_slice %arg11[%mul3A_364] : memref<10000xi32, #tpu.memory_space<vmem>> -> memref<80xi32, #tpu.memory_space<vmem>>
      %dma_wait3A_371 = arith.constant 0 : i32
      %dma_wait3A_372 = arith.constant 0 : i32
      %dma_wait3A_373 = tpu.memref_slice %arg24[%dma_wait3A_371, %dma_wait3A_372] : memref<20480x64xbf16, #tpu.memory_space<vmem_shared>> -> memref<20480x64xbf16, #tpu.memory_space<vmem_shared>>
      tpu.wait_indirect_dma semaphore(%arg21 : memref<!tpu.dma_semaphore, #tpu.memory_space<semaphore_mem>>) src(%dma_wait3A_369 : memref<80x64xbf16, #tpu.memory_space<vmem>>) dst(%dma_wait3A_373 : memref<20480x64xbf16, #tpu.memory_space<vmem_shared>>)
      %add3A_374 = arith.constant 4 : i32
      %add3A_375 = arith.addi %add3A_362, %add3A_374 : i32
      %lt3A_376 = arith.constant 125 : i32
      %lt3A_377 = arith.cmpi slt, %add3A_375, %lt3A_376 : i32
      %convert_element_type3A_378 = arith.extui %lt3A_377 : i1 to i32
      %cond3A_379 = arith.constant 0 : i32
      %cond3A_380 = arith.cmpi ne, %convert_element_type3A_378, %cond3A_379 : i32
      scf.if %cond3A_380 {
        %add3A_421 = arith.constant 4 : i32
        %add3A_422 = arith.addi %add3A_362, %add3A_421 : i32
        %mul3A_423 = arith.constant 80 : i32
        %mul3A_424 = arith.muli %add3A_422, %mul3A_423 : i32
        %dma_start3A_425 = arith.constant 1 : i32
        %dma_start3A_426 = arith.constant 0 : i32
        %dma_start3A_427 = arith.constant 0 : i32
        %dma_start3A_428 = tpu.memref_slice %arg15[%dma_start3A_425, %dma_start3A_426, %dma_start3A_427] : memref<4x80x64xbf16, #tpu.memory_space<vmem>> -> memref<1x80x64xbf16, #tpu.memory_space<vmem>>
        %dma_start3A_429 = tpu.memref_squeeze %dma_start3A_428 : memref<1x80x64xbf16, #tpu.memory_space<vmem>> -> memref<80x64xbf16, #tpu.memory_space<vmem>>
        %dma_start3A_430 = tpu.memref_slice %arg10[%mul3A_424] : memref<10000xi32, #tpu.memory_space<vmem>> -> memref<80xi32, #tpu.memory_space<vmem>>
        %dma_start3A_431 = arith.constant 0 : i32
        %dma_start3A_432 = arith.constant 0 : i32
        %dma_start3A_433 = tpu.memref_slice %arg6[%dma_start3A_431, %dma_start3A_432] : memref<20480x64xbf16, #tpu.memory_space<hbm>> -> memref<20480x64xbf16, #tpu.memory_space<hbm>>
        tpu.enqueue_indirect_dma source(%dma_start3A_433 : memref<20480x64xbf16, #tpu.memory_space<hbm>>) target(%dma_start3A_429 : memref<80x64xbf16, #tpu.memory_space<vmem>>) offsets(%dma_start3A_430 : memref<80xi32, #tpu.memory_space<vmem>>) semaphore(%arg17 : memref<!tpu.dma_semaphore, #tpu.memory_space<semaphore_mem>>)
      } else {
      }
      %add3A_381 = arith.constant 2 : i32
      %add3A_382 = arith.addi %mul3A_247, %add3A_381 : i32
      %mul3A_383 = arith.constant 80 : i32
      %mul3A_384 = arith.muli %add3A_382, %mul3A_383 : i32
      %dma_wait3A_385 = arith.constant 2 : i32
      %dma_wait3A_386 = arith.constant 0 : i32
      %dma_wait3A_387 = arith.constant 0 : i32
      %dma_wait3A_388 = tpu.memref_slice %arg15[%dma_wait3A_385, %dma_wait3A_386, %dma_wait3A_387] : memref<4x80x64xbf16, #tpu.memory_space<vmem>> -> memref<1x80x64xbf16, #tpu.memory_space<vmem>>
      %dma_wait3A_389 = tpu.memref_squeeze %dma_wait3A_388 : memref<1x80x64xbf16, #tpu.memory_space<vmem>> -> memref<80x64xbf16, #tpu.memory_space<vmem>>
      %dma_wait3A_390 = tpu.memref_slice %arg11[%mul3A_384] : memref<10000xi32, #tpu.memory_space<vmem>> -> memref<80xi32, #tpu.memory_space<vmem>>
      %dma_wait3A_391 = arith.constant 0 : i32
      %dma_wait3A_392 = arith.constant 0 : i32
      %dma_wait3A_393 = tpu.memref_slice %arg24[%dma_wait3A_391, %dma_wait3A_392] : memref<20480x64xbf16, #tpu.memory_space<vmem_shared>> -> memref<20480x64xbf16, #tpu.memory_space<vmem_shared>>
      tpu.wait_indirect_dma semaphore(%arg22 : memref<!tpu.dma_semaphore, #tpu.memory_space<semaphore_mem>>) src(%dma_wait3A_389 : memref<80x64xbf16, #tpu.memory_space<vmem>>) dst(%dma_wait3A_393 : memref<20480x64xbf16, #tpu.memory_space<vmem_shared>>)
      %add3A_394 = arith.constant 4 : i32
      %add3A_395 = arith.addi %add3A_382, %add3A_394 : i32
      %lt3A_396 = arith.constant 125 : i32
      %lt3A_397 = arith.cmpi slt, %add3A_395, %lt3A_396 : i32
      %convert_element_type3A_398 = arith.extui %lt3A_397 : i1 to i32
      %cond3A_399 = arith.constant 0 : i32
      %cond3A_400 = arith.cmpi ne, %convert_element_type3A_398, %cond3A_399 : i32
      scf.if %cond3A_400 {
        %add3A_421 = arith.constant 4 : i32
        %add3A_422 = arith.addi %add3A_382, %add3A_421 : i32
        %mul3A_423 = arith.constant 80 : i32
        %mul3A_424 = arith.muli %add3A_422, %mul3A_423 : i32
        %dma_start3A_425 = arith.constant 2 : i32
        %dma_start3A_426 = arith.constant 0 : i32
        %dma_start3A_427 = arith.constant 0 : i32
        %dma_start3A_428 = tpu.memref_slice %arg15[%dma_start3A_425, %dma_start3A_426, %dma_start3A_427] : memref<4x80x64xbf16, #tpu.memory_space<vmem>> -> memref<1x80x64xbf16, #tpu.memory_space<vmem>>
        %dma_start3A_429 = tpu.memref_squeeze %dma_start3A_428 : memref<1x80x64xbf16, #tpu.memory_space<vmem>> -> memref<80x64xbf16, #tpu.memory_space<vmem>>
        %dma_start3A_430 = tpu.memref_slice %arg10[%mul3A_424] : memref<10000xi32, #tpu.memory_space<vmem>> -> memref<80xi32, #tpu.memory_space<vmem>>
        %dma_start3A_431 = arith.constant 0 : i32
        %dma_start3A_432 = arith.constant 0 : i32
        %dma_start3A_433 = tpu.memref_slice %arg6[%dma_start3A_431, %dma_start3A_432] : memref<20480x64xbf16, #tpu.memory_space<hbm>> -> memref<20480x64xbf16, #tpu.memory_space<hbm>>
        tpu.enqueue_indirect_dma source(%dma_start3A_433 : memref<20480x64xbf16, #tpu.memory_space<hbm>>) target(%dma_start3A_429 : memref<80x64xbf16, #tpu.memory_space<vmem>>) offsets(%dma_start3A_430 : memref<80xi32, #tpu.memory_space<vmem>>) semaphore(%arg18 : memref<!tpu.dma_semaphore, #tpu.memory_space<semaphore_mem>>)
      } else {
      }
      %add3A_401 = arith.constant 3 : i32
      %add3A_402 = arith.addi %mul3A_247, %add3A_401 : i32
      %mul3A_403 = arith.constant 80 : i32
      %mul3A_404 = arith.muli %add3A_402, %mul3A_403 : i32
      %dma_wait3A_405 = arith.constant 3 : i32
      %dma_wait3A_406 = arith.constant 0 : i32
      %dma_wait3A_407 = arith.constant 0 : i32
      %dma_wait3A_408 = tpu.memref_slice %arg15[%dma_wait3A_405, %dma_wait3A_406, %dma_wait3A_407] : memref<4x80x64xbf16, #tpu.memory_space<vmem>> -> memref<1x80x64xbf16, #tpu.memory_space<vmem>>
      %dma_wait3A_409 = tpu.memref_squeeze %dma_wait3A_408 : memref<1x80x64xbf16, #tpu.memory_space<vmem>> -> memref<80x64xbf16, #tpu.memory_space<vmem>>
      %dma_wait3A_410 = tpu.memref_slice %arg11[%mul3A_404] : memref<10000xi32, #tpu.memory_space<vmem>> -> memref<80xi32, #tpu.memory_space<vmem>>
      %dma_wait3A_411 = arith.constant 0 : i32
      %dma_wait3A_412 = arith.constant 0 : i32
      %dma_wait3A_413 = tpu.memref_slice %arg24[%dma_wait3A_411, %dma_wait3A_412] : memref<20480x64xbf16, #tpu.memory_space<vmem_shared>> -> memref<20480x64xbf16, #tpu.memory_space<vmem_shared>>
      tpu.wait_indirect_dma semaphore(%arg23 : memref<!tpu.dma_semaphore, #tpu.memory_space<semaphore_mem>>) src(%dma_wait3A_409 : memref<80x64xbf16, #tpu.memory_space<vmem>>) dst(%dma_wait3A_413 : memref<20480x64xbf16, #tpu.memory_space<vmem_shared>>)
      %add3A_414 = arith.constant 4 : i32
      %add3A_415 = arith.addi %add3A_402, %add3A_414 : i32
      %lt3A_416 = arith.constant 125 : i32
      %lt3A_417 = arith.cmpi slt, %add3A_415, %lt3A_416 : i32
      %convert_element_type3A_418 = arith.extui %lt3A_417 : i1 to i32
      %cond3A_419 = arith.constant 0 : i32
      %cond3A_420 = arith.cmpi ne, %convert_element_type3A_418, %cond3A_419 : i32
      scf.if %cond3A_420 {
        %add3A_421 = arith.constant 4 : i32
        %add3A_422 = arith.addi %add3A_402, %add3A_421 : i32
        %mul3A_423 = arith.constant 80 : i32
        %mul3A_424 = arith.muli %add3A_422, %mul3A_423 : i32
        %dma_start3A_425 = arith.constant 3 : i32
        %dma_start3A_426 = arith.constant 0 : i32
        %dma_start3A_427 = arith.constant 0 : i32
        %dma_start3A_428 = tpu.memref_slice %arg15[%dma_start3A_425, %dma_start3A_426, %dma_start3A_427] : memref<4x80x64xbf16, #tpu.memory_space<vmem>> -> memref<1x80x64xbf16, #tpu.memory_space<vmem>>
        %dma_start3A_429 = tpu.memref_squeeze %dma_start3A_428 : memref<1x80x64xbf16, #tpu.memory_space<vmem>> -> memref<80x64xbf16, #tpu.memory_space<vmem>>
        %dma_start3A_430 = tpu.memref_slice %arg10[%mul3A_424] : memref<10000xi32, #tpu.memory_space<vmem>> -> memref<80xi32, #tpu.memory_space<vmem>>
        %dma_start3A_431 = arith.constant 0 : i32
        %dma_start3A_432 = arith.constant 0 : i32
        %dma_start3A_433 = tpu.memref_slice %arg6[%dma_start3A_431, %dma_start3A_432] : memref<20480x64xbf16, #tpu.memory_space<hbm>> -> memref<20480x64xbf16, #tpu.memory_space<hbm>>
        tpu.enqueue_indirect_dma source(%dma_start3A_433 : memref<20480x64xbf16, #tpu.memory_space<hbm>>) target(%dma_start3A_429 : memref<80x64xbf16, #tpu.memory_space<vmem>>) offsets(%dma_start3A_430 : memref<80xi32, #tpu.memory_space<vmem>>) semaphore(%arg19 : memref<!tpu.dma_semaphore, #tpu.memory_space<semaphore_mem>>)
      } else {
      }
    }
    %scan3A_232 = arith.constant 31 : i32
    %dma_wait3A_233 = arith.constant 0 : i32
    %dma_wait3A_234 = arith.constant 0 : i32
    %dma_wait3A_235 = arith.constant 0 : i32
    %dma_wait3A_236 = tpu.memref_slice %arg15[%dma_wait3A_233, %dma_wait3A_234, %dma_wait3A_235] : memref<4x80x64xbf16, #tpu.memory_space<vmem>> -> memref<1x80x64xbf16, #tpu.memory_space<vmem>>
    %dma_wait3A_237 = tpu.memref_squeeze %dma_wait3A_236 : memref<1x80x64xbf16, #tpu.memory_space<vmem>> -> memref<80x64xbf16, #tpu.memory_space<vmem>>
    %dma_wait3A_238 = arith.constant 9920 : i32
    %dma_wait3A_239 = tpu.memref_slice %arg10[%dma_wait3A_238] : memref<10000xi32, #tpu.memory_space<vmem>> -> memref<80xi32, #tpu.memory_space<vmem>>
    %dma_wait3A_240 = arith.constant 0 : i32
    %dma_wait3A_241 = arith.constant 0 : i32
    %dma_wait3A_242 = tpu.memref_slice %arg6[%dma_wait3A_240, %dma_wait3A_241] : memref<20480x64xbf16, #tpu.memory_space<hbm>> -> memref<20480x64xbf16, #tpu.memory_space<hbm>>
    tpu.wait_indirect_dma semaphore(%arg16 : memref<!tpu.dma_semaphore, #tpu.memory_space<semaphore_mem>>) src(%dma_wait3A_242 : memref<20480x64xbf16, #tpu.memory_space<hbm>>) dst(%dma_wait3A_237 : memref<80x64xbf16, #tpu.memory_space<vmem>>)
    %run_scoped3A_243 = arith.constant 0 : i32
    "tpu.region"() ({
      %run_scoped3A_245 = tpu.sem_alloc : memref<!tpu.dma_semaphore, #tpu.memory_space<semaphore_mem>>
      %dma_start3A_246 = arith.constant 0 : i32
      %dma_start3A_247 = arith.constant 0 : i32
      %dma_start3A_248 = tpu.memref_slice %arg15[%run_scoped3A_243, %dma_start3A_246, %dma_start3A_247] : memref<4x80x64xbf16, #tpu.memory_space<vmem>> -> memref<1x80x64xbf16, #tpu.memory_space<vmem>>
      %dma_start3A_249 = tpu.memref_squeeze %dma_start3A_248 : memref<1x80x64xbf16, #tpu.memory_space<vmem>> -> memref<80x64xbf16, #tpu.memory_space<vmem>>
      %dma_start3A_250 = arith.constant 9920 : i32
      %dma_start3A_251 = tpu.memref_slice %arg11[%dma_start3A_250] : memref<10000xi32, #tpu.memory_space<vmem>> -> memref<80xi32, #tpu.memory_space<vmem>>
      %dma_start3A_252 = arith.constant 0 : i32
      %dma_start3A_253 = arith.constant 0 : i32
      %dma_start3A_254 = tpu.memref_slice %arg24[%dma_start3A_252, %dma_start3A_253] : memref<20480x64xbf16, #tpu.memory_space<vmem_shared>> -> memref<20480x64xbf16, #tpu.memory_space<vmem_shared>>
      tpu.enqueue_indirect_dma source(%dma_start3A_249 : memref<80x64xbf16, #tpu.memory_space<vmem>>) target(%dma_start3A_254 : memref<20480x64xbf16, #tpu.memory_space<vmem_shared>>) offsets(%dma_start3A_251 : memref<80xi32, #tpu.memory_space<vmem>>) semaphore(%run_scoped3A_245 : memref<!tpu.dma_semaphore, #tpu.memory_space<semaphore_mem>>) {add = true}
      %dma_wait3A_255 = arith.constant 0 : i32
      %dma_wait3A_256 = arith.constant 0 : i32
      %dma_wait3A_257 = tpu.memref_slice %arg15[%run_scoped3A_243, %dma_wait3A_255, %dma_wait3A_256] : memref<4x80x64xbf16, #tpu.memory_space<vmem>> -> memref<1x80x64xbf16, #tpu.memory_space<vmem>>
      %dma_wait3A_258 = tpu.memref_squeeze %dma_wait3A_257 : memref<1x80x64xbf16, #tpu.memory_space<vmem>> -> memref<80x64xbf16, #tpu.memory_space<vmem>>
      %dma_wait3A_259 = arith.constant 9920 : i32
      %dma_wait3A_260 = tpu.memref_slice %arg11[%dma_wait3A_259] : memref<10000xi32, #tpu.memory_space<vmem>> -> memref<80xi32, #tpu.memory_space<vmem>>
      %dma_wait3A_261 = arith.constant 0 : i32
      %dma_wait3A_262 = arith.constant 0 : i32
      %dma_wait3A_263 = tpu.memref_slice %arg24[%dma_wait3A_261, %dma_wait3A_262] : memref<20480x64xbf16, #tpu.memory_space<vmem_shared>> -> memref<20480x64xbf16, #tpu.memory_space<vmem_shared>>
      tpu.wait_indirect_dma semaphore(%run_scoped3A_245 : memref<!tpu.dma_semaphore, #tpu.memory_space<semaphore_mem>>) src(%dma_wait3A_258 : memref<80x64xbf16, #tpu.memory_space<vmem>>) dst(%dma_wait3A_263 : memref<20480x64xbf16, #tpu.memory_space<vmem_shared>>)
      tpu.yield
    }) : () -> ()
    %barrier3A_244 = arith.constant 0 : index
    tpu.barrier barrier_id(%barrier3A_244)
    "tpu.region"() ({
      %run_scoped3A_245 = tpu.sem_alloc : memref<!tpu.dma_semaphore, #tpu.memory_space<semaphore_mem>>
      %dma_start3A_246 = arith.constant 0 : i32
      %dma_start3A_247 = tpu.memref_slice %arg8[%arg0, %mul3A_2, %dma_start3A_246] : memref<2x20480x64xbf16, #tpu.memory_space<hbm>> -> memref<1x1280x64xbf16, #tpu.memory_space<hbm>>
      %dma_start3A_248 = tpu.memref_squeeze %dma_start3A_247 : memref<1x1280x64xbf16, #tpu.memory_space<hbm>> -> memref<1280x64xbf16, #tpu.memory_space<hbm>>
      %dma_start3A_249 = arith.constant 0 : i32
      %dma_start3A_250 = tpu.memref_slice %arg24[%mul3A_2, %dma_start3A_249] : memref<20480x64xbf16, #tpu.memory_space<vmem_shared>> -> memref<1280x64xbf16, #tpu.memory_space<vmem_shared>>
      tpu.enqueue_dma source(%dma_start3A_250 : memref<1280x64xbf16, #tpu.memory_space<vmem_shared>>) target(%dma_start3A_248 : memref<1280x64xbf16, #tpu.memory_space<hbm>>) target_semaphore(%run_scoped3A_245 : memref<!tpu.dma_semaphore, #tpu.memory_space<semaphore_mem>>)
      %dma_wait3A_251 = arith.constant 0 : i32
      %dma_wait3A_252 = tpu.memref_slice %arg8[%arg0, %mul3A_2, %dma_wait3A_251] : memref<2x20480x64xbf16, #tpu.memory_space<hbm>> -> memref<1x1280x64xbf16, #tpu.memory_space<hbm>>
      %dma_wait3A_253 = tpu.memref_squeeze %dma_wait3A_252 : memref<1x1280x64xbf16, #tpu.memory_space<hbm>> -> memref<1280x64xbf16, #tpu.memory_space<hbm>>
      %dma_wait3A_254 = arith.constant 0 : i32
      %dma_wait3A_255 = tpu.memref_slice %arg24[%mul3A_2, %dma_wait3A_254] : memref<20480x64xbf16, #tpu.memory_space<vmem_shared>> -> memref<1280x64xbf16, #tpu.memory_space<vmem_shared>>
      tpu.wait_dma2 semaphore(%run_scoped3A_245 : memref<!tpu.dma_semaphore, #tpu.memory_space<semaphore_mem>>) src(%dma_wait3A_255 : memref<1280x64xbf16, #tpu.memory_space<vmem_shared>>) dst(%dma_wait3A_253 : memref<1280x64xbf16, #tpu.memory_space<hbm>>)
      tpu.yield
    }) : () -> ()
    return
  }
}

#map = affine_map<(d0, d1) -> (0, 0)>
#map1 = affine_map<(d0, d1) -> (0)>
#map2 = affine_map<(d0, d1) -> (0, 0, 0)>
module attributes {stable_mosaic.version = 14 : i64} {
  func.func @sc_edge(%arg0: i32, %arg1: i32, %arg2: memref<2x320000xi32, #tpu.memory_space<hbm>>, %arg3: memref<10240xf32, #tpu.memory_space<hbm>>, %arg4: memref<10240xf32, #tpu.memory_space<hbm>>, %arg5: memref<20480x64xbf16, #tpu.memory_space<hbm>>, %arg6: memref<2x20480x64xbf16, #tpu.memory_space<hbm>>, %arg7: memref<32x20480xf32, #tpu.memory_space<hbm>>, %arg8: memref<10000xi32, #tpu.memory_space<vmem>>, %arg9: memref<10000xi32, #tpu.memory_space<vmem>>, %arg10: memref<10240xf32, #tpu.memory_space<vmem>>, %arg11: memref<10240xf32, #tpu.memory_space<vmem>>, %arg12: memref<20480xf32, #tpu.memory_space<vmem>>, %arg13: memref<4x80x64xbf16, #tpu.memory_space<vmem>>, %arg14: memref<!tpu.dma_semaphore, #tpu.memory_space<semaphore_mem>>, %arg15: memref<!tpu.dma_semaphore, #tpu.memory_space<semaphore_mem>>, %arg16: memref<!tpu.dma_semaphore, #tpu.memory_space<semaphore_mem>>, %arg17: memref<!tpu.dma_semaphore, #tpu.memory_space<semaphore_mem>>, %arg18: memref<!tpu.dma_semaphore, #tpu.memory_space<semaphore_mem>>, %arg19: memref<!tpu.dma_semaphore, #tpu.memory_space<semaphore_mem>>, %arg20: memref<!tpu.dma_semaphore, #tpu.memory_space<semaphore_mem>>, %arg21: memref<!tpu.dma_semaphore, #tpu.memory_space<semaphore_mem>>, %arg22: memref<20480x64xbf16, #tpu.memory_space<vmem_shared>>) attributes {dimension_semantics = [#tpu.dimension_semantics<core_parallel>, #tpu.dimension_semantics<subcore_parallel>], iteration_bounds = array<i64: 2, 16>, scalar_prefetch = 0 : i64, scratch_operands = 15 : i64, tpu.core_type = #tpu.core_type<sc_vector_subcore>, window_params = [{transform_indices = #map}, {transform_indices = #map1}, {transform_indices = #map1}, {transform_indices = #map}, {transform_indices = #map2}, {transform_indices = #map}]} {
    %mul3A = arith.constant 16 : i32
    %mul3A_0 = arith.muli %arg0, %mul3A : i32
    %add3A = arith.addi %mul3A_0, %arg1 : i32
    %mul3A_1 = arith.constant 1280 : i32
    %mul3A_2 = arith.muli %arg1, %mul3A_1 : i32
    %mul3A_3 = arith.constant 10000 : i32
    %mul3A_4 = arith.muli %add3A, %mul3A_3 : i32
    %run_scoped3A = arith.constant 0 : i32
    "tpu.region"() ({
      %run_scoped3A_132 = tpu.sem_alloc : memref<!tpu.dma_semaphore, #tpu.memory_space<semaphore_mem>>
      %dma_start3A_133 = tpu.memref_slice %arg2[%run_scoped3A, %mul3A_4] : memref<2x320000xi32, #tpu.memory_space<hbm>> -> memref<1x10000xi32, #tpu.memory_space<hbm>>
      %dma_start3A_134 = tpu.memref_squeeze %dma_start3A_133 : memref<1x10000xi32, #tpu.memory_space<hbm>> -> memref<10000xi32, #tpu.memory_space<hbm>>
      %dma_start3A_135 = tpu.memref_slice %arg2[%run_scoped3A, %mul3A_4] : memref<2x320000xi32, #tpu.memory_space<hbm>> -> memref<1x10000xi32, #tpu.memory_space<hbm>>
      %dma_start3A_136 = tpu.memref_squeeze %dma_start3A_135 : memref<1x10000xi32, #tpu.memory_space<hbm>> -> memref<10000xi32, #tpu.memory_space<hbm>>
      tpu.enqueue_dma source(%dma_start3A_136 : memref<10000xi32, #tpu.memory_space<hbm>>) target(%arg8 : memref<10000xi32, #tpu.memory_space<vmem>>) target_semaphore(%run_scoped3A_132 : memref<!tpu.dma_semaphore, #tpu.memory_space<semaphore_mem>>)
      %dma_wait3A_137 = tpu.memref_slice %arg2[%run_scoped3A, %mul3A_4] : memref<2x320000xi32, #tpu.memory_space<hbm>> -> memref<1x10000xi32, #tpu.memory_space<hbm>>
      %dma_wait3A_138 = tpu.memref_squeeze %dma_wait3A_137 : memref<1x10000xi32, #tpu.memory_space<hbm>> -> memref<10000xi32, #tpu.memory_space<hbm>>
      %dma_wait3A_139 = tpu.memref_slice %arg2[%run_scoped3A, %mul3A_4] : memref<2x320000xi32, #tpu.memory_space<hbm>> -> memref<1x10000xi32, #tpu.memory_space<hbm>>
      %dma_wait3A_140 = tpu.memref_squeeze %dma_wait3A_139 : memref<1x10000xi32, #tpu.memory_space<hbm>> -> memref<10000xi32, #tpu.memory_space<hbm>>
      tpu.wait_dma2 semaphore(%run_scoped3A_132 : memref<!tpu.dma_semaphore, #tpu.memory_space<semaphore_mem>>) src(%dma_wait3A_140 : memref<10000xi32, #tpu.memory_space<hbm>>) dst(%arg8 : memref<10000xi32, #tpu.memory_space<vmem>>)
      tpu.yield
    }) : () -> ()
    %mul3A_5 = arith.constant 10000 : i32
    %mul3A_6 = arith.muli %add3A, %mul3A_5 : i32
    %run_scoped3A_7 = arith.constant 1 : i32
    "tpu.region"() ({
      %run_scoped3A_132 = tpu.sem_alloc : memref<!tpu.dma_semaphore, #tpu.memory_space<semaphore_mem>>
      %dma_start3A_133 = tpu.memref_slice %arg2[%run_scoped3A_7, %mul3A_6] : memref<2x320000xi32, #tpu.memory_space<hbm>> -> memref<1x10000xi32, #tpu.memory_space<hbm>>
      %dma_start3A_134 = tpu.memref_squeeze %dma_start3A_133 : memref<1x10000xi32, #tpu.memory_space<hbm>> -> memref<10000xi32, #tpu.memory_space<hbm>>
      %dma_start3A_135 = tpu.memref_slice %arg2[%run_scoped3A_7, %mul3A_6] : memref<2x320000xi32, #tpu.memory_space<hbm>> -> memref<1x10000xi32, #tpu.memory_space<hbm>>
      %dma_start3A_136 = tpu.memref_squeeze %dma_start3A_135 : memref<1x10000xi32, #tpu.memory_space<hbm>> -> memref<10000xi32, #tpu.memory_space<hbm>>
      tpu.enqueue_dma source(%dma_start3A_136 : memref<10000xi32, #tpu.memory_space<hbm>>) target(%arg9 : memref<10000xi32, #tpu.memory_space<vmem>>) target_semaphore(%run_scoped3A_132 : memref<!tpu.dma_semaphore, #tpu.memory_space<semaphore_mem>>)
      %dma_wait3A_137 = tpu.memref_slice %arg2[%run_scoped3A_7, %mul3A_6] : memref<2x320000xi32, #tpu.memory_space<hbm>> -> memref<1x10000xi32, #tpu.memory_space<hbm>>
      %dma_wait3A_138 = tpu.memref_squeeze %dma_wait3A_137 : memref<1x10000xi32, #tpu.memory_space<hbm>> -> memref<10000xi32, #tpu.memory_space<hbm>>
      %dma_wait3A_139 = tpu.memref_slice %arg2[%run_scoped3A_7, %mul3A_6] : memref<2x320000xi32, #tpu.memory_space<hbm>> -> memref<1x10000xi32, #tpu.memory_space<hbm>>
      %dma_wait3A_140 = tpu.memref_squeeze %dma_wait3A_139 : memref<1x10000xi32, #tpu.memory_space<hbm>> -> memref<10000xi32, #tpu.memory_space<hbm>>
      tpu.wait_dma2 semaphore(%run_scoped3A_132 : memref<!tpu.dma_semaphore, #tpu.memory_space<semaphore_mem>>) src(%dma_wait3A_140 : memref<10000xi32, #tpu.memory_space<hbm>>) dst(%arg9 : memref<10000xi32, #tpu.memory_space<vmem>>)
      tpu.yield
    }) : () -> ()
    "tpu.region"() ({
      %run_scoped3A_132 = tpu.sem_alloc : memref<!tpu.dma_semaphore, #tpu.memory_space<semaphore_mem>>
      tpu.enqueue_dma source(%arg3 : memref<10240xf32, #tpu.memory_space<hbm>>) target(%arg10 : memref<10240xf32, #tpu.memory_space<vmem>>) target_semaphore(%run_scoped3A_132 : memref<!tpu.dma_semaphore, #tpu.memory_space<semaphore_mem>>)
      tpu.wait_dma2 semaphore(%run_scoped3A_132 : memref<!tpu.dma_semaphore, #tpu.memory_space<semaphore_mem>>) src(%arg3 : memref<10240xf32, #tpu.memory_space<hbm>>) dst(%arg10 : memref<10240xf32, #tpu.memory_space<vmem>>)
      tpu.yield
    }) : () -> ()
    "tpu.region"() ({
      %run_scoped3A_132 = tpu.sem_alloc : memref<!tpu.dma_semaphore, #tpu.memory_space<semaphore_mem>>
      tpu.enqueue_dma source(%arg4 : memref<10240xf32, #tpu.memory_space<hbm>>) target(%arg11 : memref<10240xf32, #tpu.memory_space<vmem>>) target_semaphore(%run_scoped3A_132 : memref<!tpu.dma_semaphore, #tpu.memory_space<semaphore_mem>>)
      tpu.wait_dma2 semaphore(%run_scoped3A_132 : memref<!tpu.dma_semaphore, #tpu.memory_space<semaphore_mem>>) src(%arg4 : memref<10240xf32, #tpu.memory_space<hbm>>) dst(%arg11 : memref<10240xf32, #tpu.memory_space<vmem>>)
      tpu.yield
    }) : () -> ()
    %broadcast_in_dim3A = arith.constant 0.000000e+00 : f32
    %broadcast_in_dim3A_8 = vector.broadcast %broadcast_in_dim3A : f32 to vector<16xf32>
    %broadcast_in_dim3A_9 = arith.constant 0.000000e+00 : bf16
    %broadcast_in_dim3A_10 = vector.broadcast %broadcast_in_dim3A_9 : bf16 to vector<32xbf16>
    %scan3A = arith.constant 0 : i32
    %scan3A_11 = arith.constant 0 : i32
    %scan3A_12 = arith.constant 80 : i32
    %scan3A_13 = arith.addi %scan3A_11, %scan3A_12 : i32
    %scan3A_14 = arith.constant 1 : i32
    scf.for %scan3A_132 = %scan3A_11 to %scan3A_13 step %scan3A_14  : i32 {
      %swap3A = arith.constant 0 : i32
      %swap3A_133 = arith.index_cast %swap3A : i32 to index
      %swap3A_134 = arith.index_cast %scan3A_132 : i32 to index
      %swap3A_135 = arith.constant 0 : index
      %swap3A_136 = tpu.vector_load %arg13[%swap3A_133, %swap3A_134, %swap3A_135] {strides = array<i32>} : memref<4x80x64xbf16, #tpu.memory_space<vmem>>, vector<32xbf16>,
      tpu.vector_store %arg13[%swap3A_133, %swap3A_134, %swap3A_135], %broadcast_in_dim3A_10 {strides = array<i32>} : memref<4x80x64xbf16, #tpu.memory_space<vmem>>, vector<32xbf16>,
      %swap3A_137 = arith.constant 0 : i32
      %swap3A_138 = arith.index_cast %swap3A_137 : i32 to index
      %swap3A_139 = arith.index_cast %scan3A_132 : i32 to index
      %swap3A_140 = arith.constant 32 : index
      %swap3A_141 = tpu.vector_load %arg13[%swap3A_138, %swap3A_139, %swap3A_140] {strides = array<i32>} : memref<4x80x64xbf16, #tpu.memory_space<vmem>>, vector<32xbf16>,
      tpu.vector_store %arg13[%swap3A_138, %swap3A_139, %swap3A_140], %broadcast_in_dim3A_10 {strides = array<i32>} : memref<4x80x64xbf16, #tpu.memory_space<vmem>>, vector<32xbf16>,
    }
    %scan3A_15 = arith.constant 80 : i32
    %add3A_16 = arith.constant 0 : i32
    %add3A_17 = arith.addi %mul3A_2, %add3A_16 : i32
    %run_scoped3A_18 = arith.constant 0 : i32
    "tpu.region"() ({
      %run_scoped3A_132 = tpu.sem_alloc : memref<!tpu.dma_semaphore, #tpu.memory_space<semaphore_mem>>
      %dma_start3A_133 = arith.constant 0 : i32
      %dma_start3A_134 = arith.constant 0 : i32
      %dma_start3A_135 = tpu.memref_slice %arg13[%run_scoped3A_18, %dma_start3A_133, %dma_start3A_134] : memref<4x80x64xbf16, #tpu.memory_space<vmem>> -> memref<1x80x64xbf16, #tpu.memory_space<vmem>>
      %dma_start3A_136 = tpu.memref_squeeze %dma_start3A_135 : memref<1x80x64xbf16, #tpu.memory_space<vmem>> -> memref<80x64xbf16, #tpu.memory_space<vmem>>
      %dma_start3A_137 = arith.constant 0 : i32
      %dma_start3A_138 = tpu.memref_slice %arg22[%add3A_17, %dma_start3A_137] : memref<20480x64xbf16, #tpu.memory_space<vmem_shared>> -> memref<80x64xbf16, #tpu.memory_space<vmem_shared>>
      %dma_start3A_139 = arith.constant 0 : i32
      %dma_start3A_140 = tpu.memref_slice %arg22[%add3A_17, %dma_start3A_139] : memref<20480x64xbf16, #tpu.memory_space<vmem_shared>> -> memref<80x64xbf16, #tpu.memory_space<vmem_shared>>
      %dma_start3A_141 = arith.constant 0 : i32
      %dma_start3A_142 = arith.constant 0 : i32
      %dma_start3A_143 = tpu.memref_slice %arg13[%run_scoped3A_18, %dma_start3A_141, %dma_start3A_142] : memref<4x80x64xbf16, #tpu.memory_space<vmem>> -> memref<1x80x64xbf16, #tpu.memory_space<vmem>>
      %dma_start3A_144 = tpu.memref_squeeze %dma_start3A_143 : memref<1x80x64xbf16, #tpu.memory_space<vmem>> -> memref<80x64xbf16, #tpu.memory_space<vmem>>
      tpu.enqueue_dma source(%dma_start3A_144 : memref<80x64xbf16, #tpu.memory_space<vmem>>) target(%dma_start3A_140 : memref<80x64xbf16, #tpu.memory_space<vmem_shared>>) target_semaphore(%run_scoped3A_132 : memref<!tpu.dma_semaphore, #tpu.memory_space<semaphore_mem>>)
      %dma_wait3A_145 = arith.constant 0 : i32
      %dma_wait3A_146 = arith.constant 0 : i32
      %dma_wait3A_147 = tpu.memref_slice %arg13[%run_scoped3A_18, %dma_wait3A_145, %dma_wait3A_146] : memref<4x80x64xbf16, #tpu.memory_space<vmem>> -> memref<1x80x64xbf16, #tpu.memory_space<vmem>>
      %dma_wait3A_148 = tpu.memref_squeeze %dma_wait3A_147 : memref<1x80x64xbf16, #tpu.memory_space<vmem>> -> memref<80x64xbf16, #tpu.memory_space<vmem>>
      %dma_wait3A_149 = arith.constant 0 : i32
      %dma_wait3A_150 = tpu.memref_slice %arg22[%add3A_17, %dma_wait3A_149] : memref<20480x64xbf16, #tpu.memory_space<vmem_shared>> -> memref<80x64xbf16, #tpu.memory_space<vmem_shared>>
      %dma_wait3A_151 = arith.constant 0 : i32
      %dma_wait3A_152 = tpu.memref_slice %arg22[%add3A_17, %dma_wait3A_151] : memref<20480x64xbf16, #tpu.memory_space<vmem_shared>> -> memref<80x64xbf16, #tpu.memory_space<vmem_shared>>
      %dma_wait3A_153 = arith.constant 0 : i32
      %dma_wait3A_154 = arith.constant 0 : i32
      %dma_wait3A_155 = tpu.memref_slice %arg13[%run_scoped3A_18, %dma_wait3A_153, %dma_wait3A_154] : memref<4x80x64xbf16, #tpu.memory_space<vmem>> -> memref<1x80x64xbf16, #tpu.memory_space<vmem>>
      %dma_wait3A_156 = tpu.memref_squeeze %dma_wait3A_155 : memref<1x80x64xbf16, #tpu.memory_space<vmem>> -> memref<80x64xbf16, #tpu.memory_space<vmem>>
      tpu.wait_dma2 semaphore(%run_scoped3A_132 : memref<!tpu.dma_semaphore, #tpu.memory_space<semaphore_mem>>) src(%dma_wait3A_156 : memref<80x64xbf16, #tpu.memory_space<vmem>>) dst(%dma_wait3A_152 : memref<80x64xbf16, #tpu.memory_space<vmem_shared>>)
      tpu.yield
    }) : () -> ()
    %add3A_19 = arith.constant 80 : i32
    %add3A_20 = arith.addi %mul3A_2, %add3A_19 : i32
    %run_scoped3A_21 = arith.constant 0 : i32
    "tpu.region"() ({
      %run_scoped3A_132 = tpu.sem_alloc : memref<!tpu.dma_semaphore, #tpu.memory_space<semaphore_mem>>
      %dma_start3A_133 = arith.constant 0 : i32
      %dma_start3A_134 = arith.constant 0 : i32
      %dma_start3A_135 = tpu.memref_slice %arg13[%run_scoped3A_21, %dma_start3A_133, %dma_start3A_134] : memref<4x80x64xbf16, #tpu.memory_space<vmem>> -> memref<1x80x64xbf16, #tpu.memory_space<vmem>>
      %dma_start3A_136 = tpu.memref_squeeze %dma_start3A_135 : memref<1x80x64xbf16, #tpu.memory_space<vmem>> -> memref<80x64xbf16, #tpu.memory_space<vmem>>
      %dma_start3A_137 = arith.constant 0 : i32
      %dma_start3A_138 = tpu.memref_slice %arg22[%add3A_20, %dma_start3A_137] : memref<20480x64xbf16, #tpu.memory_space<vmem_shared>> -> memref<80x64xbf16, #tpu.memory_space<vmem_shared>>
      %dma_start3A_139 = arith.constant 0 : i32
      %dma_start3A_140 = tpu.memref_slice %arg22[%add3A_20, %dma_start3A_139] : memref<20480x64xbf16, #tpu.memory_space<vmem_shared>> -> memref<80x64xbf16, #tpu.memory_space<vmem_shared>>
      %dma_start3A_141 = arith.constant 0 : i32
      %dma_start3A_142 = arith.constant 0 : i32
      %dma_start3A_143 = tpu.memref_slice %arg13[%run_scoped3A_21, %dma_start3A_141, %dma_start3A_142] : memref<4x80x64xbf16, #tpu.memory_space<vmem>> -> memref<1x80x64xbf16, #tpu.memory_space<vmem>>
      %dma_start3A_144 = tpu.memref_squeeze %dma_start3A_143 : memref<1x80x64xbf16, #tpu.memory_space<vmem>> -> memref<80x64xbf16, #tpu.memory_space<vmem>>
      tpu.enqueue_dma source(%dma_start3A_144 : memref<80x64xbf16, #tpu.memory_space<vmem>>) target(%dma_start3A_140 : memref<80x64xbf16, #tpu.memory_space<vmem_shared>>) target_semaphore(%run_scoped3A_132 : memref<!tpu.dma_semaphore, #tpu.memory_space<semaphore_mem>>)
      %dma_wait3A_145 = arith.constant 0 : i32
      %dma_wait3A_146 = arith.constant 0 : i32
      %dma_wait3A_147 = tpu.memref_slice %arg13[%run_scoped3A_21, %dma_wait3A_145, %dma_wait3A_146] : memref<4x80x64xbf16, #tpu.memory_space<vmem>> -> memref<1x80x64xbf16, #tpu.memory_space<vmem>>
      %dma_wait3A_148 = tpu.memref_squeeze %dma_wait3A_147 : memref<1x80x64xbf16, #tpu.memory_space<vmem>> -> memref<80x64xbf16, #tpu.memory_space<vmem>>
      %dma_wait3A_149 = arith.constant 0 : i32
      %dma_wait3A_150 = tpu.memref_slice %arg22[%add3A_20, %dma_wait3A_149] : memref<20480x64xbf16, #tpu.memory_space<vmem_shared>> -> memref<80x64xbf16, #tpu.memory_space<vmem_shared>>
      %dma_wait3A_151 = arith.constant 0 : i32
      %dma_wait3A_152 = tpu.memref_slice %arg22[%add3A_20, %dma_wait3A_151] : memref<20480x64xbf16, #tpu.memory_space<vmem_shared>> -> memref<80x64xbf16, #tpu.memory_space<vmem_shared>>
      %dma_wait3A_153 = arith.constant 0 : i32
      %dma_wait3A_154 = arith.constant 0 : i32
      %dma_wait3A_155 = tpu.memref_slice %arg13[%run_scoped3A_21, %dma_wait3A_153, %dma_wait3A_154] : memref<4x80x64xbf16, #tpu.memory_space<vmem>> -> memref<1x80x64xbf16, #tpu.memory_space<vmem>>
      %dma_wait3A_156 = tpu.memref_squeeze %dma_wait3A_155 : memref<1x80x64xbf16, #tpu.memory_space<vmem>> -> memref<80x64xbf16, #tpu.memory_space<vmem>>
      tpu.wait_dma2 semaphore(%run_scoped3A_132 : memref<!tpu.dma_semaphore, #tpu.memory_space<semaphore_mem>>) src(%dma_wait3A_156 : memref<80x64xbf16, #tpu.memory_space<vmem>>) dst(%dma_wait3A_152 : memref<80x64xbf16, #tpu.memory_space<vmem_shared>>)
      tpu.yield
    }) : () -> ()
    %add3A_22 = arith.constant 160 : i32
    %add3A_23 = arith.addi %mul3A_2, %add3A_22 : i32
    %run_scoped3A_24 = arith.constant 0 : i32
    "tpu.region"() ({
      %run_scoped3A_132 = tpu.sem_alloc : memref<!tpu.dma_semaphore, #tpu.memory_space<semaphore_mem>>
      %dma_start3A_133 = arith.constant 0 : i32
      %dma_start3A_134 = arith.constant 0 : i32
      %dma_start3A_135 = tpu.memref_slice %arg13[%run_scoped3A_24, %dma_start3A_133, %dma_start3A_134] : memref<4x80x64xbf16, #tpu.memory_space<vmem>> -> memref<1x80x64xbf16, #tpu.memory_space<vmem>>
      %dma_start3A_136 = tpu.memref_squeeze %dma_start3A_135 : memref<1x80x64xbf16, #tpu.memory_space<vmem>> -> memref<80x64xbf16, #tpu.memory_space<vmem>>
      %dma_start3A_137 = arith.constant 0 : i32
      %dma_start3A_138 = tpu.memref_slice %arg22[%add3A_23, %dma_start3A_137] : memref<20480x64xbf16, #tpu.memory_space<vmem_shared>> -> memref<80x64xbf16, #tpu.memory_space<vmem_shared>>
      %dma_start3A_139 = arith.constant 0 : i32
      %dma_start3A_140 = tpu.memref_slice %arg22[%add3A_23, %dma_start3A_139] : memref<20480x64xbf16, #tpu.memory_space<vmem_shared>> -> memref<80x64xbf16, #tpu.memory_space<vmem_shared>>
      %dma_start3A_141 = arith.constant 0 : i32
      %dma_start3A_142 = arith.constant 0 : i32
      %dma_start3A_143 = tpu.memref_slice %arg13[%run_scoped3A_24, %dma_start3A_141, %dma_start3A_142] : memref<4x80x64xbf16, #tpu.memory_space<vmem>> -> memref<1x80x64xbf16, #tpu.memory_space<vmem>>
      %dma_start3A_144 = tpu.memref_squeeze %dma_start3A_143 : memref<1x80x64xbf16, #tpu.memory_space<vmem>> -> memref<80x64xbf16, #tpu.memory_space<vmem>>
      tpu.enqueue_dma source(%dma_start3A_144 : memref<80x64xbf16, #tpu.memory_space<vmem>>) target(%dma_start3A_140 : memref<80x64xbf16, #tpu.memory_space<vmem_shared>>) target_semaphore(%run_scoped3A_132 : memref<!tpu.dma_semaphore, #tpu.memory_space<semaphore_mem>>)
      %dma_wait3A_145 = arith.constant 0 : i32
      %dma_wait3A_146 = arith.constant 0 : i32
      %dma_wait3A_147 = tpu.memref_slice %arg13[%run_scoped3A_24, %dma_wait3A_145, %dma_wait3A_146] : memref<4x80x64xbf16, #tpu.memory_space<vmem>> -> memref<1x80x64xbf16, #tpu.memory_space<vmem>>
      %dma_wait3A_148 = tpu.memref_squeeze %dma_wait3A_147 : memref<1x80x64xbf16, #tpu.memory_space<vmem>> -> memref<80x64xbf16, #tpu.memory_space<vmem>>
      %dma_wait3A_149 = arith.constant 0 : i32
      %dma_wait3A_150 = tpu.memref_slice %arg22[%add3A_23, %dma_wait3A_149] : memref<20480x64xbf16, #tpu.memory_space<vmem_shared>> -> memref<80x64xbf16, #tpu.memory_space<vmem_shared>>
      %dma_wait3A_151 = arith.constant 0 : i32
      %dma_wait3A_152 = tpu.memref_slice %arg22[%add3A_23, %dma_wait3A_151] : memref<20480x64xbf16, #tpu.memory_space<vmem_shared>> -> memref<80x64xbf16, #tpu.memory_space<vmem_shared>>
      %dma_wait3A_153 = arith.constant 0 : i32
      %dma_wait3A_154 = arith.constant 0 : i32
      %dma_wait3A_155 = tpu.memref_slice %arg13[%run_scoped3A_24, %dma_wait3A_153, %dma_wait3A_154] : memref<4x80x64xbf16, #tpu.memory_space<vmem>> -> memref<1x80x64xbf16, #tpu.memory_space<vmem>>
      %dma_wait3A_156 = tpu.memref_squeeze %dma_wait3A_155 : memref<1x80x64xbf16, #tpu.memory_space<vmem>> -> memref<80x64xbf16, #tpu.memory_space<vmem>>
      tpu.wait_dma2 semaphore(%run_scoped3A_132 : memref<!tpu.dma_semaphore, #tpu.memory_space<semaphore_mem>>) src(%dma_wait3A_156 : memref<80x64xbf16, #tpu.memory_space<vmem>>) dst(%dma_wait3A_152 : memref<80x64xbf16, #tpu.memory_space<vmem_shared>>)
      tpu.yield
    }) : () -> ()
    %add3A_25 = arith.constant 240 : i32
    %add3A_26 = arith.addi %mul3A_2, %add3A_25 : i32
    %run_scoped3A_27 = arith.constant 0 : i32
    "tpu.region"() ({
      %run_scoped3A_132 = tpu.sem_alloc : memref<!tpu.dma_semaphore, #tpu.memory_space<semaphore_mem>>
      %dma_start3A_133 = arith.constant 0 : i32
      %dma_start3A_134 = arith.constant 0 : i32
      %dma_start3A_135 = tpu.memref_slice %arg13[%run_scoped3A_27, %dma_start3A_133, %dma_start3A_134] : memref<4x80x64xbf16, #tpu.memory_space<vmem>> -> memref<1x80x64xbf16, #tpu.memory_space<vmem>>
      %dma_start3A_136 = tpu.memref_squeeze %dma_start3A_135 : memref<1x80x64xbf16, #tpu.memory_space<vmem>> -> memref<80x64xbf16, #tpu.memory_space<vmem>>
      %dma_start3A_137 = arith.constant 0 : i32
      %dma_start3A_138 = tpu.memref_slice %arg22[%add3A_26, %dma_start3A_137] : memref<20480x64xbf16, #tpu.memory_space<vmem_shared>> -> memref<80x64xbf16, #tpu.memory_space<vmem_shared>>
      %dma_start3A_139 = arith.constant 0 : i32
      %dma_start3A_140 = tpu.memref_slice %arg22[%add3A_26, %dma_start3A_139] : memref<20480x64xbf16, #tpu.memory_space<vmem_shared>> -> memref<80x64xbf16, #tpu.memory_space<vmem_shared>>
      %dma_start3A_141 = arith.constant 0 : i32
      %dma_start3A_142 = arith.constant 0 : i32
      %dma_start3A_143 = tpu.memref_slice %arg13[%run_scoped3A_27, %dma_start3A_141, %dma_start3A_142] : memref<4x80x64xbf16, #tpu.memory_space<vmem>> -> memref<1x80x64xbf16, #tpu.memory_space<vmem>>
      %dma_start3A_144 = tpu.memref_squeeze %dma_start3A_143 : memref<1x80x64xbf16, #tpu.memory_space<vmem>> -> memref<80x64xbf16, #tpu.memory_space<vmem>>
      tpu.enqueue_dma source(%dma_start3A_144 : memref<80x64xbf16, #tpu.memory_space<vmem>>) target(%dma_start3A_140 : memref<80x64xbf16, #tpu.memory_space<vmem_shared>>) target_semaphore(%run_scoped3A_132 : memref<!tpu.dma_semaphore, #tpu.memory_space<semaphore_mem>>)
      %dma_wait3A_145 = arith.constant 0 : i32
      %dma_wait3A_146 = arith.constant 0 : i32
      %dma_wait3A_147 = tpu.memref_slice %arg13[%run_scoped3A_27, %dma_wait3A_145, %dma_wait3A_146] : memref<4x80x64xbf16, #tpu.memory_space<vmem>> -> memref<1x80x64xbf16, #tpu.memory_space<vmem>>
      %dma_wait3A_148 = tpu.memref_squeeze %dma_wait3A_147 : memref<1x80x64xbf16, #tpu.memory_space<vmem>> -> memref<80x64xbf16, #tpu.memory_space<vmem>>
      %dma_wait3A_149 = arith.constant 0 : i32
      %dma_wait3A_150 = tpu.memref_slice %arg22[%add3A_26, %dma_wait3A_149] : memref<20480x64xbf16, #tpu.memory_space<vmem_shared>> -> memref<80x64xbf16, #tpu.memory_space<vmem_shared>>
      %dma_wait3A_151 = arith.constant 0 : i32
      %dma_wait3A_152 = tpu.memref_slice %arg22[%add3A_26, %dma_wait3A_151] : memref<20480x64xbf16, #tpu.memory_space<vmem_shared>> -> memref<80x64xbf16, #tpu.memory_space<vmem_shared>>
      %dma_wait3A_153 = arith.constant 0 : i32
      %dma_wait3A_154 = arith.constant 0 : i32
      %dma_wait3A_155 = tpu.memref_slice %arg13[%run_scoped3A_27, %dma_wait3A_153, %dma_wait3A_154] : memref<4x80x64xbf16, #tpu.memory_space<vmem>> -> memref<1x80x64xbf16, #tpu.memory_space<vmem>>
      %dma_wait3A_156 = tpu.memref_squeeze %dma_wait3A_155 : memref<1x80x64xbf16, #tpu.memory_space<vmem>> -> memref<80x64xbf16, #tpu.memory_space<vmem>>
      tpu.wait_dma2 semaphore(%run_scoped3A_132 : memref<!tpu.dma_semaphore, #tpu.memory_space<semaphore_mem>>) src(%dma_wait3A_156 : memref<80x64xbf16, #tpu.memory_space<vmem>>) dst(%dma_wait3A_152 : memref<80x64xbf16, #tpu.memory_space<vmem_shared>>)
      tpu.yield
    }) : () -> ()
    %add3A_28 = arith.constant 320 : i32
    %add3A_29 = arith.addi %mul3A_2, %add3A_28 : i32
    %run_scoped3A_30 = arith.constant 0 : i32
    "tpu.region"() ({
      %run_scoped3A_132 = tpu.sem_alloc : memref<!tpu.dma_semaphore, #tpu.memory_space<semaphore_mem>>
      %dma_start3A_133 = arith.constant 0 : i32
      %dma_start3A_134 = arith.constant 0 : i32
      %dma_start3A_135 = tpu.memref_slice %arg13[%run_scoped3A_30, %dma_start3A_133, %dma_start3A_134] : memref<4x80x64xbf16, #tpu.memory_space<vmem>> -> memref<1x80x64xbf16, #tpu.memory_space<vmem>>
      %dma_start3A_136 = tpu.memref_squeeze %dma_start3A_135 : memref<1x80x64xbf16, #tpu.memory_space<vmem>> -> memref<80x64xbf16, #tpu.memory_space<vmem>>
      %dma_start3A_137 = arith.constant 0 : i32
      %dma_start3A_138 = tpu.memref_slice %arg22[%add3A_29, %dma_start3A_137] : memref<20480x64xbf16, #tpu.memory_space<vmem_shared>> -> memref<80x64xbf16, #tpu.memory_space<vmem_shared>>
      %dma_start3A_139 = arith.constant 0 : i32
      %dma_start3A_140 = tpu.memref_slice %arg22[%add3A_29, %dma_start3A_139] : memref<20480x64xbf16, #tpu.memory_space<vmem_shared>> -> memref<80x64xbf16, #tpu.memory_space<vmem_shared>>
      %dma_start3A_141 = arith.constant 0 : i32
      %dma_start3A_142 = arith.constant 0 : i32
      %dma_start3A_143 = tpu.memref_slice %arg13[%run_scoped3A_30, %dma_start3A_141, %dma_start3A_142] : memref<4x80x64xbf16, #tpu.memory_space<vmem>> -> memref<1x80x64xbf16, #tpu.memory_space<vmem>>
      %dma_start3A_144 = tpu.memref_squeeze %dma_start3A_143 : memref<1x80x64xbf16, #tpu.memory_space<vmem>> -> memref<80x64xbf16, #tpu.memory_space<vmem>>
      tpu.enqueue_dma source(%dma_start3A_144 : memref<80x64xbf16, #tpu.memory_space<vmem>>) target(%dma_start3A_140 : memref<80x64xbf16, #tpu.memory_space<vmem_shared>>) target_semaphore(%run_scoped3A_132 : memref<!tpu.dma_semaphore, #tpu.memory_space<semaphore_mem>>)
      %dma_wait3A_145 = arith.constant 0 : i32
      %dma_wait3A_146 = arith.constant 0 : i32
      %dma_wait3A_147 = tpu.memref_slice %arg13[%run_scoped3A_30, %dma_wait3A_145, %dma_wait3A_146] : memref<4x80x64xbf16, #tpu.memory_space<vmem>> -> memref<1x80x64xbf16, #tpu.memory_space<vmem>>
      %dma_wait3A_148 = tpu.memref_squeeze %dma_wait3A_147 : memref<1x80x64xbf16, #tpu.memory_space<vmem>> -> memref<80x64xbf16, #tpu.memory_space<vmem>>
      %dma_wait3A_149 = arith.constant 0 : i32
      %dma_wait3A_150 = tpu.memref_slice %arg22[%add3A_29, %dma_wait3A_149] : memref<20480x64xbf16, #tpu.memory_space<vmem_shared>> -> memref<80x64xbf16, #tpu.memory_space<vmem_shared>>
      %dma_wait3A_151 = arith.constant 0 : i32
      %dma_wait3A_152 = tpu.memref_slice %arg22[%add3A_29, %dma_wait3A_151] : memref<20480x64xbf16, #tpu.memory_space<vmem_shared>> -> memref<80x64xbf16, #tpu.memory_space<vmem_shared>>
      %dma_wait3A_153 = arith.constant 0 : i32
      %dma_wait3A_154 = arith.constant 0 : i32
      %dma_wait3A_155 = tpu.memref_slice %arg13[%run_scoped3A_30, %dma_wait3A_153, %dma_wait3A_154] : memref<4x80x64xbf16, #tpu.memory_space<vmem>> -> memref<1x80x64xbf16, #tpu.memory_space<vmem>>
      %dma_wait3A_156 = tpu.memref_squeeze %dma_wait3A_155 : memref<1x80x64xbf16, #tpu.memory_space<vmem>> -> memref<80x64xbf16, #tpu.memory_space<vmem>>
      tpu.wait_dma2 semaphore(%run_scoped3A_132 : memref<!tpu.dma_semaphore, #tpu.memory_space<semaphore_mem>>) src(%dma_wait3A_156 : memref<80x64xbf16, #tpu.memory_space<vmem>>) dst(%dma_wait3A_152 : memref<80x64xbf16, #tpu.memory_space<vmem_shared>>)
      tpu.yield
    }) : () -> ()
    %add3A_31 = arith.constant 400 : i32
    %add3A_32 = arith.addi %mul3A_2, %add3A_31 : i32
    %run_scoped3A_33 = arith.constant 0 : i32
    "tpu.region"() ({
      %run_scoped3A_132 = tpu.sem_alloc : memref<!tpu.dma_semaphore, #tpu.memory_space<semaphore_mem>>
      %dma_start3A_133 = arith.constant 0 : i32
      %dma_start3A_134 = arith.constant 0 : i32
      %dma_start3A_135 = tpu.memref_slice %arg13[%run_scoped3A_33, %dma_start3A_133, %dma_start3A_134] : memref<4x80x64xbf16, #tpu.memory_space<vmem>> -> memref<1x80x64xbf16, #tpu.memory_space<vmem>>
      %dma_start3A_136 = tpu.memref_squeeze %dma_start3A_135 : memref<1x80x64xbf16, #tpu.memory_space<vmem>> -> memref<80x64xbf16, #tpu.memory_space<vmem>>
      %dma_start3A_137 = arith.constant 0 : i32
      %dma_start3A_138 = tpu.memref_slice %arg22[%add3A_32, %dma_start3A_137] : memref<20480x64xbf16, #tpu.memory_space<vmem_shared>> -> memref<80x64xbf16, #tpu.memory_space<vmem_shared>>
      %dma_start3A_139 = arith.constant 0 : i32
      %dma_start3A_140 = tpu.memref_slice %arg22[%add3A_32, %dma_start3A_139] : memref<20480x64xbf16, #tpu.memory_space<vmem_shared>> -> memref<80x64xbf16, #tpu.memory_space<vmem_shared>>
      %dma_start3A_141 = arith.constant 0 : i32
      %dma_start3A_142 = arith.constant 0 : i32
      %dma_start3A_143 = tpu.memref_slice %arg13[%run_scoped3A_33, %dma_start3A_141, %dma_start3A_142] : memref<4x80x64xbf16, #tpu.memory_space<vmem>> -> memref<1x80x64xbf16, #tpu.memory_space<vmem>>
      %dma_start3A_144 = tpu.memref_squeeze %dma_start3A_143 : memref<1x80x64xbf16, #tpu.memory_space<vmem>> -> memref<80x64xbf16, #tpu.memory_space<vmem>>
      tpu.enqueue_dma source(%dma_start3A_144 : memref<80x64xbf16, #tpu.memory_space<vmem>>) target(%dma_start3A_140 : memref<80x64xbf16, #tpu.memory_space<vmem_shared>>) target_semaphore(%run_scoped3A_132 : memref<!tpu.dma_semaphore, #tpu.memory_space<semaphore_mem>>)
      %dma_wait3A_145 = arith.constant 0 : i32
      %dma_wait3A_146 = arith.constant 0 : i32
      %dma_wait3A_147 = tpu.memref_slice %arg13[%run_scoped3A_33, %dma_wait3A_145, %dma_wait3A_146] : memref<4x80x64xbf16, #tpu.memory_space<vmem>> -> memref<1x80x64xbf16, #tpu.memory_space<vmem>>
      %dma_wait3A_148 = tpu.memref_squeeze %dma_wait3A_147 : memref<1x80x64xbf16, #tpu.memory_space<vmem>> -> memref<80x64xbf16, #tpu.memory_space<vmem>>
      %dma_wait3A_149 = arith.constant 0 : i32
      %dma_wait3A_150 = tpu.memref_slice %arg22[%add3A_32, %dma_wait3A_149] : memref<20480x64xbf16, #tpu.memory_space<vmem_shared>> -> memref<80x64xbf16, #tpu.memory_space<vmem_shared>>
      %dma_wait3A_151 = arith.constant 0 : i32
      %dma_wait3A_152 = tpu.memref_slice %arg22[%add3A_32, %dma_wait3A_151] : memref<20480x64xbf16, #tpu.memory_space<vmem_shared>> -> memref<80x64xbf16, #tpu.memory_space<vmem_shared>>
      %dma_wait3A_153 = arith.constant 0 : i32
      %dma_wait3A_154 = arith.constant 0 : i32
      %dma_wait3A_155 = tpu.memref_slice %arg13[%run_scoped3A_33, %dma_wait3A_153, %dma_wait3A_154] : memref<4x80x64xbf16, #tpu.memory_space<vmem>> -> memref<1x80x64xbf16, #tpu.memory_space<vmem>>
      %dma_wait3A_156 = tpu.memref_squeeze %dma_wait3A_155 : memref<1x80x64xbf16, #tpu.memory_space<vmem>> -> memref<80x64xbf16, #tpu.memory_space<vmem>>
      tpu.wait_dma2 semaphore(%run_scoped3A_132 : memref<!tpu.dma_semaphore, #tpu.memory_space<semaphore_mem>>) src(%dma_wait3A_156 : memref<80x64xbf16, #tpu.memory_space<vmem>>) dst(%dma_wait3A_152 : memref<80x64xbf16, #tpu.memory_space<vmem_shared>>)
      tpu.yield
    }) : () -> ()
    %add3A_34 = arith.constant 480 : i32
    %add3A_35 = arith.addi %mul3A_2, %add3A_34 : i32
    %run_scoped3A_36 = arith.constant 0 : i32
    "tpu.region"() ({
      %run_scoped3A_132 = tpu.sem_alloc : memref<!tpu.dma_semaphore, #tpu.memory_space<semaphore_mem>>
      %dma_start3A_133 = arith.constant 0 : i32
      %dma_start3A_134 = arith.constant 0 : i32
      %dma_start3A_135 = tpu.memref_slice %arg13[%run_scoped3A_36, %dma_start3A_133, %dma_start3A_134] : memref<4x80x64xbf16, #tpu.memory_space<vmem>> -> memref<1x80x64xbf16, #tpu.memory_space<vmem>>
      %dma_start3A_136 = tpu.memref_squeeze %dma_start3A_135 : memref<1x80x64xbf16, #tpu.memory_space<vmem>> -> memref<80x64xbf16, #tpu.memory_space<vmem>>
      %dma_start3A_137 = arith.constant 0 : i32
      %dma_start3A_138 = tpu.memref_slice %arg22[%add3A_35, %dma_start3A_137] : memref<20480x64xbf16, #tpu.memory_space<vmem_shared>> -> memref<80x64xbf16, #tpu.memory_space<vmem_shared>>
      %dma_start3A_139 = arith.constant 0 : i32
      %dma_start3A_140 = tpu.memref_slice %arg22[%add3A_35, %dma_start3A_139] : memref<20480x64xbf16, #tpu.memory_space<vmem_shared>> -> memref<80x64xbf16, #tpu.memory_space<vmem_shared>>
      %dma_start3A_141 = arith.constant 0 : i32
      %dma_start3A_142 = arith.constant 0 : i32
      %dma_start3A_143 = tpu.memref_slice %arg13[%run_scoped3A_36, %dma_start3A_141, %dma_start3A_142] : memref<4x80x64xbf16, #tpu.memory_space<vmem>> -> memref<1x80x64xbf16, #tpu.memory_space<vmem>>
      %dma_start3A_144 = tpu.memref_squeeze %dma_start3A_143 : memref<1x80x64xbf16, #tpu.memory_space<vmem>> -> memref<80x64xbf16, #tpu.memory_space<vmem>>
      tpu.enqueue_dma source(%dma_start3A_144 : memref<80x64xbf16, #tpu.memory_space<vmem>>) target(%dma_start3A_140 : memref<80x64xbf16, #tpu.memory_space<vmem_shared>>) target_semaphore(%run_scoped3A_132 : memref<!tpu.dma_semaphore, #tpu.memory_space<semaphore_mem>>)
      %dma_wait3A_145 = arith.constant 0 : i32
      %dma_wait3A_146 = arith.constant 0 : i32
      %dma_wait3A_147 = tpu.memref_slice %arg13[%run_scoped3A_36, %dma_wait3A_145, %dma_wait3A_146] : memref<4x80x64xbf16, #tpu.memory_space<vmem>> -> memref<1x80x64xbf16, #tpu.memory_space<vmem>>
      %dma_wait3A_148 = tpu.memref_squeeze %dma_wait3A_147 : memref<1x80x64xbf16, #tpu.memory_space<vmem>> -> memref<80x64xbf16, #tpu.memory_space<vmem>>
      %dma_wait3A_149 = arith.constant 0 : i32
      %dma_wait3A_150 = tpu.memref_slice %arg22[%add3A_35, %dma_wait3A_149] : memref<20480x64xbf16, #tpu.memory_space<vmem_shared>> -> memref<80x64xbf16, #tpu.memory_space<vmem_shared>>
      %dma_wait3A_151 = arith.constant 0 : i32
      %dma_wait3A_152 = tpu.memref_slice %arg22[%add3A_35, %dma_wait3A_151] : memref<20480x64xbf16, #tpu.memory_space<vmem_shared>> -> memref<80x64xbf16, #tpu.memory_space<vmem_shared>>
      %dma_wait3A_153 = arith.constant 0 : i32
      %dma_wait3A_154 = arith.constant 0 : i32
      %dma_wait3A_155 = tpu.memref_slice %arg13[%run_scoped3A_36, %dma_wait3A_153, %dma_wait3A_154] : memref<4x80x64xbf16, #tpu.memory_space<vmem>> -> memref<1x80x64xbf16, #tpu.memory_space<vmem>>
      %dma_wait3A_156 = tpu.memref_squeeze %dma_wait3A_155 : memref<1x80x64xbf16, #tpu.memory_space<vmem>> -> memref<80x64xbf16, #tpu.memory_space<vmem>>
      tpu.wait_dma2 semaphore(%run_scoped3A_132 : memref<!tpu.dma_semaphore, #tpu.memory_space<semaphore_mem>>) src(%dma_wait3A_156 : memref<80x64xbf16, #tpu.memory_space<vmem>>) dst(%dma_wait3A_152 : memref<80x64xbf16, #tpu.memory_space<vmem_shared>>)
      tpu.yield
    }) : () -> ()
    %add3A_37 = arith.constant 560 : i32
    %add3A_38 = arith.addi %mul3A_2, %add3A_37 : i32
    %run_scoped3A_39 = arith.constant 0 : i32
    "tpu.region"() ({
      %run_scoped3A_132 = tpu.sem_alloc : memref<!tpu.dma_semaphore, #tpu.memory_space<semaphore_mem>>
      %dma_start3A_133 = arith.constant 0 : i32
      %dma_start3A_134 = arith.constant 0 : i32
      %dma_start3A_135 = tpu.memref_slice %arg13[%run_scoped3A_39, %dma_start3A_133, %dma_start3A_134] : memref<4x80x64xbf16, #tpu.memory_space<vmem>> -> memref<1x80x64xbf16, #tpu.memory_space<vmem>>
      %dma_start3A_136 = tpu.memref_squeeze %dma_start3A_135 : memref<1x80x64xbf16, #tpu.memory_space<vmem>> -> memref<80x64xbf16, #tpu.memory_space<vmem>>
      %dma_start3A_137 = arith.constant 0 : i32
      %dma_start3A_138 = tpu.memref_slice %arg22[%add3A_38, %dma_start3A_137] : memref<20480x64xbf16, #tpu.memory_space<vmem_shared>> -> memref<80x64xbf16, #tpu.memory_space<vmem_shared>>
      %dma_start3A_139 = arith.constant 0 : i32
      %dma_start3A_140 = tpu.memref_slice %arg22[%add3A_38, %dma_start3A_139] : memref<20480x64xbf16, #tpu.memory_space<vmem_shared>> -> memref<80x64xbf16, #tpu.memory_space<vmem_shared>>
      %dma_start3A_141 = arith.constant 0 : i32
      %dma_start3A_142 = arith.constant 0 : i32
      %dma_start3A_143 = tpu.memref_slice %arg13[%run_scoped3A_39, %dma_start3A_141, %dma_start3A_142] : memref<4x80x64xbf16, #tpu.memory_space<vmem>> -> memref<1x80x64xbf16, #tpu.memory_space<vmem>>
      %dma_start3A_144 = tpu.memref_squeeze %dma_start3A_143 : memref<1x80x64xbf16, #tpu.memory_space<vmem>> -> memref<80x64xbf16, #tpu.memory_space<vmem>>
      tpu.enqueue_dma source(%dma_start3A_144 : memref<80x64xbf16, #tpu.memory_space<vmem>>) target(%dma_start3A_140 : memref<80x64xbf16, #tpu.memory_space<vmem_shared>>) target_semaphore(%run_scoped3A_132 : memref<!tpu.dma_semaphore, #tpu.memory_space<semaphore_mem>>)
      %dma_wait3A_145 = arith.constant 0 : i32
      %dma_wait3A_146 = arith.constant 0 : i32
      %dma_wait3A_147 = tpu.memref_slice %arg13[%run_scoped3A_39, %dma_wait3A_145, %dma_wait3A_146] : memref<4x80x64xbf16, #tpu.memory_space<vmem>> -> memref<1x80x64xbf16, #tpu.memory_space<vmem>>
      %dma_wait3A_148 = tpu.memref_squeeze %dma_wait3A_147 : memref<1x80x64xbf16, #tpu.memory_space<vmem>> -> memref<80x64xbf16, #tpu.memory_space<vmem>>
      %dma_wait3A_149 = arith.constant 0 : i32
      %dma_wait3A_150 = tpu.memref_slice %arg22[%add3A_38, %dma_wait3A_149] : memref<20480x64xbf16, #tpu.memory_space<vmem_shared>> -> memref<80x64xbf16, #tpu.memory_space<vmem_shared>>
      %dma_wait3A_151 = arith.constant 0 : i32
      %dma_wait3A_152 = tpu.memref_slice %arg22[%add3A_38, %dma_wait3A_151] : memref<20480x64xbf16, #tpu.memory_space<vmem_shared>> -> memref<80x64xbf16, #tpu.memory_space<vmem_shared>>
      %dma_wait3A_153 = arith.constant 0 : i32
      %dma_wait3A_154 = arith.constant 0 : i32
      %dma_wait3A_155 = tpu.memref_slice %arg13[%run_scoped3A_39, %dma_wait3A_153, %dma_wait3A_154] : memref<4x80x64xbf16, #tpu.memory_space<vmem>> -> memref<1x80x64xbf16, #tpu.memory_space<vmem>>
      %dma_wait3A_156 = tpu.memref_squeeze %dma_wait3A_155 : memref<1x80x64xbf16, #tpu.memory_space<vmem>> -> memref<80x64xbf16, #tpu.memory_space<vmem>>
      tpu.wait_dma2 semaphore(%run_scoped3A_132 : memref<!tpu.dma_semaphore, #tpu.memory_space<semaphore_mem>>) src(%dma_wait3A_156 : memref<80x64xbf16, #tpu.memory_space<vmem>>) dst(%dma_wait3A_152 : memref<80x64xbf16, #tpu.memory_space<vmem_shared>>)
      tpu.yield
    }) : () -> ()
    %add3A_40 = arith.constant 640 : i32
    %add3A_41 = arith.addi %mul3A_2, %add3A_40 : i32
    %run_scoped3A_42 = arith.constant 0 : i32
    "tpu.region"() ({
      %run_scoped3A_132 = tpu.sem_alloc : memref<!tpu.dma_semaphore, #tpu.memory_space<semaphore_mem>>
      %dma_start3A_133 = arith.constant 0 : i32
      %dma_start3A_134 = arith.constant 0 : i32
      %dma_start3A_135 = tpu.memref_slice %arg13[%run_scoped3A_42, %dma_start3A_133, %dma_start3A_134] : memref<4x80x64xbf16, #tpu.memory_space<vmem>> -> memref<1x80x64xbf16, #tpu.memory_space<vmem>>
      %dma_start3A_136 = tpu.memref_squeeze %dma_start3A_135 : memref<1x80x64xbf16, #tpu.memory_space<vmem>> -> memref<80x64xbf16, #tpu.memory_space<vmem>>
      %dma_start3A_137 = arith.constant 0 : i32
      %dma_start3A_138 = tpu.memref_slice %arg22[%add3A_41, %dma_start3A_137] : memref<20480x64xbf16, #tpu.memory_space<vmem_shared>> -> memref<80x64xbf16, #tpu.memory_space<vmem_shared>>
      %dma_start3A_139 = arith.constant 0 : i32
      %dma_start3A_140 = tpu.memref_slice %arg22[%add3A_41, %dma_start3A_139] : memref<20480x64xbf16, #tpu.memory_space<vmem_shared>> -> memref<80x64xbf16, #tpu.memory_space<vmem_shared>>
      %dma_start3A_141 = arith.constant 0 : i32
      %dma_start3A_142 = arith.constant 0 : i32
      %dma_start3A_143 = tpu.memref_slice %arg13[%run_scoped3A_42, %dma_start3A_141, %dma_start3A_142] : memref<4x80x64xbf16, #tpu.memory_space<vmem>> -> memref<1x80x64xbf16, #tpu.memory_space<vmem>>
      %dma_start3A_144 = tpu.memref_squeeze %dma_start3A_143 : memref<1x80x64xbf16, #tpu.memory_space<vmem>> -> memref<80x64xbf16, #tpu.memory_space<vmem>>
      tpu.enqueue_dma source(%dma_start3A_144 : memref<80x64xbf16, #tpu.memory_space<vmem>>) target(%dma_start3A_140 : memref<80x64xbf16, #tpu.memory_space<vmem_shared>>) target_semaphore(%run_scoped3A_132 : memref<!tpu.dma_semaphore, #tpu.memory_space<semaphore_mem>>)
      %dma_wait3A_145 = arith.constant 0 : i32
      %dma_wait3A_146 = arith.constant 0 : i32
      %dma_wait3A_147 = tpu.memref_slice %arg13[%run_scoped3A_42, %dma_wait3A_145, %dma_wait3A_146] : memref<4x80x64xbf16, #tpu.memory_space<vmem>> -> memref<1x80x64xbf16, #tpu.memory_space<vmem>>
      %dma_wait3A_148 = tpu.memref_squeeze %dma_wait3A_147 : memref<1x80x64xbf16, #tpu.memory_space<vmem>> -> memref<80x64xbf16, #tpu.memory_space<vmem>>
      %dma_wait3A_149 = arith.constant 0 : i32
      %dma_wait3A_150 = tpu.memref_slice %arg22[%add3A_41, %dma_wait3A_149] : memref<20480x64xbf16, #tpu.memory_space<vmem_shared>> -> memref<80x64xbf16, #tpu.memory_space<vmem_shared>>
      %dma_wait3A_151 = arith.constant 0 : i32
      %dma_wait3A_152 = tpu.memref_slice %arg22[%add3A_41, %dma_wait3A_151] : memref<20480x64xbf16, #tpu.memory_space<vmem_shared>> -> memref<80x64xbf16, #tpu.memory_space<vmem_shared>>
      %dma_wait3A_153 = arith.constant 0 : i32
      %dma_wait3A_154 = arith.constant 0 : i32
      %dma_wait3A_155 = tpu.memref_slice %arg13[%run_scoped3A_42, %dma_wait3A_153, %dma_wait3A_154] : memref<4x80x64xbf16, #tpu.memory_space<vmem>> -> memref<1x80x64xbf16, #tpu.memory_space<vmem>>
      %dma_wait3A_156 = tpu.memref_squeeze %dma_wait3A_155 : memref<1x80x64xbf16, #tpu.memory_space<vmem>> -> memref<80x64xbf16, #tpu.memory_space<vmem>>
      tpu.wait_dma2 semaphore(%run_scoped3A_132 : memref<!tpu.dma_semaphore, #tpu.memory_space<semaphore_mem>>) src(%dma_wait3A_156 : memref<80x64xbf16, #tpu.memory_space<vmem>>) dst(%dma_wait3A_152 : memref<80x64xbf16, #tpu.memory_space<vmem_shared>>)
      tpu.yield
    }) : () -> ()
    %add3A_43 = arith.constant 720 : i32
    %add3A_44 = arith.addi %mul3A_2, %add3A_43 : i32
    %run_scoped3A_45 = arith.constant 0 : i32
    "tpu.region"() ({
      %run_scoped3A_132 = tpu.sem_alloc : memref<!tpu.dma_semaphore, #tpu.memory_space<semaphore_mem>>
      %dma_start3A_133 = arith.constant 0 : i32
      %dma_start3A_134 = arith.constant 0 : i32
      %dma_start3A_135 = tpu.memref_slice %arg13[%run_scoped3A_45, %dma_start3A_133, %dma_start3A_134] : memref<4x80x64xbf16, #tpu.memory_space<vmem>> -> memref<1x80x64xbf16, #tpu.memory_space<vmem>>
      %dma_start3A_136 = tpu.memref_squeeze %dma_start3A_135 : memref<1x80x64xbf16, #tpu.memory_space<vmem>> -> memref<80x64xbf16, #tpu.memory_space<vmem>>
      %dma_start3A_137 = arith.constant 0 : i32
      %dma_start3A_138 = tpu.memref_slice %arg22[%add3A_44, %dma_start3A_137] : memref<20480x64xbf16, #tpu.memory_space<vmem_shared>> -> memref<80x64xbf16, #tpu.memory_space<vmem_shared>>
      %dma_start3A_139 = arith.constant 0 : i32
      %dma_start3A_140 = tpu.memref_slice %arg22[%add3A_44, %dma_start3A_139] : memref<20480x64xbf16, #tpu.memory_space<vmem_shared>> -> memref<80x64xbf16, #tpu.memory_space<vmem_shared>>
      %dma_start3A_141 = arith.constant 0 : i32
      %dma_start3A_142 = arith.constant 0 : i32
      %dma_start3A_143 = tpu.memref_slice %arg13[%run_scoped3A_45, %dma_start3A_141, %dma_start3A_142] : memref<4x80x64xbf16, #tpu.memory_space<vmem>> -> memref<1x80x64xbf16, #tpu.memory_space<vmem>>
      %dma_start3A_144 = tpu.memref_squeeze %dma_start3A_143 : memref<1x80x64xbf16, #tpu.memory_space<vmem>> -> memref<80x64xbf16, #tpu.memory_space<vmem>>
      tpu.enqueue_dma source(%dma_start3A_144 : memref<80x64xbf16, #tpu.memory_space<vmem>>) target(%dma_start3A_140 : memref<80x64xbf16, #tpu.memory_space<vmem_shared>>) target_semaphore(%run_scoped3A_132 : memref<!tpu.dma_semaphore, #tpu.memory_space<semaphore_mem>>)
      %dma_wait3A_145 = arith.constant 0 : i32
      %dma_wait3A_146 = arith.constant 0 : i32
      %dma_wait3A_147 = tpu.memref_slice %arg13[%run_scoped3A_45, %dma_wait3A_145, %dma_wait3A_146] : memref<4x80x64xbf16, #tpu.memory_space<vmem>> -> memref<1x80x64xbf16, #tpu.memory_space<vmem>>
      %dma_wait3A_148 = tpu.memref_squeeze %dma_wait3A_147 : memref<1x80x64xbf16, #tpu.memory_space<vmem>> -> memref<80x64xbf16, #tpu.memory_space<vmem>>
      %dma_wait3A_149 = arith.constant 0 : i32
      %dma_wait3A_150 = tpu.memref_slice %arg22[%add3A_44, %dma_wait3A_149] : memref<20480x64xbf16, #tpu.memory_space<vmem_shared>> -> memref<80x64xbf16, #tpu.memory_space<vmem_shared>>
      %dma_wait3A_151 = arith.constant 0 : i32
      %dma_wait3A_152 = tpu.memref_slice %arg22[%add3A_44, %dma_wait3A_151] : memref<20480x64xbf16, #tpu.memory_space<vmem_shared>> -> memref<80x64xbf16, #tpu.memory_space<vmem_shared>>
      %dma_wait3A_153 = arith.constant 0 : i32
      %dma_wait3A_154 = arith.constant 0 : i32
      %dma_wait3A_155 = tpu.memref_slice %arg13[%run_scoped3A_45, %dma_wait3A_153, %dma_wait3A_154] : memref<4x80x64xbf16, #tpu.memory_space<vmem>> -> memref<1x80x64xbf16, #tpu.memory_space<vmem>>
      %dma_wait3A_156 = tpu.memref_squeeze %dma_wait3A_155 : memref<1x80x64xbf16, #tpu.memory_space<vmem>> -> memref<80x64xbf16, #tpu.memory_space<vmem>>
      tpu.wait_dma2 semaphore(%run_scoped3A_132 : memref<!tpu.dma_semaphore, #tpu.memory_space<semaphore_mem>>) src(%dma_wait3A_156 : memref<80x64xbf16, #tpu.memory_space<vmem>>) dst(%dma_wait3A_152 : memref<80x64xbf16, #tpu.memory_space<vmem_shared>>)
      tpu.yield
    }) : () -> ()
    %add3A_46 = arith.constant 800 : i32
    %add3A_47 = arith.addi %mul3A_2, %add3A_46 : i32
    %run_scoped3A_48 = arith.constant 0 : i32
    "tpu.region"() ({
      %run_scoped3A_132 = tpu.sem_alloc : memref<!tpu.dma_semaphore, #tpu.memory_space<semaphore_mem>>
      %dma_start3A_133 = arith.constant 0 : i32
      %dma_start3A_134 = arith.constant 0 : i32
      %dma_start3A_135 = tpu.memref_slice %arg13[%run_scoped3A_48, %dma_start3A_133, %dma_start3A_134] : memref<4x80x64xbf16, #tpu.memory_space<vmem>> -> memref<1x80x64xbf16, #tpu.memory_space<vmem>>
      %dma_start3A_136 = tpu.memref_squeeze %dma_start3A_135 : memref<1x80x64xbf16, #tpu.memory_space<vmem>> -> memref<80x64xbf16, #tpu.memory_space<vmem>>
      %dma_start3A_137 = arith.constant 0 : i32
      %dma_start3A_138 = tpu.memref_slice %arg22[%add3A_47, %dma_start3A_137] : memref<20480x64xbf16, #tpu.memory_space<vmem_shared>> -> memref<80x64xbf16, #tpu.memory_space<vmem_shared>>
      %dma_start3A_139 = arith.constant 0 : i32
      %dma_start3A_140 = tpu.memref_slice %arg22[%add3A_47, %dma_start3A_139] : memref<20480x64xbf16, #tpu.memory_space<vmem_shared>> -> memref<80x64xbf16, #tpu.memory_space<vmem_shared>>
      %dma_start3A_141 = arith.constant 0 : i32
      %dma_start3A_142 = arith.constant 0 : i32
      %dma_start3A_143 = tpu.memref_slice %arg13[%run_scoped3A_48, %dma_start3A_141, %dma_start3A_142] : memref<4x80x64xbf16, #tpu.memory_space<vmem>> -> memref<1x80x64xbf16, #tpu.memory_space<vmem>>
      %dma_start3A_144 = tpu.memref_squeeze %dma_start3A_143 : memref<1x80x64xbf16, #tpu.memory_space<vmem>> -> memref<80x64xbf16, #tpu.memory_space<vmem>>
      tpu.enqueue_dma source(%dma_start3A_144 : memref<80x64xbf16, #tpu.memory_space<vmem>>) target(%dma_start3A_140 : memref<80x64xbf16, #tpu.memory_space<vmem_shared>>) target_semaphore(%run_scoped3A_132 : memref<!tpu.dma_semaphore, #tpu.memory_space<semaphore_mem>>)
      %dma_wait3A_145 = arith.constant 0 : i32
      %dma_wait3A_146 = arith.constant 0 : i32
      %dma_wait3A_147 = tpu.memref_slice %arg13[%run_scoped3A_48, %dma_wait3A_145, %dma_wait3A_146] : memref<4x80x64xbf16, #tpu.memory_space<vmem>> -> memref<1x80x64xbf16, #tpu.memory_space<vmem>>
      %dma_wait3A_148 = tpu.memref_squeeze %dma_wait3A_147 : memref<1x80x64xbf16, #tpu.memory_space<vmem>> -> memref<80x64xbf16, #tpu.memory_space<vmem>>
      %dma_wait3A_149 = arith.constant 0 : i32
      %dma_wait3A_150 = tpu.memref_slice %arg22[%add3A_47, %dma_wait3A_149] : memref<20480x64xbf16, #tpu.memory_space<vmem_shared>> -> memref<80x64xbf16, #tpu.memory_space<vmem_shared>>
      %dma_wait3A_151 = arith.constant 0 : i32
      %dma_wait3A_152 = tpu.memref_slice %arg22[%add3A_47, %dma_wait3A_151] : memref<20480x64xbf16, #tpu.memory_space<vmem_shared>> -> memref<80x64xbf16, #tpu.memory_space<vmem_shared>>
      %dma_wait3A_153 = arith.constant 0 : i32
      %dma_wait3A_154 = arith.constant 0 : i32
      %dma_wait3A_155 = tpu.memref_slice %arg13[%run_scoped3A_48, %dma_wait3A_153, %dma_wait3A_154] : memref<4x80x64xbf16, #tpu.memory_space<vmem>> -> memref<1x80x64xbf16, #tpu.memory_space<vmem>>
      %dma_wait3A_156 = tpu.memref_squeeze %dma_wait3A_155 : memref<1x80x64xbf16, #tpu.memory_space<vmem>> -> memref<80x64xbf16, #tpu.memory_space<vmem>>
      tpu.wait_dma2 semaphore(%run_scoped3A_132 : memref<!tpu.dma_semaphore, #tpu.memory_space<semaphore_mem>>) src(%dma_wait3A_156 : memref<80x64xbf16, #tpu.memory_space<vmem>>) dst(%dma_wait3A_152 : memref<80x64xbf16, #tpu.memory_space<vmem_shared>>)
      tpu.yield
    }) : () -> ()
    %add3A_49 = arith.constant 880 : i32
    %add3A_50 = arith.addi %mul3A_2, %add3A_49 : i32
    %run_scoped3A_51 = arith.constant 0 : i32
    "tpu.region"() ({
      %run_scoped3A_132 = tpu.sem_alloc : memref<!tpu.dma_semaphore, #tpu.memory_space<semaphore_mem>>
      %dma_start3A_133 = arith.constant 0 : i32
      %dma_start3A_134 = arith.constant 0 : i32
      %dma_start3A_135 = tpu.memref_slice %arg13[%run_scoped3A_51, %dma_start3A_133, %dma_start3A_134] : memref<4x80x64xbf16, #tpu.memory_space<vmem>> -> memref<1x80x64xbf16, #tpu.memory_space<vmem>>
      %dma_start3A_136 = tpu.memref_squeeze %dma_start3A_135 : memref<1x80x64xbf16, #tpu.memory_space<vmem>> -> memref<80x64xbf16, #tpu.memory_space<vmem>>
      %dma_start3A_137 = arith.constant 0 : i32
      %dma_start3A_138 = tpu.memref_slice %arg22[%add3A_50, %dma_start3A_137] : memref<20480x64xbf16, #tpu.memory_space<vmem_shared>> -> memref<80x64xbf16, #tpu.memory_space<vmem_shared>>
      %dma_start3A_139 = arith.constant 0 : i32
      %dma_start3A_140 = tpu.memref_slice %arg22[%add3A_50, %dma_start3A_139] : memref<20480x64xbf16, #tpu.memory_space<vmem_shared>> -> memref<80x64xbf16, #tpu.memory_space<vmem_shared>>
      %dma_start3A_141 = arith.constant 0 : i32
      %dma_start3A_142 = arith.constant 0 : i32
      %dma_start3A_143 = tpu.memref_slice %arg13[%run_scoped3A_51, %dma_start3A_141, %dma_start3A_142] : memref<4x80x64xbf16, #tpu.memory_space<vmem>> -> memref<1x80x64xbf16, #tpu.memory_space<vmem>>
      %dma_start3A_144 = tpu.memref_squeeze %dma_start3A_143 : memref<1x80x64xbf16, #tpu.memory_space<vmem>> -> memref<80x64xbf16, #tpu.memory_space<vmem>>
      tpu.enqueue_dma source(%dma_start3A_144 : memref<80x64xbf16, #tpu.memory_space<vmem>>) target(%dma_start3A_140 : memref<80x64xbf16, #tpu.memory_space<vmem_shared>>) target_semaphore(%run_scoped3A_132 : memref<!tpu.dma_semaphore, #tpu.memory_space<semaphore_mem>>)
      %dma_wait3A_145 = arith.constant 0 : i32
      %dma_wait3A_146 = arith.constant 0 : i32
      %dma_wait3A_147 = tpu.memref_slice %arg13[%run_scoped3A_51, %dma_wait3A_145, %dma_wait3A_146] : memref<4x80x64xbf16, #tpu.memory_space<vmem>> -> memref<1x80x64xbf16, #tpu.memory_space<vmem>>
      %dma_wait3A_148 = tpu.memref_squeeze %dma_wait3A_147 : memref<1x80x64xbf16, #tpu.memory_space<vmem>> -> memref<80x64xbf16, #tpu.memory_space<vmem>>
      %dma_wait3A_149 = arith.constant 0 : i32
      %dma_wait3A_150 = tpu.memref_slice %arg22[%add3A_50, %dma_wait3A_149] : memref<20480x64xbf16, #tpu.memory_space<vmem_shared>> -> memref<80x64xbf16, #tpu.memory_space<vmem_shared>>
      %dma_wait3A_151 = arith.constant 0 : i32
      %dma_wait3A_152 = tpu.memref_slice %arg22[%add3A_50, %dma_wait3A_151] : memref<20480x64xbf16, #tpu.memory_space<vmem_shared>> -> memref<80x64xbf16, #tpu.memory_space<vmem_shared>>
      %dma_wait3A_153 = arith.constant 0 : i32
      %dma_wait3A_154 = arith.constant 0 : i32
      %dma_wait3A_155 = tpu.memref_slice %arg13[%run_scoped3A_51, %dma_wait3A_153, %dma_wait3A_154] : memref<4x80x64xbf16, #tpu.memory_space<vmem>> -> memref<1x80x64xbf16, #tpu.memory_space<vmem>>
      %dma_wait3A_156 = tpu.memref_squeeze %dma_wait3A_155 : memref<1x80x64xbf16, #tpu.memory_space<vmem>> -> memref<80x64xbf16, #tpu.memory_space<vmem>>
      tpu.wait_dma2 semaphore(%run_scoped3A_132 : memref<!tpu.dma_semaphore, #tpu.memory_space<semaphore_mem>>) src(%dma_wait3A_156 : memref<80x64xbf16, #tpu.memory_space<vmem>>) dst(%dma_wait3A_152 : memref<80x64xbf16, #tpu.memory_space<vmem_shared>>)
      tpu.yield
    }) : () -> ()
    %add3A_52 = arith.constant 960 : i32
    %add3A_53 = arith.addi %mul3A_2, %add3A_52 : i32
    %run_scoped3A_54 = arith.constant 0 : i32
    "tpu.region"() ({
      %run_scoped3A_132 = tpu.sem_alloc : memref<!tpu.dma_semaphore, #tpu.memory_space<semaphore_mem>>
      %dma_start3A_133 = arith.constant 0 : i32
      %dma_start3A_134 = arith.constant 0 : i32
      %dma_start3A_135 = tpu.memref_slice %arg13[%run_scoped3A_54, %dma_start3A_133, %dma_start3A_134] : memref<4x80x64xbf16, #tpu.memory_space<vmem>> -> memref<1x80x64xbf16, #tpu.memory_space<vmem>>
      %dma_start3A_136 = tpu.memref_squeeze %dma_start3A_135 : memref<1x80x64xbf16, #tpu.memory_space<vmem>> -> memref<80x64xbf16, #tpu.memory_space<vmem>>
      %dma_start3A_137 = arith.constant 0 : i32
      %dma_start3A_138 = tpu.memref_slice %arg22[%add3A_53, %dma_start3A_137] : memref<20480x64xbf16, #tpu.memory_space<vmem_shared>> -> memref<80x64xbf16, #tpu.memory_space<vmem_shared>>
      %dma_start3A_139 = arith.constant 0 : i32
      %dma_start3A_140 = tpu.memref_slice %arg22[%add3A_53, %dma_start3A_139] : memref<20480x64xbf16, #tpu.memory_space<vmem_shared>> -> memref<80x64xbf16, #tpu.memory_space<vmem_shared>>
      %dma_start3A_141 = arith.constant 0 : i32
      %dma_start3A_142 = arith.constant 0 : i32
      %dma_start3A_143 = tpu.memref_slice %arg13[%run_scoped3A_54, %dma_start3A_141, %dma_start3A_142] : memref<4x80x64xbf16, #tpu.memory_space<vmem>> -> memref<1x80x64xbf16, #tpu.memory_space<vmem>>
      %dma_start3A_144 = tpu.memref_squeeze %dma_start3A_143 : memref<1x80x64xbf16, #tpu.memory_space<vmem>> -> memref<80x64xbf16, #tpu.memory_space<vmem>>
      tpu.enqueue_dma source(%dma_start3A_144 : memref<80x64xbf16, #tpu.memory_space<vmem>>) target(%dma_start3A_140 : memref<80x64xbf16, #tpu.memory_space<vmem_shared>>) target_semaphore(%run_scoped3A_132 : memref<!tpu.dma_semaphore, #tpu.memory_space<semaphore_mem>>)
      %dma_wait3A_145 = arith.constant 0 : i32
      %dma_wait3A_146 = arith.constant 0 : i32
      %dma_wait3A_147 = tpu.memref_slice %arg13[%run_scoped3A_54, %dma_wait3A_145, %dma_wait3A_146] : memref<4x80x64xbf16, #tpu.memory_space<vmem>> -> memref<1x80x64xbf16, #tpu.memory_space<vmem>>
      %dma_wait3A_148 = tpu.memref_squeeze %dma_wait3A_147 : memref<1x80x64xbf16, #tpu.memory_space<vmem>> -> memref<80x64xbf16, #tpu.memory_space<vmem>>
      %dma_wait3A_149 = arith.constant 0 : i32
      %dma_wait3A_150 = tpu.memref_slice %arg22[%add3A_53, %dma_wait3A_149] : memref<20480x64xbf16, #tpu.memory_space<vmem_shared>> -> memref<80x64xbf16, #tpu.memory_space<vmem_shared>>
      %dma_wait3A_151 = arith.constant 0 : i32
      %dma_wait3A_152 = tpu.memref_slice %arg22[%add3A_53, %dma_wait3A_151] : memref<20480x64xbf16, #tpu.memory_space<vmem_shared>> -> memref<80x64xbf16, #tpu.memory_space<vmem_shared>>
      %dma_wait3A_153 = arith.constant 0 : i32
      %dma_wait3A_154 = arith.constant 0 : i32
      %dma_wait3A_155 = tpu.memref_slice %arg13[%run_scoped3A_54, %dma_wait3A_153, %dma_wait3A_154] : memref<4x80x64xbf16, #tpu.memory_space<vmem>> -> memref<1x80x64xbf16, #tpu.memory_space<vmem>>
      %dma_wait3A_156 = tpu.memref_squeeze %dma_wait3A_155 : memref<1x80x64xbf16, #tpu.memory_space<vmem>> -> memref<80x64xbf16, #tpu.memory_space<vmem>>
      tpu.wait_dma2 semaphore(%run_scoped3A_132 : memref<!tpu.dma_semaphore, #tpu.memory_space<semaphore_mem>>) src(%dma_wait3A_156 : memref<80x64xbf16, #tpu.memory_space<vmem>>) dst(%dma_wait3A_152 : memref<80x64xbf16, #tpu.memory_space<vmem_shared>>)
      tpu.yield
    }) : () -> ()
    %add3A_55 = arith.constant 1040 : i32
    %add3A_56 = arith.addi %mul3A_2, %add3A_55 : i32
    %run_scoped3A_57 = arith.constant 0 : i32
    "tpu.region"() ({
      %run_scoped3A_132 = tpu.sem_alloc : memref<!tpu.dma_semaphore, #tpu.memory_space<semaphore_mem>>
      %dma_start3A_133 = arith.constant 0 : i32
      %dma_start3A_134 = arith.constant 0 : i32
      %dma_start3A_135 = tpu.memref_slice %arg13[%run_scoped3A_57, %dma_start3A_133, %dma_start3A_134] : memref<4x80x64xbf16, #tpu.memory_space<vmem>> -> memref<1x80x64xbf16, #tpu.memory_space<vmem>>
      %dma_start3A_136 = tpu.memref_squeeze %dma_start3A_135 : memref<1x80x64xbf16, #tpu.memory_space<vmem>> -> memref<80x64xbf16, #tpu.memory_space<vmem>>
      %dma_start3A_137 = arith.constant 0 : i32
      %dma_start3A_138 = tpu.memref_slice %arg22[%add3A_56, %dma_start3A_137] : memref<20480x64xbf16, #tpu.memory_space<vmem_shared>> -> memref<80x64xbf16, #tpu.memory_space<vmem_shared>>
      %dma_start3A_139 = arith.constant 0 : i32
      %dma_start3A_140 = tpu.memref_slice %arg22[%add3A_56, %dma_start3A_139] : memref<20480x64xbf16, #tpu.memory_space<vmem_shared>> -> memref<80x64xbf16, #tpu.memory_space<vmem_shared>>
      %dma_start3A_141 = arith.constant 0 : i32
      %dma_start3A_142 = arith.constant 0 : i32
      %dma_start3A_143 = tpu.memref_slice %arg13[%run_scoped3A_57, %dma_start3A_141, %dma_start3A_142] : memref<4x80x64xbf16, #tpu.memory_space<vmem>> -> memref<1x80x64xbf16, #tpu.memory_space<vmem>>
      %dma_start3A_144 = tpu.memref_squeeze %dma_start3A_143 : memref<1x80x64xbf16, #tpu.memory_space<vmem>> -> memref<80x64xbf16, #tpu.memory_space<vmem>>
      tpu.enqueue_dma source(%dma_start3A_144 : memref<80x64xbf16, #tpu.memory_space<vmem>>) target(%dma_start3A_140 : memref<80x64xbf16, #tpu.memory_space<vmem_shared>>) target_semaphore(%run_scoped3A_132 : memref<!tpu.dma_semaphore, #tpu.memory_space<semaphore_mem>>)
      %dma_wait3A_145 = arith.constant 0 : i32
      %dma_wait3A_146 = arith.constant 0 : i32
      %dma_wait3A_147 = tpu.memref_slice %arg13[%run_scoped3A_57, %dma_wait3A_145, %dma_wait3A_146] : memref<4x80x64xbf16, #tpu.memory_space<vmem>> -> memref<1x80x64xbf16, #tpu.memory_space<vmem>>
      %dma_wait3A_148 = tpu.memref_squeeze %dma_wait3A_147 : memref<1x80x64xbf16, #tpu.memory_space<vmem>> -> memref<80x64xbf16, #tpu.memory_space<vmem>>
      %dma_wait3A_149 = arith.constant 0 : i32
      %dma_wait3A_150 = tpu.memref_slice %arg22[%add3A_56, %dma_wait3A_149] : memref<20480x64xbf16, #tpu.memory_space<vmem_shared>> -> memref<80x64xbf16, #tpu.memory_space<vmem_shared>>
      %dma_wait3A_151 = arith.constant 0 : i32
      %dma_wait3A_152 = tpu.memref_slice %arg22[%add3A_56, %dma_wait3A_151] : memref<20480x64xbf16, #tpu.memory_space<vmem_shared>> -> memref<80x64xbf16, #tpu.memory_space<vmem_shared>>
      %dma_wait3A_153 = arith.constant 0 : i32
      %dma_wait3A_154 = arith.constant 0 : i32
      %dma_wait3A_155 = tpu.memref_slice %arg13[%run_scoped3A_57, %dma_wait3A_153, %dma_wait3A_154] : memref<4x80x64xbf16, #tpu.memory_space<vmem>> -> memref<1x80x64xbf16, #tpu.memory_space<vmem>>
      %dma_wait3A_156 = tpu.memref_squeeze %dma_wait3A_155 : memref<1x80x64xbf16, #tpu.memory_space<vmem>> -> memref<80x64xbf16, #tpu.memory_space<vmem>>
      tpu.wait_dma2 semaphore(%run_scoped3A_132 : memref<!tpu.dma_semaphore, #tpu.memory_space<semaphore_mem>>) src(%dma_wait3A_156 : memref<80x64xbf16, #tpu.memory_space<vmem>>) dst(%dma_wait3A_152 : memref<80x64xbf16, #tpu.memory_space<vmem_shared>>)
      tpu.yield
    }) : () -> ()
    %add3A_58 = arith.constant 1120 : i32
    %add3A_59 = arith.addi %mul3A_2, %add3A_58 : i32
    %run_scoped3A_60 = arith.constant 0 : i32
    "tpu.region"() ({
      %run_scoped3A_132 = tpu.sem_alloc : memref<!tpu.dma_semaphore, #tpu.memory_space<semaphore_mem>>
      %dma_start3A_133 = arith.constant 0 : i32
      %dma_start3A_134 = arith.constant 0 : i32
      %dma_start3A_135 = tpu.memref_slice %arg13[%run_scoped3A_60, %dma_start3A_133, %dma_start3A_134] : memref<4x80x64xbf16, #tpu.memory_space<vmem>> -> memref<1x80x64xbf16, #tpu.memory_space<vmem>>
      %dma_start3A_136 = tpu.memref_squeeze %dma_start3A_135 : memref<1x80x64xbf16, #tpu.memory_space<vmem>> -> memref<80x64xbf16, #tpu.memory_space<vmem>>
      %dma_start3A_137 = arith.constant 0 : i32
      %dma_start3A_138 = tpu.memref_slice %arg22[%add3A_59, %dma_start3A_137] : memref<20480x64xbf16, #tpu.memory_space<vmem_shared>> -> memref<80x64xbf16, #tpu.memory_space<vmem_shared>>
      %dma_start3A_139 = arith.constant 0 : i32
      %dma_start3A_140 = tpu.memref_slice %arg22[%add3A_59, %dma_start3A_139] : memref<20480x64xbf16, #tpu.memory_space<vmem_shared>> -> memref<80x64xbf16, #tpu.memory_space<vmem_shared>>
      %dma_start3A_141 = arith.constant 0 : i32
      %dma_start3A_142 = arith.constant 0 : i32
      %dma_start3A_143 = tpu.memref_slice %arg13[%run_scoped3A_60, %dma_start3A_141, %dma_start3A_142] : memref<4x80x64xbf16, #tpu.memory_space<vmem>> -> memref<1x80x64xbf16, #tpu.memory_space<vmem>>
      %dma_start3A_144 = tpu.memref_squeeze %dma_start3A_143 : memref<1x80x64xbf16, #tpu.memory_space<vmem>> -> memref<80x64xbf16, #tpu.memory_space<vmem>>
      tpu.enqueue_dma source(%dma_start3A_144 : memref<80x64xbf16, #tpu.memory_space<vmem>>) target(%dma_start3A_140 : memref<80x64xbf16, #tpu.memory_space<vmem_shared>>) target_semaphore(%run_scoped3A_132 : memref<!tpu.dma_semaphore, #tpu.memory_space<semaphore_mem>>)
      %dma_wait3A_145 = arith.constant 0 : i32
      %dma_wait3A_146 = arith.constant 0 : i32
      %dma_wait3A_147 = tpu.memref_slice %arg13[%run_scoped3A_60, %dma_wait3A_145, %dma_wait3A_146] : memref<4x80x64xbf16, #tpu.memory_space<vmem>> -> memref<1x80x64xbf16, #tpu.memory_space<vmem>>
      %dma_wait3A_148 = tpu.memref_squeeze %dma_wait3A_147 : memref<1x80x64xbf16, #tpu.memory_space<vmem>> -> memref<80x64xbf16, #tpu.memory_space<vmem>>
      %dma_wait3A_149 = arith.constant 0 : i32
      %dma_wait3A_150 = tpu.memref_slice %arg22[%add3A_59, %dma_wait3A_149] : memref<20480x64xbf16, #tpu.memory_space<vmem_shared>> -> memref<80x64xbf16, #tpu.memory_space<vmem_shared>>
      %dma_wait3A_151 = arith.constant 0 : i32
      %dma_wait3A_152 = tpu.memref_slice %arg22[%add3A_59, %dma_wait3A_151] : memref<20480x64xbf16, #tpu.memory_space<vmem_shared>> -> memref<80x64xbf16, #tpu.memory_space<vmem_shared>>
      %dma_wait3A_153 = arith.constant 0 : i32
      %dma_wait3A_154 = arith.constant 0 : i32
      %dma_wait3A_155 = tpu.memref_slice %arg13[%run_scoped3A_60, %dma_wait3A_153, %dma_wait3A_154] : memref<4x80x64xbf16, #tpu.memory_space<vmem>> -> memref<1x80x64xbf16, #tpu.memory_space<vmem>>
      %dma_wait3A_156 = tpu.memref_squeeze %dma_wait3A_155 : memref<1x80x64xbf16, #tpu.memory_space<vmem>> -> memref<80x64xbf16, #tpu.memory_space<vmem>>
      tpu.wait_dma2 semaphore(%run_scoped3A_132 : memref<!tpu.dma_semaphore, #tpu.memory_space<semaphore_mem>>) src(%dma_wait3A_156 : memref<80x64xbf16, #tpu.memory_space<vmem>>) dst(%dma_wait3A_152 : memref<80x64xbf16, #tpu.memory_space<vmem_shared>>)
      tpu.yield
    }) : () -> ()
    %add3A_61 = arith.constant 1200 : i32
    %add3A_62 = arith.addi %mul3A_2, %add3A_61 : i32
    %run_scoped3A_63 = arith.constant 0 : i32
    "tpu.region"() ({
      %run_scoped3A_132 = tpu.sem_alloc : memref<!tpu.dma_semaphore, #tpu.memory_space<semaphore_mem>>
      %dma_start3A_133 = arith.constant 0 : i32
      %dma_start3A_134 = arith.constant 0 : i32
      %dma_start3A_135 = tpu.memref_slice %arg13[%run_scoped3A_63, %dma_start3A_133, %dma_start3A_134] : memref<4x80x64xbf16, #tpu.memory_space<vmem>> -> memref<1x80x64xbf16, #tpu.memory_space<vmem>>
      %dma_start3A_136 = tpu.memref_squeeze %dma_start3A_135 : memref<1x80x64xbf16, #tpu.memory_space<vmem>> -> memref<80x64xbf16, #tpu.memory_space<vmem>>
      %dma_start3A_137 = arith.constant 0 : i32
      %dma_start3A_138 = tpu.memref_slice %arg22[%add3A_62, %dma_start3A_137] : memref<20480x64xbf16, #tpu.memory_space<vmem_shared>> -> memref<80x64xbf16, #tpu.memory_space<vmem_shared>>
      %dma_start3A_139 = arith.constant 0 : i32
      %dma_start3A_140 = tpu.memref_slice %arg22[%add3A_62, %dma_start3A_139] : memref<20480x64xbf16, #tpu.memory_space<vmem_shared>> -> memref<80x64xbf16, #tpu.memory_space<vmem_shared>>
      %dma_start3A_141 = arith.constant 0 : i32
      %dma_start3A_142 = arith.constant 0 : i32
      %dma_start3A_143 = tpu.memref_slice %arg13[%run_scoped3A_63, %dma_start3A_141, %dma_start3A_142] : memref<4x80x64xbf16, #tpu.memory_space<vmem>> -> memref<1x80x64xbf16, #tpu.memory_space<vmem>>
      %dma_start3A_144 = tpu.memref_squeeze %dma_start3A_143 : memref<1x80x64xbf16, #tpu.memory_space<vmem>> -> memref<80x64xbf16, #tpu.memory_space<vmem>>
      tpu.enqueue_dma source(%dma_start3A_144 : memref<80x64xbf16, #tpu.memory_space<vmem>>) target(%dma_start3A_140 : memref<80x64xbf16, #tpu.memory_space<vmem_shared>>) target_semaphore(%run_scoped3A_132 : memref<!tpu.dma_semaphore, #tpu.memory_space<semaphore_mem>>)
      %dma_wait3A_145 = arith.constant 0 : i32
      %dma_wait3A_146 = arith.constant 0 : i32
      %dma_wait3A_147 = tpu.memref_slice %arg13[%run_scoped3A_63, %dma_wait3A_145, %dma_wait3A_146] : memref<4x80x64xbf16, #tpu.memory_space<vmem>> -> memref<1x80x64xbf16, #tpu.memory_space<vmem>>
      %dma_wait3A_148 = tpu.memref_squeeze %dma_wait3A_147 : memref<1x80x64xbf16, #tpu.memory_space<vmem>> -> memref<80x64xbf16, #tpu.memory_space<vmem>>
      %dma_wait3A_149 = arith.constant 0 : i32
      %dma_wait3A_150 = tpu.memref_slice %arg22[%add3A_62, %dma_wait3A_149] : memref<20480x64xbf16, #tpu.memory_space<vmem_shared>> -> memref<80x64xbf16, #tpu.memory_space<vmem_shared>>
      %dma_wait3A_151 = arith.constant 0 : i32
      %dma_wait3A_152 = tpu.memref_slice %arg22[%add3A_62, %dma_wait3A_151] : memref<20480x64xbf16, #tpu.memory_space<vmem_shared>> -> memref<80x64xbf16, #tpu.memory_space<vmem_shared>>
      %dma_wait3A_153 = arith.constant 0 : i32
      %dma_wait3A_154 = arith.constant 0 : i32
      %dma_wait3A_155 = tpu.memref_slice %arg13[%run_scoped3A_63, %dma_wait3A_153, %dma_wait3A_154] : memref<4x80x64xbf16, #tpu.memory_space<vmem>> -> memref<1x80x64xbf16, #tpu.memory_space<vmem>>
      %dma_wait3A_156 = tpu.memref_squeeze %dma_wait3A_155 : memref<1x80x64xbf16, #tpu.memory_space<vmem>> -> memref<80x64xbf16, #tpu.memory_space<vmem>>
      tpu.wait_dma2 semaphore(%run_scoped3A_132 : memref<!tpu.dma_semaphore, #tpu.memory_space<semaphore_mem>>) src(%dma_wait3A_156 : memref<80x64xbf16, #tpu.memory_space<vmem>>) dst(%dma_wait3A_152 : memref<80x64xbf16, #tpu.memory_space<vmem_shared>>)
      tpu.yield
    }) : () -> ()
    %scan3A_64 = arith.constant 0 : i32
    %scan3A_65 = arith.constant 0 : i32
    %scan3A_66 = arith.constant 1280 : i32
    %scan3A_67 = arith.addi %scan3A_65, %scan3A_66 : i32
    %scan3A_68 = arith.constant 1 : i32
    scf.for %scan3A_132 = %scan3A_65 to %scan3A_67 step %scan3A_68  : i32 {
      %mul3A_133 = arith.constant 16 : i32
      %mul3A_134 = arith.muli %scan3A_132, %mul3A_133 : i32
      %swap3A = arith.index_cast %mul3A_134 : i32 to index
      %swap3A_135 = tpu.vector_load %arg12[%swap3A] {strides = array<i32>} : memref<20480xf32, #tpu.memory_space<vmem>>, vector<16xf32>,
      tpu.vector_store %arg12[%swap3A], %broadcast_in_dim3A_8 {strides = array<i32>} : memref<20480xf32, #tpu.memory_space<vmem>>, vector<16xf32>,
    }
    %scan3A_69 = arith.constant 1280 : i32
    %scan3A_70 = arith.constant 0 : i32
    %scan3A_71 = arith.constant 0 : i32
    %scan3A_72 = arith.constant 625 : i32
    %scan3A_73 = arith.addi %scan3A_71, %scan3A_72 : i32
    %scan3A_74 = arith.constant 1 : i32
    scf.for %scan3A_132 = %scan3A_71 to %scan3A_73 step %scan3A_74  : i32 {
      %mul3A_133 = arith.constant 16 : i32
      %mul3A_134 = arith.muli %scan3A_132, %mul3A_133 : i32
      %get3A = arith.index_cast %mul3A_134 : i32 to index
      %get3A_135 = tpu.vector_load %arg8[%get3A] {strides = array<i32>} : memref<10000xi32, #tpu.memory_space<vmem>>, vector<16xi32>,
      %mul3A_136 = arith.constant 16 : i32
      %mul3A_137 = arith.muli %scan3A_132, %mul3A_136 : i32
      %get3A_138 = arith.index_cast %mul3A_137 : i32 to index
      %get3A_139 = tpu.vector_load %arg9[%get3A_138] {strides = array<i32>} : memref<10000xi32, #tpu.memory_space<vmem>>, vector<16xi32>,
      %gather3A = tpu.vector_load_idx %arg10[%get3A_135] : memref<10240xf32, #tpu.memory_space<vmem>>[vector<16xi32>], vector<16xf32>,
      %gather3A_140 = tpu.vector_load_idx %arg11[%get3A_139] : memref<10240xf32, #tpu.memory_space<vmem>>[vector<16xi32>], vector<16xf32>,
      %add3A_141 = arith.addf %gather3A, %gather3A_140 : vector<16xf32>
      %lt3A = arith.constant 0.000000e+00 : f32
      %lt3A_142 = vector.broadcast %lt3A : f32 to vector<16xf32>
      %lt3A_143 = arith.cmpf olt, %add3A_141, %lt3A_142 : vector<16xf32>
      %jit3A = arith.constant 10240 : i32
      %jit3A_144 = arith.constant 0 : i32
      %broadcast_in_dim3A_145 = vector.broadcast %jit3A : i32 to vector<16xi32>
      %broadcast_in_dim3A_146 = vector.broadcast %jit3A_144 : i32 to vector<16xi32>
      %select_n3A = arith.select %lt3A_143, %broadcast_in_dim3A_145, %broadcast_in_dim3A_146 : vector<16xi1>, vector<16xi32>
      %add3A_147 = arith.addi %get3A_135, %select_n3A : vector<16xi32>
      %add3A_148 = arith.addi %get3A_139, %select_n3A : vector<16xi32>
      %mul3A_149 = arith.constant 16 : i32
      %mul3A_150 = arith.muli %scan3A_132, %mul3A_149 : i32
      %swap3A = arith.index_cast %mul3A_150 : i32 to index
      %swap3A_151 = tpu.vector_load %arg8[%swap3A] {strides = array<i32>} : memref<10000xi32, #tpu.memory_space<vmem>>, vector<16xi32>,
      tpu.vector_store %arg8[%swap3A], %add3A_147 {strides = array<i32>} : memref<10000xi32, #tpu.memory_space<vmem>>, vector<16xi32>,
      %mul3A_152 = arith.constant 16 : i32
      %mul3A_153 = arith.muli %scan3A_132, %mul3A_152 : i32
      %swap3A_154 = arith.index_cast %mul3A_153 : i32 to index
      %swap3A_155 = tpu.vector_load %arg9[%swap3A_154] {strides = array<i32>} : memref<10000xi32, #tpu.memory_space<vmem>>, vector<16xi32>,
      tpu.vector_store %arg9[%swap3A_154], %add3A_148 {strides = array<i32>} : memref<10000xi32, #tpu.memory_space<vmem>>, vector<16xi32>,
      %mul3A_156 = arith.constant 2.000000e-01 : f32
      %mul3A_157 = vector.broadcast %mul3A_156 : f32 to vector<16xf32>
      %mul3A_158 = arith.mulf %mul3A_157, %gather3A : vector<16xf32>
      %select_n3A_159 = arith.select %lt3A_143, %mul3A_158, %gather3A : vector<16xi1>, vector<16xf32>
      %exp3A = math.exp %select_n3A_159 : vector<16xf32>
      tpu.vector_store_idx %arg12[%add3A_148], %exp3A {add = true} : memref<20480xf32, #tpu.memory_space<vmem>>[vector<16xi32>], vector<16xf32>,
    }
    %scan3A_75 = arith.constant 625 : i32
    "tpu.region"() ({
      %run_scoped3A_132 = tpu.sem_alloc : memref<!tpu.dma_semaphore, #tpu.memory_space<semaphore_mem>>
      %dma_start3A_133 = arith.constant 0 : i32
      %dma_start3A_134 = tpu.memref_slice %arg7[%add3A, %dma_start3A_133] : memref<32x20480xf32, #tpu.memory_space<hbm>> -> memref<1x20480xf32, #tpu.memory_space<hbm>>
      %dma_start3A_135 = tpu.memref_squeeze %dma_start3A_134 : memref<1x20480xf32, #tpu.memory_space<hbm>> -> memref<20480xf32, #tpu.memory_space<hbm>>
      %dma_start3A_136 = arith.constant 0 : i32
      %dma_start3A_137 = tpu.memref_slice %arg7[%add3A, %dma_start3A_136] : memref<32x20480xf32, #tpu.memory_space<hbm>> -> memref<1x20480xf32, #tpu.memory_space<hbm>>
      %dma_start3A_138 = tpu.memref_squeeze %dma_start3A_137 : memref<1x20480xf32, #tpu.memory_space<hbm>> -> memref<20480xf32, #tpu.memory_space<hbm>>
      tpu.enqueue_dma source(%arg12 : memref<20480xf32, #tpu.memory_space<vmem>>) target(%dma_start3A_138 : memref<20480xf32, #tpu.memory_space<hbm>>) target_semaphore(%run_scoped3A_132 : memref<!tpu.dma_semaphore, #tpu.memory_space<semaphore_mem>>)
      %dma_wait3A_139 = arith.constant 0 : i32
      %dma_wait3A_140 = tpu.memref_slice %arg7[%add3A, %dma_wait3A_139] : memref<32x20480xf32, #tpu.memory_space<hbm>> -> memref<1x20480xf32, #tpu.memory_space<hbm>>
      %dma_wait3A_141 = tpu.memref_squeeze %dma_wait3A_140 : memref<1x20480xf32, #tpu.memory_space<hbm>> -> memref<20480xf32, #tpu.memory_space<hbm>>
      %dma_wait3A_142 = arith.constant 0 : i32
      %dma_wait3A_143 = tpu.memref_slice %arg7[%add3A, %dma_wait3A_142] : memref<32x20480xf32, #tpu.memory_space<hbm>> -> memref<1x20480xf32, #tpu.memory_space<hbm>>
      %dma_wait3A_144 = tpu.memref_squeeze %dma_wait3A_143 : memref<1x20480xf32, #tpu.memory_space<hbm>> -> memref<20480xf32, #tpu.memory_space<hbm>>
      tpu.wait_dma2 semaphore(%run_scoped3A_132 : memref<!tpu.dma_semaphore, #tpu.memory_space<semaphore_mem>>) src(%arg12 : memref<20480xf32, #tpu.memory_space<vmem>>) dst(%dma_wait3A_144 : memref<20480xf32, #tpu.memory_space<hbm>>)
      tpu.yield
    }) : () -> ()
    %barrier3A = arith.constant 0 : index
    tpu.barrier barrier_id(%barrier3A)
    %dma_start3A = arith.constant 0 : i32
    %dma_start3A_76 = arith.constant 0 : i32
    %dma_start3A_77 = arith.constant 0 : i32
    %dma_start3A_78 = tpu.memref_slice %arg13[%dma_start3A, %dma_start3A_76, %dma_start3A_77] : memref<4x80x64xbf16, #tpu.memory_space<vmem>> -> memref<1x80x64xbf16, #tpu.memory_space<vmem>>
    %dma_start3A_79 = tpu.memref_squeeze %dma_start3A_78 : memref<1x80x64xbf16, #tpu.memory_space<vmem>> -> memref<80x64xbf16, #tpu.memory_space<vmem>>
    %dma_start3A_80 = arith.constant 0 : i32
    %dma_start3A_81 = tpu.memref_slice %arg8[%dma_start3A_80] : memref<10000xi32, #tpu.memory_space<vmem>> -> memref<80xi32, #tpu.memory_space<vmem>>
    %dma_start3A_82 = arith.constant 0 : i32
    %dma_start3A_83 = arith.constant 0 : i32
    %dma_start3A_84 = tpu.memref_slice %arg5[%dma_start3A_82, %dma_start3A_83] : memref<20480x64xbf16, #tpu.memory_space<hbm>> -> memref<20480x64xbf16, #tpu.memory_space<hbm>>
    tpu.enqueue_indirect_dma source(%dma_start3A_84 : memref<20480x64xbf16, #tpu.memory_space<hbm>>) target(%dma_start3A_79 : memref<80x64xbf16, #tpu.memory_space<vmem>>) offsets(%dma_start3A_81 : memref<80xi32, #tpu.memory_space<vmem>>) semaphore(%arg14 : memref<!tpu.dma_semaphore, #tpu.memory_space<semaphore_mem>>)
    %dma_start3A_85 = arith.constant 1 : i32
    %dma_start3A_86 = arith.constant 0 : i32
    %dma_start3A_87 = arith.constant 0 : i32
    %dma_start3A_88 = tpu.memref_slice %arg13[%dma_start3A_85, %dma_start3A_86, %dma_start3A_87] : memref<4x80x64xbf16, #tpu.memory_space<vmem>> -> memref<1x80x64xbf16, #tpu.memory_space<vmem>>
    %dma_start3A_89 = tpu.memref_squeeze %dma_start3A_88 : memref<1x80x64xbf16, #tpu.memory_space<vmem>> -> memref<80x64xbf16, #tpu.memory_space<vmem>>
    %dma_start3A_90 = arith.constant 80 : i32
    %dma_start3A_91 = tpu.memref_slice %arg8[%dma_start3A_90] : memref<10000xi32, #tpu.memory_space<vmem>> -> memref<80xi32, #tpu.memory_space<vmem>>
    %dma_start3A_92 = arith.constant 0 : i32
    %dma_start3A_93 = arith.constant 0 : i32
    %dma_start3A_94 = tpu.memref_slice %arg5[%dma_start3A_92, %dma_start3A_93] : memref<20480x64xbf16, #tpu.memory_space<hbm>> -> memref<20480x64xbf16, #tpu.memory_space<hbm>>
    tpu.enqueue_indirect_dma source(%dma_start3A_94 : memref<20480x64xbf16, #tpu.memory_space<hbm>>) target(%dma_start3A_89 : memref<80x64xbf16, #tpu.memory_space<vmem>>) offsets(%dma_start3A_91 : memref<80xi32, #tpu.memory_space<vmem>>) semaphore(%arg15 : memref<!tpu.dma_semaphore, #tpu.memory_space<semaphore_mem>>)
    %dma_start3A_95 = arith.constant 2 : i32
    %dma_start3A_96 = arith.constant 0 : i32
    %dma_start3A_97 = arith.constant 0 : i32
    %dma_start3A_98 = tpu.memref_slice %arg13[%dma_start3A_95, %dma_start3A_96, %dma_start3A_97] : memref<4x80x64xbf16, #tpu.memory_space<vmem>> -> memref<1x80x64xbf16, #tpu.memory_space<vmem>>
    %dma_start3A_99 = tpu.memref_squeeze %dma_start3A_98 : memref<1x80x64xbf16, #tpu.memory_space<vmem>> -> memref<80x64xbf16, #tpu.memory_space<vmem>>
    %dma_start3A_100 = arith.constant 160 : i32
    %dma_start3A_101 = tpu.memref_slice %arg8[%dma_start3A_100] : memref<10000xi32, #tpu.memory_space<vmem>> -> memref<80xi32, #tpu.memory_space<vmem>>
    %dma_start3A_102 = arith.constant 0 : i32
    %dma_start3A_103 = arith.constant 0 : i32
    %dma_start3A_104 = tpu.memref_slice %arg5[%dma_start3A_102, %dma_start3A_103] : memref<20480x64xbf16, #tpu.memory_space<hbm>> -> memref<20480x64xbf16, #tpu.memory_space<hbm>>
    tpu.enqueue_indirect_dma source(%dma_start3A_104 : memref<20480x64xbf16, #tpu.memory_space<hbm>>) target(%dma_start3A_99 : memref<80x64xbf16, #tpu.memory_space<vmem>>) offsets(%dma_start3A_101 : memref<80xi32, #tpu.memory_space<vmem>>) semaphore(%arg16 : memref<!tpu.dma_semaphore, #tpu.memory_space<semaphore_mem>>)
    %dma_start3A_105 = arith.constant 3 : i32
    %dma_start3A_106 = arith.constant 0 : i32
    %dma_start3A_107 = arith.constant 0 : i32
    %dma_start3A_108 = tpu.memref_slice %arg13[%dma_start3A_105, %dma_start3A_106, %dma_start3A_107] : memref<4x80x64xbf16, #tpu.memory_space<vmem>> -> memref<1x80x64xbf16, #tpu.memory_space<vmem>>
    %dma_start3A_109 = tpu.memref_squeeze %dma_start3A_108 : memref<1x80x64xbf16, #tpu.memory_space<vmem>> -> memref<80x64xbf16, #tpu.memory_space<vmem>>
    %dma_start3A_110 = arith.constant 240 : i32
    %dma_start3A_111 = tpu.memref_slice %arg8[%dma_start3A_110] : memref<10000xi32, #tpu.memory_space<vmem>> -> memref<80xi32, #tpu.memory_space<vmem>>
    %dma_start3A_112 = arith.constant 0 : i32
    %dma_start3A_113 = arith.constant 0 : i32
    %dma_start3A_114 = tpu.memref_slice %arg5[%dma_start3A_112, %dma_start3A_113] : memref<20480x64xbf16, #tpu.memory_space<hbm>> -> memref<20480x64xbf16, #tpu.memory_space<hbm>>
    tpu.enqueue_indirect_dma source(%dma_start3A_114 : memref<20480x64xbf16, #tpu.memory_space<hbm>>) target(%dma_start3A_109 : memref<80x64xbf16, #tpu.memory_space<vmem>>) offsets(%dma_start3A_111 : memref<80xi32, #tpu.memory_space<vmem>>) semaphore(%arg17 : memref<!tpu.dma_semaphore, #tpu.memory_space<semaphore_mem>>)
    %scan3A_115 = arith.constant 0 : i32
    %scan3A_116 = arith.constant 0 : i32
    %scan3A_117 = arith.constant 31 : i32
    %scan3A_118 = arith.addi %scan3A_116, %scan3A_117 : i32
    %scan3A_119 = arith.constant 1 : i32
    scf.for %scan3A_132 = %scan3A_116 to %scan3A_118 step %scan3A_119  : i32 {
      %mul3A_133 = arith.constant 4 : i32
      %mul3A_134 = arith.muli %mul3A_133, %scan3A_132 : i32
      %add3A_135 = arith.constant 0 : i32
      %add3A_136 = arith.addi %mul3A_134, %add3A_135 : i32
      %mul3A_137 = arith.constant 80 : i32
      %mul3A_138 = arith.muli %add3A_136, %mul3A_137 : i32
      %dma_wait3A_139 = arith.constant 0 : i32
      %dma_wait3A_140 = arith.constant 0 : i32
      %dma_wait3A_141 = arith.constant 0 : i32
      %dma_wait3A_142 = tpu.memref_slice %arg13[%dma_wait3A_139, %dma_wait3A_140, %dma_wait3A_141] : memref<4x80x64xbf16, #tpu.memory_space<vmem>> -> memref<1x80x64xbf16, #tpu.memory_space<vmem>>
      %dma_wait3A_143 = tpu.memref_squeeze %dma_wait3A_142 : memref<1x80x64xbf16, #tpu.memory_space<vmem>> -> memref<80x64xbf16, #tpu.memory_space<vmem>>
      %dma_wait3A_144 = tpu.memref_slice %arg8[%mul3A_138] : memref<10000xi32, #tpu.memory_space<vmem>> -> memref<80xi32, #tpu.memory_space<vmem>>
      %dma_wait3A_145 = arith.constant 0 : i32
      %dma_wait3A_146 = arith.constant 0 : i32
      %dma_wait3A_147 = tpu.memref_slice %arg5[%dma_wait3A_145, %dma_wait3A_146] : memref<20480x64xbf16, #tpu.memory_space<hbm>> -> memref<20480x64xbf16, #tpu.memory_space<hbm>>
      tpu.wait_indirect_dma semaphore(%arg14 : memref<!tpu.dma_semaphore, #tpu.memory_space<semaphore_mem>>) src(%dma_wait3A_147 : memref<20480x64xbf16, #tpu.memory_space<hbm>>) dst(%dma_wait3A_143 : memref<80x64xbf16, #tpu.memory_space<vmem>>)
      %mul3A_148 = arith.constant 80 : i32
      %mul3A_149 = arith.muli %add3A_136, %mul3A_148 : i32
      %dma_start3A_150 = arith.constant 0 : i32
      %dma_start3A_151 = arith.constant 0 : i32
      %dma_start3A_152 = arith.constant 0 : i32
      %dma_start3A_153 = tpu.memref_slice %arg13[%dma_start3A_150, %dma_start3A_151, %dma_start3A_152] : memref<4x80x64xbf16, #tpu.memory_space<vmem>> -> memref<1x80x64xbf16, #tpu.memory_space<vmem>>
      %dma_start3A_154 = tpu.memref_squeeze %dma_start3A_153 : memref<1x80x64xbf16, #tpu.memory_space<vmem>> -> memref<80x64xbf16, #tpu.memory_space<vmem>>
      %dma_start3A_155 = tpu.memref_slice %arg9[%mul3A_149] : memref<10000xi32, #tpu.memory_space<vmem>> -> memref<80xi32, #tpu.memory_space<vmem>>
      %dma_start3A_156 = arith.constant 0 : i32
      %dma_start3A_157 = arith.constant 0 : i32
      %dma_start3A_158 = tpu.memref_slice %arg22[%dma_start3A_156, %dma_start3A_157] : memref<20480x64xbf16, #tpu.memory_space<vmem_shared>> -> memref<20480x64xbf16, #tpu.memory_space<vmem_shared>>
      tpu.enqueue_indirect_dma source(%dma_start3A_154 : memref<80x64xbf16, #tpu.memory_space<vmem>>) target(%dma_start3A_158 : memref<20480x64xbf16, #tpu.memory_space<vmem_shared>>) offsets(%dma_start3A_155 : memref<80xi32, #tpu.memory_space<vmem>>) semaphore(%arg18 : memref<!tpu.dma_semaphore, #tpu.memory_space<semaphore_mem>>) {add = true}
      %add3A_159 = arith.constant 1 : i32
      %add3A_160 = arith.addi %mul3A_134, %add3A_159 : i32
      %mul3A_161 = arith.constant 80 : i32
      %mul3A_162 = arith.muli %add3A_160, %mul3A_161 : i32
      %dma_wait3A_163 = arith.constant 1 : i32
      %dma_wait3A_164 = arith.constant 0 : i32
      %dma_wait3A_165 = arith.constant 0 : i32
      %dma_wait3A_166 = tpu.memref_slice %arg13[%dma_wait3A_163, %dma_wait3A_164, %dma_wait3A_165] : memref<4x80x64xbf16, #tpu.memory_space<vmem>> -> memref<1x80x64xbf16, #tpu.memory_space<vmem>>
      %dma_wait3A_167 = tpu.memref_squeeze %dma_wait3A_166 : memref<1x80x64xbf16, #tpu.memory_space<vmem>> -> memref<80x64xbf16, #tpu.memory_space<vmem>>
      %dma_wait3A_168 = tpu.memref_slice %arg8[%mul3A_162] : memref<10000xi32, #tpu.memory_space<vmem>> -> memref<80xi32, #tpu.memory_space<vmem>>
      %dma_wait3A_169 = arith.constant 0 : i32
      %dma_wait3A_170 = arith.constant 0 : i32
      %dma_wait3A_171 = tpu.memref_slice %arg5[%dma_wait3A_169, %dma_wait3A_170] : memref<20480x64xbf16, #tpu.memory_space<hbm>> -> memref<20480x64xbf16, #tpu.memory_space<hbm>>
      tpu.wait_indirect_dma semaphore(%arg15 : memref<!tpu.dma_semaphore, #tpu.memory_space<semaphore_mem>>) src(%dma_wait3A_171 : memref<20480x64xbf16, #tpu.memory_space<hbm>>) dst(%dma_wait3A_167 : memref<80x64xbf16, #tpu.memory_space<vmem>>)
      %mul3A_172 = arith.constant 80 : i32
      %mul3A_173 = arith.muli %add3A_160, %mul3A_172 : i32
      %dma_start3A_174 = arith.constant 1 : i32
      %dma_start3A_175 = arith.constant 0 : i32
      %dma_start3A_176 = arith.constant 0 : i32
      %dma_start3A_177 = tpu.memref_slice %arg13[%dma_start3A_174, %dma_start3A_175, %dma_start3A_176] : memref<4x80x64xbf16, #tpu.memory_space<vmem>> -> memref<1x80x64xbf16, #tpu.memory_space<vmem>>
      %dma_start3A_178 = tpu.memref_squeeze %dma_start3A_177 : memref<1x80x64xbf16, #tpu.memory_space<vmem>> -> memref<80x64xbf16, #tpu.memory_space<vmem>>
      %dma_start3A_179 = tpu.memref_slice %arg9[%mul3A_173] : memref<10000xi32, #tpu.memory_space<vmem>> -> memref<80xi32, #tpu.memory_space<vmem>>
      %dma_start3A_180 = arith.constant 0 : i32
      %dma_start3A_181 = arith.constant 0 : i32
      %dma_start3A_182 = tpu.memref_slice %arg22[%dma_start3A_180, %dma_start3A_181] : memref<20480x64xbf16, #tpu.memory_space<vmem_shared>> -> memref<20480x64xbf16, #tpu.memory_space<vmem_shared>>
      tpu.enqueue_indirect_dma source(%dma_start3A_178 : memref<80x64xbf16, #tpu.memory_space<vmem>>) target(%dma_start3A_182 : memref<20480x64xbf16, #tpu.memory_space<vmem_shared>>) offsets(%dma_start3A_179 : memref<80xi32, #tpu.memory_space<vmem>>) semaphore(%arg19 : memref<!tpu.dma_semaphore, #tpu.memory_space<semaphore_mem>>) {add = true}
      %add3A_183 = arith.constant 2 : i32
      %add3A_184 = arith.addi %mul3A_134, %add3A_183 : i32
      %mul3A_185 = arith.constant 80 : i32
      %mul3A_186 = arith.muli %add3A_184, %mul3A_185 : i32
      %dma_wait3A_187 = arith.constant 2 : i32
      %dma_wait3A_188 = arith.constant 0 : i32
      %dma_wait3A_189 = arith.constant 0 : i32
      %dma_wait3A_190 = tpu.memref_slice %arg13[%dma_wait3A_187, %dma_wait3A_188, %dma_wait3A_189] : memref<4x80x64xbf16, #tpu.memory_space<vmem>> -> memref<1x80x64xbf16, #tpu.memory_space<vmem>>
      %dma_wait3A_191 = tpu.memref_squeeze %dma_wait3A_190 : memref<1x80x64xbf16, #tpu.memory_space<vmem>> -> memref<80x64xbf16, #tpu.memory_space<vmem>>
      %dma_wait3A_192 = tpu.memref_slice %arg8[%mul3A_186] : memref<10000xi32, #tpu.memory_space<vmem>> -> memref<80xi32, #tpu.memory_space<vmem>>
      %dma_wait3A_193 = arith.constant 0 : i32
      %dma_wait3A_194 = arith.constant 0 : i32
      %dma_wait3A_195 = tpu.memref_slice %arg5[%dma_wait3A_193, %dma_wait3A_194] : memref<20480x64xbf16, #tpu.memory_space<hbm>> -> memref<20480x64xbf16, #tpu.memory_space<hbm>>
      tpu.wait_indirect_dma semaphore(%arg16 : memref<!tpu.dma_semaphore, #tpu.memory_space<semaphore_mem>>) src(%dma_wait3A_195 : memref<20480x64xbf16, #tpu.memory_space<hbm>>) dst(%dma_wait3A_191 : memref<80x64xbf16, #tpu.memory_space<vmem>>)
      %mul3A_196 = arith.constant 80 : i32
      %mul3A_197 = arith.muli %add3A_184, %mul3A_196 : i32
      %dma_start3A_198 = arith.constant 2 : i32
      %dma_start3A_199 = arith.constant 0 : i32
      %dma_start3A_200 = arith.constant 0 : i32
      %dma_start3A_201 = tpu.memref_slice %arg13[%dma_start3A_198, %dma_start3A_199, %dma_start3A_200] : memref<4x80x64xbf16, #tpu.memory_space<vmem>> -> memref<1x80x64xbf16, #tpu.memory_space<vmem>>
      %dma_start3A_202 = tpu.memref_squeeze %dma_start3A_201 : memref<1x80x64xbf16, #tpu.memory_space<vmem>> -> memref<80x64xbf16, #tpu.memory_space<vmem>>
      %dma_start3A_203 = tpu.memref_slice %arg9[%mul3A_197] : memref<10000xi32, #tpu.memory_space<vmem>> -> memref<80xi32, #tpu.memory_space<vmem>>
      %dma_start3A_204 = arith.constant 0 : i32
      %dma_start3A_205 = arith.constant 0 : i32
      %dma_start3A_206 = tpu.memref_slice %arg22[%dma_start3A_204, %dma_start3A_205] : memref<20480x64xbf16, #tpu.memory_space<vmem_shared>> -> memref<20480x64xbf16, #tpu.memory_space<vmem_shared>>
      tpu.enqueue_indirect_dma source(%dma_start3A_202 : memref<80x64xbf16, #tpu.memory_space<vmem>>) target(%dma_start3A_206 : memref<20480x64xbf16, #tpu.memory_space<vmem_shared>>) offsets(%dma_start3A_203 : memref<80xi32, #tpu.memory_space<vmem>>) semaphore(%arg20 : memref<!tpu.dma_semaphore, #tpu.memory_space<semaphore_mem>>) {add = true}
      %add3A_207 = arith.constant 3 : i32
      %add3A_208 = arith.addi %mul3A_134, %add3A_207 : i32
      %mul3A_209 = arith.constant 80 : i32
      %mul3A_210 = arith.muli %add3A_208, %mul3A_209 : i32
      %dma_wait3A_211 = arith.constant 3 : i32
      %dma_wait3A_212 = arith.constant 0 : i32
      %dma_wait3A_213 = arith.constant 0 : i32
      %dma_wait3A_214 = tpu.memref_slice %arg13[%dma_wait3A_211, %dma_wait3A_212, %dma_wait3A_213] : memref<4x80x64xbf16, #tpu.memory_space<vmem>> -> memref<1x80x64xbf16, #tpu.memory_space<vmem>>
      %dma_wait3A_215 = tpu.memref_squeeze %dma_wait3A_214 : memref<1x80x64xbf16, #tpu.memory_space<vmem>> -> memref<80x64xbf16, #tpu.memory_space<vmem>>
      %dma_wait3A_216 = tpu.memref_slice %arg8[%mul3A_210] : memref<10000xi32, #tpu.memory_space<vmem>> -> memref<80xi32, #tpu.memory_space<vmem>>
      %dma_wait3A_217 = arith.constant 0 : i32
      %dma_wait3A_218 = arith.constant 0 : i32
      %dma_wait3A_219 = tpu.memref_slice %arg5[%dma_wait3A_217, %dma_wait3A_218] : memref<20480x64xbf16, #tpu.memory_space<hbm>> -> memref<20480x64xbf16, #tpu.memory_space<hbm>>
      tpu.wait_indirect_dma semaphore(%arg17 : memref<!tpu.dma_semaphore, #tpu.memory_space<semaphore_mem>>) src(%dma_wait3A_219 : memref<20480x64xbf16, #tpu.memory_space<hbm>>) dst(%dma_wait3A_215 : memref<80x64xbf16, #tpu.memory_space<vmem>>)
      %mul3A_220 = arith.constant 80 : i32
      %mul3A_221 = arith.muli %add3A_208, %mul3A_220 : i32
      %dma_start3A_222 = arith.constant 3 : i32
      %dma_start3A_223 = arith.constant 0 : i32
      %dma_start3A_224 = arith.constant 0 : i32
      %dma_start3A_225 = tpu.memref_slice %arg13[%dma_start3A_222, %dma_start3A_223, %dma_start3A_224] : memref<4x80x64xbf16, #tpu.memory_space<vmem>> -> memref<1x80x64xbf16, #tpu.memory_space<vmem>>
      %dma_start3A_226 = tpu.memref_squeeze %dma_start3A_225 : memref<1x80x64xbf16, #tpu.memory_space<vmem>> -> memref<80x64xbf16, #tpu.memory_space<vmem>>
      %dma_start3A_227 = tpu.memref_slice %arg9[%mul3A_221] : memref<10000xi32, #tpu.memory_space<vmem>> -> memref<80xi32, #tpu.memory_space<vmem>>
      %dma_start3A_228 = arith.constant 0 : i32
      %dma_start3A_229 = arith.constant 0 : i32
      %dma_start3A_230 = tpu.memref_slice %arg22[%dma_start3A_228, %dma_start3A_229] : memref<20480x64xbf16, #tpu.memory_space<vmem_shared>> -> memref<20480x64xbf16, #tpu.memory_space<vmem_shared>>
      tpu.enqueue_indirect_dma source(%dma_start3A_226 : memref<80x64xbf16, #tpu.memory_space<vmem>>) target(%dma_start3A_230 : memref<20480x64xbf16, #tpu.memory_space<vmem_shared>>) offsets(%dma_start3A_227 : memref<80xi32, #tpu.memory_space<vmem>>) semaphore(%arg21 : memref<!tpu.dma_semaphore, #tpu.memory_space<semaphore_mem>>) {add = true}
      %add3A_231 = arith.constant 0 : i32
      %add3A_232 = arith.addi %mul3A_134, %add3A_231 : i32
      %mul3A_233 = arith.constant 80 : i32
      %mul3A_234 = arith.muli %add3A_232, %mul3A_233 : i32
      %dma_wait3A_235 = arith.constant 0 : i32
      %dma_wait3A_236 = arith.constant 0 : i32
      %dma_wait3A_237 = arith.constant 0 : i32
      %dma_wait3A_238 = tpu.memref_slice %arg13[%dma_wait3A_235, %dma_wait3A_236, %dma_wait3A_237] : memref<4x80x64xbf16, #tpu.memory_space<vmem>> -> memref<1x80x64xbf16, #tpu.memory_space<vmem>>
      %dma_wait3A_239 = tpu.memref_squeeze %dma_wait3A_238 : memref<1x80x64xbf16, #tpu.memory_space<vmem>> -> memref<80x64xbf16, #tpu.memory_space<vmem>>
      %dma_wait3A_240 = tpu.memref_slice %arg9[%mul3A_234] : memref<10000xi32, #tpu.memory_space<vmem>> -> memref<80xi32, #tpu.memory_space<vmem>>
      %dma_wait3A_241 = arith.constant 0 : i32
      %dma_wait3A_242 = arith.constant 0 : i32
      %dma_wait3A_243 = tpu.memref_slice %arg22[%dma_wait3A_241, %dma_wait3A_242] : memref<20480x64xbf16, #tpu.memory_space<vmem_shared>> -> memref<20480x64xbf16, #tpu.memory_space<vmem_shared>>
      tpu.wait_indirect_dma semaphore(%arg18 : memref<!tpu.dma_semaphore, #tpu.memory_space<semaphore_mem>>) src(%dma_wait3A_239 : memref<80x64xbf16, #tpu.memory_space<vmem>>) dst(%dma_wait3A_243 : memref<20480x64xbf16, #tpu.memory_space<vmem_shared>>)
      %add3A_244 = arith.constant 4 : i32
      %add3A_245 = arith.addi %add3A_232, %add3A_244 : i32
      %lt3A = arith.constant 125 : i32
      %lt3A_246 = arith.cmpi slt, %add3A_245, %lt3A : i32
      %convert_element_type3A = arith.extui %lt3A_246 : i1 to i32
      %cond3A = arith.constant 0 : i32
      %cond3A_247 = arith.cmpi ne, %convert_element_type3A, %cond3A : i32
      scf.if %cond3A_247 {
        %add3A_308 = arith.constant 4 : i32
        %add3A_309 = arith.addi %add3A_232, %add3A_308 : i32
        %mul3A_310 = arith.constant 80 : i32
        %mul3A_311 = arith.muli %add3A_309, %mul3A_310 : i32
        %dma_start3A_312 = arith.constant 0 : i32
        %dma_start3A_313 = arith.constant 0 : i32
        %dma_start3A_314 = arith.constant 0 : i32
        %dma_start3A_315 = tpu.memref_slice %arg13[%dma_start3A_312, %dma_start3A_313, %dma_start3A_314] : memref<4x80x64xbf16, #tpu.memory_space<vmem>> -> memref<1x80x64xbf16, #tpu.memory_space<vmem>>
        %dma_start3A_316 = tpu.memref_squeeze %dma_start3A_315 : memref<1x80x64xbf16, #tpu.memory_space<vmem>> -> memref<80x64xbf16, #tpu.memory_space<vmem>>
        %dma_start3A_317 = tpu.memref_slice %arg8[%mul3A_311] : memref<10000xi32, #tpu.memory_space<vmem>> -> memref<80xi32, #tpu.memory_space<vmem>>
        %dma_start3A_318 = arith.constant 0 : i32
        %dma_start3A_319 = arith.constant 0 : i32
        %dma_start3A_320 = tpu.memref_slice %arg5[%dma_start3A_318, %dma_start3A_319] : memref<20480x64xbf16, #tpu.memory_space<hbm>> -> memref<20480x64xbf16, #tpu.memory_space<hbm>>
        tpu.enqueue_indirect_dma source(%dma_start3A_320 : memref<20480x64xbf16, #tpu.memory_space<hbm>>) target(%dma_start3A_316 : memref<80x64xbf16, #tpu.memory_space<vmem>>) offsets(%dma_start3A_317 : memref<80xi32, #tpu.memory_space<vmem>>) semaphore(%arg14 : memref<!tpu.dma_semaphore, #tpu.memory_space<semaphore_mem>>)
      } else {
      }
      %add3A_248 = arith.constant 1 : i32
      %add3A_249 = arith.addi %mul3A_134, %add3A_248 : i32
      %mul3A_250 = arith.constant 80 : i32
      %mul3A_251 = arith.muli %add3A_249, %mul3A_250 : i32
      %dma_wait3A_252 = arith.constant 1 : i32
      %dma_wait3A_253 = arith.constant 0 : i32
      %dma_wait3A_254 = arith.constant 0 : i32
      %dma_wait3A_255 = tpu.memref_slice %arg13[%dma_wait3A_252, %dma_wait3A_253, %dma_wait3A_254] : memref<4x80x64xbf16, #tpu.memory_space<vmem>> -> memref<1x80x64xbf16, #tpu.memory_space<vmem>>
      %dma_wait3A_256 = tpu.memref_squeeze %dma_wait3A_255 : memref<1x80x64xbf16, #tpu.memory_space<vmem>> -> memref<80x64xbf16, #tpu.memory_space<vmem>>
      %dma_wait3A_257 = tpu.memref_slice %arg9[%mul3A_251] : memref<10000xi32, #tpu.memory_space<vmem>> -> memref<80xi32, #tpu.memory_space<vmem>>
      %dma_wait3A_258 = arith.constant 0 : i32
      %dma_wait3A_259 = arith.constant 0 : i32
      %dma_wait3A_260 = tpu.memref_slice %arg22[%dma_wait3A_258, %dma_wait3A_259] : memref<20480x64xbf16, #tpu.memory_space<vmem_shared>> -> memref<20480x64xbf16, #tpu.memory_space<vmem_shared>>
      tpu.wait_indirect_dma semaphore(%arg19 : memref<!tpu.dma_semaphore, #tpu.memory_space<semaphore_mem>>) src(%dma_wait3A_256 : memref<80x64xbf16, #tpu.memory_space<vmem>>) dst(%dma_wait3A_260 : memref<20480x64xbf16, #tpu.memory_space<vmem_shared>>)
      %add3A_261 = arith.constant 4 : i32
      %add3A_262 = arith.addi %add3A_249, %add3A_261 : i32
      %lt3A_263 = arith.constant 125 : i32
      %lt3A_264 = arith.cmpi slt, %add3A_262, %lt3A_263 : i32
      %convert_element_type3A_265 = arith.extui %lt3A_264 : i1 to i32
      %cond3A_266 = arith.constant 0 : i32
      %cond3A_267 = arith.cmpi ne, %convert_element_type3A_265, %cond3A_266 : i32
      scf.if %cond3A_267 {
        %add3A_308 = arith.constant 4 : i32
        %add3A_309 = arith.addi %add3A_249, %add3A_308 : i32
        %mul3A_310 = arith.constant 80 : i32
        %mul3A_311 = arith.muli %add3A_309, %mul3A_310 : i32
        %dma_start3A_312 = arith.constant 1 : i32
        %dma_start3A_313 = arith.constant 0 : i32
        %dma_start3A_314 = arith.constant 0 : i32
        %dma_start3A_315 = tpu.memref_slice %arg13[%dma_start3A_312, %dma_start3A_313, %dma_start3A_314] : memref<4x80x64xbf16, #tpu.memory_space<vmem>> -> memref<1x80x64xbf16, #tpu.memory_space<vmem>>
        %dma_start3A_316 = tpu.memref_squeeze %dma_start3A_315 : memref<1x80x64xbf16, #tpu.memory_space<vmem>> -> memref<80x64xbf16, #tpu.memory_space<vmem>>
        %dma_start3A_317 = tpu.memref_slice %arg8[%mul3A_311] : memref<10000xi32, #tpu.memory_space<vmem>> -> memref<80xi32, #tpu.memory_space<vmem>>
        %dma_start3A_318 = arith.constant 0 : i32
        %dma_start3A_319 = arith.constant 0 : i32
        %dma_start3A_320 = tpu.memref_slice %arg5[%dma_start3A_318, %dma_start3A_319] : memref<20480x64xbf16, #tpu.memory_space<hbm>> -> memref<20480x64xbf16, #tpu.memory_space<hbm>>
        tpu.enqueue_indirect_dma source(%dma_start3A_320 : memref<20480x64xbf16, #tpu.memory_space<hbm>>) target(%dma_start3A_316 : memref<80x64xbf16, #tpu.memory_space<vmem>>) offsets(%dma_start3A_317 : memref<80xi32, #tpu.memory_space<vmem>>) semaphore(%arg15 : memref<!tpu.dma_semaphore, #tpu.memory_space<semaphore_mem>>)
      } else {
      }
      %add3A_268 = arith.constant 2 : i32
      %add3A_269 = arith.addi %mul3A_134, %add3A_268 : i32
      %mul3A_270 = arith.constant 80 : i32
      %mul3A_271 = arith.muli %add3A_269, %mul3A_270 : i32
      %dma_wait3A_272 = arith.constant 2 : i32
      %dma_wait3A_273 = arith.constant 0 : i32
      %dma_wait3A_274 = arith.constant 0 : i32
      %dma_wait3A_275 = tpu.memref_slice %arg13[%dma_wait3A_272, %dma_wait3A_273, %dma_wait3A_274] : memref<4x80x64xbf16, #tpu.memory_space<vmem>> -> memref<1x80x64xbf16, #tpu.memory_space<vmem>>
      %dma_wait3A_276 = tpu.memref_squeeze %dma_wait3A_275 : memref<1x80x64xbf16, #tpu.memory_space<vmem>> -> memref<80x64xbf16, #tpu.memory_space<vmem>>
      %dma_wait3A_277 = tpu.memref_slice %arg9[%mul3A_271] : memref<10000xi32, #tpu.memory_space<vmem>> -> memref<80xi32, #tpu.memory_space<vmem>>
      %dma_wait3A_278 = arith.constant 0 : i32
      %dma_wait3A_279 = arith.constant 0 : i32
      %dma_wait3A_280 = tpu.memref_slice %arg22[%dma_wait3A_278, %dma_wait3A_279] : memref<20480x64xbf16, #tpu.memory_space<vmem_shared>> -> memref<20480x64xbf16, #tpu.memory_space<vmem_shared>>
      tpu.wait_indirect_dma semaphore(%arg20 : memref<!tpu.dma_semaphore, #tpu.memory_space<semaphore_mem>>) src(%dma_wait3A_276 : memref<80x64xbf16, #tpu.memory_space<vmem>>) dst(%dma_wait3A_280 : memref<20480x64xbf16, #tpu.memory_space<vmem_shared>>)
      %add3A_281 = arith.constant 4 : i32
      %add3A_282 = arith.addi %add3A_269, %add3A_281 : i32
      %lt3A_283 = arith.constant 125 : i32
      %lt3A_284 = arith.cmpi slt, %add3A_282, %lt3A_283 : i32
      %convert_element_type3A_285 = arith.extui %lt3A_284 : i1 to i32
      %cond3A_286 = arith.constant 0 : i32
      %cond3A_287 = arith.cmpi ne, %convert_element_type3A_285, %cond3A_286 : i32
      scf.if %cond3A_287 {
        %add3A_308 = arith.constant 4 : i32
        %add3A_309 = arith.addi %add3A_269, %add3A_308 : i32
        %mul3A_310 = arith.constant 80 : i32
        %mul3A_311 = arith.muli %add3A_309, %mul3A_310 : i32
        %dma_start3A_312 = arith.constant 2 : i32
        %dma_start3A_313 = arith.constant 0 : i32
        %dma_start3A_314 = arith.constant 0 : i32
        %dma_start3A_315 = tpu.memref_slice %arg13[%dma_start3A_312, %dma_start3A_313, %dma_start3A_314] : memref<4x80x64xbf16, #tpu.memory_space<vmem>> -> memref<1x80x64xbf16, #tpu.memory_space<vmem>>
        %dma_start3A_316 = tpu.memref_squeeze %dma_start3A_315 : memref<1x80x64xbf16, #tpu.memory_space<vmem>> -> memref<80x64xbf16, #tpu.memory_space<vmem>>
        %dma_start3A_317 = tpu.memref_slice %arg8[%mul3A_311] : memref<10000xi32, #tpu.memory_space<vmem>> -> memref<80xi32, #tpu.memory_space<vmem>>
        %dma_start3A_318 = arith.constant 0 : i32
        %dma_start3A_319 = arith.constant 0 : i32
        %dma_start3A_320 = tpu.memref_slice %arg5[%dma_start3A_318, %dma_start3A_319] : memref<20480x64xbf16, #tpu.memory_space<hbm>> -> memref<20480x64xbf16, #tpu.memory_space<hbm>>
        tpu.enqueue_indirect_dma source(%dma_start3A_320 : memref<20480x64xbf16, #tpu.memory_space<hbm>>) target(%dma_start3A_316 : memref<80x64xbf16, #tpu.memory_space<vmem>>) offsets(%dma_start3A_317 : memref<80xi32, #tpu.memory_space<vmem>>) semaphore(%arg16 : memref<!tpu.dma_semaphore, #tpu.memory_space<semaphore_mem>>)
      } else {
      }
      %add3A_288 = arith.constant 3 : i32
      %add3A_289 = arith.addi %mul3A_134, %add3A_288 : i32
      %mul3A_290 = arith.constant 80 : i32
      %mul3A_291 = arith.muli %add3A_289, %mul3A_290 : i32
      %dma_wait3A_292 = arith.constant 3 : i32
      %dma_wait3A_293 = arith.constant 0 : i32
      %dma_wait3A_294 = arith.constant 0 : i32
      %dma_wait3A_295 = tpu.memref_slice %arg13[%dma_wait3A_292, %dma_wait3A_293, %dma_wait3A_294] : memref<4x80x64xbf16, #tpu.memory_space<vmem>> -> memref<1x80x64xbf16, #tpu.memory_space<vmem>>
      %dma_wait3A_296 = tpu.memref_squeeze %dma_wait3A_295 : memref<1x80x64xbf16, #tpu.memory_space<vmem>> -> memref<80x64xbf16, #tpu.memory_space<vmem>>
      %dma_wait3A_297 = tpu.memref_slice %arg9[%mul3A_291] : memref<10000xi32, #tpu.memory_space<vmem>> -> memref<80xi32, #tpu.memory_space<vmem>>
      %dma_wait3A_298 = arith.constant 0 : i32
      %dma_wait3A_299 = arith.constant 0 : i32
      %dma_wait3A_300 = tpu.memref_slice %arg22[%dma_wait3A_298, %dma_wait3A_299] : memref<20480x64xbf16, #tpu.memory_space<vmem_shared>> -> memref<20480x64xbf16, #tpu.memory_space<vmem_shared>>
      tpu.wait_indirect_dma semaphore(%arg21 : memref<!tpu.dma_semaphore, #tpu.memory_space<semaphore_mem>>) src(%dma_wait3A_296 : memref<80x64xbf16, #tpu.memory_space<vmem>>) dst(%dma_wait3A_300 : memref<20480x64xbf16, #tpu.memory_space<vmem_shared>>)
      %add3A_301 = arith.constant 4 : i32
      %add3A_302 = arith.addi %add3A_289, %add3A_301 : i32
      %lt3A_303 = arith.constant 125 : i32
      %lt3A_304 = arith.cmpi slt, %add3A_302, %lt3A_303 : i32
      %convert_element_type3A_305 = arith.extui %lt3A_304 : i1 to i32
      %cond3A_306 = arith.constant 0 : i32
      %cond3A_307 = arith.cmpi ne, %convert_element_type3A_305, %cond3A_306 : i32
      scf.if %cond3A_307 {
        %add3A_308 = arith.constant 4 : i32
        %add3A_309 = arith.addi %add3A_289, %add3A_308 : i32
        %mul3A_310 = arith.constant 80 : i32
        %mul3A_311 = arith.muli %add3A_309, %mul3A_310 : i32
        %dma_start3A_312 = arith.constant 3 : i32
        %dma_start3A_313 = arith.constant 0 : i32
        %dma_start3A_314 = arith.constant 0 : i32
        %dma_start3A_315 = tpu.memref_slice %arg13[%dma_start3A_312, %dma_start3A_313, %dma_start3A_314] : memref<4x80x64xbf16, #tpu.memory_space<vmem>> -> memref<1x80x64xbf16, #tpu.memory_space<vmem>>
        %dma_start3A_316 = tpu.memref_squeeze %dma_start3A_315 : memref<1x80x64xbf16, #tpu.memory_space<vmem>> -> memref<80x64xbf16, #tpu.memory_space<vmem>>
        %dma_start3A_317 = tpu.memref_slice %arg8[%mul3A_311] : memref<10000xi32, #tpu.memory_space<vmem>> -> memref<80xi32, #tpu.memory_space<vmem>>
        %dma_start3A_318 = arith.constant 0 : i32
        %dma_start3A_319 = arith.constant 0 : i32
        %dma_start3A_320 = tpu.memref_slice %arg5[%dma_start3A_318, %dma_start3A_319] : memref<20480x64xbf16, #tpu.memory_space<hbm>> -> memref<20480x64xbf16, #tpu.memory_space<hbm>>
        tpu.enqueue_indirect_dma source(%dma_start3A_320 : memref<20480x64xbf16, #tpu.memory_space<hbm>>) target(%dma_start3A_316 : memref<80x64xbf16, #tpu.memory_space<vmem>>) offsets(%dma_start3A_317 : memref<80xi32, #tpu.memory_space<vmem>>) semaphore(%arg17 : memref<!tpu.dma_semaphore, #tpu.memory_space<semaphore_mem>>)
      } else {
      }
    }
    %scan3A_120 = arith.constant 31 : i32
    %dma_wait3A = arith.constant 0 : i32
    %dma_wait3A_121 = arith.constant 0 : i32
    %dma_wait3A_122 = arith.constant 0 : i32
    %dma_wait3A_123 = tpu.memref_slice %arg13[%dma_wait3A, %dma_wait3A_121, %dma_wait3A_122] : memref<4x80x64xbf16, #tpu.memory_space<vmem>> -> memref<1x80x64xbf16, #tpu.memory_space<vmem>>
    %dma_wait3A_124 = tpu.memref_squeeze %dma_wait3A_123 : memref<1x80x64xbf16, #tpu.memory_space<vmem>> -> memref<80x64xbf16, #tpu.memory_space<vmem>>
    %dma_wait3A_125 = arith.constant 9920 : i32
    %dma_wait3A_126 = tpu.memref_slice %arg8[%dma_wait3A_125] : memref<10000xi32, #tpu.memory_space<vmem>> -> memref<80xi32, #tpu.memory_space<vmem>>
    %dma_wait3A_127 = arith.constant 0 : i32
    %dma_wait3A_128 = arith.constant 0 : i32
    %dma_wait3A_129 = tpu.memref_slice %arg5[%dma_wait3A_127, %dma_wait3A_128] : memref<20480x64xbf16, #tpu.memory_space<hbm>> -> memref<20480x64xbf16, #tpu.memory_space<hbm>>
    tpu.wait_indirect_dma semaphore(%arg14 : memref<!tpu.dma_semaphore, #tpu.memory_space<semaphore_mem>>) src(%dma_wait3A_129 : memref<20480x64xbf16, #tpu.memory_space<hbm>>) dst(%dma_wait3A_124 : memref<80x64xbf16, #tpu.memory_space<vmem>>)
    %run_scoped3A_130 = arith.constant 0 : i32
    "tpu.region"() ({
      %run_scoped3A_132 = tpu.sem_alloc : memref<!tpu.dma_semaphore, #tpu.memory_space<semaphore_mem>>
      %dma_start3A_133 = arith.constant 0 : i32
      %dma_start3A_134 = arith.constant 0 : i32
      %dma_start3A_135 = tpu.memref_slice %arg13[%run_scoped3A_130, %dma_start3A_133, %dma_start3A_134] : memref<4x80x64xbf16, #tpu.memory_space<vmem>> -> memref<1x80x64xbf16, #tpu.memory_space<vmem>>
      %dma_start3A_136 = tpu.memref_squeeze %dma_start3A_135 : memref<1x80x64xbf16, #tpu.memory_space<vmem>> -> memref<80x64xbf16, #tpu.memory_space<vmem>>
      %dma_start3A_137 = arith.constant 9920 : i32
      %dma_start3A_138 = tpu.memref_slice %arg9[%dma_start3A_137] : memref<10000xi32, #tpu.memory_space<vmem>> -> memref<80xi32, #tpu.memory_space<vmem>>
      %dma_start3A_139 = arith.constant 0 : i32
      %dma_start3A_140 = arith.constant 0 : i32
      %dma_start3A_141 = tpu.memref_slice %arg22[%dma_start3A_139, %dma_start3A_140] : memref<20480x64xbf16, #tpu.memory_space<vmem_shared>> -> memref<20480x64xbf16, #tpu.memory_space<vmem_shared>>
      tpu.enqueue_indirect_dma source(%dma_start3A_136 : memref<80x64xbf16, #tpu.memory_space<vmem>>) target(%dma_start3A_141 : memref<20480x64xbf16, #tpu.memory_space<vmem_shared>>) offsets(%dma_start3A_138 : memref<80xi32, #tpu.memory_space<vmem>>) semaphore(%run_scoped3A_132 : memref<!tpu.dma_semaphore, #tpu.memory_space<semaphore_mem>>) {add = true}
      %dma_wait3A_142 = arith.constant 0 : i32
      %dma_wait3A_143 = arith.constant 0 : i32
      %dma_wait3A_144 = tpu.memref_slice %arg13[%run_scoped3A_130, %dma_wait3A_142, %dma_wait3A_143] : memref<4x80x64xbf16, #tpu.memory_space<vmem>> -> memref<1x80x64xbf16, #tpu.memory_space<vmem>>
      %dma_wait3A_145 = tpu.memref_squeeze %dma_wait3A_144 : memref<1x80x64xbf16, #tpu.memory_space<vmem>> -> memref<80x64xbf16, #tpu.memory_space<vmem>>
      %dma_wait3A_146 = arith.constant 9920 : i32
      %dma_wait3A_147 = tpu.memref_slice %arg9[%dma_wait3A_146] : memref<10000xi32, #tpu.memory_space<vmem>> -> memref<80xi32, #tpu.memory_space<vmem>>
      %dma_wait3A_148 = arith.constant 0 : i32
      %dma_wait3A_149 = arith.constant 0 : i32
      %dma_wait3A_150 = tpu.memref_slice %arg22[%dma_wait3A_148, %dma_wait3A_149] : memref<20480x64xbf16, #tpu.memory_space<vmem_shared>> -> memref<20480x64xbf16, #tpu.memory_space<vmem_shared>>
      tpu.wait_indirect_dma semaphore(%run_scoped3A_132 : memref<!tpu.dma_semaphore, #tpu.memory_space<semaphore_mem>>) src(%dma_wait3A_145 : memref<80x64xbf16, #tpu.memory_space<vmem>>) dst(%dma_wait3A_150 : memref<20480x64xbf16, #tpu.memory_space<vmem_shared>>)
      tpu.yield
    }) : () -> ()
    %barrier3A_131 = arith.constant 0 : index
    tpu.barrier barrier_id(%barrier3A_131)
    "tpu.region"() ({
      %run_scoped3A_132 = tpu.sem_alloc : memref<!tpu.dma_semaphore, #tpu.memory_space<semaphore_mem>>
      %dma_start3A_133 = arith.constant 0 : i32
      %dma_start3A_134 = tpu.memref_slice %arg6[%arg0, %mul3A_2, %dma_start3A_133] : memref<2x20480x64xbf16, #tpu.memory_space<hbm>> -> memref<1x1280x64xbf16, #tpu.memory_space<hbm>>
      %dma_start3A_135 = tpu.memref_squeeze %dma_start3A_134 : memref<1x1280x64xbf16, #tpu.memory_space<hbm>> -> memref<1280x64xbf16, #tpu.memory_space<hbm>>
      %dma_start3A_136 = arith.constant 0 : i32
      %dma_start3A_137 = tpu.memref_slice %arg22[%mul3A_2, %dma_start3A_136] : memref<20480x64xbf16, #tpu.memory_space<vmem_shared>> -> memref<1280x64xbf16, #tpu.memory_space<vmem_shared>>
      tpu.enqueue_dma source(%dma_start3A_137 : memref<1280x64xbf16, #tpu.memory_space<vmem_shared>>) target(%dma_start3A_135 : memref<1280x64xbf16, #tpu.memory_space<hbm>>) target_semaphore(%run_scoped3A_132 : memref<!tpu.dma_semaphore, #tpu.memory_space<semaphore_mem>>)
      %dma_wait3A_138 = arith.constant 0 : i32
      %dma_wait3A_139 = tpu.memref_slice %arg6[%arg0, %mul3A_2, %dma_wait3A_138] : memref<2x20480x64xbf16, #tpu.memory_space<hbm>> -> memref<1x1280x64xbf16, #tpu.memory_space<hbm>>
      %dma_wait3A_140 = tpu.memref_squeeze %dma_wait3A_139 : memref<1x1280x64xbf16, #tpu.memory_space<hbm>> -> memref<1280x64xbf16, #tpu.memory_space<hbm>>
      %dma_wait3A_141 = arith.constant 0 : i32
      %dma_wait3A_142 = tpu.memref_slice %arg22[%mul3A_2, %dma_wait3A_141] : memref<20480x64xbf16, #tpu.memory_space<vmem_shared>> -> memref<1280x64xbf16, #tpu.memory_space<vmem_shared>>
      tpu.wait_dma2 semaphore(%run_scoped3A_132 : memref<!tpu.dma_semaphore, #tpu.memory_space<semaphore_mem>>) src(%dma_wait3A_142 : memref<1280x64xbf16, #tpu.memory_space<vmem_shared>>) dst(%dma_wait3A_140 : memref<1280x64xbf16, #tpu.memory_space<hbm>>)
      tpu.yield
    }) : () -> ()
    return
  }
}

module attributes {stable_mosaic.version = 14 : i64} {
  func.func @body(%arg0: i32, %arg1: memref<1024x128xf32, #tpu.memory_space<vmem>>, %arg2: memref<128x128xf32, #tpu.memory_space<vmem>>, %arg3: memref<128xf32, #tpu.memory_space<vmem>>, %arg4: memref<128xf32, #tpu.memory_space<vmem>>, %arg5: memref<2x1024x64xbf16, #tpu.memory_space<vmem>>, %arg6: memref<2x1024x64xbf16, #tpu.memory_space<vmem>>, %arg7: memref<2x1x1x1024xf32, #tpu.memory_space<vmem>>, %arg8: memref<1024xf32, #tpu.memory_space<vmem>>, %arg9: memref<1024xf32, #tpu.memory_space<vmem>>, %arg10: memref<10240x128xf32, #tpu.memory_space<vmem>>, %arg11: memref<10x1024xf32, #tpu.memory_space<vmem>>, %arg12: memref<10x1024xf32, #tpu.memory_space<vmem>>, %arg13: memref<1x2xf32, #tpu.memory_space<smem>>) attributes {dimension_semantics = [#tpu.dimension_semantics<arbitrary>], iteration_bounds = array<i64: 20>, scalar_prefetch = 0 : i64, scratch_operands = 4 : i64, tpu.core_type = #tpu.core_type<tc>, window_params = [{transform_indices = @transform_0, window_bounds = array<i64: 1024, 128>}, {pipeline_mode = #tpu.pipeline_mode<synchronous>, transform_indices = @transform_1, window_bounds = array<i64: 128, 128>}, {pipeline_mode = #tpu.pipeline_mode<synchronous>, transform_indices = @transform_2, window_bounds = array<i64: 128>}, {pipeline_mode = #tpu.pipeline_mode<synchronous>, transform_indices = @transform_3, window_bounds = array<i64: 128>}, {transform_indices = @transform_4, window_bounds = array<i64: 2, 1024, 64>}, {transform_indices = @transform_5, window_bounds = array<i64: 2, 1024, 64>}, {transform_indices = @transform_6, window_bounds = array<i64: 2, 1, 1, 1024>}, {transform_indices = @transform_7, window_bounds = array<i64: 1024>}, {transform_indices = @transform_8, window_bounds = array<i64: 1024>}]} {
    %jit3A = arith.constant 10 : i32
    %eq3A = arith.constant 0 : i32
    %eq3A_0 = arith.cmpi eq, %jit3A, %eq3A : i32
    %jit3A_1 = arith.constant 1 : i32
    %select_n3A = arith.select %eq3A_0, %jit3A_1, %jit3A : i32
    %rem3A = arith.remsi %arg0, %select_n3A : i32
    %ne3A = arith.constant 0 : i32
    %ne3A_2 = arith.cmpi ne, %rem3A, %ne3A : i32
    %lt3A = arith.constant 0 : i32
    %lt3A_3 = arith.cmpi slt, %rem3A, %lt3A : i32
    %lt3A_4 = arith.constant 0 : i32
    %lt3A_5 = arith.cmpi slt, %select_n3A, %lt3A_4 : i32
    %ne3A_6 = arith.xori %lt3A_3, %lt3A_5 : i1
    %and3A = arith.andi %ne3A_6, %ne3A_2 : i1
    %add3A = arith.addi %rem3A, %select_n3A : i32
    %select_n3A_7 = arith.select %and3A, %add3A, %rem3A : i32
    %eq3A_8 = arith.constant 0 : i32
    %eq3A_9 = arith.cmpi eq, %arg0, %eq3A_8 : i32
    %convert_element_type3A = arith.extui %eq3A_9 : i1 to i32
    %cond3A = arith.constant 0 : i32
    %cond3A_10 = arith.cmpi ne, %convert_element_type3A, %cond3A : i32
    scf.if %cond3A_10 {
      %swap3A = arith.constant -3.000000e+38 : f32
      %swap3A_20 = arith.constant 0 : index
      %swap3A_21 = arith.constant 0 : index
      %swap3A_22 = memref.load %arg13[%swap3A_20, %swap3A_21] : memref<1x2xf32, #tpu.memory_space<smem>>
      memref.store %swap3A, %arg13[%swap3A_20, %swap3A_21] : memref<1x2xf32, #tpu.memory_space<smem>>
      %swap3A_23 = arith.constant -3.000000e+38 : f32
      %swap3A_24 = arith.constant 0 : index
      %swap3A_25 = arith.constant 1 : index
      %swap3A_26 = memref.load %arg13[%swap3A_24, %swap3A_25] : memref<1x2xf32, #tpu.memory_space<smem>>
      memref.store %swap3A_23, %arg13[%swap3A_24, %swap3A_25] : memref<1x2xf32, #tpu.memory_space<smem>>
    } else {
    }
    %lt3A_11 = arith.constant 10 : i32
    %lt3A_12 = arith.cmpi slt, %arg0, %lt3A_11 : i32
    %convert_element_type3A_13 = arith.extui %lt3A_12 : i1 to i32
    %cond3A_14 = arith.constant 0 : i32
    %cond3A_15 = arith.cmpi ne, %convert_element_type3A_13, %cond3A_14 : i32
    scf.if %cond3A_15 {
      %get3A = arith.constant 0 : index
      %get3A_20 = arith.constant 0 : index
      %get3A_21 = vector.load %arg1[%get3A, %get3A_20] : memref<1024x128xf32, #tpu.memory_space<vmem>>, vector<1024x128xf32>
      %get3A_22 = arith.constant 0 : index
      %get3A_23 = arith.constant 0 : index
      %get3A_24 = vector.load %arg2[%get3A_22, %get3A_23] : memref<128x128xf32, #tpu.memory_space<vmem>>, vector<128x128xf32>
      %dot_general3A = arith.constant dense<0.000000e+00> : vector<1024x128xf32>
      %dot_general3A_25 = tpu.matmul %get3A_21, %get3A_24, %dot_general3A {dimension_numbers = #tpu.dot_dimension_numbers<[1], [0], [0], [1], [0, 0, 1, 1], [], []>, transpose_lhs_hint = false} : vector<1024x128xf32>, vector<128x128xf32>, vector<1024x128xf32> -> vector<1024x128xf32>
      %mul3A = arith.constant 1024 : i32
      %mul3A_26 = arith.muli %select_n3A_7, %mul3A : i32
      %swap3A = arith.index_cast %mul3A_26 : i32 to index
      %swap3A_27 = arith.constant 0 : index
      %swap3A_28 = vector.load %arg10[%swap3A, %swap3A_27] : memref<10240x128xf32, #tpu.memory_space<vmem>>, vector<1024x128xf32>
      tpu.vector_store %arg10[%swap3A, %swap3A_27], %dot_general3A_25 {strides = array<i32>} : memref<10240x128xf32, #tpu.memory_space<vmem>>, vector<1024x128xf32>,
      %get3A_29 = arith.constant 0 : index
      %get3A_30 = vector.load %arg3[%get3A_29] : memref<128xf32, #tpu.memory_space<vmem>>, vector<128xf32>
      %broadcast_in_dim3A = vector.shape_cast %get3A_30 : vector<128xf32> to vector<1x128xf32>
      %mul3A_31 = vector.broadcast %broadcast_in_dim3A : vector<1x128xf32> to vector<1024x128xf32>
      %mul3A_32 = arith.mulf %dot_general3A_25, %mul3A_31 : vector<1024x128xf32>
      %reduce_sum3A = arith.constant dense<0.000000e+00> : vector<1024xf32>
      %reduce_sum3A_33 = vector.multi_reduction <add>, %mul3A_32, %reduce_sum3A [1] : vector<1024x128xf32> to vector<1024xf32>
      %get3A_34 = arith.constant 0 : index
      %get3A_35 = vector.load %arg4[%get3A_34] : memref<128xf32, #tpu.memory_space<vmem>>, vector<128xf32>
      %broadcast_in_dim3A_36 = vector.shape_cast %get3A_35 : vector<128xf32> to vector<1x128xf32>
      %mul3A_37 = vector.broadcast %broadcast_in_dim3A_36 : vector<1x128xf32> to vector<1024x128xf32>
      %mul3A_38 = arith.mulf %dot_general3A_25, %mul3A_37 : vector<1024x128xf32>
      %reduce_sum3A_39 = arith.constant dense<0.000000e+00> : vector<1024xf32>
      %reduce_sum3A_40 = vector.multi_reduction <add>, %mul3A_38, %reduce_sum3A_39 [1] : vector<1024x128xf32> to vector<1024xf32>
      %broadcast_in_dim3A_41 = vector.shape_cast %reduce_sum3A_33 : vector<1024xf32> to vector<1x1024xf32>
      %swap3A_42 = arith.index_cast %select_n3A_7 : i32 to index
      %swap3A_43 = arith.constant 0 : index
      %swap3A_44 = vector.load %arg11[%swap3A_42, %swap3A_43] : memref<10x1024xf32, #tpu.memory_space<vmem>>, vector<1x1024xf32>
      tpu.vector_store %arg11[%swap3A_42, %swap3A_43], %broadcast_in_dim3A_41 {strides = array<i32>} : memref<10x1024xf32, #tpu.memory_space<vmem>>, vector<1x1024xf32>,
      %broadcast_in_dim3A_45 = vector.shape_cast %reduce_sum3A_40 : vector<1024xf32> to vector<1x1024xf32>
      %swap3A_46 = arith.index_cast %select_n3A_7 : i32 to index
      %swap3A_47 = arith.constant 0 : index
      %swap3A_48 = vector.load %arg12[%swap3A_46, %swap3A_47] : memref<10x1024xf32, #tpu.memory_space<vmem>>, vector<1x1024xf32>
      tpu.vector_store %arg12[%swap3A_46, %swap3A_47], %broadcast_in_dim3A_45 {strides = array<i32>} : memref<10x1024xf32, #tpu.memory_space<vmem>>, vector<1x1024xf32>,
      %get3A_49 = arith.constant 0 : index
      %get3A_50 = arith.constant 0 : index
      %get3A_51 = memref.load %arg13[%get3A_49, %get3A_50] : memref<1x2xf32, #tpu.memory_space<smem>>
      %reduce_max3A = vector.shape_cast %reduce_sum3A_33 : vector<1024xf32> to vector<1x1024xf32>
      %reduce_max3A_52 = arith.constant dense<0xFF800000> : vector<1xf32>
      %reduce_max3A_53 = vector.multi_reduction <maximumf>, %reduce_max3A, %reduce_max3A_52 [1] : vector<1x1024xf32> to vector<1xf32>
      %reduce_max3A_54 = vector.shape_cast %reduce_max3A_53 : vector<1xf32> to vector<1x1xf32>
      %reduce_max3A_55 = vector.extract %reduce_max3A_54[0, 0] : f32 from vector<1x1xf32>
      %max3A = arith.maximumf %get3A_51, %reduce_max3A_55 : f32
      %swap3A_56 = arith.constant 0 : index
      %swap3A_57 = arith.constant 0 : index
      %swap3A_58 = memref.load %arg13[%swap3A_56, %swap3A_57] : memref<1x2xf32, #tpu.memory_space<smem>>
      memref.store %max3A, %arg13[%swap3A_56, %swap3A_57] : memref<1x2xf32, #tpu.memory_space<smem>>
      %get3A_59 = arith.constant 0 : index
      %get3A_60 = arith.constant 1 : index
      %get3A_61 = memref.load %arg13[%get3A_59, %get3A_60] : memref<1x2xf32, #tpu.memory_space<smem>>
      %reduce_max3A_62 = vector.shape_cast %reduce_sum3A_40 : vector<1024xf32> to vector<1x1024xf32>
      %reduce_max3A_63 = arith.constant dense<0xFF800000> : vector<1xf32>
      %reduce_max3A_64 = vector.multi_reduction <maximumf>, %reduce_max3A_62, %reduce_max3A_63 [1] : vector<1x1024xf32> to vector<1xf32>
      %reduce_max3A_65 = vector.shape_cast %reduce_max3A_64 : vector<1xf32> to vector<1x1xf32>
      %reduce_max3A_66 = vector.extract %reduce_max3A_65[0, 0] : f32 from vector<1x1xf32>
      %max3A_67 = arith.maximumf %get3A_61, %reduce_max3A_66 : f32
      %swap3A_68 = arith.constant 0 : index
      %swap3A_69 = arith.constant 1 : index
      %swap3A_70 = memref.load %arg13[%swap3A_68, %swap3A_69] : memref<1x2xf32, #tpu.memory_space<smem>>
      memref.store %max3A_67, %arg13[%swap3A_68, %swap3A_69] : memref<1x2xf32, #tpu.memory_space<smem>>
    } else {
    }
    %ge3A = arith.constant 10 : i32
    %ge3A_16 = arith.cmpi sge, %arg0, %ge3A : i32
    %convert_element_type3A_17 = arith.extui %ge3A_16 : i1 to i32
    %cond3A_18 = arith.constant 0 : i32
    %cond3A_19 = arith.cmpi ne, %convert_element_type3A_17, %cond3A_18 : i32
    scf.if %cond3A_19 {
      %mul3A = arith.constant 1024 : i32
      %mul3A_20 = arith.muli %select_n3A_7, %mul3A : i32
      %get3A = arith.index_cast %mul3A_20 : i32 to index
      %get3A_21 = arith.constant 0 : index
      %get3A_22 = vector.load %arg10[%get3A, %get3A_21] : memref<10240x128xf32, #tpu.memory_space<vmem>>, vector<1024x128xf32>
      %get3A_23 = arith.index_cast %select_n3A_7 : i32 to index
      %get3A_24 = arith.constant 0 : index
      %get3A_25 = vector.load %arg11[%get3A_23, %get3A_24] : memref<10x1024xf32, #tpu.memory_space<vmem>>, vector<1x1024xf32>
      %squeeze3A = vector.shape_cast %get3A_25 : vector<1x1024xf32> to vector<1024xf32>
      %get3A_26 = arith.index_cast %select_n3A_7 : i32 to index
      %get3A_27 = arith.constant 0 : index
      %get3A_28 = vector.load %arg12[%get3A_26, %get3A_27] : memref<10x1024xf32, #tpu.memory_space<vmem>>, vector<1x1024xf32>
      %squeeze3A_29 = vector.shape_cast %get3A_28 : vector<1x1024xf32> to vector<1024xf32>
      %get3A_30 = arith.constant 0 : index
      %get3A_31 = arith.constant 0 : index
      %get3A_32 = memref.load %arg13[%get3A_30, %get3A_31] : memref<1x2xf32, #tpu.memory_space<smem>>
      %get3A_33 = arith.constant 0 : index
      %get3A_34 = arith.constant 1 : index
      %get3A_35 = memref.load %arg13[%get3A_33, %get3A_34] : memref<1x2xf32, #tpu.memory_space<smem>>
      %add3A_36 = arith.addf %get3A_32, %get3A_35 : f32
      %sub3A = vector.broadcast %get3A_32 : f32 to vector<1024xf32>
      %sub3A_37 = arith.subf %squeeze3A, %sub3A : vector<1024xf32>
      %exp3A = math.exp %sub3A_37 : vector<1024xf32>
      %sub3A_38 = vector.broadcast %get3A_32 : f32 to vector<1024xf32>
      %sub3A_39 = arith.subf %squeeze3A, %sub3A_38 : vector<1024xf32>
      %mul3A_40 = arith.constant 2.000000e-01 : f32
      %mul3A_41 = vector.broadcast %mul3A_40 : f32 to vector<1024xf32>
      %mul3A_42 = arith.mulf %mul3A_41, %sub3A_39 : vector<1024xf32>
      %exp3A_43 = math.exp %mul3A_42 : vector<1024xf32>
      %sub3A_44 = vector.broadcast %get3A_35 : f32 to vector<1024xf32>
      %sub3A_45 = arith.subf %squeeze3A_29, %sub3A_44 : vector<1024xf32>
      %exp3A_46 = math.exp %sub3A_45 : vector<1024xf32>
      %swap3A = arith.constant 0 : index
      %swap3A_47 = arith.constant 0 : index
      %swap3A_48 = arith.constant 0 : index
      %swap3A_49 = arith.constant 0 : index
      %swap3A_50 = vector.load %arg7[%swap3A, %swap3A_47, %swap3A_48, %swap3A_49] : memref<2x1x1x1024xf32, #tpu.memory_space<vmem>>, vector<1x1x1x1024xf32>
      %swap3A_51 = vector.shape_cast %swap3A_50 : vector<1x1x1x1024xf32> to vector<1024xf32>
      %swap3A_52 = vector.shape_cast %exp3A_46 : vector<1024xf32> to vector<1x1x1x1024xf32>
      tpu.vector_store %arg7[%swap3A, %swap3A_47, %swap3A_48, %swap3A_49], %swap3A_52 {strides = array<i32>} : memref<2x1x1x1024xf32, #tpu.memory_space<vmem>>, vector<1x1x1x1024xf32>,
      %sub3A_53 = vector.broadcast %get3A_35 : f32 to vector<1024xf32>
      %sub3A_54 = arith.subf %squeeze3A_29, %sub3A_53 : vector<1024xf32>
      %mul3A_55 = arith.constant 2.000000e-01 : f32
      %mul3A_56 = vector.broadcast %mul3A_55 : f32 to vector<1024xf32>
      %mul3A_57 = arith.mulf %mul3A_56, %sub3A_54 : vector<1024xf32>
      %mul3A_58 = arith.constant 8.000000e-01 : f32
      %mul3A_59 = arith.mulf %mul3A_58, %add3A_36 : f32
      %sub3A_60 = vector.broadcast %mul3A_59 : f32 to vector<1024xf32>
      %sub3A_61 = arith.subf %mul3A_57, %sub3A_60 : vector<1024xf32>
      %exp3A_62 = math.exp %sub3A_61 : vector<1024xf32>
      %swap3A_63 = arith.constant 1 : index
      %swap3A_64 = arith.constant 0 : index
      %swap3A_65 = arith.constant 0 : index
      %swap3A_66 = arith.constant 0 : index
      %swap3A_67 = vector.load %arg7[%swap3A_63, %swap3A_64, %swap3A_65, %swap3A_66] : memref<2x1x1x1024xf32, #tpu.memory_space<vmem>>, vector<1x1x1x1024xf32>
      %swap3A_68 = vector.shape_cast %swap3A_67 : vector<1x1x1x1024xf32> to vector<1024xf32>
      %swap3A_69 = vector.shape_cast %exp3A_62 : vector<1024xf32> to vector<1x1x1x1024xf32>
      tpu.vector_store %arg7[%swap3A_63, %swap3A_64, %swap3A_65, %swap3A_66], %swap3A_69 {strides = array<i32>} : memref<2x1x1x1024xf32, #tpu.memory_space<vmem>>, vector<1x1x1x1024xf32>,
      %sub3A_70 = vector.broadcast %get3A_32 : f32 to vector<1024xf32>
      %sub3A_71 = arith.subf %squeeze3A, %sub3A_70 : vector<1024xf32>
      %swap3A_72 = arith.constant 0 : index
      %swap3A_73 = vector.load %arg8[%swap3A_72] : memref<1024xf32, #tpu.memory_space<vmem>>, vector<1024xf32>
      tpu.vector_store %arg8[%swap3A_72], %sub3A_71 {strides = array<i32>} : memref<1024xf32, #tpu.memory_space<vmem>>, vector<1024xf32>,
      %add3A_74 = vector.broadcast %get3A_32 : f32 to vector<1024xf32>
      %add3A_75 = arith.addf %squeeze3A_29, %add3A_74 : vector<1024xf32>
      %swap3A_76 = arith.constant 0 : index
      %swap3A_77 = vector.load %arg9[%swap3A_76] : memref<1024xf32, #tpu.memory_space<vmem>>, vector<1024xf32>
      tpu.vector_store %arg9[%swap3A_76], %add3A_75 {strides = array<i32>} : memref<1024xf32, #tpu.memory_space<vmem>>, vector<1024xf32>,
      %slice3A = vector.extract_strided_slice %get3A_22 {offsets = [0, 0], sizes = [1024, 64], strides = [1, 1]} : vector<1024x128xf32> to vector<1024x64xf32>
      %broadcast_in_dim3A = vector.shape_cast %exp3A : vector<1024xf32> to vector<1024x1xf32>
      %mul3A_78 = vector.broadcast %broadcast_in_dim3A : vector<1024x1xf32> to vector<1024x64xf32>
      %mul3A_79 = arith.mulf %slice3A, %mul3A_78 : vector<1024x64xf32>
      %convert_element_type3A_80 = arith.truncf %mul3A_79 : vector<1024x64xf32> to vector<1024x64xbf16>
      %swap3A_81 = arith.constant 0 : index
      %swap3A_82 = arith.constant 0 : index
      %swap3A_83 = arith.constant 0 : index
      %swap3A_84 = vector.load %arg5[%swap3A_81, %swap3A_82, %swap3A_83] : memref<2x1024x64xbf16, #tpu.memory_space<vmem>>, vector<1x1024x64xbf16>
      %swap3A_85 = vector.shape_cast %swap3A_84 : vector<1x1024x64xbf16> to vector<1024x64xbf16>
      %swap3A_86 = vector.shape_cast %convert_element_type3A_80 : vector<1024x64xbf16> to vector<1x1024x64xbf16>
      tpu.vector_store %arg5[%swap3A_81, %swap3A_82, %swap3A_83], %swap3A_86 {strides = array<i32>} : memref<2x1024x64xbf16, #tpu.memory_space<vmem>>, vector<1x1024x64xbf16>,
      %broadcast_in_dim3A_87 = vector.shape_cast %exp3A_43 : vector<1024xf32> to vector<1024x1xf32>
      %mul3A_88 = vector.broadcast %broadcast_in_dim3A_87 : vector<1024x1xf32> to vector<1024x64xf32>
      %mul3A_89 = arith.mulf %slice3A, %mul3A_88 : vector<1024x64xf32>
      %convert_element_type3A_90 = arith.truncf %mul3A_89 : vector<1024x64xf32> to vector<1024x64xbf16>
      %swap3A_91 = arith.constant 1 : index
      %swap3A_92 = arith.constant 0 : index
      %swap3A_93 = arith.constant 0 : index
      %swap3A_94 = vector.load %arg5[%swap3A_91, %swap3A_92, %swap3A_93] : memref<2x1024x64xbf16, #tpu.memory_space<vmem>>, vector<1x1024x64xbf16>
      %swap3A_95 = vector.shape_cast %swap3A_94 : vector<1x1024x64xbf16> to vector<1024x64xbf16>
      %swap3A_96 = vector.shape_cast %convert_element_type3A_90 : vector<1024x64xbf16> to vector<1x1024x64xbf16>
      tpu.vector_store %arg5[%swap3A_91, %swap3A_92, %swap3A_93], %swap3A_96 {strides = array<i32>} : memref<2x1024x64xbf16, #tpu.memory_space<vmem>>, vector<1x1024x64xbf16>,
      %slice3A_97 = vector.extract_strided_slice %get3A_22 {offsets = [0, 64], sizes = [1024, 64], strides = [1, 1]} : vector<1024x128xf32> to vector<1024x64xf32>
      %broadcast_in_dim3A_98 = vector.shape_cast %exp3A : vector<1024xf32> to vector<1024x1xf32>
      %mul3A_99 = vector.broadcast %broadcast_in_dim3A_98 : vector<1024x1xf32> to vector<1024x64xf32>
      %mul3A_100 = arith.mulf %slice3A_97, %mul3A_99 : vector<1024x64xf32>
      %convert_element_type3A_101 = arith.truncf %mul3A_100 : vector<1024x64xf32> to vector<1024x64xbf16>
      %swap3A_102 = arith.constant 0 : index
      %swap3A_103 = arith.constant 0 : index
      %swap3A_104 = arith.constant 0 : index
      %swap3A_105 = vector.load %arg6[%swap3A_102, %swap3A_103, %swap3A_104] : memref<2x1024x64xbf16, #tpu.memory_space<vmem>>, vector<1x1024x64xbf16>
      %swap3A_106 = vector.shape_cast %swap3A_105 : vector<1x1024x64xbf16> to vector<1024x64xbf16>
      %swap3A_107 = vector.shape_cast %convert_element_type3A_101 : vector<1024x64xbf16> to vector<1x1024x64xbf16>
      tpu.vector_store %arg6[%swap3A_102, %swap3A_103, %swap3A_104], %swap3A_107 {strides = array<i32>} : memref<2x1024x64xbf16, #tpu.memory_space<vmem>>, vector<1x1024x64xbf16>,
      %broadcast_in_dim3A_108 = vector.shape_cast %exp3A_43 : vector<1024xf32> to vector<1024x1xf32>
      %mul3A_109 = vector.broadcast %broadcast_in_dim3A_108 : vector<1024x1xf32> to vector<1024x64xf32>
      %mul3A_110 = arith.mulf %slice3A_97, %mul3A_109 : vector<1024x64xf32>
      %convert_element_type3A_111 = arith.truncf %mul3A_110 : vector<1024x64xf32> to vector<1024x64xbf16>
      %swap3A_112 = arith.constant 1 : index
      %swap3A_113 = arith.constant 0 : index
      %swap3A_114 = arith.constant 0 : index
      %swap3A_115 = vector.load %arg6[%swap3A_112, %swap3A_113, %swap3A_114] : memref<2x1024x64xbf16, #tpu.memory_space<vmem>>, vector<1x1024x64xbf16>
      %swap3A_116 = vector.shape_cast %swap3A_115 : vector<1x1024x64xbf16> to vector<1024x64xbf16>
      %swap3A_117 = vector.shape_cast %convert_element_type3A_111 : vector<1024x64xbf16> to vector<1x1024x64xbf16>
      tpu.vector_store %arg6[%swap3A_112, %swap3A_113, %swap3A_114], %swap3A_117 {strides = array<i32>} : memref<2x1024x64xbf16, #tpu.memory_space<vmem>>, vector<1x1024x64xbf16>,
    } else {
    }
    return
  }
  func.func @transform_0(%arg0: i32) -> (i32, i32) {
    %jit3A = arith.constant 10 : i32
    %eq3A = arith.constant 0 : i32
    %eq3A_0 = arith.cmpi eq, %jit3A, %eq3A : i32
    %jit3A_1 = arith.constant 1 : i32
    %select_n3A = arith.select %eq3A_0, %jit3A_1, %jit3A : i32
    %rem3A = arith.remsi %arg0, %select_n3A : i32
    %ne3A = arith.constant 0 : i32
    %ne3A_2 = arith.cmpi ne, %rem3A, %ne3A : i32
    %lt3A = arith.constant 0 : i32
    %lt3A_3 = arith.cmpi slt, %rem3A, %lt3A : i32
    %lt3A_4 = arith.constant 0 : i32
    %lt3A_5 = arith.cmpi slt, %select_n3A, %lt3A_4 : i32
    %ne3A_6 = arith.xori %lt3A_3, %lt3A_5 : i1
    %and3A = arith.andi %ne3A_6, %ne3A_2 : i1
    %add3A = arith.addi %rem3A, %select_n3A : i32
    %select_n3A_7 = arith.select %and3A, %add3A, %rem3A : i32
    %c0_i32 = arith.constant 0 : i32
    %c0_i32_8 = arith.constant 0 : i32
    return %select_n3A_7, %c0_i32 : i32, i32
  }
  func.func @transform_1(%arg0: i32) -> (i32, i32) {
    %c0_i32 = arith.constant 0 : i32
    %c0_i32_0 = arith.constant 0 : i32
    %c0_i32_1 = arith.constant 0 : i32
    return %c0_i32, %c0_i32_0 : i32, i32
  }
  func.func @transform_2(%arg0: i32) -> i32 {
    %c0_i32 = arith.constant 0 : i32
    %c0_i32_0 = arith.constant 0 : i32
    return %c0_i32 : i32
  }
  func.func @transform_3(%arg0: i32) -> i32 {
    %c0_i32 = arith.constant 0 : i32
    %c0_i32_0 = arith.constant 0 : i32
    return %c0_i32 : i32
  }
  func.func @transform_4(%arg0: i32) -> (i32, i32, i32) {
    %jit3A = arith.constant 10 : i32
    %eq3A = arith.constant 0 : i32
    %eq3A_0 = arith.cmpi eq, %jit3A, %eq3A : i32
    %jit3A_1 = arith.constant 1 : i32
    %select_n3A = arith.select %eq3A_0, %jit3A_1, %jit3A : i32
    %rem3A = arith.remsi %arg0, %select_n3A : i32
    %ne3A = arith.constant 0 : i32
    %ne3A_2 = arith.cmpi ne, %rem3A, %ne3A : i32
    %lt3A = arith.constant 0 : i32
    %lt3A_3 = arith.cmpi slt, %rem3A, %lt3A : i32
    %lt3A_4 = arith.constant 0 : i32
    %lt3A_5 = arith.cmpi slt, %select_n3A, %lt3A_4 : i32
    %ne3A_6 = arith.xori %lt3A_3, %lt3A_5 : i1
    %and3A = arith.andi %ne3A_6, %ne3A_2 : i1
    %add3A = arith.addi %rem3A, %select_n3A : i32
    %select_n3A_7 = arith.select %and3A, %add3A, %rem3A : i32
    %c0_i32 = arith.constant 0 : i32
    %c0_i32_8 = arith.constant 0 : i32
    %c0_i32_9 = arith.constant 0 : i32
    return %c0_i32, %select_n3A_7, %c0_i32_8 : i32, i32, i32
  }
  func.func @transform_5(%arg0: i32) -> (i32, i32, i32) {
    %jit3A = arith.constant 10 : i32
    %eq3A = arith.constant 0 : i32
    %eq3A_0 = arith.cmpi eq, %jit3A, %eq3A : i32
    %jit3A_1 = arith.constant 1 : i32
    %select_n3A = arith.select %eq3A_0, %jit3A_1, %jit3A : i32
    %rem3A = arith.remsi %arg0, %select_n3A : i32
    %ne3A = arith.constant 0 : i32
    %ne3A_2 = arith.cmpi ne, %rem3A, %ne3A : i32
    %lt3A = arith.constant 0 : i32
    %lt3A_3 = arith.cmpi slt, %rem3A, %lt3A : i32
    %lt3A_4 = arith.constant 0 : i32
    %lt3A_5 = arith.cmpi slt, %select_n3A, %lt3A_4 : i32
    %ne3A_6 = arith.xori %lt3A_3, %lt3A_5 : i1
    %and3A = arith.andi %ne3A_6, %ne3A_2 : i1
    %add3A = arith.addi %rem3A, %select_n3A : i32
    %select_n3A_7 = arith.select %and3A, %add3A, %rem3A : i32
    %c0_i32 = arith.constant 0 : i32
    %c0_i32_8 = arith.constant 0 : i32
    %c0_i32_9 = arith.constant 0 : i32
    return %c0_i32, %select_n3A_7, %c0_i32_8 : i32, i32, i32
  }
  func.func @transform_6(%arg0: i32) -> (i32, i32, i32, i32) {
    %jit3A = arith.constant 10 : i32
    %eq3A = arith.constant 0 : i32
    %eq3A_0 = arith.cmpi eq, %jit3A, %eq3A : i32
    %jit3A_1 = arith.constant 1 : i32
    %select_n3A = arith.select %eq3A_0, %jit3A_1, %jit3A : i32
    %rem3A = arith.remsi %arg0, %select_n3A : i32
    %ne3A = arith.constant 0 : i32
    %ne3A_2 = arith.cmpi ne, %rem3A, %ne3A : i32
    %lt3A = arith.constant 0 : i32
    %lt3A_3 = arith.cmpi slt, %rem3A, %lt3A : i32
    %lt3A_4 = arith.constant 0 : i32
    %lt3A_5 = arith.cmpi slt, %select_n3A, %lt3A_4 : i32
    %ne3A_6 = arith.xori %lt3A_3, %lt3A_5 : i1
    %and3A = arith.andi %ne3A_6, %ne3A_2 : i1
    %add3A = arith.addi %rem3A, %select_n3A : i32
    %select_n3A_7 = arith.select %and3A, %add3A, %rem3A : i32
    %c0_i32 = arith.constant 0 : i32
    %c0_i32_8 = arith.constant 0 : i32
    %c0_i32_9 = arith.constant 0 : i32
    %c0_i32_10 = arith.constant 0 : i32
    return %c0_i32, %select_n3A_7, %c0_i32_8, %c0_i32_9 : i32, i32, i32, i32
  }
  func.func @transform_7(%arg0: i32) -> i32 {
    %jit3A = arith.constant 10 : i32
    %eq3A = arith.constant 0 : i32
    %eq3A_0 = arith.cmpi eq, %jit3A, %eq3A : i32
    %jit3A_1 = arith.constant 1 : i32
    %select_n3A = arith.select %eq3A_0, %jit3A_1, %jit3A : i32
    %rem3A = arith.remsi %arg0, %select_n3A : i32
    %ne3A = arith.constant 0 : i32
    %ne3A_2 = arith.cmpi ne, %rem3A, %ne3A : i32
    %lt3A = arith.constant 0 : i32
    %lt3A_3 = arith.cmpi slt, %rem3A, %lt3A : i32
    %lt3A_4 = arith.constant 0 : i32
    %lt3A_5 = arith.cmpi slt, %select_n3A, %lt3A_4 : i32
    %ne3A_6 = arith.xori %lt3A_3, %lt3A_5 : i1
    %and3A = arith.andi %ne3A_6, %ne3A_2 : i1
    %add3A = arith.addi %rem3A, %select_n3A : i32
    %select_n3A_7 = arith.select %and3A, %add3A, %rem3A : i32
    %c0_i32 = arith.constant 0 : i32
    return %select_n3A_7 : i32
  }
  func.func @transform_8(%arg0: i32) -> i32 {
    %jit3A = arith.constant 10 : i32
    %eq3A = arith.constant 0 : i32
    %eq3A_0 = arith.cmpi eq, %jit3A, %eq3A : i32
    %jit3A_1 = arith.constant 1 : i32
    %select_n3A = arith.select %eq3A_0, %jit3A_1, %jit3A : i32
    %rem3A = arith.remsi %arg0, %select_n3A : i32
    %ne3A = arith.constant 0 : i32
    %ne3A_2 = arith.cmpi ne, %rem3A, %ne3A : i32
    %lt3A = arith.constant 0 : i32
    %lt3A_3 = arith.cmpi slt, %rem3A, %lt3A : i32
    %lt3A_4 = arith.constant 0 : i32
    %lt3A_5 = arith.cmpi slt, %select_n3A, %lt3A_4 : i32
    %ne3A_6 = arith.xori %lt3A_3, %lt3A_5 : i1
    %and3A = arith.andi %ne3A_6, %ne3A_2 : i1
    %add3A = arith.addi %rem3A, %select_n3A : i32
    %select_n3A_7 = arith.select %and3A, %add3A, %rem3A : i32
    %c0_i32 = arith.constant 0 : i32
    return %select_n3A_7 : i32
  }
}

module attributes {stable_mosaic.version = 14 : i64} {
  func.func @body(%arg0: i32, %arg1: memref<2x1024x64xbf16, #tpu.memory_space<vmem>>, %arg2: memref<2x1024x64xbf16, #tpu.memory_space<vmem>>, %arg3: memref<2x1024x64xbf16, #tpu.memory_space<vmem>>, %arg4: memref<2x1024x64xbf16, #tpu.memory_space<vmem>>, %arg5: memref<32x1024xf32, #tpu.memory_space<vmem>>, %arg6: memref<32x1024xf32, #tpu.memory_space<vmem>>, %arg7: memref<2x1x1x1024xf32, #tpu.memory_space<vmem>>, %arg8: memref<128xf32, #tpu.memory_space<vmem>>, %arg9: memref<128x64xf32, #tpu.memory_space<vmem>>, %arg10: memref<64xf32, #tpu.memory_space<vmem>>, %arg11: memref<64xf32, #tpu.memory_space<vmem>>, %arg12: memref<2x1024x64xbf16, #tpu.memory_space<vmem>>, %arg13: memref<2x1x1x1024xf32, #tpu.memory_space<vmem>>, %arg14: memref<1024xf32, #tpu.memory_space<vmem>>, %arg15: memref<1024xf32, #tpu.memory_space<vmem>>, %arg16: memref<10240x64xf32, #tpu.memory_space<vmem>>, %arg17: memref<10x1024xf32, #tpu.memory_space<vmem>>, %arg18: memref<10x1024xf32, #tpu.memory_space<vmem>>, %arg19: memref<1x2xf32, #tpu.memory_space<smem>>) attributes {dimension_semantics = [#tpu.dimension_semantics<arbitrary>], iteration_bounds = array<i64: 20>, scalar_prefetch = 0 : i64, scratch_operands = 4 : i64, tpu.core_type = #tpu.core_type<tc>, window_params = [{transform_indices = @transform_0, window_bounds = array<i64: 2, 1024, 64>}, {transform_indices = @transform_1, window_bounds = array<i64: 2, 1024, 64>}, {transform_indices = @transform_2, window_bounds = array<i64: 2, 1024, 64>}, {transform_indices = @transform_3, window_bounds = array<i64: 2, 1024, 64>}, {transform_indices = @transform_4, window_bounds = array<i64: 32, 1024>}, {transform_indices = @transform_5, window_bounds = array<i64: 32, 1024>}, {transform_indices = @transform_6, window_bounds = array<i64: 2, 1, 1, 1024>}, {pipeline_mode = #tpu.pipeline_mode<synchronous>, transform_indices = @transform_7, window_bounds = array<i64: 128>}, {pipeline_mode = #tpu.pipeline_mode<synchronous>, transform_indices = @transform_8, window_bounds = array<i64: 128, 64>}, {pipeline_mode = #tpu.pipeline_mode<synchronous>, transform_indices = @transform_9, window_bounds = array<i64: 64>}, {pipeline_mode = #tpu.pipeline_mode<synchronous>, transform_indices = @transform_10, window_bounds = array<i64: 64>}, {transform_indices = @transform_11, window_bounds = array<i64: 2, 1024, 64>}, {transform_indices = @transform_12, window_bounds = array<i64: 2, 1, 1, 1024>}, {transform_indices = @transform_13, window_bounds = array<i64: 1024>}, {transform_indices = @transform_14, window_bounds = array<i64: 1024>}]} {
    %jit3A = arith.constant 10 : i32
    %eq3A = arith.constant 0 : i32
    %eq3A_0 = arith.cmpi eq, %jit3A, %eq3A : i32
    %jit3A_1 = arith.constant 1 : i32
    %select_n3A = arith.select %eq3A_0, %jit3A_1, %jit3A : i32
    %rem3A = arith.remsi %arg0, %select_n3A : i32
    %ne3A = arith.constant 0 : i32
    %ne3A_2 = arith.cmpi ne, %rem3A, %ne3A : i32
    %lt3A = arith.constant 0 : i32
    %lt3A_3 = arith.cmpi slt, %rem3A, %lt3A : i32
    %lt3A_4 = arith.constant 0 : i32
    %lt3A_5 = arith.cmpi slt, %select_n3A, %lt3A_4 : i32
    %ne3A_6 = arith.xori %lt3A_3, %lt3A_5 : i1
    %and3A = arith.andi %ne3A_6, %ne3A_2 : i1
    %add3A = arith.addi %rem3A, %select_n3A : i32
    %select_n3A_7 = arith.select %and3A, %add3A, %rem3A : i32
    %eq3A_8 = arith.constant 0 : i32
    %eq3A_9 = arith.cmpi eq, %arg0, %eq3A_8 : i32
    %convert_element_type3A = arith.extui %eq3A_9 : i1 to i32
    %cond3A = arith.constant 0 : i32
    %cond3A_10 = arith.cmpi ne, %convert_element_type3A, %cond3A : i32
    scf.if %cond3A_10 {
      %swap3A = arith.constant -3.000000e+38 : f32
      %swap3A_20 = arith.constant 0 : index
      %swap3A_21 = arith.constant 0 : index
      %swap3A_22 = memref.load %arg19[%swap3A_20, %swap3A_21] : memref<1x2xf32, #tpu.memory_space<smem>>
      memref.store %swap3A, %arg19[%swap3A_20, %swap3A_21] : memref<1x2xf32, #tpu.memory_space<smem>>
      %swap3A_23 = arith.constant -3.000000e+38 : f32
      %swap3A_24 = arith.constant 0 : index
      %swap3A_25 = arith.constant 1 : index
      %swap3A_26 = memref.load %arg19[%swap3A_24, %swap3A_25] : memref<1x2xf32, #tpu.memory_space<smem>>
      memref.store %swap3A_23, %arg19[%swap3A_24, %swap3A_25] : memref<1x2xf32, #tpu.memory_space<smem>>
    } else {
    }
    %lt3A_11 = arith.constant 10 : i32
    %lt3A_12 = arith.cmpi slt, %arg0, %lt3A_11 : i32
    %convert_element_type3A_13 = arith.extui %lt3A_12 : i1 to i32
    %cond3A_14 = arith.constant 0 : i32
    %cond3A_15 = arith.cmpi ne, %convert_element_type3A_13, %cond3A_14 : i32
    scf.if %cond3A_15 {
      %get3A = arith.constant 0 : index
      %get3A_20 = arith.constant 0 : index
      %get3A_21 = arith.constant 0 : index
      %get3A_22 = arith.constant 0 : index
      %get3A_23 = vector.load %arg7[%get3A, %get3A_20, %get3A_21, %get3A_22] : memref<2x1x1x1024xf32, #tpu.memory_space<vmem>>, vector<1x1x1x1024xf32>
      %get3A_24 = vector.shape_cast %get3A_23 : vector<1x1x1x1024xf32> to vector<1024xf32>
      %get3A_25 = arith.constant 1 : index
      %get3A_26 = arith.constant 0 : index
      %get3A_27 = arith.constant 0 : index
      %get3A_28 = arith.constant 0 : index
      %get3A_29 = vector.load %arg7[%get3A_25, %get3A_26, %get3A_27, %get3A_28] : memref<2x1x1x1024xf32, #tpu.memory_space<vmem>>, vector<1x1x1x1024xf32>
      %get3A_30 = vector.shape_cast %get3A_29 : vector<1x1x1x1024xf32> to vector<1024xf32>
      %get3A_31 = arith.constant 0 : index
      %get3A_32 = arith.constant 0 : index
      %get3A_33 = vector.load %arg5[%get3A_31, %get3A_32] : memref<32x1024xf32, #tpu.memory_space<vmem>>, vector<32x1024xf32>
      %reduce_sum3A = arith.constant dense<0.000000e+00> : vector<1024xf32>
      %reduce_sum3A_34 = vector.multi_reduction <add>, %get3A_33, %reduce_sum3A [0] : vector<32x1024xf32> to vector<1024xf32>
      %mul3A = arith.mulf %get3A_24, %reduce_sum3A_34 : vector<1024xf32>
      %get3A_35 = arith.constant 0 : index
      %get3A_36 = arith.constant 0 : index
      %get3A_37 = vector.load %arg6[%get3A_35, %get3A_36] : memref<32x1024xf32, #tpu.memory_space<vmem>>, vector<32x1024xf32>
      %reduce_sum3A_38 = arith.constant dense<0.000000e+00> : vector<1024xf32>
      %reduce_sum3A_39 = vector.multi_reduction <add>, %get3A_37, %reduce_sum3A_38 [0] : vector<32x1024xf32> to vector<1024xf32>
      %mul3A_40 = arith.mulf %get3A_30, %reduce_sum3A_39 : vector<1024xf32>
      %add3A_41 = arith.addf %mul3A, %mul3A_40 : vector<1024xf32>
      %add3A_42 = arith.constant 1.000000e-16 : f32
      %add3A_43 = vector.broadcast %add3A_42 : f32 to vector<1024xf32>
      %add3A_44 = arith.addf %add3A_41, %add3A_43 : vector<1024xf32>
      %div3A = arith.constant 1.000000e+00 : f32
      %div3A_45 = vector.broadcast %div3A : f32 to vector<1024xf32>
      %div3A_46 = arith.divf %div3A_45, %add3A_44 : vector<1024xf32>
      %get3A_47 = arith.constant 0 : index
      %get3A_48 = arith.constant 0 : index
      %get3A_49 = arith.constant 0 : index
      %get3A_50 = vector.load %arg1[%get3A_47, %get3A_48, %get3A_49] : memref<2x1024x64xbf16, #tpu.memory_space<vmem>>, vector<1x1024x64xbf16>
      %get3A_51 = vector.shape_cast %get3A_50 : vector<1x1024x64xbf16> to vector<1024x64xbf16>
      %convert_element_type3A_52 = arith.extf %get3A_51 : vector<1024x64xbf16> to vector<1024x64xf32>
      %get3A_53 = arith.constant 1 : index
      %get3A_54 = arith.constant 0 : index
      %get3A_55 = arith.constant 0 : index
      %get3A_56 = vector.load %arg1[%get3A_53, %get3A_54, %get3A_55] : memref<2x1024x64xbf16, #tpu.memory_space<vmem>>, vector<1x1024x64xbf16>
      %get3A_57 = vector.shape_cast %get3A_56 : vector<1x1024x64xbf16> to vector<1024x64xbf16>
      %convert_element_type3A_58 = arith.extf %get3A_57 : vector<1024x64xbf16> to vector<1024x64xf32>
      %add3A_59 = arith.addf %convert_element_type3A_52, %convert_element_type3A_58 : vector<1024x64xf32>
      %get3A_60 = arith.constant 0 : index
      %get3A_61 = arith.constant 0 : index
      %get3A_62 = arith.constant 0 : index
      %get3A_63 = vector.load %arg2[%get3A_60, %get3A_61, %get3A_62] : memref<2x1024x64xbf16, #tpu.memory_space<vmem>>, vector<1x1024x64xbf16>
      %get3A_64 = vector.shape_cast %get3A_63 : vector<1x1024x64xbf16> to vector<1024x64xbf16>
      %convert_element_type3A_65 = arith.extf %get3A_64 : vector<1024x64xbf16> to vector<1024x64xf32>
      %get3A_66 = arith.constant 1 : index
      %get3A_67 = arith.constant 0 : index
      %get3A_68 = arith.constant 0 : index
      %get3A_69 = vector.load %arg2[%get3A_66, %get3A_67, %get3A_68] : memref<2x1024x64xbf16, #tpu.memory_space<vmem>>, vector<1x1024x64xbf16>
      %get3A_70 = vector.shape_cast %get3A_69 : vector<1x1024x64xbf16> to vector<1024x64xbf16>
      %convert_element_type3A_71 = arith.extf %get3A_70 : vector<1024x64xbf16> to vector<1024x64xf32>
      %add3A_72 = arith.addf %convert_element_type3A_65, %convert_element_type3A_71 : vector<1024x64xf32>
      %broadcast_in_dim3A = vector.shape_cast %get3A_24 : vector<1024xf32> to vector<1024x1xf32>
      %mul3A_73 = vector.broadcast %broadcast_in_dim3A : vector<1024x1xf32> to vector<1024x64xf32>
      %mul3A_74 = arith.mulf %mul3A_73, %add3A_59 : vector<1024x64xf32>
      %broadcast_in_dim3A_75 = vector.shape_cast %get3A_30 : vector<1024xf32> to vector<1024x1xf32>
      %mul3A_76 = vector.broadcast %broadcast_in_dim3A_75 : vector<1024x1xf32> to vector<1024x64xf32>
      %mul3A_77 = arith.mulf %mul3A_76, %add3A_72 : vector<1024x64xf32>
      %add3A_78 = arith.addf %mul3A_74, %mul3A_77 : vector<1024x64xf32>
      %get3A_79 = arith.constant 0 : index
      %get3A_80 = arith.constant 0 : index
      %get3A_81 = arith.constant 0 : index
      %get3A_82 = vector.load %arg3[%get3A_79, %get3A_80, %get3A_81] : memref<2x1024x64xbf16, #tpu.memory_space<vmem>>, vector<1x1024x64xbf16>
      %get3A_83 = vector.shape_cast %get3A_82 : vector<1x1024x64xbf16> to vector<1024x64xbf16>
      %convert_element_type3A_84 = arith.extf %get3A_83 : vector<1024x64xbf16> to vector<1024x64xf32>
      %get3A_85 = arith.constant 1 : index
      %get3A_86 = arith.constant 0 : index
      %get3A_87 = arith.constant 0 : index
      %get3A_88 = vector.load %arg3[%get3A_85, %get3A_86, %get3A_87] : memref<2x1024x64xbf16, #tpu.memory_space<vmem>>, vector<1x1024x64xbf16>
      %get3A_89 = vector.shape_cast %get3A_88 : vector<1x1024x64xbf16> to vector<1024x64xbf16>
      %convert_element_type3A_90 = arith.extf %get3A_89 : vector<1024x64xbf16> to vector<1024x64xf32>
      %add3A_91 = arith.addf %convert_element_type3A_84, %convert_element_type3A_90 : vector<1024x64xf32>
      %get3A_92 = arith.constant 0 : index
      %get3A_93 = arith.constant 0 : index
      %get3A_94 = arith.constant 0 : index
      %get3A_95 = vector.load %arg4[%get3A_92, %get3A_93, %get3A_94] : memref<2x1024x64xbf16, #tpu.memory_space<vmem>>, vector<1x1024x64xbf16>
      %get3A_96 = vector.shape_cast %get3A_95 : vector<1x1024x64xbf16> to vector<1024x64xbf16>
      %convert_element_type3A_97 = arith.extf %get3A_96 : vector<1024x64xbf16> to vector<1024x64xf32>
      %get3A_98 = arith.constant 1 : index
      %get3A_99 = arith.constant 0 : index
      %get3A_100 = arith.constant 0 : index
      %get3A_101 = vector.load %arg4[%get3A_98, %get3A_99, %get3A_100] : memref<2x1024x64xbf16, #tpu.memory_space<vmem>>, vector<1x1024x64xbf16>
      %get3A_102 = vector.shape_cast %get3A_101 : vector<1x1024x64xbf16> to vector<1024x64xbf16>
      %convert_element_type3A_103 = arith.extf %get3A_102 : vector<1024x64xbf16> to vector<1024x64xf32>
      %add3A_104 = arith.addf %convert_element_type3A_97, %convert_element_type3A_103 : vector<1024x64xf32>
      %broadcast_in_dim3A_105 = vector.shape_cast %get3A_24 : vector<1024xf32> to vector<1024x1xf32>
      %mul3A_106 = vector.broadcast %broadcast_in_dim3A_105 : vector<1024x1xf32> to vector<1024x64xf32>
      %mul3A_107 = arith.mulf %mul3A_106, %add3A_91 : vector<1024x64xf32>
      %broadcast_in_dim3A_108 = vector.shape_cast %get3A_30 : vector<1024xf32> to vector<1024x1xf32>
      %mul3A_109 = vector.broadcast %broadcast_in_dim3A_108 : vector<1024x1xf32> to vector<1024x64xf32>
      %mul3A_110 = arith.mulf %mul3A_109, %add3A_104 : vector<1024x64xf32>
      %add3A_111 = arith.addf %mul3A_107, %mul3A_110 : vector<1024x64xf32>
      %concatenate3A = tpu.concatenate %add3A_78, %add3A_111 in 1 : vector<1024x64xf32>, vector<1024x64xf32> -> vector<1024x128xf32>
      %broadcast_in_dim3A_112 = vector.shape_cast %div3A_46 : vector<1024xf32> to vector<1024x1xf32>
      %mul3A_113 = vector.broadcast %broadcast_in_dim3A_112 : vector<1024x1xf32> to vector<1024x128xf32>
      %mul3A_114 = arith.mulf %concatenate3A, %mul3A_113 : vector<1024x128xf32>
      %get3A_115 = arith.constant 0 : index
      %get3A_116 = vector.load %arg8[%get3A_115] : memref<128xf32, #tpu.memory_space<vmem>>, vector<128xf32>
      %broadcast_in_dim3A_117 = vector.shape_cast %get3A_116 : vector<128xf32> to vector<1x128xf32>
      %add3A_118 = vector.broadcast %broadcast_in_dim3A_117 : vector<1x128xf32> to vector<1024x128xf32>
      %add3A_119 = arith.addf %mul3A_114, %add3A_118 : vector<1024x128xf32>
      %ge3A_120 = arith.constant 0.000000e+00 : f32
      %ge3A_121 = vector.broadcast %ge3A_120 : f32 to vector<1024x128xf32>
      %ge3A_122 = arith.cmpf oge, %add3A_119, %ge3A_121 : vector<1024x128xf32>
      %mul3A_123 = arith.constant 0.00999999977 : f32
      %mul3A_124 = vector.broadcast %mul3A_123 : f32 to vector<1024x128xf32>
      %mul3A_125 = arith.mulf %mul3A_124, %add3A_119 : vector<1024x128xf32>
      %select_n3A_126 = arith.select %ge3A_122, %add3A_119, %mul3A_125 : vector<1024x128xi1>, vector<1024x128xf32>
      %get3A_127 = arith.constant 0 : index
      %get3A_128 = arith.constant 0 : index
      %get3A_129 = vector.load %arg9[%get3A_127, %get3A_128] : memref<128x64xf32, #tpu.memory_space<vmem>>, vector<128x64xf32>
      %dot_general3A = arith.constant dense<0.000000e+00> : vector<1024x64xf32>
      %dot_general3A_130 = tpu.matmul %select_n3A_126, %get3A_129, %dot_general3A {dimension_numbers = #tpu.dot_dimension_numbers<[1], [0], [0], [1], [0, 0, 1, 1], [], []>, transpose_lhs_hint = false} : vector<1024x128xf32>, vector<128x64xf32>, vector<1024x64xf32> -> vector<1024x64xf32>
      %mul3A_131 = arith.constant 1024 : i32
      %mul3A_132 = arith.muli %select_n3A_7, %mul3A_131 : i32
      %swap3A = arith.index_cast %mul3A_132 : i32 to index
      %swap3A_133 = arith.constant 0 : index
      %swap3A_134 = vector.load %arg16[%swap3A, %swap3A_133] : memref<10240x64xf32, #tpu.memory_space<vmem>>, vector<1024x64xf32>
      tpu.vector_store %arg16[%swap3A, %swap3A_133], %dot_general3A_130 {strides = array<i32>} : memref<10240x64xf32, #tpu.memory_space<vmem>>, vector<1024x64xf32>,
      %get3A_135 = arith.constant 0 : index
      %get3A_136 = vector.load %arg10[%get3A_135] : memref<64xf32, #tpu.memory_space<vmem>>, vector<64xf32>
      %broadcast_in_dim3A_137 = vector.shape_cast %get3A_136 : vector<64xf32> to vector<1x64xf32>
      %mul3A_138 = vector.broadcast %broadcast_in_dim3A_137 : vector<1x64xf32> to vector<1024x64xf32>
      %mul3A_139 = arith.mulf %dot_general3A_130, %mul3A_138 : vector<1024x64xf32>
      %reduce_sum3A_140 = arith.constant dense<0.000000e+00> : vector<1024xf32>
      %reduce_sum3A_141 = vector.multi_reduction <add>, %mul3A_139, %reduce_sum3A_140 [1] : vector<1024x64xf32> to vector<1024xf32>
      %get3A_142 = arith.constant 0 : index
      %get3A_143 = vector.load %arg11[%get3A_142] : memref<64xf32, #tpu.memory_space<vmem>>, vector<64xf32>
      %broadcast_in_dim3A_144 = vector.shape_cast %get3A_143 : vector<64xf32> to vector<1x64xf32>
      %mul3A_145 = vector.broadcast %broadcast_in_dim3A_144 : vector<1x64xf32> to vector<1024x64xf32>
      %mul3A_146 = arith.mulf %dot_general3A_130, %mul3A_145 : vector<1024x64xf32>
      %reduce_sum3A_147 = arith.constant dense<0.000000e+00> : vector<1024xf32>
      %reduce_sum3A_148 = vector.multi_reduction <add>, %mul3A_146, %reduce_sum3A_147 [1] : vector<1024x64xf32> to vector<1024xf32>
      %broadcast_in_dim3A_149 = vector.shape_cast %reduce_sum3A_141 : vector<1024xf32> to vector<1x1024xf32>
      %swap3A_150 = arith.index_cast %select_n3A_7 : i32 to index
      %swap3A_151 = arith.constant 0 : index
      %swap3A_152 = vector.load %arg17[%swap3A_150, %swap3A_151] : memref<10x1024xf32, #tpu.memory_space<vmem>>, vector<1x1024xf32>
      tpu.vector_store %arg17[%swap3A_150, %swap3A_151], %broadcast_in_dim3A_149 {strides = array<i32>} : memref<10x1024xf32, #tpu.memory_space<vmem>>, vector<1x1024xf32>,
      %broadcast_in_dim3A_153 = vector.shape_cast %reduce_sum3A_148 : vector<1024xf32> to vector<1x1024xf32>
      %swap3A_154 = arith.index_cast %select_n3A_7 : i32 to index
      %swap3A_155 = arith.constant 0 : index
      %swap3A_156 = vector.load %arg18[%swap3A_154, %swap3A_155] : memref<10x1024xf32, #tpu.memory_space<vmem>>, vector<1x1024xf32>
      tpu.vector_store %arg18[%swap3A_154, %swap3A_155], %broadcast_in_dim3A_153 {strides = array<i32>} : memref<10x1024xf32, #tpu.memory_space<vmem>>, vector<1x1024xf32>,
      %get3A_157 = arith.constant 0 : index
      %get3A_158 = arith.constant 0 : index
      %get3A_159 = memref.load %arg19[%get3A_157, %get3A_158] : memref<1x2xf32, #tpu.memory_space<smem>>
      %reduce_max3A = vector.shape_cast %reduce_sum3A_141 : vector<1024xf32> to vector<1x1024xf32>
      %reduce_max3A_160 = arith.constant dense<0xFF800000> : vector<1xf32>
      %reduce_max3A_161 = vector.multi_reduction <maximumf>, %reduce_max3A, %reduce_max3A_160 [1] : vector<1x1024xf32> to vector<1xf32>
      %reduce_max3A_162 = vector.shape_cast %reduce_max3A_161 : vector<1xf32> to vector<1x1xf32>
      %reduce_max3A_163 = vector.extract %reduce_max3A_162[0, 0] : f32 from vector<1x1xf32>
      %max3A = arith.maximumf %get3A_159, %reduce_max3A_163 : f32
      %swap3A_164 = arith.constant 0 : index
      %swap3A_165 = arith.constant 0 : index
      %swap3A_166 = memref.load %arg19[%swap3A_164, %swap3A_165] : memref<1x2xf32, #tpu.memory_space<smem>>
      memref.store %max3A, %arg19[%swap3A_164, %swap3A_165] : memref<1x2xf32, #tpu.memory_space<smem>>
      %get3A_167 = arith.constant 0 : index
      %get3A_168 = arith.constant 1 : index
      %get3A_169 = memref.load %arg19[%get3A_167, %get3A_168] : memref<1x2xf32, #tpu.memory_space<smem>>
      %reduce_max3A_170 = vector.shape_cast %reduce_sum3A_148 : vector<1024xf32> to vector<1x1024xf32>
      %reduce_max3A_171 = arith.constant dense<0xFF800000> : vector<1xf32>
      %reduce_max3A_172 = vector.multi_reduction <maximumf>, %reduce_max3A_170, %reduce_max3A_171 [1] : vector<1x1024xf32> to vector<1xf32>
      %reduce_max3A_173 = vector.shape_cast %reduce_max3A_172 : vector<1xf32> to vector<1x1xf32>
      %reduce_max3A_174 = vector.extract %reduce_max3A_173[0, 0] : f32 from vector<1x1xf32>
      %max3A_175 = arith.maximumf %get3A_169, %reduce_max3A_174 : f32
      %swap3A_176 = arith.constant 0 : index
      %swap3A_177 = arith.constant 1 : index
      %swap3A_178 = memref.load %arg19[%swap3A_176, %swap3A_177] : memref<1x2xf32, #tpu.memory_space<smem>>
      memref.store %max3A_175, %arg19[%swap3A_176, %swap3A_177] : memref<1x2xf32, #tpu.memory_space<smem>>
    } else {
    }
    %ge3A = arith.constant 10 : i32
    %ge3A_16 = arith.cmpi sge, %arg0, %ge3A : i32
    %convert_element_type3A_17 = arith.extui %ge3A_16 : i1 to i32
    %cond3A_18 = arith.constant 0 : i32
    %cond3A_19 = arith.cmpi ne, %convert_element_type3A_17, %cond3A_18 : i32
    scf.if %cond3A_19 {
      %mul3A = arith.constant 1024 : i32
      %mul3A_20 = arith.muli %select_n3A_7, %mul3A : i32
      %get3A = arith.index_cast %mul3A_20 : i32 to index
      %get3A_21 = arith.constant 0 : index
      %get3A_22 = vector.load %arg16[%get3A, %get3A_21] : memref<10240x64xf32, #tpu.memory_space<vmem>>, vector<1024x64xf32>
      %get3A_23 = arith.index_cast %select_n3A_7 : i32 to index
      %get3A_24 = arith.constant 0 : index
      %get3A_25 = vector.load %arg17[%get3A_23, %get3A_24] : memref<10x1024xf32, #tpu.memory_space<vmem>>, vector<1x1024xf32>
      %squeeze3A = vector.shape_cast %get3A_25 : vector<1x1024xf32> to vector<1024xf32>
      %get3A_26 = arith.index_cast %select_n3A_7 : i32 to index
      %get3A_27 = arith.constant 0 : index
      %get3A_28 = vector.load %arg18[%get3A_26, %get3A_27] : memref<10x1024xf32, #tpu.memory_space<vmem>>, vector<1x1024xf32>
      %squeeze3A_29 = vector.shape_cast %get3A_28 : vector<1x1024xf32> to vector<1024xf32>
      %get3A_30 = arith.constant 0 : index
      %get3A_31 = arith.constant 0 : index
      %get3A_32 = memref.load %arg19[%get3A_30, %get3A_31] : memref<1x2xf32, #tpu.memory_space<smem>>
      %get3A_33 = arith.constant 0 : index
      %get3A_34 = arith.constant 1 : index
      %get3A_35 = memref.load %arg19[%get3A_33, %get3A_34] : memref<1x2xf32, #tpu.memory_space<smem>>
      %add3A_36 = arith.addf %get3A_32, %get3A_35 : f32
      %sub3A = vector.broadcast %get3A_32 : f32 to vector<1024xf32>
      %sub3A_37 = arith.subf %squeeze3A, %sub3A : vector<1024xf32>
      %exp3A = math.exp %sub3A_37 : vector<1024xf32>
      %sub3A_38 = vector.broadcast %get3A_32 : f32 to vector<1024xf32>
      %sub3A_39 = arith.subf %squeeze3A, %sub3A_38 : vector<1024xf32>
      %mul3A_40 = arith.constant 2.000000e-01 : f32
      %mul3A_41 = vector.broadcast %mul3A_40 : f32 to vector<1024xf32>
      %mul3A_42 = arith.mulf %mul3A_41, %sub3A_39 : vector<1024xf32>
      %exp3A_43 = math.exp %mul3A_42 : vector<1024xf32>
      %sub3A_44 = vector.broadcast %get3A_35 : f32 to vector<1024xf32>
      %sub3A_45 = arith.subf %squeeze3A_29, %sub3A_44 : vector<1024xf32>
      %exp3A_46 = math.exp %sub3A_45 : vector<1024xf32>
      %swap3A = arith.constant 0 : index
      %swap3A_47 = arith.constant 0 : index
      %swap3A_48 = arith.constant 0 : index
      %swap3A_49 = arith.constant 0 : index
      %swap3A_50 = vector.load %arg13[%swap3A, %swap3A_47, %swap3A_48, %swap3A_49] : memref<2x1x1x1024xf32, #tpu.memory_space<vmem>>, vector<1x1x1x1024xf32>
      %swap3A_51 = vector.shape_cast %swap3A_50 : vector<1x1x1x1024xf32> to vector<1024xf32>
      %swap3A_52 = vector.shape_cast %exp3A_46 : vector<1024xf32> to vector<1x1x1x1024xf32>
      tpu.vector_store %arg13[%swap3A, %swap3A_47, %swap3A_48, %swap3A_49], %swap3A_52 {strides = array<i32>} : memref<2x1x1x1024xf32, #tpu.memory_space<vmem>>, vector<1x1x1x1024xf32>,
      %sub3A_53 = vector.broadcast %get3A_35 : f32 to vector<1024xf32>
      %sub3A_54 = arith.subf %squeeze3A_29, %sub3A_53 : vector<1024xf32>
      %mul3A_55 = arith.constant 2.000000e-01 : f32
      %mul3A_56 = vector.broadcast %mul3A_55 : f32 to vector<1024xf32>
      %mul3A_57 = arith.mulf %mul3A_56, %sub3A_54 : vector<1024xf32>
      %mul3A_58 = arith.constant 8.000000e-01 : f32
      %mul3A_59 = arith.mulf %mul3A_58, %add3A_36 : f32
      %sub3A_60 = vector.broadcast %mul3A_59 : f32 to vector<1024xf32>
      %sub3A_61 = arith.subf %mul3A_57, %sub3A_60 : vector<1024xf32>
      %exp3A_62 = math.exp %sub3A_61 : vector<1024xf32>
      %swap3A_63 = arith.constant 1 : index
      %swap3A_64 = arith.constant 0 : index
      %swap3A_65 = arith.constant 0 : index
      %swap3A_66 = arith.constant 0 : index
      %swap3A_67 = vector.load %arg13[%swap3A_63, %swap3A_64, %swap3A_65, %swap3A_66] : memref<2x1x1x1024xf32, #tpu.memory_space<vmem>>, vector<1x1x1x1024xf32>
      %swap3A_68 = vector.shape_cast %swap3A_67 : vector<1x1x1x1024xf32> to vector<1024xf32>
      %swap3A_69 = vector.shape_cast %exp3A_62 : vector<1024xf32> to vector<1x1x1x1024xf32>
      tpu.vector_store %arg13[%swap3A_63, %swap3A_64, %swap3A_65, %swap3A_66], %swap3A_69 {strides = array<i32>} : memref<2x1x1x1024xf32, #tpu.memory_space<vmem>>, vector<1x1x1x1024xf32>,
      %sub3A_70 = vector.broadcast %get3A_32 : f32 to vector<1024xf32>
      %sub3A_71 = arith.subf %squeeze3A, %sub3A_70 : vector<1024xf32>
      %swap3A_72 = arith.constant 0 : index
      %swap3A_73 = vector.load %arg14[%swap3A_72] : memref<1024xf32, #tpu.memory_space<vmem>>, vector<1024xf32>
      tpu.vector_store %arg14[%swap3A_72], %sub3A_71 {strides = array<i32>} : memref<1024xf32, #tpu.memory_space<vmem>>, vector<1024xf32>,
      %add3A_74 = vector.broadcast %get3A_32 : f32 to vector<1024xf32>
      %add3A_75 = arith.addf %squeeze3A_29, %add3A_74 : vector<1024xf32>
      %swap3A_76 = arith.constant 0 : index
      %swap3A_77 = vector.load %arg15[%swap3A_76] : memref<1024xf32, #tpu.memory_space<vmem>>, vector<1024xf32>
      tpu.vector_store %arg15[%swap3A_76], %add3A_75 {strides = array<i32>} : memref<1024xf32, #tpu.memory_space<vmem>>, vector<1024xf32>,
      %broadcast_in_dim3A = vector.shape_cast %exp3A : vector<1024xf32> to vector<1024x1xf32>
      %mul3A_78 = vector.broadcast %broadcast_in_dim3A : vector<1024x1xf32> to vector<1024x64xf32>
      %mul3A_79 = arith.mulf %get3A_22, %mul3A_78 : vector<1024x64xf32>
      %convert_element_type3A_80 = arith.truncf %mul3A_79 : vector<1024x64xf32> to vector<1024x64xbf16>
      %swap3A_81 = arith.constant 0 : index
      %swap3A_82 = arith.constant 0 : index
      %swap3A_83 = arith.constant 0 : index
      %swap3A_84 = vector.load %arg12[%swap3A_81, %swap3A_82, %swap3A_83] : memref<2x1024x64xbf16, #tpu.memory_space<vmem>>, vector<1x1024x64xbf16>
      %swap3A_85 = vector.shape_cast %swap3A_84 : vector<1x1024x64xbf16> to vector<1024x64xbf16>
      %swap3A_86 = vector.shape_cast %convert_element_type3A_80 : vector<1024x64xbf16> to vector<1x1024x64xbf16>
      tpu.vector_store %arg12[%swap3A_81, %swap3A_82, %swap3A_83], %swap3A_86 {strides = array<i32>} : memref<2x1024x64xbf16, #tpu.memory_space<vmem>>, vector<1x1024x64xbf16>,
      %broadcast_in_dim3A_87 = vector.shape_cast %exp3A_43 : vector<1024xf32> to vector<1024x1xf32>
      %mul3A_88 = vector.broadcast %broadcast_in_dim3A_87 : vector<1024x1xf32> to vector<1024x64xf32>
      %mul3A_89 = arith.mulf %get3A_22, %mul3A_88 : vector<1024x64xf32>
      %convert_element_type3A_90 = arith.truncf %mul3A_89 : vector<1024x64xf32> to vector<1024x64xbf16>
      %swap3A_91 = arith.constant 1 : index
      %swap3A_92 = arith.constant 0 : index
      %swap3A_93 = arith.constant 0 : index
      %swap3A_94 = vector.load %arg12[%swap3A_91, %swap3A_92, %swap3A_93] : memref<2x1024x64xbf16, #tpu.memory_space<vmem>>, vector<1x1024x64xbf16>
      %swap3A_95 = vector.shape_cast %swap3A_94 : vector<1x1024x64xbf16> to vector<1024x64xbf16>
      %swap3A_96 = vector.shape_cast %convert_element_type3A_90 : vector<1024x64xbf16> to vector<1x1024x64xbf16>
      tpu.vector_store %arg12[%swap3A_91, %swap3A_92, %swap3A_93], %swap3A_96 {strides = array<i32>} : memref<2x1024x64xbf16, #tpu.memory_space<vmem>>, vector<1x1024x64xbf16>,
    } else {
    }
    return
  }
  func.func @transform_0(%arg0: i32) -> (i32, i32, i32) {
    %jit3A = arith.constant 10 : i32
    %eq3A = arith.constant 0 : i32
    %eq3A_0 = arith.cmpi eq, %jit3A, %eq3A : i32
    %jit3A_1 = arith.constant 1 : i32
    %select_n3A = arith.select %eq3A_0, %jit3A_1, %jit3A : i32
    %rem3A = arith.remsi %arg0, %select_n3A : i32
    %ne3A = arith.constant 0 : i32
    %ne3A_2 = arith.cmpi ne, %rem3A, %ne3A : i32
    %lt3A = arith.constant 0 : i32
    %lt3A_3 = arith.cmpi slt, %rem3A, %lt3A : i32
    %lt3A_4 = arith.constant 0 : i32
    %lt3A_5 = arith.cmpi slt, %select_n3A, %lt3A_4 : i32
    %ne3A_6 = arith.xori %lt3A_3, %lt3A_5 : i1
    %and3A = arith.andi %ne3A_6, %ne3A_2 : i1
    %add3A = arith.addi %rem3A, %select_n3A : i32
    %select_n3A_7 = arith.select %and3A, %add3A, %rem3A : i32
    %c0_i32 = arith.constant 0 : i32
    %c0_i32_8 = arith.constant 0 : i32
    %c0_i32_9 = arith.constant 0 : i32
    return %c0_i32, %select_n3A_7, %c0_i32_8 : i32, i32, i32
  }
  func.func @transform_1(%arg0: i32) -> (i32, i32, i32) {
    %jit3A = arith.constant 10 : i32
    %eq3A = arith.constant 0 : i32
    %eq3A_0 = arith.cmpi eq, %jit3A, %eq3A : i32
    %jit3A_1 = arith.constant 1 : i32
    %select_n3A = arith.select %eq3A_0, %jit3A_1, %jit3A : i32
    %rem3A = arith.remsi %arg0, %select_n3A : i32
    %ne3A = arith.constant 0 : i32
    %ne3A_2 = arith.cmpi ne, %rem3A, %ne3A : i32
    %lt3A = arith.constant 0 : i32
    %lt3A_3 = arith.cmpi slt, %rem3A, %lt3A : i32
    %lt3A_4 = arith.constant 0 : i32
    %lt3A_5 = arith.cmpi slt, %select_n3A, %lt3A_4 : i32
    %ne3A_6 = arith.xori %lt3A_3, %lt3A_5 : i1
    %and3A = arith.andi %ne3A_6, %ne3A_2 : i1
    %add3A = arith.addi %rem3A, %select_n3A : i32
    %select_n3A_7 = arith.select %and3A, %add3A, %rem3A : i32
    %add3A_8 = arith.constant 10 : i32
    %add3A_9 = arith.addi %add3A_8, %select_n3A_7 : i32
    %c0_i32 = arith.constant 0 : i32
    %c0_i32_10 = arith.constant 0 : i32
    %c0_i32_11 = arith.constant 0 : i32
    return %c0_i32, %add3A_9, %c0_i32_10 : i32, i32, i32
  }
  func.func @transform_2(%arg0: i32) -> (i32, i32, i32) {
    %jit3A = arith.constant 10 : i32
    %eq3A = arith.constant 0 : i32
    %eq3A_0 = arith.cmpi eq, %jit3A, %eq3A : i32
    %jit3A_1 = arith.constant 1 : i32
    %select_n3A = arith.select %eq3A_0, %jit3A_1, %jit3A : i32
    %rem3A = arith.remsi %arg0, %select_n3A : i32
    %ne3A = arith.constant 0 : i32
    %ne3A_2 = arith.cmpi ne, %rem3A, %ne3A : i32
    %lt3A = arith.constant 0 : i32
    %lt3A_3 = arith.cmpi slt, %rem3A, %lt3A : i32
    %lt3A_4 = arith.constant 0 : i32
    %lt3A_5 = arith.cmpi slt, %select_n3A, %lt3A_4 : i32
    %ne3A_6 = arith.xori %lt3A_3, %lt3A_5 : i1
    %and3A = arith.andi %ne3A_6, %ne3A_2 : i1
    %add3A = arith.addi %rem3A, %select_n3A : i32
    %select_n3A_7 = arith.select %and3A, %add3A, %rem3A : i32
    %c0_i32 = arith.constant 0 : i32
    %c0_i32_8 = arith.constant 0 : i32
    %c0_i32_9 = arith.constant 0 : i32
    return %c0_i32, %select_n3A_7, %c0_i32_8 : i32, i32, i32
  }
  func.func @transform_3(%arg0: i32) -> (i32, i32, i32) {
    %jit3A = arith.constant 10 : i32
    %eq3A = arith.constant 0 : i32
    %eq3A_0 = arith.cmpi eq, %jit3A, %eq3A : i32
    %jit3A_1 = arith.constant 1 : i32
    %select_n3A = arith.select %eq3A_0, %jit3A_1, %jit3A : i32
    %rem3A = arith.remsi %arg0, %select_n3A : i32
    %ne3A = arith.constant 0 : i32
    %ne3A_2 = arith.cmpi ne, %rem3A, %ne3A : i32
    %lt3A = arith.constant 0 : i32
    %lt3A_3 = arith.cmpi slt, %rem3A, %lt3A : i32
    %lt3A_4 = arith.constant 0 : i32
    %lt3A_5 = arith.cmpi slt, %select_n3A, %lt3A_4 : i32
    %ne3A_6 = arith.xori %lt3A_3, %lt3A_5 : i1
    %and3A = arith.andi %ne3A_6, %ne3A_2 : i1
    %add3A = arith.addi %rem3A, %select_n3A : i32
    %select_n3A_7 = arith.select %and3A, %add3A, %rem3A : i32
    %add3A_8 = arith.constant 10 : i32
    %add3A_9 = arith.addi %add3A_8, %select_n3A_7 : i32
    %c0_i32 = arith.constant 0 : i32
    %c0_i32_10 = arith.constant 0 : i32
    %c0_i32_11 = arith.constant 0 : i32
    return %c0_i32, %add3A_9, %c0_i32_10 : i32, i32, i32
  }
  func.func @transform_4(%arg0: i32) -> (i32, i32) {
    %jit3A = arith.constant 10 : i32
    %eq3A = arith.constant 0 : i32
    %eq3A_0 = arith.cmpi eq, %jit3A, %eq3A : i32
    %jit3A_1 = arith.constant 1 : i32
    %select_n3A = arith.select %eq3A_0, %jit3A_1, %jit3A : i32
    %rem3A = arith.remsi %arg0, %select_n3A : i32
    %ne3A = arith.constant 0 : i32
    %ne3A_2 = arith.cmpi ne, %rem3A, %ne3A : i32
    %lt3A = arith.constant 0 : i32
    %lt3A_3 = arith.cmpi slt, %rem3A, %lt3A : i32
    %lt3A_4 = arith.constant 0 : i32
    %lt3A_5 = arith.cmpi slt, %select_n3A, %lt3A_4 : i32
    %ne3A_6 = arith.xori %lt3A_3, %lt3A_5 : i1
    %and3A = arith.andi %ne3A_6, %ne3A_2 : i1
    %add3A = arith.addi %rem3A, %select_n3A : i32
    %select_n3A_7 = arith.select %and3A, %add3A, %rem3A : i32
    %c0_i32 = arith.constant 0 : i32
    %c0_i32_8 = arith.constant 0 : i32
    return %c0_i32, %select_n3A_7 : i32, i32
  }
  func.func @transform_5(%arg0: i32) -> (i32, i32) {
    %jit3A = arith.constant 10 : i32
    %eq3A = arith.constant 0 : i32
    %eq3A_0 = arith.cmpi eq, %jit3A, %eq3A : i32
    %jit3A_1 = arith.constant 1 : i32
    %select_n3A = arith.select %eq3A_0, %jit3A_1, %jit3A : i32
    %rem3A = arith.remsi %arg0, %select_n3A : i32
    %ne3A = arith.constant 0 : i32
    %ne3A_2 = arith.cmpi ne, %rem3A, %ne3A : i32
    %lt3A = arith.constant 0 : i32
    %lt3A_3 = arith.cmpi slt, %rem3A, %lt3A : i32
    %lt3A_4 = arith.constant 0 : i32
    %lt3A_5 = arith.cmpi slt, %select_n3A, %lt3A_4 : i32
    %ne3A_6 = arith.xori %lt3A_3, %lt3A_5 : i1
    %and3A = arith.andi %ne3A_6, %ne3A_2 : i1
    %add3A = arith.addi %rem3A, %select_n3A : i32
    %select_n3A_7 = arith.select %and3A, %add3A, %rem3A : i32
    %add3A_8 = arith.constant 10 : i32
    %add3A_9 = arith.addi %add3A_8, %select_n3A_7 : i32
    %c0_i32 = arith.constant 0 : i32
    %c0_i32_10 = arith.constant 0 : i32
    return %c0_i32, %add3A_9 : i32, i32
  }
  func.func @transform_6(%arg0: i32) -> (i32, i32, i32, i32) {
    %jit3A = arith.constant 10 : i32
    %eq3A = arith.constant 0 : i32
    %eq3A_0 = arith.cmpi eq, %jit3A, %eq3A : i32
    %jit3A_1 = arith.constant 1 : i32
    %select_n3A = arith.select %eq3A_0, %jit3A_1, %jit3A : i32
    %rem3A = arith.remsi %arg0, %select_n3A : i32
    %ne3A = arith.constant 0 : i32
    %ne3A_2 = arith.cmpi ne, %rem3A, %ne3A : i32
    %lt3A = arith.constant 0 : i32
    %lt3A_3 = arith.cmpi slt, %rem3A, %lt3A : i32
    %lt3A_4 = arith.constant 0 : i32
    %lt3A_5 = arith.cmpi slt, %select_n3A, %lt3A_4 : i32
    %ne3A_6 = arith.xori %lt3A_3, %lt3A_5 : i1
    %and3A = arith.andi %ne3A_6, %ne3A_2 : i1
    %add3A = arith.addi %rem3A, %select_n3A : i32
    %select_n3A_7 = arith.select %and3A, %add3A, %rem3A : i32
    %c0_i32 = arith.constant 0 : i32
    %c0_i32_8 = arith.constant 0 : i32
    %c0_i32_9 = arith.constant 0 : i32
    %c0_i32_10 = arith.constant 0 : i32
    return %c0_i32, %select_n3A_7, %c0_i32_8, %c0_i32_9 : i32, i32, i32, i32
  }
  func.func @transform_7(%arg0: i32) -> i32 {
    %c0_i32 = arith.constant 0 : i32
    %c0_i32_0 = arith.constant 0 : i32
    return %c0_i32 : i32
  }
  func.func @transform_8(%arg0: i32) -> (i32, i32) {
    %c0_i32 = arith.constant 0 : i32
    %c0_i32_0 = arith.constant 0 : i32
    %c0_i32_1 = arith.constant 0 : i32
    return %c0_i32, %c0_i32_0 : i32, i32
  }
  func.func @transform_9(%arg0: i32) -> i32 {
    %c0_i32 = arith.constant 0 : i32
    %c0_i32_0 = arith.constant 0 : i32
    return %c0_i32 : i32
  }
  func.func @transform_10(%arg0: i32) -> i32 {
    %c0_i32 = arith.constant 0 : i32
    %c0_i32_0 = arith.constant 0 : i32
    return %c0_i32 : i32
  }
  func.func @transform_11(%arg0: i32) -> (i32, i32, i32) {
    %jit3A = arith.constant 10 : i32
    %eq3A = arith.constant 0 : i32
    %eq3A_0 = arith.cmpi eq, %jit3A, %eq3A : i32
    %jit3A_1 = arith.constant 1 : i32
    %select_n3A = arith.select %eq3A_0, %jit3A_1, %jit3A : i32
    %rem3A = arith.remsi %arg0, %select_n3A : i32
    %ne3A = arith.constant 0 : i32
    %ne3A_2 = arith.cmpi ne, %rem3A, %ne3A : i32
    %lt3A = arith.constant 0 : i32
    %lt3A_3 = arith.cmpi slt, %rem3A, %lt3A : i32
    %lt3A_4 = arith.constant 0 : i32
    %lt3A_5 = arith.cmpi slt, %select_n3A, %lt3A_4 : i32
    %ne3A_6 = arith.xori %lt3A_3, %lt3A_5 : i1
    %and3A = arith.andi %ne3A_6, %ne3A_2 : i1
    %add3A = arith.addi %rem3A, %select_n3A : i32
    %select_n3A_7 = arith.select %and3A, %add3A, %rem3A : i32
    %c0_i32 = arith.constant 0 : i32
    %c0_i32_8 = arith.constant 0 : i32
    %c0_i32_9 = arith.constant 0 : i32
    return %c0_i32, %select_n3A_7, %c0_i32_8 : i32, i32, i32
  }
  func.func @transform_12(%arg0: i32) -> (i32, i32, i32, i32) {
    %jit3A = arith.constant 10 : i32
    %eq3A = arith.constant 0 : i32
    %eq3A_0 = arith.cmpi eq, %jit3A, %eq3A : i32
    %jit3A_1 = arith.constant 1 : i32
    %select_n3A = arith.select %eq3A_0, %jit3A_1, %jit3A : i32
    %rem3A = arith.remsi %arg0, %select_n3A : i32
    %ne3A = arith.constant 0 : i32
    %ne3A_2 = arith.cmpi ne, %rem3A, %ne3A : i32
    %lt3A = arith.constant 0 : i32
    %lt3A_3 = arith.cmpi slt, %rem3A, %lt3A : i32
    %lt3A_4 = arith.constant 0 : i32
    %lt3A_5 = arith.cmpi slt, %select_n3A, %lt3A_4 : i32
    %ne3A_6 = arith.xori %lt3A_3, %lt3A_5 : i1
    %and3A = arith.andi %ne3A_6, %ne3A_2 : i1
    %add3A = arith.addi %rem3A, %select_n3A : i32
    %select_n3A_7 = arith.select %and3A, %add3A, %rem3A : i32
    %c0_i32 = arith.constant 0 : i32
    %c0_i32_8 = arith.constant 0 : i32
    %c0_i32_9 = arith.constant 0 : i32
    %c0_i32_10 = arith.constant 0 : i32
    return %c0_i32, %select_n3A_7, %c0_i32_8, %c0_i32_9 : i32, i32, i32, i32
  }
  func.func @transform_13(%arg0: i32) -> i32 {
    %jit3A = arith.constant 10 : i32
    %eq3A = arith.constant 0 : i32
    %eq3A_0 = arith.cmpi eq, %jit3A, %eq3A : i32
    %jit3A_1 = arith.constant 1 : i32
    %select_n3A = arith.select %eq3A_0, %jit3A_1, %jit3A : i32
    %rem3A = arith.remsi %arg0, %select_n3A : i32
    %ne3A = arith.constant 0 : i32
    %ne3A_2 = arith.cmpi ne, %rem3A, %ne3A : i32
    %lt3A = arith.constant 0 : i32
    %lt3A_3 = arith.cmpi slt, %rem3A, %lt3A : i32
    %lt3A_4 = arith.constant 0 : i32
    %lt3A_5 = arith.cmpi slt, %select_n3A, %lt3A_4 : i32
    %ne3A_6 = arith.xori %lt3A_3, %lt3A_5 : i1
    %and3A = arith.andi %ne3A_6, %ne3A_2 : i1
    %add3A = arith.addi %rem3A, %select_n3A : i32
    %select_n3A_7 = arith.select %and3A, %add3A, %rem3A : i32
    %c0_i32 = arith.constant 0 : i32
    return %select_n3A_7 : i32
  }
  func.func @transform_14(%arg0: i32) -> i32 {
    %jit3A = arith.constant 10 : i32
    %eq3A = arith.constant 0 : i32
    %eq3A_0 = arith.cmpi eq, %jit3A, %eq3A : i32
    %jit3A_1 = arith.constant 1 : i32
    %select_n3A = arith.select %eq3A_0, %jit3A_1, %jit3A : i32
    %rem3A = arith.remsi %arg0, %select_n3A : i32
    %ne3A = arith.constant 0 : i32
    %ne3A_2 = arith.cmpi ne, %rem3A, %ne3A : i32
    %lt3A = arith.constant 0 : i32
    %lt3A_3 = arith.cmpi slt, %rem3A, %lt3A : i32
    %lt3A_4 = arith.constant 0 : i32
    %lt3A_5 = arith.cmpi slt, %select_n3A, %lt3A_4 : i32
    %ne3A_6 = arith.xori %lt3A_3, %lt3A_5 : i1
    %and3A = arith.andi %ne3A_6, %ne3A_2 : i1
    %add3A = arith.addi %rem3A, %select_n3A : i32
    %select_n3A_7 = arith.select %and3A, %add3A, %rem3A : i32
    %c0_i32 = arith.constant 0 : i32
    return %select_n3A_7 : i32
  }
}

module attributes {stable_mosaic.version = 14 : i64} {
  func.func @_final_body(%arg0: i32, %arg1: memref<2x1024x64xbf16, #tpu.memory_space<vmem>>, %arg2: memref<2x1024x64xbf16, #tpu.memory_space<vmem>>, %arg3: memref<32x1024xf32, #tpu.memory_space<vmem>>, %arg4: memref<32x1024xf32, #tpu.memory_space<vmem>>, %arg5: memref<2x1x1x1024xf32, #tpu.memory_space<vmem>>, %arg6: memref<64xf32, #tpu.memory_space<vmem>>, %arg7: memref<1x64xf32, #tpu.memory_space<vmem>>) attributes {dimension_semantics = [#tpu.dimension_semantics<arbitrary>], iteration_bounds = array<i64: 10>, scalar_prefetch = 0 : i64, scratch_operands = 0 : i64, tpu.core_type = #tpu.core_type<tc>, window_params = [{transform_indices = @transform_0, window_bounds = array<i64: 2, 1024, 64>}, {transform_indices = @transform_1, window_bounds = array<i64: 2, 1024, 64>}, {transform_indices = @transform_2, window_bounds = array<i64: 32, 1024>}, {transform_indices = @transform_3, window_bounds = array<i64: 32, 1024>}, {transform_indices = @transform_4, window_bounds = array<i64: 2, 1, 1, 1024>}, {pipeline_mode = #tpu.pipeline_mode<synchronous>, transform_indices = @transform_5, window_bounds = array<i64: 64>}, {pipeline_mode = #tpu.pipeline_mode<synchronous>, transform_indices = @transform_6, window_bounds = array<i64: 1, 64>}]} {
    %get3A = arith.constant 0 : index
    %get3A_0 = arith.constant 0 : index
    %get3A_1 = arith.constant 0 : index
    %get3A_2 = arith.constant 0 : index
    %get3A_3 = vector.load %arg5[%get3A, %get3A_0, %get3A_1, %get3A_2] : memref<2x1x1x1024xf32, #tpu.memory_space<vmem>>, vector<1x1x1x1024xf32>
    %get3A_4 = vector.shape_cast %get3A_3 : vector<1x1x1x1024xf32> to vector<1024xf32>
    %get3A_5 = arith.constant 1 : index
    %get3A_6 = arith.constant 0 : index
    %get3A_7 = arith.constant 0 : index
    %get3A_8 = arith.constant 0 : index
    %get3A_9 = vector.load %arg5[%get3A_5, %get3A_6, %get3A_7, %get3A_8] : memref<2x1x1x1024xf32, #tpu.memory_space<vmem>>, vector<1x1x1x1024xf32>
    %get3A_10 = vector.shape_cast %get3A_9 : vector<1x1x1x1024xf32> to vector<1024xf32>
    %get3A_11 = arith.constant 0 : index
    %get3A_12 = arith.constant 0 : index
    %get3A_13 = vector.load %arg3[%get3A_11, %get3A_12] : memref<32x1024xf32, #tpu.memory_space<vmem>>, vector<32x1024xf32>
    %reduce_sum3A = arith.constant dense<0.000000e+00> : vector<1024xf32>
    %reduce_sum3A_14 = vector.multi_reduction <add>, %get3A_13, %reduce_sum3A [0] : vector<32x1024xf32> to vector<1024xf32>
    %mul3A = arith.mulf %get3A_4, %reduce_sum3A_14 : vector<1024xf32>
    %get3A_15 = arith.constant 0 : index
    %get3A_16 = arith.constant 0 : index
    %get3A_17 = vector.load %arg4[%get3A_15, %get3A_16] : memref<32x1024xf32, #tpu.memory_space<vmem>>, vector<32x1024xf32>
    %reduce_sum3A_18 = arith.constant dense<0.000000e+00> : vector<1024xf32>
    %reduce_sum3A_19 = vector.multi_reduction <add>, %get3A_17, %reduce_sum3A_18 [0] : vector<32x1024xf32> to vector<1024xf32>
    %mul3A_20 = arith.mulf %get3A_10, %reduce_sum3A_19 : vector<1024xf32>
    %add3A = arith.addf %mul3A, %mul3A_20 : vector<1024xf32>
    %add3A_21 = arith.constant 1.000000e-16 : f32
    %add3A_22 = vector.broadcast %add3A_21 : f32 to vector<1024xf32>
    %add3A_23 = arith.addf %add3A, %add3A_22 : vector<1024xf32>
    %div3A = arith.constant 1.000000e+00 : f32
    %div3A_24 = vector.broadcast %div3A : f32 to vector<1024xf32>
    %div3A_25 = arith.divf %div3A_24, %add3A_23 : vector<1024xf32>
    %get3A_26 = arith.constant 0 : index
    %get3A_27 = arith.constant 0 : index
    %get3A_28 = arith.constant 0 : index
    %get3A_29 = vector.load %arg1[%get3A_26, %get3A_27, %get3A_28] : memref<2x1024x64xbf16, #tpu.memory_space<vmem>>, vector<1x1024x64xbf16>
    %get3A_30 = vector.shape_cast %get3A_29 : vector<1x1024x64xbf16> to vector<1024x64xbf16>
    %convert_element_type3A = arith.extf %get3A_30 : vector<1024x64xbf16> to vector<1024x64xf32>
    %get3A_31 = arith.constant 1 : index
    %get3A_32 = arith.constant 0 : index
    %get3A_33 = arith.constant 0 : index
    %get3A_34 = vector.load %arg1[%get3A_31, %get3A_32, %get3A_33] : memref<2x1024x64xbf16, #tpu.memory_space<vmem>>, vector<1x1024x64xbf16>
    %get3A_35 = vector.shape_cast %get3A_34 : vector<1x1024x64xbf16> to vector<1024x64xbf16>
    %convert_element_type3A_36 = arith.extf %get3A_35 : vector<1024x64xbf16> to vector<1024x64xf32>
    %add3A_37 = arith.addf %convert_element_type3A, %convert_element_type3A_36 : vector<1024x64xf32>
    %get3A_38 = arith.constant 0 : index
    %get3A_39 = arith.constant 0 : index
    %get3A_40 = arith.constant 0 : index
    %get3A_41 = vector.load %arg2[%get3A_38, %get3A_39, %get3A_40] : memref<2x1024x64xbf16, #tpu.memory_space<vmem>>, vector<1x1024x64xbf16>
    %get3A_42 = vector.shape_cast %get3A_41 : vector<1x1024x64xbf16> to vector<1024x64xbf16>
    %convert_element_type3A_43 = arith.extf %get3A_42 : vector<1024x64xbf16> to vector<1024x64xf32>
    %get3A_44 = arith.constant 1 : index
    %get3A_45 = arith.constant 0 : index
    %get3A_46 = arith.constant 0 : index
    %get3A_47 = vector.load %arg2[%get3A_44, %get3A_45, %get3A_46] : memref<2x1024x64xbf16, #tpu.memory_space<vmem>>, vector<1x1024x64xbf16>
    %get3A_48 = vector.shape_cast %get3A_47 : vector<1x1024x64xbf16> to vector<1024x64xbf16>
    %convert_element_type3A_49 = arith.extf %get3A_48 : vector<1024x64xbf16> to vector<1024x64xf32>
    %add3A_50 = arith.addf %convert_element_type3A_43, %convert_element_type3A_49 : vector<1024x64xf32>
    %broadcast_in_dim3A = vector.shape_cast %get3A_4 : vector<1024xf32> to vector<1024x1xf32>
    %mul3A_51 = vector.broadcast %broadcast_in_dim3A : vector<1024x1xf32> to vector<1024x64xf32>
    %mul3A_52 = arith.mulf %mul3A_51, %add3A_37 : vector<1024x64xf32>
    %broadcast_in_dim3A_53 = vector.shape_cast %get3A_10 : vector<1024xf32> to vector<1024x1xf32>
    %mul3A_54 = vector.broadcast %broadcast_in_dim3A_53 : vector<1024x1xf32> to vector<1024x64xf32>
    %mul3A_55 = arith.mulf %mul3A_54, %add3A_50 : vector<1024x64xf32>
    %add3A_56 = arith.addf %mul3A_52, %mul3A_55 : vector<1024x64xf32>
    %broadcast_in_dim3A_57 = vector.shape_cast %div3A_25 : vector<1024xf32> to vector<1024x1xf32>
    %mul3A_58 = vector.broadcast %broadcast_in_dim3A_57 : vector<1024x1xf32> to vector<1024x64xf32>
    %mul3A_59 = arith.mulf %add3A_56, %mul3A_58 : vector<1024x64xf32>
    %get3A_60 = arith.constant 0 : index
    %get3A_61 = vector.load %arg6[%get3A_60] : memref<64xf32, #tpu.memory_space<vmem>>, vector<64xf32>
    %broadcast_in_dim3A_62 = vector.shape_cast %get3A_61 : vector<64xf32> to vector<1x64xf32>
    %add3A_63 = vector.broadcast %broadcast_in_dim3A_62 : vector<1x64xf32> to vector<1024x64xf32>
    %add3A_64 = arith.addf %mul3A_59, %add3A_63 : vector<1024x64xf32>
    %ge3A = arith.constant 0.000000e+00 : f32
    %ge3A_65 = vector.broadcast %ge3A : f32 to vector<1024x64xf32>
    %ge3A_66 = arith.cmpf oge, %add3A_64, %ge3A_65 : vector<1024x64xf32>
    %mul3A_67 = arith.constant 0.00999999977 : f32
    %mul3A_68 = vector.broadcast %mul3A_67 : f32 to vector<1024x64xf32>
    %mul3A_69 = arith.mulf %mul3A_68, %add3A_64 : vector<1024x64xf32>
    %select_n3A = arith.select %ge3A_66, %add3A_64, %mul3A_69 : vector<1024x64xi1>, vector<1024x64xf32>
    %mul3A_70 = arith.constant 1024 : i32
    %mul3A_71 = arith.muli %arg0, %mul3A_70 : i32
    %iota3A = tpu.iota {dimensions = array<i32: 0>} : vector<1024x1xi32>
    %add3A_72 = vector.broadcast %mul3A_71 : i32 to vector<1024x1xi32>
    %add3A_73 = arith.addi %add3A_72, %iota3A : vector<1024x1xi32>
    %lt3A = arith.constant 10000 : i32
    %lt3A_74 = vector.broadcast %lt3A : i32 to vector<1024x1xi32>
    %lt3A_75 = arith.cmpi slt, %add3A_73, %lt3A_74 : vector<1024x1xi32>
    %jit3A = arith.constant 0.000000e+00 : f32
    %broadcast_in_dim3A_76 = vector.shape_cast %lt3A_75 : vector<1024x1xi1> to vector<1024x1xi1>
    %broadcast_in_dim3A_77 = vector.broadcast %broadcast_in_dim3A_76 : vector<1024x1xi1> to vector<1024x64xi1>
    %broadcast_in_dim3A_78 = vector.broadcast %jit3A : f32 to vector<1024x64xf32>
    %select_n3A_79 = arith.select %broadcast_in_dim3A_77, %select_n3A, %broadcast_in_dim3A_78 : vector<1024x64xi1>, vector<1024x64xf32>
    %eq3A = arith.constant 0 : i32
    %eq3A_80 = arith.cmpi eq, %arg0, %eq3A : i32
    %convert_element_type3A_81 = arith.extui %eq3A_80 : i1 to i32
    %cond3A = arith.constant 0 : i32
    %cond3A_82 = arith.cmpi ne, %convert_element_type3A_81, %cond3A : i32
    scf.if %cond3A_82 {
      %broadcast_in_dim3A_97 = arith.constant 0.000000e+00 : f32
      %broadcast_in_dim3A_98 = vector.broadcast %broadcast_in_dim3A_97 : f32 to vector<1x64xf32>
      %swap3A_99 = arith.constant 0 : index
      %swap3A_100 = arith.constant 0 : index
      %swap3A_101 = vector.load %arg7[%swap3A_99, %swap3A_100] : memref<1x64xf32, #tpu.memory_space<vmem>>, vector<1x64xf32>
      tpu.vector_store %arg7[%swap3A_99, %swap3A_100], %broadcast_in_dim3A_98 {strides = array<i32>} : memref<1x64xf32, #tpu.memory_space<vmem>>, vector<1x64xf32>,
    } else {
    }
    %get3A_83 = arith.constant 0 : index
    %get3A_84 = arith.constant 0 : index
    %get3A_85 = vector.load %arg7[%get3A_83, %get3A_84] : memref<1x64xf32, #tpu.memory_space<vmem>>, vector<1x64xf32>
    %reduce_sum3A_86 = arith.constant dense<0.000000e+00> : vector<64xf32>
    %reduce_sum3A_87 = vector.multi_reduction <add>, %select_n3A_79, %reduce_sum3A_86 [0] : vector<1024x64xf32> to vector<64xf32>
    %broadcast_in_dim3A_88 = vector.shape_cast %reduce_sum3A_87 : vector<64xf32> to vector<1x64xf32>
    %add3A_89 = arith.addf %get3A_85, %broadcast_in_dim3A_88 : vector<1x64xf32>
    %swap3A = arith.constant 0 : index
    %swap3A_90 = arith.constant 0 : index
    %swap3A_91 = vector.load %arg7[%swap3A, %swap3A_90] : memref<1x64xf32, #tpu.memory_space<vmem>>, vector<1x64xf32>
    tpu.vector_store %arg7[%swap3A, %swap3A_90], %add3A_89 {strides = array<i32>} : memref<1x64xf32, #tpu.memory_space<vmem>>, vector<1x64xf32>,
    %eq3A_92 = arith.constant 9 : i32
    %eq3A_93 = arith.cmpi eq, %arg0, %eq3A_92 : i32
    %convert_element_type3A_94 = arith.extui %eq3A_93 : i1 to i32
    %cond3A_95 = arith.constant 0 : i32
    %cond3A_96 = arith.cmpi ne, %convert_element_type3A_94, %cond3A_95 : i32
    scf.if %cond3A_96 {
      %get3A_97 = arith.constant 0 : index
      %get3A_98 = arith.constant 0 : index
      %get3A_99 = vector.load %arg7[%get3A_97, %get3A_98] : memref<1x64xf32, #tpu.memory_space<vmem>>, vector<1x64xf32>
      %mul3A_100 = arith.constant 9.99999974E-5 : f32
      %mul3A_101 = vector.broadcast %mul3A_100 : f32 to vector<1x64xf32>
      %mul3A_102 = arith.mulf %get3A_99, %mul3A_101 : vector<1x64xf32>
      %swap3A_103 = arith.constant 0 : index
      %swap3A_104 = arith.constant 0 : index
      %swap3A_105 = vector.load %arg7[%swap3A_103, %swap3A_104] : memref<1x64xf32, #tpu.memory_space<vmem>>, vector<1x64xf32>
      tpu.vector_store %arg7[%swap3A_103, %swap3A_104], %mul3A_102 {strides = array<i32>} : memref<1x64xf32, #tpu.memory_space<vmem>>, vector<1x64xf32>,
    } else {
    }
    return
  }
  func.func @transform_0(%arg0: i32) -> (i32, i32, i32) {
    %c0_i32 = arith.constant 0 : i32
    %c0_i32_0 = arith.constant 0 : i32
    %c0_i32_1 = arith.constant 0 : i32
    return %c0_i32, %arg0, %c0_i32_0 : i32, i32, i32
  }
  func.func @transform_1(%arg0: i32) -> (i32, i32, i32) {
    %add3A = arith.constant 10 : i32
    %add3A_0 = arith.addi %add3A, %arg0 : i32
    %c0_i32 = arith.constant 0 : i32
    %c0_i32_1 = arith.constant 0 : i32
    %c0_i32_2 = arith.constant 0 : i32
    return %c0_i32, %add3A_0, %c0_i32_1 : i32, i32, i32
  }
  func.func @transform_2(%arg0: i32) -> (i32, i32) {
    %c0_i32 = arith.constant 0 : i32
    %c0_i32_0 = arith.constant 0 : i32
    return %c0_i32, %arg0 : i32, i32
  }
  func.func @transform_3(%arg0: i32) -> (i32, i32) {
    %add3A = arith.constant 10 : i32
    %add3A_0 = arith.addi %add3A, %arg0 : i32
    %c0_i32 = arith.constant 0 : i32
    %c0_i32_1 = arith.constant 0 : i32
    return %c0_i32, %add3A_0 : i32, i32
  }
  func.func @transform_4(%arg0: i32) -> (i32, i32, i32, i32) {
    %c0_i32 = arith.constant 0 : i32
    %c0_i32_0 = arith.constant 0 : i32
    %c0_i32_1 = arith.constant 0 : i32
    %c0_i32_2 = arith.constant 0 : i32
    return %c0_i32, %arg0, %c0_i32_0, %c0_i32_1 : i32, i32, i32, i32
  }
  func.func @transform_5(%arg0: i32) -> i32 {
    %c0_i32 = arith.constant 0 : i32
    %c0_i32_0 = arith.constant 0 : i32
    return %c0_i32 : i32
  }
  func.func @transform_6(%arg0: i32) -> (i32, i32) {
    %c0_i32 = arith.constant 0 : i32
    %c0_i32_0 = arith.constant 0 : i32
    %c0_i32_1 = arith.constant 0 : i32
    return %c0_i32, %c0_i32_0 : i32, i32
  }
}

</mosaic_0001>

<sc_bundles>
// kernel: kernel.10.cloned.1.call-start
scs
__scs_entry_jumppad:
0x0: {  	(pc) =	sbr.rel $0x88, $3  }
0x1: {  	(tag) =	ssettag $0x0;
	lr =	simm.s32 $0x1  }
0x2: {  	[smem:$0x3F97] =	sst lr;
	_ =	strace $0xD0000000  }
0x3: {  	_ = 	snop  }
0x4: {  	_ = 	snop  }
0x5: {  	_ = 	snop  }
0x6: {  	_ = 	snop  }
0x7: {  	_ = 	snop  }
__scs_overlays_trampoline_lowered:
0x8: {  	[smem:$0x3FA6] =	sst s0  }
0x9: {  	[smem:$0x3FA7] =	sst s1  }
0xa: {  	[smem:$0x3FA8] =	sst s2  }
0xb: {  	[smem:$0x3FA9] =	sst s3  }
0xc: {  	[smem:$0x3FAA] =	sst s4  }
0xd: {  	[smem:$0x3FAB] =	sst s5  }
0xe: {  	[smem:$0x3FAC] =	sst s6  }
0xf: {  	[smem:$0x3FAD] =	sst s7  }
0x10: {  	[smem:$0x3FAE] =	sst s8  }
0x11: {  	[smem:$0x3FAF] =	sst s9;
	s0 =	simm.s32 @!p0 $0x0  }
0x12: {  	s1 =	sld [smem:$0x3F95];
	s0 =	simm.s32 @p0 $0x1  }
0x13: {  	[smem:$0x3FB0] =	sst s0;
	s0 =	simm.s32 @!p1 $0x0  }
0x14: {  	s2 =	sld [smem:$0x3F94];
	s0 =	simm.s32 @p1 $0x1  }
0x15: {  	[smem:$0x3FB1] =	sst s0;
	s0 =	simm.s32 @!p2 $0x0  }
0x16: {  	s3 =	sld [smem:$0x3FDB];
	s0 =	simm.s32 @p2 $0x1  }
0x17: {  	s4 =	simm.s32 $0x1BF5;
	[smem:$0x3FB3] =	sst s0  }
0x18: {  	s0 =	sld [smem:$0x3F96];
	_ =	swait.ge [sflag:s4], $0x0  }
0x19: {  	s7 =	sld [smem:$0x3F97]  }
0x1a: {  	s8 =	sadd.s32 $0xFFFFE003, lr  }
0x1b: {  	s9 =	sadd.s32 $0xFFFFFEF7, lr;
	s5 =	simm.s32 $0xFFFFFFFF;
	p2 =	slt.u32 s8, $0xFFFFF086  }
0x1c: {  	p1 =	slt.u32 s9, $0xF7A;
	s5 =	simm.s32 @!p2 $0x0  }
0x1d: {  	s5 =	simm.s32 @p1 $0x1;
	p0 =	seq.s32 s7, s2  }
0x1e: {  	s7 =	smul.u32 @!p0 $0xF7A, s2;
	p2 =	seq.s32 @!p0 s5, $0x0  }
0x1f: {  	s9 =	smul.u32 $0xF7A, s1;
	s8 =	simm.s32 @!p0 $0x1BF5;
	p2 =	por !p2, p0  }
0x20: {  	[sflag:s8] =	ssyncset.s32 @!p0 $0xFFFFF086;
	s6 =	sadd.s32 @!p0 s3, s7;
	s7 =	simm.s32 @!p0 $0x108  }
0x21: {  	s3 =	sadd.s32 s3, s9;
	s6 =	sadd.s32 @!p0 $0x88, s6;
	s7 =	simm.s32 @p2 $0x1082  }
0x22: {  	[simem:s7], [sflag:s8] =	dma.local @!p0 [hbm:s6], $0xF7A  }
0x23: {  	s9 =	sor.u32 $0xD0000000, s2;
	s6 =	simm.s32 $0x108;
	_ =	swait.ge @!p0 [sflag:s8], $0x0  }
0x24: {  	s3 =	sadd.s32 $0x88, s3;
	s6 =	simm.s32 @!p1 $0x1082;
	[sflag:s4] =	ssyncset.s32 $0xFFFFF086  }
0x25: {  	[simem:s6], [sflag:s4] =	dma.local [hbm:s3], $0xF7A  }
0x26: {  	[smem:$0x3F97] =	sst s1;
	(tag) =	ssettag s2;
	_ =	strace s9  }
0x27: {  	s1 =	sld [smem:$0x3FA7]  }
0x28: {  	s2 =	sld [smem:$0x3FA8]  }
0x29: {  	s4 =	sld [smem:$0x3FAA]  }
0x2a: {  	p0 =	seq.s32 s5, $0x0;
	s5 =	sld [smem:$0x3FAB]  }
0x2b: {  	s6 =	sld [smem:$0x3FAC]  }
0x2c: {  	s7 =	sld [smem:$0x3FAD]  }
0x2d: {  	s3 =	simm.s32 $0x108;
	s8 =	sld [smem:$0x3FAE]  }
0x2e: {  	s3 =	simm.s32 @!p0 $0x1082;
	s9 =	sld [smem:$0x3FAF]  }
0x2f: {  	lr =	sadd.s32 s0, s3;
	s0 =	sld [smem:$0x3FA6]  }
0x30: {  	s3 =	sld [smem:$0x3FA9]  }
0x31: {  	[smem:$0x3FB2] =	sst s10  }
0x32: {  	s10 =	sld [smem:$0x3FB0];
	_ =	sdelay $0x3  }
0x33: {  	p0 =	seq.s32 s10, $0x1;
	s10 =	sld [smem:$0x3FB2];
	_ =	sdelay $0x3  }
0x34: {  	[smem:$0x3FB2] =	sst s10  }
0x35: {  	s10 =	sld [smem:$0x3FB1];
	_ =	sdelay $0x3  }
0x36: {  	p1 =	seq.s32 s10, $0x1;
	s10 =	sld [smem:$0x3FB2];
	_ =	sdelay $0x3  }
0x37: {  	[smem:$0x3FB2] =	sst s10  }
0x38: {  	s10 =	sld [smem:$0x3FB3]  }
0x39: {  	_ = 	snop;
	(pc) =	sbr.ind lr, $3  }
0x3a: {  	_ = 	snop  }
0x3b: {  	_ = 	snop  }
0x3c: {  	p2 =	seq.s32 s10, $0x1;
	s10 =	sld [smem:$0x3FB2]  }
0x3d: {  	_ =	shalt  }
0x3e: {  	_ =	shalt  }
0x3f: {  	_ =	shalt  }
0x40: {  	_ =	shalt  }
0x41: {  	_ =	shalt  }
0x42: {  	_ =	shalt  }
0x43: {  	_ =	shalt  }
0x44: {  	_ =	shalt  }
0x45: {  	_ =	shalt  }
0x46: {  	_ =	shalt  }
0x47: {  	_ =	shalt  }
0x48: {  	_ =	shalt  }
0x49: {  	_ =	shalt  }
0x4a: {  	_ =	shalt  }
0x4b: {  	_ =	shalt  }
0x4c: {  	_ =	shalt  }
0x4d: {  	_ =	shalt  }
0x4e: {  	_ =	shalt  }
0x4f: {  	_ =	shalt  }
0x50: {  	_ =	shalt  }
0x51: {  	_ =	shalt  }
0x52: {  	_ =	shalt  }
0x53: {  	_ =	shalt  }
0x54: {  	_ =	shalt  }
0x55: {  	_ =	shalt  }
0x56: {  	_ =	shalt  }
0x57: {  	_ =	shalt  }
0x58: {  	_ =	shalt  }
0x59: {  	_ =	shalt  }
0x5a: {  	_ =	shalt  }
0x5b: {  	_ =	shalt  }
0x5c: {  	_ =	shalt  }
0x5d: {  	_ =	shalt  }
0x5e: {  	_ =	shalt  }
0x5f: {  	_ =	shalt  }
0x60: {  	_ =	shalt  }
0x61: {  	_ =	shalt  }
0x62: {  	_ =	shalt  }
0x63: {  	_ =	shalt  }
0x64: {  	_ =	shalt  }
0x65: {  	_ =	shalt  }
0x66: {  	_ =	shalt  }
0x67: {  	_ =	shalt  }
0x68: {  	_ =	shalt  }
0x69: {  	_ =	shalt  }
0x6a: {  	_ =	shalt  }
0x6b: {  	_ =	shalt  }
0x6c: {  	_ =	shalt  }
0x6d: {  	_ =	shalt  }
0x6e: {  	_ =	shalt  }
0x6f: {  	_ =	shalt  }
0x70: {  	_ =	shalt  }
0x71: {  	_ =	shalt  }
0x72: {  	_ =	shalt  }
0x73: {  	_ =	shalt  }
0x74: {  	_ =	shalt  }
0x75: {  	_ =	shalt  }
0x76: {  	_ =	shalt  }
0x77: {  	_ =	shalt  }
0x78: {  	_ =	shalt  }
0x79: {  	_ =	shalt  }
0x7a: {  	_ =	shalt  }
0x7b: {  	_ =	shalt  }
0x7c: {  	_ =	shalt  }
0x7d: {  	_ =	shalt  }
0x7e: {  	_ =	shalt  }
0x7f: {  	_ =	shalt  }
0x80: {  	_ =	shalt  }
0x81: {  	_ =	shalt  }
0x82: {  	_ =	shalt  }
0x83: {  	_ =	shalt  }
0x84: {  	_ =	shalt  }
0x85: {  	_ =	shalt  }
0x86: {  	_ =	shalt  }
0x87: {  	_ =	shalt  }
.Lfunc_end0:
.L_simem_size_0:
called_computation.1_lowered:
.L_overlay_start_0:
0x88: {  	s2 =	sld [smem:$0x3FD9]  }
0x89: {  	s3 =	sld [smem:$0x3FFE];
	_ =	sdelay $0x1  }
0x8a: {  	s1 =	srdreg.scid  }
0x8b: {  	s0 =	sand.u32 $0x1, s1  }
0x8c: {  	s16 =	sshll.u32 s0, $0xA;
	s2 =	sadd.s32 s3, s2  }
0x8d: {  	s2 =	sadd.s32 s2, s16  }
0x8e: {  	[smem:$0x3FBE] =	sst s2  }
0x8f: {  	_ = 	snop  }
0x90: {  	(tm) =	ssettm $0x1  }
0x91: {  	s17 =	sld [smem:$0x3FFB];
	_ =	sdelay $0x3  }
0x92: {  	_ =	strace s17  }
0x93: {  	s2 =	sld [smem:$0x3FFC];
	_ =	sdelay $0x3  }
0x94: {  	_ =	strace s2  }
0x95: {  	s2 =	sld [smem:$0x3FFD];
	_ =	sdelay $0x3  }
0x96: {  	_ =	strace s2  }
0x97: {  	_ =	strace $0x8FFFFFFF  }
0x98: {  	s18 =	sld [smem:$0x3FDB];
	_ =	sdelay $0x1  }
0x99: {  	s19 =	simm.s32 $_scs_section_size  }
0x9a: {  	s4 =	simm.s32 $_size__tile_overlayer_lowered;
	s5 =	simm.s32 $_tile_overlayer_lowered  }
0x9b: {  	s22 =	simm.s32 $0x1BFF;
	s21 =	sshll.u32 s5, $0x1;
	s2 =	sadd.s32 s19, s18  }
0x9c: {  	s6 =	simm.s32 $0x0;
	s20 =	sshll.u32 s4, $0x1;
	s4 =	sadd.s32 s21, s2  }
0x9d: {  	[timem:s6], [sflag:s22] =	dma.local [hbm:s4], s20  }
0x9e: {  	_ =	swait.ge [sflag:s22], s20  }
0x9f: {  	s3 =	ssub.s32 $0x0, s20;
	[sflag:s22] =	ssyncset.done $0x0  }
0xa0: {  	[sflag:s22] =	ssyncadd.s32 s3;
	_ =	sdelay $0x1  }
0xa1: {  	s23 =	simm.s32 $0x1B8B  }
0xa2: {  	_ =	swait.ge [sflag:s23], $0x1  }
0xa3: {  	[sflag:s23] =	ssyncset.done $0x0  }
0xa4: {  	s25 =	simm.s32 $0x1B8E;
	s24 =	sld [smem:$0x3FFE];
	[sflag:s23] =	ssyncadd.s32 $0xFFFFFFFF  }
0xa5: {  	s26 =	simm.s32 $execute0_lowered;
	[smem:$0x3FD2] =	sst s25  }
0xa6: {  	s4 =	sshll.u32 s26, $0x1;
	_ =	strace $0x80000049;
	[dreg:$0x1] =	wrdreg $0xFFFFFFFF  }
0xa7: {  	s28 =	simm.s32 $_size_execute0_lowered;
	s2 =	sadd.s32 s2, s4;
	[dreg:$0x0] =	wrdreg $0x0  }
0xa8: {  	s4 =	sshll.u32 s28, $0x1;
	[dreg:$0x2] =	wrdreg s2  }
0xa9: {  	[dreg:$0x3] =	wrdreg s4  }
0xaa: {  	[dreg:$0x4] =	wrdreg $0xC0  }
0xab: {  	_ =	task [dreg:s6], $0x5FFFF  }
0xac: {  	[dreg:$0x1] =	wrdreg $0xFFFFFFFF  }
0xad: {  	[dreg:$0x0] =	wrdreg $0x60  }
0xae: {  	[dreg:$0x2] =	wrdreg s24  }
0xaf: {  	[dreg:$0x3] =	wrdreg $0x116200  }
0xb0: {  	[dreg:$0x4] =	wrdreg $0x9  }
0xb1: {  	_ =	task.clear_ibuf [dreg:s6], $0x5FFFF;
	_ =	strace $0x90000049  }
0xb2: {  	s29 =	simm.s32 $0x9;
	_ =	strace $0x8000004B  }
0xb3: {  	_ =	swait.ge [sflag:s29], $0x1  }
0xb4: {  	[sflag:s29] =	ssyncadd.s32 $0xFFFFFFFF  }
0xb5: {  	_ =	strace $0x9000004B  }
0xb6: {  	_ =	sfence  }
0xb7: {  	s30 =	sld [smem:$0x0];
	_ =	sdelay $0x2  }
0xb8: {  	s31 =	sshll.u32 s1, $0xD;
	s1 =	sshrl.u32 s1, $0x2  }
0xb9: {  	s3 =	sand.u32 $0x4000, s31;
	s1 =	sadd.s32 s1, s30  }
0xba: {  	s0 =	sor.u32 s3, s0;
	s1 =	sshll.u32 s1, $0x11  }
0xbb: {  	s0 =	sor.u32 s1, s0  }
0xbc: {  	s0 =	sadd.s32 $0x8F2B, s0  }
0xbd: {  	[sflag:s0] =	ssyncadd.remote.s32 $0x1  }
0xbe: {  	_ =	sfence.sel $0xFFFF  }
0xbf: {  	[dreg:$0x0] =	wrdreg $0xFFFFFFFF;
	(pc) =	sbr.abs _section_cstart, $3  }
0xc0: {  	[dreg:$0x1] =	wrdreg $0xFFFFFFFF  }
0xc1: {  	_ =	task.clear_ibuf [dreg:s6], $0x2FFFF;
	_ =	strace $0x9FFFFFFF  }
0xc2: {  	(tm) =	ssettm $0x7FFFFFFF  }
0xc3: {  	_ =	shalt  }
tec
execute0_lowered:
.L_overlay_start_1:
0x0: {  	(tag) =	ssettag $0x1  }
0x1: {  	s0 =	srdreg.scid;
	s4 =	rddreg [dreg:$0x0]  }
0x2: {  	s10 =	stileid.u32;
	s2 =	rddreg [dreg:$0x1]  }
0x3: {  	s3 =	simm.s32 $0x0;
	s29 =	simm.s32 $0x9;
	s31 =	simm.s32 $0x4E20  }
0x4: {  	s30 =	simm.s32 $0x9E20;
	s0 =	sand.u32 $0x1, s0;
	[smem:$0x7FF] =	sst s3  }
0x5: {  	s7 =	smul.u32 $0x14000, s10;
	s6 =	sadd.s32 $0x16E00, s4;
	s9 =	sadd.s32 $0x17400, s4  }
0x6: {  	s1 =	sshll.u32 s0, $0x4;
	_ =	strace $0x8000004A;
	[dreg:$0x3] =	wrdreg s6  }
0x7: {  	s8 =	smul.u32 $0x140000, s0;
	[dreg:$0x4] =	wrdreg s9;
	s6 =	sadd.s32 $0x17A00, s4  }
0x8: {  	s0 =	ssub.s32 $0x2, s0;
	s1 =	sor.u32 s10, s1;
	s10 =	smul.u32 $0x28000, s10  }
0x9: {  	s9 =	sshrl.u32 s0, $0x1;
	s12 =	sshrl.u32 s7, $0x1;
	s5 =	smul.u32 $0x2710, s1  }
0xa: {  	s8 =	sadd.s32 s7, s8;
	s1 =	smul.u32 $0xA00, s1;
	s13 =	sshrl.u32 s10, $0x2  }
0xb: {  	s0 =	ssub.s32 s0, s9;
	s9 =	sadd.s32 s12, s2;
	s14 =	sadd.s32 s13, s2  }
0xc: {  	s7 =	simm.s32 $0x10220;
	s12 =	simm.s32 $0x3;
	s15 =	sadd.s32 $0xA00, s14  }
0xd: {  	s8 =	sshrl.u32 s8, $0x4;
	s16 =	sadd.s32 $0x1400, s14;
	[dreg:$0x7] =	wrdreg s15  }
0xe: {  	s28 =	smax.u32 s0, $0x1;
	s17 =	sadd.s32 $0x1E00, s14;
	[dreg:$0x8] =	wrdreg s16  }
0xf: {  	s0 =	simm.s32 $0xEE20;
	s18 =	sadd.s32 $0x2800, s14;
	[dreg:$0x9] =	wrdreg s17  }
0x10: {  	s10 =	simm.s32 $0x1;
	s19 =	sadd.s32 $0x3200, s14;
	[dreg:$0xa] =	wrdreg s18  }
0x11: {  	s5 =	sshrl.u32 s5, $0x3;
	s20 =	sadd.s32 $0x3C00, s14;
	[dreg:$0xb] =	wrdreg s19  }
0x12: {  	s8 =	sadd.s32 s8, s4;
	s21 =	sadd.s32 $0x4600, s14;
	[dreg:$0xc] =	wrdreg s20  }
0x13: {  	s1 =	sadd.s32 s1, s4;
	s22 =	sadd.s32 $0x5000, s14;
	[dreg:$0xd] =	wrdreg s21  }
0x14: {  	s13 =	simm.s32 $0x4;
	s23 =	sadd.s32 $0x5A00, s14;
	[dreg:$0xe] =	wrdreg s22  }
0x15: {  	s5 =	sadd.s32 s5, s4;
	s24 =	sadd.s32 $0x6400, s14;
	[dreg:$0xf] =	wrdreg s23  }
0x16: {  	s25 =	sadd.s32 $0x6E00, s14;
	s26 =	sadd.s32 $0x7800, s14;
	[dreg:$0x10] =	wrdreg s24  }
0x17: {  	s4 =	simm.s32 $0x50;
	s11 =	sadd.s32 $0x3400, s5;
	[dreg:$0x11] =	wrdreg s25  }
0x18: {  	s5 =	sadd.s32 $0xD040, s5;
	[dreg:$0x12] =	wrdreg s26;
	s22 =	sadd.s32 $0x8200, s14  }
0x19: {  	s23 =	sadd.s32 $0x8C00, s14;
	s24 =	sadd.s32 $0x9600, s14;
	s25 =	sadd.s32 $0x53A00, s1  }
0x1a: {  	s26 =	sadd.s32 $0x2BA00, s8;
	s1 =	simm.s32 $0x7620;
	s8 =	simm.s32 $0x10C20  }
0x1b: {  	s14 =	simm.s32 $0x5;
	s15 =	simm.s32 $0x6;
	s16 =	simm.s32 $0x7  }
0x1c: {  	s17 =	simm.s32 $0x8;
	s18 =	simm.s32 $0x0;
	[dreg:$0x5] =	wrdreg s11  }
0x1d: {  	v0 =	vimm.bf16 $0.0e+00;
	v1 =	vimm.f32 $0.0e+00;
	v2 =	vimm.s32 $0x0;
	[dreg:$0x6] =	wrdreg s5;
	s5 =	simm.s32 $0xF820;
	s11 =	simm.s32 $0x2  }
.LBB2_1:
0x1e: {  	s19 =	rddreg [dreg:$0x5]  }
0x1f: {  	[tilespmem:s3], [sflag:$0x9] =	stream.linear.gather [hbm4b:s19+s3], $0x2710, $0x38;
	[tilespmem:$0x1B620] =	vst v63  }
0x20: {  	_ =	swait.ge [sflag:s29], $0x2710  }
0x21: {  	[sflag:s29] =	ssyncset.done $0x0  }
0x22: {  	s20 =	simm.s32 $0x2710;
	s21 =	rddreg [dreg:$0x6];
	[sflag:s29] =	ssyncadd.s32 $0xFFFFD8F0  }
0x23: {  	[tilespmem:s20], [sflag:$0x9] =	stream.linear.gather [hbm4b:s21+s3], $0x2710, $0x38;
	[tilespmem:$0x1B620] =	vst v63  }
0x24: {  	_ =	swait.ge [sflag:s29], $0x2710  }
0x25: {  	[sflag:s29] =	ssyncset.done $0x0  }
0x26: {  	s20 =	rddreg [dreg:$0x3];
	[sflag:s29] =	ssyncadd.s32 $0xFFFFD8F0  }
0x27: {  	[tilespmem:s31], [sflag:$0x9] =	stream.linear.gather [hbm4b:s20+s3], $0x2800, $0x38;
	[tilespmem:$0x1B620] =	vst v63  }
0x28: {  	_ =	swait.ge [sflag:s29], $0x2800  }
0x29: {  	[sflag:s29] =	ssyncset.done $0x0  }
0x2a: {  	s21 =	rddreg [dreg:$0x4];
	[sflag:s29] =	ssyncadd.s32 $0xFFFFD800  }
0x2b: {  	[tilespmem:s1], [sflag:$0x9] =	stream.linear.gather [hbm4b:s21+s3], $0x2800, $0x38;
	[tilespmem:$0x1B620] =	vst v63  }
0x2c: {  	_ =	swait.ge [sflag:s29], $0x2800  }
0x2d: {  	[sflag:s29] =	ssyncset.done $0x0  }
0x2e: {  	s19 =	simm.s32 $0x80;
	s20 =	simm.s32 $0x0;
	[sflag:s29] =	ssyncadd.s32 $0xFFFFD800  }
.LBB2_2:
0x2f: {  	p0 =	sne.s32 s19, $0x2780;
	[tilespmem:s20+$0xEE20] =	vst v0;
	s21 =	smov.u32 s19;
	s19 =	sadd.s32 $0x80, s19  }
.Ltmp0:
0x30: {  	[tilespmem:s20+$0xEE30] =	vst v0;
	(pc) =	sbr.rel @p0 .LBB2_2-.Ltmp0, $2  }
0x31: {  	_ =	sdelay $0x2  }
0x32: {  	s20 =	sshra.s32 s21, $0x2  }
0x33: {  	[tilespmem:s20+$0xEE20] =	vst v0  }
0x34: {  	[tilespmem:s20+$0xEE30] =	vst v0  }
0x35: {  	[spmem:s9] =	stream.linear.scatter [tilespmem:s0], [sflag:$0x9], $0xA00, $0x38;
	[tilespmem:$0x1B620] =	vst v63  }
0x36: {  	_ =	swait.ge [sflag:s29], $0xA00  }
0x37: {  	[sflag:s29] =	ssyncset.done $0x0  }
0x38: {  	s19 =	rddreg [dreg:$0x7];
	[sflag:s29] =	ssyncadd.s32 $0xFFFFF600  }
0x39: {  	[spmem:s19] =	stream.linear.scatter [tilespmem:s0], [sflag:$0x9], $0xA00, $0x38;
	[tilespmem:$0x1B620] =	vst v63  }
0x3a: {  	_ =	swait.ge [sflag:s29], $0xA00  }
0x3b: {  	[sflag:s29] =	ssyncset.done $0x0  }
0x3c: {  	s21 =	rddreg [dreg:$0x8];
	[sflag:s29] =	ssyncadd.s32 $0xFFFFF600  }
0x3d: {  	[spmem:s21] =	stream.linear.scatter [tilespmem:s0], [sflag:$0x9], $0xA00, $0x38;
	[tilespmem:$0x1B620] =	vst v63  }
0x3e: {  	_ =	swait.ge [sflag:s29], $0xA00  }
0x3f: {  	[sflag:s29] =	ssyncset.done $0x0  }
0x40: {  	s20 =	rddreg [dreg:$0x9];
	[sflag:s29] =	ssyncadd.s32 $0xFFFFF600  }
0x41: {  	[spmem:s20] =	stream.linear.scatter [tilespmem:s0], [sflag:$0x9], $0xA00, $0x38;
	[tilespmem:$0x1B620] =	vst v63  }
0x42: {  	_ =	swait.ge [sflag:s29], $0xA00  }
0x43: {  	[sflag:s29] =	ssyncset.done $0x0  }
0x44: {  	s21 =	rddreg [dreg:$0xa];
	[sflag:s29] =	ssyncadd.s32 $0xFFFFF600  }
0x45: {  	[spmem:s21] =	stream.linear.scatter [tilespmem:s0], [sflag:$0x9], $0xA00, $0x38;
	[tilespmem:$0x1B620] =	vst v63  }
0x46: {  	_ =	swait.ge [sflag:s29], $0xA00  }
0x47: {  	[sflag:s29] =	ssyncset.done $0x0  }
0x48: {  	s20 =	rddreg [dreg:$0xb];
	[sflag:s29] =	ssyncadd.s32 $0xFFFFF600  }
0x49: {  	[spmem:s20] =	stream.linear.scatter [tilespmem:s0], [sflag:$0x9], $0xA00, $0x38;
	[tilespmem:$0x1B620] =	vst v63  }
0x4a: {  	_ =	swait.ge [sflag:s29], $0xA00  }
0x4b: {  	[sflag:s29] =	ssyncset.done $0x0  }
0x4c: {  	s21 =	rddreg [dreg:$0xc];
	[sflag:s29] =	ssyncadd.s32 $0xFFFFF600  }
0x4d: {  	[spmem:s21] =	stream.linear.scatter [tilespmem:s0], [sflag:$0x9], $0xA00, $0x38;
	[tilespmem:$0x1B620] =	vst v63  }
0x4e: {  	_ =	swait.ge [sflag:s29], $0xA00  }
0x4f: {  	[sflag:s29] =	ssyncset.done $0x0  }
0x50: {  	s20 =	rddreg [dreg:$0xd];
	[sflag:s29] =	ssyncadd.s32 $0xFFFFF600  }
0x51: {  	[spmem:s20] =	stream.linear.scatter [tilespmem:s0], [sflag:$0x9], $0xA00, $0x38;
	[tilespmem:$0x1B620] =	vst v63  }
0x52: {  	_ =	swait.ge [sflag:s29], $0xA00  }
0x53: {  	[sflag:s29] =	ssyncset.done $0x0  }
0x54: {  	s21 =	rddreg [dreg:$0xe];
	[sflag:s29] =	ssyncadd.s32 $0xFFFFF600  }
0x55: {  	[spmem:s21] =	stream.linear.scatter [tilespmem:s0], [sflag:$0x9], $0xA00, $0x38;
	[tilespmem:$0x1B620] =	vst v63  }
0x56: {  	_ =	swait.ge [sflag:s29], $0xA00  }
0x57: {  	[sflag:s29] =	ssyncset.done $0x0  }
0x58: {  	s20 =	rddreg [dreg:$0xf];
	[sflag:s29] =	ssyncadd.s32 $0xFFFFF600  }
0x59: {  	[spmem:s20] =	stream.linear.scatter [tilespmem:s0], [sflag:$0x9], $0xA00, $0x38;
	[tilespmem:$0x1B620] =	vst v63  }
0x5a: {  	_ =	swait.ge [sflag:s29], $0xA00  }
0x5b: {  	[sflag:s29] =	ssyncset.done $0x0  }
0x5c: {  	s21 =	rddreg [dreg:$0x10];
	[sflag:s29] =	ssyncadd.s32 $0xFFFFF600  }
0x5d: {  	[spmem:s21] =	stream.linear.scatter [tilespmem:s0], [sflag:$0x9], $0xA00, $0x38;
	[tilespmem:$0x1B620] =	vst v63  }
0x5e: {  	_ =	swait.ge [sflag:s29], $0xA00  }
0x5f: {  	[sflag:s29] =	ssyncset.done $0x0  }
0x60: {  	s20 =	rddreg [dreg:$0x11];
	[sflag:s29] =	ssyncadd.s32 $0xFFFFF600  }
0x61: {  	[spmem:s20] =	stream.linear.scatter [tilespmem:s0], [sflag:$0x9], $0xA00, $0x38;
	[tilespmem:$0x1B620] =	vst v63  }
0x62: {  	_ =	swait.ge [sflag:s29], $0xA00  }
0x63: {  	[sflag:s29] =	ssyncset.done $0x0  }
0x64: {  	s21 =	rddreg [dreg:$0x12];
	[sflag:s29] =	ssyncadd.s32 $0xFFFFF600  }
0x65: {  	[spmem:s21] =	stream.linear.scatter [tilespmem:s0], [sflag:$0x9], $0xA00, $0x38;
	[tilespmem:$0x1B620] =	vst v63  }
0x66: {  	_ =	swait.ge [sflag:s29], $0xA00  }
0x67: {  	[sflag:s29] =	ssyncset.done $0x0  }
0x68: {  	[sflag:s29] =	ssyncadd.s32 $0xFFFFF600  }
0x69: {  	[spmem:s22] =	stream.linear.scatter [tilespmem:s0], [sflag:$0x9], $0xA00, $0x38;
	[tilespmem:$0x1B620] =	vst v63  }
0x6a: {  	_ =	swait.ge [sflag:s29], $0xA00  }
0x6b: {  	[sflag:s29] =	ssyncset.done $0x0  }
0x6c: {  	[sflag:s29] =	ssyncadd.s32 $0xFFFFF600  }
0x6d: {  	[spmem:s23] =	stream.linear.scatter [tilespmem:s0], [sflag:$0x9], $0xA00, $0x38;
	[tilespmem:$0x1B620] =	vst v63  }
0x6e: {  	_ =	swait.ge [sflag:s29], $0xA00  }
0x6f: {  	[sflag:s29] =	ssyncset.done $0x0  }
0x70: {  	[sflag:s29] =	ssyncadd.s32 $0xFFFFF600  }
0x71: {  	[spmem:s24] =	stream.linear.scatter [tilespmem:s0], [sflag:$0x9], $0xA00, $0x38;
	[tilespmem:$0x1B620] =	vst v63  }
0x72: {  	_ =	swait.ge [sflag:s29], $0xA00  }
0x73: {  	[sflag:s29] =	ssyncset.done $0x0  }
0x74: {  	s19 =	simm.s32 $0x40;
	s20 =	simm.s32 $0x0;
	[sflag:s29] =	ssyncadd.s32 $0xFFFFF600  }
.LBB2_4:
0x75: {  	p0 =	sne.s32 s19, $0x13FC0;
	[tilespmem:s20+$0x9E20] =	vst v1;
	s20 =	smov.u32 s19;
	s19 =	sadd.s32 $0x40, s19  }
.Ltmp1:
0x76: {  	(pc) =	sbr.rel @p0 .LBB2_4-.Ltmp1, $2  }
0x77: {  	_ =	sdelay $0x2  }
0x78: {  	s20 =	sshra.s32 s20, $0x2  }
0x79: {  	[tilespmem:s20+$0x9E20] =	vst v1;
	s21 =	simm.s32 $0x0  }
0x7a: {  	v3 =	vld [tilespmem:s21+$0x0]  }
0x7b: {  	v4 =	vld [tilespmem:s21+$0x2710];
	_ =	sdelay $0x6  }
0x7c: {  	v5 =	vld.idx.msk [tilespmem:v3+s31+$0x0], $0xffff  }
0x7d: {  	v6 =	vld.idx.msk [tilespmem:v4+s1+$0x0], $0xffff;
	_ =	sdelay $0x4  }
0x7e: {  	v6 =	vadd.f32 v6, v5  }
0x7f: {  	v7 =	vmul.f32 $2.000000030e-01, v5  }
0x80: {  	vm0 =	vlt.f32 v6, $0.0e+00  }
0x81: {  	v6 =	vsel vm0, $0x2800, v2;
	v5 =	vsel vm0, v7, v5  }
0x82: {  	v63 =	vadd.s32 v3, v6;
	v5 =	vmul.f32 $1.442695020e+00, v5  }
0x83: {  	v3 =	vadd.s32 v4, v6;
	[tilespmem:s21+$0x0] =	vst v63  }
0x84: {  	s19 =	simm.s32 $0x40;
	[tilespmem:s21+$0x2710] =	vst v3;
	(erf) = vpow2.f32 v5  }
.LBB2_6:
0x85: {  	_ =	sdelay $0x7  }
0x86: {  	p0 =	sne.s32 s19, $0x9C00;
	s20 =	smov.u32 s19;
	s19 =	sadd.s32 $0x40, s19;
	v4 =	vpop (erf)  }
0x87: {  	s20 =	sshra.s32 s20, $0x2;
	[tilespmem:v3+s30+$0x0] =	vst.idx.add.f32.msk $0xffff, v4  }
0x88: {  	v3 =	vld [tilespmem:s20+$0x0]  }
0x89: {  	v4 =	vld [tilespmem:s20+$0x2710];
	_ =	sdelay $0x6  }
0x8a: {  	v5 =	vld.idx.msk [tilespmem:v3+s31+$0x0], $0xffff  }
0x8b: {  	v6 =	vld.idx.msk [tilespmem:v4+s1+$0x0], $0xffff;
	_ =	sdelay $0x5  }
0x8c: {  	v7 =	vmul.f32 $2.000000030e-01, v5;
	v6 =	vadd.f32 v6, v5;
	_ =	sdelay $0x1  }
.Ltmp2:
0x8d: {  	vm0 =	vlt.f32 v6, $0.0e+00;
	(pc) =	sbr.rel @p0 .LBB2_6-.Ltmp2, $4  }
0x8e: {  	v6 =	vsel vm0, $0x2800, v2;
	v5 =	vsel vm0, v7, v5  }
0x8f: {  	v7 =	vadd.s32 v3, v6;
	v3 =	vadd.s32 v4, v6;
	v4 =	vmul.f32 $1.442695020e+00, v5  }
0x90: {  	[tilespmem:s20+$0x0] =	vst v7  }
0x91: {  	[tilespmem:s20+$0x2710] =	vst v3;
	(erf) = vpow2.f32 v4  }
0x92: {  	_ =	sdelay $0x7  }
0x93: {  	v4 =	vpop (erf)  }
0x94: {  	s19 =	simm.s32 $0x0;
	[tilespmem:v3+s30+$0x0] =	vst.idx.add.f32.msk $0xffff, v4  }
0x95: {  	[hbm4b:s25+s19] =	stream.linear.scatter [tilespmem:s30], [sflag:$0x9], $0x5000, $0x38;
	[tilespmem:$0x1B620] =	vst v63  }
0x96: {  	_ =	swait.ge [sflag:s29], $0x5000  }
0x97: {  	[sflag:s29] =	ssyncset.done $0x0  }
0x98: {  	[sflag:s29] =	ssyncadd.s32 $0xFFFFB000  }
0x99: {  	[bflag:$0x0] =	sbarrier.arrive $0xFFFF  }
0x9a: {  	[tilespmem:s0], [sflag:$0x1] =	stream.indirect.gather [hbm4b:s6+s4], $0x20, s19, s4, $0xb8;
	[tilespmem:$0x1B620] =	vst v63  }
0x9b: {  	_ = 	snop  }
0x9c: {  	[tilespmem:s5], [sflag:$0x2] =	stream.indirect.gather [hbm4b:s6+s4], $0x20, s4, s4, $0xb8;
	[tilespmem:$0x1B620] =	vst v63  }
0x9d: {  	s21 =	simm.s32 $0xA0  }
0x9e: {  	[tilespmem:s7], [sflag:$0x3] =	stream.indirect.gather [hbm4b:s6+s4], $0x20, s21, s4, $0xb8;
	[tilespmem:$0x1B620] =	vst v63  }
0x9f: {  	s20 =	simm.s32 $0xF0  }
0xa0: {  	[tilespmem:s8], [sflag:$0x4] =	stream.indirect.gather [hbm4b:s6+s4], $0x20, s20, s4, $0xb8;
	[tilespmem:$0x1B620] =	vst v63  }
0xa1: {  	_ =	swait.ge [sflag:s10], $0xA00  }
0xa2: {  	[sflag:s10] =	ssyncset.done $0x0  }
0xa3: {  	s21 =	simm.s32 $0x2710;
	[sflag:s10] =	ssyncadd.s32 $0xFFFFF600  }
0xa4: {  	[spmem:s2] =	stream.indirect.scatter.add.bf16 [tilespmem:s0], [sflag:$0x5], $0x20, s21, s4, $0xb8;
	[tilespmem:$0x1B620] =	vst v63  }
0xa5: {  	_ =	swait.ge [sflag:s11], $0xA00  }
0xa6: {  	[sflag:s11] =	ssyncset.done $0x0  }
0xa7: {  	s20 =	simm.s32 $0x2760;
	[sflag:s11] =	ssyncadd.s32 $0xFFFFF600  }
0xa8: {  	[spmem:s2] =	stream.indirect.scatter.add.bf16 [tilespmem:s5], [sflag:$0x6], $0x20, s20, s4, $0xb8;
	[tilespmem:$0x1B620] =	vst v63  }
0xa9: {  	_ =	swait.ge [sflag:s12], $0xA00  }
0xaa: {  	[sflag:s12] =	ssyncset.done $0x0  }
0xab: {  	s21 =	simm.s32 $0x27B0;
	[sflag:s12] =	ssyncadd.s32 $0xFFFFF600  }
0xac: {  	[spmem:s2] =	stream.indirect.scatter.add.bf16 [tilespmem:s7], [sflag:$0x7], $0x20, s21, s4, $0xb8;
	[tilespmem:$0x1B620] =	vst v63  }
0xad: {  	_ =	swait.ge [sflag:s13], $0xA00  }
0xae: {  	[sflag:s13] =	ssyncset.done $0x0  }
0xaf: {  	s20 =	simm.s32 $0x2800;
	[sflag:s13] =	ssyncadd.s32 $0xFFFFF600  }
0xb0: {  	[spmem:s2] =	stream.indirect.scatter.add.bf16 [tilespmem:s8], [sflag:$0x8], $0x20, s20, s4, $0xb8;
	[tilespmem:$0x1B620] =	vst v63  }
0xb1: {  	_ =	swait.ge [sflag:s14], $0xA00  }
0xb2: {  	[sflag:s14] =	ssyncset.done $0x0  }
0xb3: {  	s21 =	simm.s32 $0x140;
	[sflag:s14] =	ssyncadd.s32 $0xFFFFF600  }
0xb4: {  	[tilespmem:s0], [sflag:$0x1] =	stream.indirect.gather [hbm4b:s6+s4], $0x20, s21, s4, $0xb8;
	[tilespmem:$0x1B620] =	vst v63  }
0xb5: {  	_ =	swait.ge [sflag:s15], $0xA00  }
0xb6: {  	[sflag:s15] =	ssyncset.done $0x0  }
0xb7: {  	s20 =	simm.s32 $0x190;
	[sflag:s15] =	ssyncadd.s32 $0xFFFFF600  }
0xb8: {  	[tilespmem:s5], [sflag:$0x2] =	stream.indirect.gather [hbm4b:s6+s4], $0x20, s20, s4, $0xb8;
	[tilespmem:$0x1B620] =	vst v63  }
0xb9: {  	_ =	swait.ge [sflag:s16], $0xA00  }
0xba: {  	[sflag:s16] =	ssyncset.done $0x0  }
0xbb: {  	s21 =	simm.s32 $0x1E0;
	[sflag:s16] =	ssyncadd.s32 $0xFFFFF600  }
0xbc: {  	[tilespmem:s7], [sflag:$0x3] =	stream.indirect.gather [hbm4b:s6+s4], $0x20, s21, s4, $0xb8;
	[tilespmem:$0x1B620] =	vst v63  }
0xbd: {  	_ =	swait.ge [sflag:s17], $0xA00  }
0xbe: {  	[sflag:s17] =	ssyncset.done $0x0  }
0xbf: {  	s19 =	simm.s32 $0x500;
	s20 =	simm.s32 $0x230;
	[sflag:s17] =	ssyncadd.s32 $0xFFFFF600  }
.LBB2_8:
0xc0: {  	[tilespmem:s8], [sflag:$0x4] =	stream.indirect.gather [hbm4b:s6+s4], $0x20, s20, s4, $0xb8;
	[tilespmem:$0x1B620] =	vst v63  }
0xc1: {  	s20 =	smov.u32 s19  }
0xc2: {  	p0 =	sne.s32 s19, $0x9100;
	s19 =	sadd.s32 $0x500, s19;
	_ =	swait.ge [sflag:s10], $0xA00  }
0xc3: {  	s20 =	sshra.s32 s20, $0x2;
	[sflag:s10] =	ssyncset.done $0x0  }
0xc4: {  	s21 =	sadd.s32 $0x2710, s20;
	[sflag:s10] =	ssyncadd.s32 $0xFFFFF600  }
0xc5: {  	[spmem:s2] =	stream.indirect.scatter.add.bf16 [tilespmem:s0], [sflag:$0x5], $0x20, s21, s4, $0xb8;
	[tilespmem:$0x1B620] =	vst v63  }
0xc6: {  	_ =	swait.ge [sflag:s11], $0xA00  }
0xc7: {  	[sflag:s11] =	ssyncset.done $0x0  }
0xc8: {  	s21 =	sadd.s32 $0x2760, s20;
	[sflag:s11] =	ssyncadd.s32 $0xFFFFF600  }
0xc9: {  	[spmem:s2] =	stream.indirect.scatter.add.bf16 [tilespmem:s5], [sflag:$0x6], $0x20, s21, s4, $0xb8;
	[tilespmem:$0x1B620] =	vst v63  }
0xca: {  	_ =	swait.ge [sflag:s12], $0xA00  }
0xcb: {  	[sflag:s12] =	ssyncset.done $0x0  }
0xcc: {  	s21 =	sadd.s32 $0x27B0, s20;
	[sflag:s12] =	ssyncadd.s32 $0xFFFFF600  }
0xcd: {  	[spmem:s2] =	stream.indirect.scatter.add.bf16 [tilespmem:s7], [sflag:$0x7], $0x20, s21, s4, $0xb8;
	[tilespmem:$0x1B620] =	vst v63  }
0xce: {  	_ =	swait.ge [sflag:s13], $0xA00  }
0xcf: {  	[sflag:s13] =	ssyncset.done $0x0  }
0xd0: {  	s21 =	sadd.s32 $0x2800, s20;
	[sflag:s13] =	ssyncadd.s32 $0xFFFFF600  }
0xd1: {  	[spmem:s2] =	stream.indirect.scatter.add.bf16 [tilespmem:s8], [sflag:$0x8], $0x20, s21, s4, $0xb8;
	[tilespmem:$0x1B620] =	vst v63  }
0xd2: {  	_ =	swait.ge [sflag:s14], $0xA00  }
0xd3: {  	[sflag:s14] =	ssyncset.done $0x0  }
0xd4: {  	s21 =	sadd.s32 $0x140, s20;
	[sflag:s14] =	ssyncadd.s32 $0xFFFFF600  }
0xd5: {  	[tilespmem:s0], [sflag:$0x1] =	stream.indirect.gather [hbm4b:s6+s4], $0x20, s21, s4, $0xb8;
	[tilespmem:$0x1B620] =	vst v63  }
0xd6: {  	_ =	swait.ge [sflag:s15], $0xA00  }
0xd7: {  	[sflag:s15] =	ssyncset.done $0x0  }
0xd8: {  	s21 =	sadd.s32 $0x190, s20;
	[sflag:s15] =	ssyncadd.s32 $0xFFFFF600  }
0xd9: {  	[tilespmem:s5], [sflag:$0x2] =	stream.indirect.gather [hbm4b:s6+s4], $0x20, s21, s4, $0xb8;
	[tilespmem:$0x1B620] =	vst v63  }
0xda: {  	_ =	swait.ge [sflag:s16], $0xA00  }
0xdb: {  	[sflag:s16] =	ssyncset.done $0x0  }
.Ltmp3:
0xdc: {  	s21 =	sadd.s32 $0x1E0, s20;
	[sflag:s16] =	ssyncadd.s32 $0xFFFFF600;
	(pc) =	sbr.rel @p0 .LBB2_8-.Ltmp3, $4  }
0xdd: {  	[tilespmem:s7], [sflag:$0x3] =	stream.indirect.gather [hbm4b:s6+s4], $0x20, s21, s4, $0xb8;
	[tilespmem:$0x1B620] =	vst v63  }
0xde: {  	_ =	swait.ge [sflag:s17], $0xA00  }
0xdf: {  	[sflag:s17] =	ssyncset.done $0x0  }
0xe0: {  	s20 =	sadd.s32 $0x230, s20;
	[sflag:s17] =	ssyncadd.s32 $0xFFFFF600  }
0xe1: {  	[tilespmem:s8], [sflag:$0x4] =	stream.indirect.gather [hbm4b:s6+s4], $0x20, s20, s4, $0xb8;
	[tilespmem:$0x1B620] =	vst v63  }
0xe2: {  	_ =	swait.ge [sflag:s10], $0xA00  }
0xe3: {  	[sflag:s10] =	ssyncset.done $0x0  }
0xe4: {  	s19 =	simm.s32 $0x4C90;
	[sflag:s10] =	ssyncadd.s32 $0xFFFFF600  }
0xe5: {  	[spmem:s2] =	stream.indirect.scatter.add.bf16 [tilespmem:s0], [sflag:$0x5], $0x20, s19, s4, $0xb8;
	[tilespmem:$0x1B620] =	vst v63  }
0xe6: {  	_ =	swait.ge [sflag:s11], $0xA00  }
0xe7: {  	[sflag:s11] =	ssyncset.done $0x0  }
0xe8: {  	s21 =	simm.s32 $0x4CE0;
	[sflag:s11] =	ssyncadd.s32 $0xFFFFF600  }
0xe9: {  	[spmem:s2] =	stream.indirect.scatter.add.bf16 [tilespmem:s5], [sflag:$0x6], $0x20, s21, s4, $0xb8;
	[tilespmem:$0x1B620] =	vst v63  }
0xea: {  	_ =	swait.ge [sflag:s12], $0xA00  }
0xeb: {  	[sflag:s12] =	ssyncset.done $0x0  }
0xec: {  	s20 =	simm.s32 $0x4D30;
	[sflag:s12] =	ssyncadd.s32 $0xFFFFF600  }
0xed: {  	[spmem:s2] =	stream.indirect.scatter.add.bf16 [tilespmem:s7], [sflag:$0x7], $0x20, s20, s4, $0xb8;
	[tilespmem:$0x1B620] =	vst v63  }
0xee: {  	_ =	swait.ge [sflag:s13], $0xA00  }
0xef: {  	[sflag:s13] =	ssyncset.done $0x0  }
0xf0: {  	s21 =	simm.s32 $0x4D80;
	[sflag:s13] =	ssyncadd.s32 $0xFFFFF600  }
0xf1: {  	[spmem:s2] =	stream.indirect.scatter.add.bf16 [tilespmem:s8], [sflag:$0x8], $0x20, s21, s4, $0xb8;
	[tilespmem:$0x1B620] =	vst v63  }
0xf2: {  	_ =	swait.ge [sflag:s14], $0xA00  }
0xf3: {  	[sflag:s14] =	ssyncset.done $0x0  }
0xf4: {  	s20 =	simm.s32 $0x26C0;
	[sflag:s14] =	ssyncadd.s32 $0xFFFFF600  }
0xf5: {  	[tilespmem:s0], [sflag:$0x1] =	stream.indirect.gather [hbm4b:s6+s4], $0x20, s20, s4, $0xb8;
	[tilespmem:$0x1B620] =	vst v63  }
0xf6: {  	_ =	swait.ge [sflag:s15], $0xA00  }
0xf7: {  	[sflag:s15] =	ssyncset.done $0x0  }
0xf8: {  	[sflag:s15] =	ssyncadd.s32 $0xFFFFF600  }
0xf9: {  	_ =	swait.ge [sflag:s16], $0xA00  }
0xfa: {  	[sflag:s16] =	ssyncset.done $0x0  }
0xfb: {  	[sflag:s16] =	ssyncadd.s32 $0xFFFFF600  }
0xfc: {  	_ =	swait.ge [sflag:s17], $0xA00  }
0xfd: {  	[sflag:s17] =	ssyncset.done $0x0  }
0xfe: {  	[sflag:s17] =	ssyncadd.s32 $0xFFFFF600  }
0xff: {  	_ =	swait.ge [sflag:s10], $0xA00  }
0x100: {  	[sflag:s10] =	ssyncset.done $0x0  }
0x101: {  	s21 =	simm.s32 $0x4DD0;
	[sflag:s10] =	ssyncadd.s32 $0xFFFFF600  }
0x102: {  	[spmem:s2] =	stream.indirect.scatter.add.bf16 [tilespmem:s0], [sflag:$0x9], $0x20, s21, s4, $0xb8;
	[tilespmem:$0x1B620] =	vst v63  }
0x103: {  	s20 =	stileid.u32;
	_ =	swait.ge [sflag:s29], $0xA00  }
0x104: {  	s18 =	sadd.s32 $0x1, s18;
	s19 =	sshll.u32 s20, $0x6;
	[sflag:s29] =	ssyncset.done $0x0  }
0x105: {  	p0 =	sne.s32 s18, s28;
	s19 =	sor.u32 $0x1C09, s19;
	[sflag:s29] =	ssyncadd.s32 $0xFFFFF600  }
.Ltmp4:
0x106: {  	s21 =	sshrl.u32 s9, $0x3;
	[bflag:$0x0] =	sbarrier.arrive $0xFFFF;
	(pc) =	sbr.rel @p0 .LBB2_1-.Ltmp4, $4  }
0x107: {  	[hbm:s26], [sflag:s19] =	dma.local [spmem:s21], $0x1400  }
0x108: {  	_ =	swait.ge [sflag:s29], $0x1400  }
0x109: {  	[sflag:s29] =	ssyncset.done $0x0  }
0x10a: {  	[sflag:s29] =	ssyncadd.s32 $0xFFFFEC00  }
0x10b: {  	_ =	sfence.sel $0x180000  }
0x10c: {  	[bflag:$0x0] =	sbarrier.arrive $0xFFFF  }
0x10d: {  	_ =	strace $0x9000004A  }
0x10e: {  	s0 =	stileid.u32;
	[bflag:$0x2] =	sbarrier.arrive $0xFFFF  }
0x10f: {  	p0 =	sne.s32 s0, $0x0;
	s0 =	rddreg [dreg:$0x2]  }
0x110: {  	s0 =	sadd.s32 @!p0 $0x100000, s0  }
0x111: {  	[sflag:s0] =	ssyncadd.tile.s32 @!p0 $0x1;
	_ =	shalt  }
.Lfunc_end2:
_tile_overlayer_lowered:
.L_overlay_start_2:
0x112: {  	(tag) =	ssettag $0x2  }
0x113: {  	s0 =	rddreg [dreg:$0x0];
	s2 =	stileid.u32  }
0x114: {  	s1 =	rddreg [dreg:$0x1];
	p0 =	sne.s32 s2, $0x0  }
0x115: {  	s3 =	rddreg [dreg:$0x2];
	[bflag:$0x3] =	sbarrier.arrive $0xFFFF;
	s2 =	simm.s32 @!p0 $0x1C09  }
0x116: {  	[timem:s3], [sflag:s2] =	dma.local @!p0 [hbm:s0], s1  }
0x117: {  	s0 =	simm.s32 @!p0 $0x9  }
0x118: {  	_ =	swait.ge @!p0 [sflag:s0], s1  }
0x119: {  	s1 =	ssub.s32 @!p0 $0x0, s1;
	[sflag:s0] =	ssyncset.done @!p0 $0x0  }
0x11a: {  	[sflag:s0] =	ssyncadd.s32 @!p0 s1  }
0x11b: {  	[bflag:$0x3] =	sbarrier.arrive $0xFFFF  }
0x11c: {  	_ =	shalt  }

// kernel: kernel.7.cloned.1.call-start
scs
__scs_entry_jumppad:
0x0: {  	(pc) =	sbr.rel $0x88, $3  }
0x1: {  	(tag) =	ssettag $0x0;
	lr =	simm.s32 $0x1  }
0x2: {  	[smem:$0x3F97] =	sst lr;
	_ =	strace $0xD0000000  }
0x3: {  	_ = 	snop  }
0x4: {  	_ = 	snop  }
0x5: {  	_ = 	snop  }
0x6: {  	_ = 	snop  }
0x7: {  	_ = 	snop  }
__scs_overlays_trampoline_lowered:
0x8: {  	[smem:$0x3FA6] =	sst s0  }
0x9: {  	[smem:$0x3FA7] =	sst s1  }
0xa: {  	[smem:$0x3FA8] =	sst s2  }
0xb: {  	[smem:$0x3FA9] =	sst s3  }
0xc: {  	[smem:$0x3FAA] =	sst s4  }
0xd: {  	[smem:$0x3FAB] =	sst s5  }
0xe: {  	[smem:$0x3FAC] =	sst s6  }
0xf: {  	[smem:$0x3FAD] =	sst s7  }
0x10: {  	[smem:$0x3FAE] =	sst s8  }
0x11: {  	[smem:$0x3FAF] =	sst s9;
	s0 =	simm.s32 @!p0 $0x0  }
0x12: {  	s1 =	sld [smem:$0x3F95];
	s0 =	simm.s32 @p0 $0x1  }
0x13: {  	[smem:$0x3FB0] =	sst s0;
	s0 =	simm.s32 @!p1 $0x0  }
0x14: {  	s2 =	sld [smem:$0x3F94];
	s0 =	simm.s32 @p1 $0x1  }
0x15: {  	[smem:$0x3FB1] =	sst s0;
	s0 =	simm.s32 @!p2 $0x0  }
0x16: {  	s3 =	sld [smem:$0x3FDB];
	s0 =	simm.s32 @p2 $0x1  }
0x17: {  	s4 =	simm.s32 $0x1BF5;
	[smem:$0x3FB3] =	sst s0  }
0x18: {  	s0 =	sld [smem:$0x3F96];
	_ =	swait.ge [sflag:s4], $0x0  }
0x19: {  	s7 =	sld [smem:$0x3F97]  }
0x1a: {  	s8 =	sadd.s32 $0xFFFFE003, lr  }
0x1b: {  	s9 =	sadd.s32 $0xFFFFFEF7, lr;
	s5 =	simm.s32 $0xFFFFFFFF;
	p2 =	slt.u32 s8, $0xFFFFF086  }
0x1c: {  	p1 =	slt.u32 s9, $0xF7A;
	s5 =	simm.s32 @!p2 $0x0  }
0x1d: {  	s5 =	simm.s32 @p1 $0x1;
	p0 =	seq.s32 s7, s2  }
0x1e: {  	s7 =	smul.u32 @!p0 $0xF7A, s2;
	p2 =	seq.s32 @!p0 s5, $0x0  }
0x1f: {  	s9 =	smul.u32 $0xF7A, s1;
	s8 =	simm.s32 @!p0 $0x1BF5;
	p2 =	por !p2, p0  }
0x20: {  	[sflag:s8] =	ssyncset.s32 @!p0 $0xFFFFF086;
	s6 =	sadd.s32 @!p0 s3, s7;
	s7 =	simm.s32 @!p0 $0x108  }
0x21: {  	s3 =	sadd.s32 s3, s9;
	s6 =	sadd.s32 @!p0 $0x88, s6;
	s7 =	simm.s32 @p2 $0x1082  }
0x22: {  	[simem:s7], [sflag:s8] =	dma.local @!p0 [hbm:s6], $0xF7A  }
0x23: {  	s9 =	sor.u32 $0xD0000000, s2;
	s6 =	simm.s32 $0x108;
	_ =	swait.ge @!p0 [sflag:s8], $0x0  }
0x24: {  	s3 =	sadd.s32 $0x88, s3;
	s6 =	simm.s32 @!p1 $0x1082;
	[sflag:s4] =	ssyncset.s32 $0xFFFFF086  }
0x25: {  	[simem:s6], [sflag:s4] =	dma.local [hbm:s3], $0xF7A  }
0x26: {  	[smem:$0x3F97] =	sst s1;
	(tag) =	ssettag s2;
	_ =	strace s9  }
0x27: {  	s1 =	sld [smem:$0x3FA7]  }
0x28: {  	s2 =	sld [smem:$0x3FA8]  }
0x29: {  	s4 =	sld [smem:$0x3FAA]  }
0x2a: {  	p0 =	seq.s32 s5, $0x0;
	s5 =	sld [smem:$0x3FAB]  }
0x2b: {  	s6 =	sld [smem:$0x3FAC]  }
0x2c: {  	s7 =	sld [smem:$0x3FAD]  }
0x2d: {  	s3 =	simm.s32 $0x108;
	s8 =	sld [smem:$0x3FAE]  }
0x2e: {  	s3 =	simm.s32 @!p0 $0x1082;
	s9 =	sld [smem:$0x3FAF]  }
0x2f: {  	lr =	sadd.s32 s0, s3;
	s0 =	sld [smem:$0x3FA6]  }
0x30: {  	s3 =	sld [smem:$0x3FA9]  }
0x31: {  	[smem:$0x3FB2] =	sst s10  }
0x32: {  	s10 =	sld [smem:$0x3FB0];
	_ =	sdelay $0x3  }
0x33: {  	p0 =	seq.s32 s10, $0x1;
	s10 =	sld [smem:$0x3FB2];
	_ =	sdelay $0x3  }
0x34: {  	[smem:$0x3FB2] =	sst s10  }
0x35: {  	s10 =	sld [smem:$0x3FB1];
	_ =	sdelay $0x3  }
0x36: {  	p1 =	seq.s32 s10, $0x1;
	s10 =	sld [smem:$0x3FB2];
	_ =	sdelay $0x3  }
0x37: {  	[smem:$0x3FB2] =	sst s10  }
0x38: {  	s10 =	sld [smem:$0x3FB3]  }
0x39: {  	_ = 	snop;
	(pc) =	sbr.ind lr, $3  }
0x3a: {  	_ = 	snop  }
0x3b: {  	_ = 	snop  }
0x3c: {  	p2 =	seq.s32 s10, $0x1;
	s10 =	sld [smem:$0x3FB2]  }
0x3d: {  	_ =	shalt  }
0x3e: {  	_ =	shalt  }
0x3f: {  	_ =	shalt  }
0x40: {  	_ =	shalt  }
0x41: {  	_ =	shalt  }
0x42: {  	_ =	shalt  }
0x43: {  	_ =	shalt  }
0x44: {  	_ =	shalt  }
0x45: {  	_ =	shalt  }
0x46: {  	_ =	shalt  }
0x47: {  	_ =	shalt  }
0x48: {  	_ =	shalt  }
0x49: {  	_ =	shalt  }
0x4a: {  	_ =	shalt  }
0x4b: {  	_ =	shalt  }
0x4c: {  	_ =	shalt  }
0x4d: {  	_ =	shalt  }
0x4e: {  	_ =	shalt  }
0x4f: {  	_ =	shalt  }
0x50: {  	_ =	shalt  }
0x51: {  	_ =	shalt  }
0x52: {  	_ =	shalt  }
0x53: {  	_ =	shalt  }
0x54: {  	_ =	shalt  }
0x55: {  	_ =	shalt  }
0x56: {  	_ =	shalt  }
0x57: {  	_ =	shalt  }
0x58: {  	_ =	shalt  }
0x59: {  	_ =	shalt  }
0x5a: {  	_ =	shalt  }
0x5b: {  	_ =	shalt  }
0x5c: {  	_ =	shalt  }
0x5d: {  	_ =	shalt  }
0x5e: {  	_ =	shalt  }
0x5f: {  	_ =	shalt  }
0x60: {  	_ =	shalt  }
0x61: {  	_ =	shalt  }
0x62: {  	_ =	shalt  }
0x63: {  	_ =	shalt  }
0x64: {  	_ =	shalt  }
0x65: {  	_ =	shalt  }
0x66: {  	_ =	shalt  }
0x67: {  	_ =	shalt  }
0x68: {  	_ =	shalt  }
0x69: {  	_ =	shalt  }
0x6a: {  	_ =	shalt  }
0x6b: {  	_ =	shalt  }
0x6c: {  	_ =	shalt  }
0x6d: {  	_ =	shalt  }
0x6e: {  	_ =	shalt  }
0x6f: {  	_ =	shalt  }
0x70: {  	_ =	shalt  }
0x71: {  	_ =	shalt  }
0x72: {  	_ =	shalt  }
0x73: {  	_ =	shalt  }
0x74: {  	_ =	shalt  }
0x75: {  	_ =	shalt  }
0x76: {  	_ =	shalt  }
0x77: {  	_ =	shalt  }
0x78: {  	_ =	shalt  }
0x79: {  	_ =	shalt  }
0x7a: {  	_ =	shalt  }
0x7b: {  	_ =	shalt  }
0x7c: {  	_ =	shalt  }
0x7d: {  	_ =	shalt  }
0x7e: {  	_ =	shalt  }
0x7f: {  	_ =	shalt  }
0x80: {  	_ =	shalt  }
0x81: {  	_ =	shalt  }
0x82: {  	_ =	shalt  }
0x83: {  	_ =	shalt  }
0x84: {  	_ =	shalt  }
0x85: {  	_ =	shalt  }
0x86: {  	_ =	shalt  }
0x87: {  	_ =	shalt  }
.Lfunc_end0:
.L_simem_size_0:
called_computation_lowered:
.L_overlay_start_0:
0x88: {  	s2 =	sld [smem:$0x3FD9]  }
0x89: {  	s3 =	sld [smem:$0x3FFE];
	_ =	sdelay $0x1  }
0x8a: {  	s1 =	srdreg.scid  }
0x8b: {  	s0 =	sand.u32 $0x1, s1  }
0x8c: {  	s16 =	sshll.u32 s0, $0xA;
	s2 =	sadd.s32 s3, s2  }
0x8d: {  	s2 =	sadd.s32 s2, s16  }
0x8e: {  	[smem:$0x3FBE] =	sst s2  }
0x8f: {  	_ = 	snop  }
0x90: {  	(tm) =	ssettm $0x1  }
0x91: {  	s17 =	sld [smem:$0x3FFB];
	_ =	sdelay $0x3  }
0x92: {  	_ =	strace s17  }
0x93: {  	s2 =	sld [smem:$0x3FFC];
	_ =	sdelay $0x3  }
0x94: {  	_ =	strace s2  }
0x95: {  	s2 =	sld [smem:$0x3FFD];
	_ =	sdelay $0x3  }
0x96: {  	_ =	strace s2  }
0x97: {  	_ =	strace $0x8FFFFFFF  }
0x98: {  	s18 =	sld [smem:$0x3FDB];
	_ =	sdelay $0x1  }
0x99: {  	s19 =	simm.s32 $_scs_section_size  }
0x9a: {  	s4 =	simm.s32 $_size__tile_overlayer_lowered;
	s5 =	simm.s32 $_tile_overlayer_lowered  }
0x9b: {  	s22 =	simm.s32 $0x1BFF;
	s21 =	sshll.u32 s5, $0x1;
	s2 =	sadd.s32 s19, s18  }
0x9c: {  	s6 =	simm.s32 $0x0;
	s20 =	sshll.u32 s4, $0x1;
	s4 =	sadd.s32 s21, s2  }
0x9d: {  	[timem:s6], [sflag:s22] =	dma.local [hbm:s4], s20  }
0x9e: {  	_ =	swait.ge [sflag:s22], s20  }
0x9f: {  	s3 =	ssub.s32 $0x0, s20;
	[sflag:s22] =	ssyncset.done $0x0  }
0xa0: {  	[sflag:s22] =	ssyncadd.s32 s3;
	_ =	sdelay $0x1  }
0xa1: {  	s23 =	simm.s32 $0x1B8B  }
0xa2: {  	_ =	swait.ge [sflag:s23], $0x1  }
0xa3: {  	[sflag:s23] =	ssyncset.done $0x0  }
0xa4: {  	s25 =	simm.s32 $0x1B8E;
	s24 =	sld [smem:$0x3FFE];
	[sflag:s23] =	ssyncadd.s32 $0xFFFFFFFF  }
0xa5: {  	s26 =	simm.s32 $execute0_lowered;
	[smem:$0x3FD2] =	sst s25  }
0xa6: {  	s4 =	sshll.u32 s26, $0x1;
	_ =	strace $0x80000046;
	[dreg:$0x1] =	wrdreg $0xFFFFFFFF  }
0xa7: {  	s28 =	simm.s32 $_size_execute0_lowered;
	s2 =	sadd.s32 s2, s4;
	[dreg:$0x0] =	wrdreg $0x0  }
0xa8: {  	s4 =	sshll.u32 s28, $0x1;
	[dreg:$0x2] =	wrdreg s2  }
0xa9: {  	[dreg:$0x3] =	wrdreg s4  }
0xaa: {  	[dreg:$0x4] =	wrdreg $0xC0  }
0xab: {  	_ =	task [dreg:s6], $0x5FFFF  }
0xac: {  	[dreg:$0x1] =	wrdreg $0xFFFFFFFF  }
0xad: {  	[dreg:$0x0] =	wrdreg $0x60  }
0xae: {  	[dreg:$0x2] =	wrdreg s24  }
0xaf: {  	[dreg:$0x3] =	wrdreg $0x116200  }
0xb0: {  	[dreg:$0x4] =	wrdreg $0x9  }
0xb1: {  	_ =	task.clear_ibuf [dreg:s6], $0x5FFFF;
	_ =	strace $0x90000046  }
0xb2: {  	s29 =	simm.s32 $0x9;
	_ =	strace $0x80000048  }
0xb3: {  	_ =	swait.ge [sflag:s29], $0x1  }
0xb4: {  	[sflag:s29] =	ssyncadd.s32 $0xFFFFFFFF  }
0xb5: {  	_ =	strace $0x90000048  }
0xb6: {  	_ =	sfence  }
0xb7: {  	s30 =	sld [smem:$0x0];
	_ =	sdelay $0x2  }
0xb8: {  	s31 =	sshll.u32 s1, $0xD;
	s1 =	sshrl.u32 s1, $0x2  }
0xb9: {  	s3 =	sand.u32 $0x4000, s31;
	s1 =	sadd.s32 s1, s30  }
0xba: {  	s0 =	sor.u32 s3, s0;
	s1 =	sshll.u32 s1, $0x11  }
0xbb: {  	s0 =	sor.u32 s1, s0  }
0xbc: {  	s0 =	sadd.s32 $0x8F2B, s0  }
0xbd: {  	[sflag:s0] =	ssyncadd.remote.s32 $0x1  }
0xbe: {  	_ =	sfence.sel $0xFFFF  }
0xbf: {  	[dreg:$0x0] =	wrdreg $0xFFFFFFFF;
	(pc) =	sbr.abs _section_cstart, $3  }
0xc0: {  	[dreg:$0x1] =	wrdreg $0xFFFFFFFF  }
0xc1: {  	_ =	task.clear_ibuf [dreg:s6], $0x2FFFF;
	_ =	strace $0x9FFFFFFF  }
0xc2: {  	(tm) =	ssettm $0x7FFFFFFF  }
0xc3: {  	_ =	shalt  }
tec
execute0_lowered:
.L_overlay_start_1:
0x0: {  	(tag) =	ssettag $0x1  }
0x1: {  	s0 =	srdreg.scid;
	s1 =	rddreg [dreg:$0x0]  }
0x2: {  	s9 =	stileid.u32;
	s2 =	rddreg [dreg:$0x1];
	s5 =	simm.s32 $0x0  }
0x3: {  	s31 =	simm.s32 $0x9;
	s28 =	simm.s32 $0x10220;
	s0 =	sand.u32 $0x1, s0  }
0x4: {  	[smem:$0x7FF] =	sst s5;
	s23 =	smul.u32 $0x14000, s9;
	s6 =	sadd.s32 $0x16E00, s1  }
0x5: {  	s24 =	sadd.s32 $0x17400, s1;
	_ =	strace $0x80000047;
	[dreg:$0x3] =	wrdreg s6  }
0x6: {  	s3 =	sshll.u32 s0, $0x4;
	s7 =	smul.u32 $0x140000, s0;
	[dreg:$0x4] =	wrdreg s24  }
0x7: {  	s0 =	ssub.s32 $0x2, s0;
	s3 =	sor.u32 s9, s3;
	s9 =	smul.u32 $0x28000, s9  }
0x8: {  	s6 =	sadd.s32 $0x17A00, s1;
	s10 =	sshrl.u32 s0, $0x1;
	s4 =	smul.u32 $0x2710, s3  }
0x9: {  	s7 =	sadd.s32 s23, s7;
	s3 =	smul.u32 $0xA00, s3;
	s0 =	ssub.s32 s0, s10  }
0xa: {  	s8 =	sshrl.u32 s7, $0x4;
	s7 =	sadd.s32 $0x2BA00, s1;
	s25 =	sshrl.u32 s9, $0x2  }
0xb: {  	s0 =	smax.u32 s0, $0x1;
	s4 =	sshrl.u32 s4, $0x3;
	s8 =	sadd.s32 s8, s1  }
0xc: {  	[dreg:$0x15] =	wrdreg s0;
	s4 =	sadd.s32 s4, s1;
	s21 =	sadd.s32 $0x3FA00, s8  }
0xd: {  	s1 =	sadd.s32 s3, s1;
	s26 =	sadd.s32 $0x3400, s4;
	[dreg:$0x13] =	wrdreg s21  }
0xe: {  	s3 =	sadd.s32 s25, s2;
	s4 =	sadd.s32 $0xD040, s4;
	[dreg:$0x5] =	wrdreg s26  }
0xf: {  	s29 =	simm.s32 $0x10C20;
	s9 =	sadd.s32 $0xA00, s3;
	[dreg:$0x6] =	wrdreg s4  }
0x10: {  	s30 =	simm.s32 $0x1;
	s11 =	sadd.s32 $0x1400, s3;
	[dreg:$0x7] =	wrdreg s9  }
0x11: {  	s5 =	sshrl.u32 s23, $0x1;
	s12 =	sadd.s32 $0x1E00, s3;
	[dreg:$0x8] =	wrdreg s11  }
0x12: {  	s10 =	sadd.s32 s5, s2;
	s13 =	sadd.s32 $0x2800, s3;
	[dreg:$0x9] =	wrdreg s12  }
0x13: {  	s5 =	simm.s32 $0x9E20;
	s14 =	sadd.s32 $0x3200, s3;
	[dreg:$0xa] =	wrdreg s13  }
0x14: {  	s0 =	simm.s32 $0x7620;
	s15 =	sadd.s32 $0x3C00, s3;
	[dreg:$0xb] =	wrdreg s14  }
0x15: {  	s16 =	sadd.s32 $0x4600, s3;
	s17 =	sadd.s32 $0x5000, s3;
	[dreg:$0xc] =	wrdreg s15  }
0x16: {  	s18 =	sadd.s32 $0x5A00, s3;
	s19 =	sadd.s32 $0x6400, s3;
	[dreg:$0xd] =	wrdreg s16  }
0x17: {  	s20 =	sadd.s32 $0x6E00, s3;
	s22 =	sadd.s32 $0x7800, s3;
	[dreg:$0xe] =	wrdreg s17  }
0x18: {  	s23 =	sadd.s32 $0x8200, s3;
	s24 =	sadd.s32 $0x8C00, s3;
	[dreg:$0xf] =	wrdreg s18  }
0x19: {  	s25 =	sadd.s32 $0x9600, s3;
	s1 =	sadd.s32 $0x8FA00, s1;
	[dreg:$0x10] =	wrdreg s19  }
0x1a: {  	s3 =	simm.s32 $0x3;
	s21 =	simm.s32 $0x4CE0;
	[dreg:$0x11] =	wrdreg s20  }
0x1b: {  	[dreg:$0x12] =	wrdreg s1;
	s26 =	sadd.s32 $0x67A00, s8;
	s1 =	simm.s32 $0x4E20  }
0x1c: {  	s4 =	simm.s32 $0xEE20;
	s8 =	simm.s32 $0x50;
	s9 =	simm.s32 $0xF820  }
0x1d: {  	s11 =	simm.s32 $0x4;
	s12 =	simm.s32 $0x5;
	s13 =	simm.s32 $0x6  }
0x1e: {  	s14 =	simm.s32 $0x7;
	s15 =	simm.s32 $0x8;
	s20 =	simm.s32 $0x4C90  }
0x1f: {  	v0 =	vimm.bf16 $0.0e+00;
	v1 =	vimm.f32 $0.0e+00;
	v2 =	vimm.s32 $0x0;
	s16 =	simm.s32 $0x0;
	[dreg:$0x14] =	wrdreg s26;
	s26 =	simm.s32 $0x2  }
.LBB2_1:
0x20: {  	s17 =	simm.s32 $0x0;
	s18 =	rddreg [dreg:$0x5]  }
0x21: {  	[tilespmem:s17], [sflag:$0x9] =	stream.linear.gather [hbm4b:s18+s17], $0x2710, $0x38;
	[tilespmem:$0x1B620] =	vst v63  }
0x22: {  	_ =	swait.ge [sflag:s31], $0x2710  }
0x23: {  	[sflag:s31] =	ssyncset.done $0x0  }
0x24: {  	s19 =	simm.s32 $0x2710;
	s18 =	rddreg [dreg:$0x6];
	[sflag:s31] =	ssyncadd.s32 $0xFFFFD8F0  }
0x25: {  	[tilespmem:s19], [sflag:$0x9] =	stream.linear.gather [hbm4b:s18+s17], $0x2710, $0x38;
	[tilespmem:$0x1B620] =	vst v63  }
0x26: {  	_ =	swait.ge [sflag:s31], $0x2710  }
0x27: {  	[sflag:s31] =	ssyncset.done $0x0  }
0x28: {  	s19 =	rddreg [dreg:$0x3];
	[sflag:s31] =	ssyncadd.s32 $0xFFFFD8F0  }
0x29: {  	[tilespmem:s1], [sflag:$0x9] =	stream.linear.gather [hbm4b:s19+s17], $0x2800, $0x38;
	[tilespmem:$0x1B620] =	vst v63  }
0x2a: {  	_ =	swait.ge [sflag:s31], $0x2800  }
0x2b: {  	[sflag:s31] =	ssyncset.done $0x0  }
0x2c: {  	s19 =	rddreg [dreg:$0x4];
	[sflag:s31] =	ssyncadd.s32 $0xFFFFD800  }
0x2d: {  	[tilespmem:s0], [sflag:$0x9] =	stream.linear.gather [hbm4b:s19+s17], $0x2800, $0x38;
	[tilespmem:$0x1B620] =	vst v63  }
0x2e: {  	_ =	swait.ge [sflag:s31], $0x2800  }
0x2f: {  	[sflag:s31] =	ssyncset.done $0x0  }
0x30: {  	s18 =	simm.s32 $0x0;
	s17 =	simm.s32 $0x80;
	[sflag:s31] =	ssyncadd.s32 $0xFFFFD800  }
.LBB2_2:
0x31: {  	p0 =	sne.s32 s17, $0x2780;
	[tilespmem:s18+$0xEE20] =	vst v0;
	s19 =	smov.u32 s17;
	s17 =	sadd.s32 $0x80, s17  }
.Ltmp0:
0x32: {  	[tilespmem:s18+$0xEE30] =	vst v0;
	(pc) =	sbr.rel @p0 .LBB2_2-.Ltmp0, $2  }
0x33: {  	_ =	sdelay $0x2  }
0x34: {  	s18 =	sshra.s32 s19, $0x2  }
0x35: {  	[tilespmem:s18+$0xEE20] =	vst v0  }
0x36: {  	[tilespmem:s18+$0xEE30] =	vst v0  }
0x37: {  	[spmem:s10] =	stream.linear.scatter [tilespmem:s4], [sflag:$0x9], $0xA00, $0x38;
	[tilespmem:$0x1B620] =	vst v63  }
0x38: {  	_ =	swait.ge [sflag:s31], $0xA00  }
0x39: {  	[sflag:s31] =	ssyncset.done $0x0  }
0x3a: {  	s17 =	rddreg [dreg:$0x7];
	[sflag:s31] =	ssyncadd.s32 $0xFFFFF600  }
0x3b: {  	[spmem:s17] =	stream.linear.scatter [tilespmem:s4], [sflag:$0x9], $0xA00, $0x38;
	[tilespmem:$0x1B620] =	vst v63  }
0x3c: {  	_ =	swait.ge [sflag:s31], $0xA00  }
0x3d: {  	[sflag:s31] =	ssyncset.done $0x0  }
0x3e: {  	s18 =	rddreg [dreg:$0x8];
	[sflag:s31] =	ssyncadd.s32 $0xFFFFF600  }
0x3f: {  	[spmem:s18] =	stream.linear.scatter [tilespmem:s4], [sflag:$0x9], $0xA00, $0x38;
	[tilespmem:$0x1B620] =	vst v63  }
0x40: {  	_ =	swait.ge [sflag:s31], $0xA00  }
0x41: {  	[sflag:s31] =	ssyncset.done $0x0  }
0x42: {  	s19 =	rddreg [dreg:$0x9];
	[sflag:s31] =	ssyncadd.s32 $0xFFFFF600  }
0x43: {  	[spmem:s19] =	stream.linear.scatter [tilespmem:s4], [sflag:$0x9], $0xA00, $0x38;
	[tilespmem:$0x1B620] =	vst v63  }
0x44: {  	_ =	swait.ge [sflag:s31], $0xA00  }
0x45: {  	[sflag:s31] =	ssyncset.done $0x0  }
0x46: {  	s18 =	rddreg [dreg:$0xa];
	[sflag:s31] =	ssyncadd.s32 $0xFFFFF600  }
0x47: {  	[spmem:s18] =	stream.linear.scatter [tilespmem:s4], [sflag:$0x9], $0xA00, $0x38;
	[tilespmem:$0x1B620] =	vst v63  }
0x48: {  	_ =	swait.ge [sflag:s31], $0xA00  }
0x49: {  	[sflag:s31] =	ssyncset.done $0x0  }
0x4a: {  	s19 =	rddreg [dreg:$0xb];
	[sflag:s31] =	ssyncadd.s32 $0xFFFFF600  }
0x4b: {  	[spmem:s19] =	stream.linear.scatter [tilespmem:s4], [sflag:$0x9], $0xA00, $0x38;
	[tilespmem:$0x1B620] =	vst v63  }
0x4c: {  	_ =	swait.ge [sflag:s31], $0xA00  }
0x4d: {  	[sflag:s31] =	ssyncset.done $0x0  }
0x4e: {  	s18 =	rddreg [dreg:$0xc];
	[sflag:s31] =	ssyncadd.s32 $0xFFFFF600  }
0x4f: {  	[spmem:s18] =	stream.linear.scatter [tilespmem:s4], [sflag:$0x9], $0xA00, $0x38;
	[tilespmem:$0x1B620] =	vst v63  }
0x50: {  	_ =	swait.ge [sflag:s31], $0xA00  }
0x51: {  	[sflag:s31] =	ssyncset.done $0x0  }
0x52: {  	s19 =	rddreg [dreg:$0xd];
	[sflag:s31] =	ssyncadd.s32 $0xFFFFF600  }
0x53: {  	[spmem:s19] =	stream.linear.scatter [tilespmem:s4], [sflag:$0x9], $0xA00, $0x38;
	[tilespmem:$0x1B620] =	vst v63  }
0x54: {  	_ =	swait.ge [sflag:s31], $0xA00  }
0x55: {  	[sflag:s31] =	ssyncset.done $0x0  }
0x56: {  	s18 =	rddreg [dreg:$0xe];
	[sflag:s31] =	ssyncadd.s32 $0xFFFFF600  }
0x57: {  	[spmem:s18] =	stream.linear.scatter [tilespmem:s4], [sflag:$0x9], $0xA00, $0x38;
	[tilespmem:$0x1B620] =	vst v63  }
0x58: {  	_ =	swait.ge [sflag:s31], $0xA00  }
0x59: {  	[sflag:s31] =	ssyncset.done $0x0  }
0x5a: {  	s19 =	rddreg [dreg:$0xf];
	[sflag:s31] =	ssyncadd.s32 $0xFFFFF600  }
0x5b: {  	[spmem:s19] =	stream.linear.scatter [tilespmem:s4], [sflag:$0x9], $0xA00, $0x38;
	[tilespmem:$0x1B620] =	vst v63  }
0x5c: {  	_ =	swait.ge [sflag:s31], $0xA00  }
0x5d: {  	[sflag:s31] =	ssyncset.done $0x0  }
0x5e: {  	s18 =	rddreg [dreg:$0x10];
	[sflag:s31] =	ssyncadd.s32 $0xFFFFF600  }
0x5f: {  	[spmem:s18] =	stream.linear.scatter [tilespmem:s4], [sflag:$0x9], $0xA00, $0x38;
	[tilespmem:$0x1B620] =	vst v63  }
0x60: {  	_ =	swait.ge [sflag:s31], $0xA00  }
0x61: {  	[sflag:s31] =	ssyncset.done $0x0  }
0x62: {  	s19 =	rddreg [dreg:$0x11];
	[sflag:s31] =	ssyncadd.s32 $0xFFFFF600  }
0x63: {  	[spmem:s19] =	stream.linear.scatter [tilespmem:s4], [sflag:$0x9], $0xA00, $0x38;
	[tilespmem:$0x1B620] =	vst v63  }
0x64: {  	_ =	swait.ge [sflag:s31], $0xA00  }
0x65: {  	[sflag:s31] =	ssyncset.done $0x0  }
0x66: {  	[sflag:s31] =	ssyncadd.s32 $0xFFFFF600  }
0x67: {  	[spmem:s22] =	stream.linear.scatter [tilespmem:s4], [sflag:$0x9], $0xA00, $0x38;
	[tilespmem:$0x1B620] =	vst v63  }
0x68: {  	_ =	swait.ge [sflag:s31], $0xA00  }
0x69: {  	[sflag:s31] =	ssyncset.done $0x0  }
0x6a: {  	[sflag:s31] =	ssyncadd.s32 $0xFFFFF600  }
0x6b: {  	[spmem:s23] =	stream.linear.scatter [tilespmem:s4], [sflag:$0x9], $0xA00, $0x38;
	[tilespmem:$0x1B620] =	vst v63  }
0x6c: {  	_ =	swait.ge [sflag:s31], $0xA00  }
0x6d: {  	[sflag:s31] =	ssyncset.done $0x0  }
0x6e: {  	[sflag:s31] =	ssyncadd.s32 $0xFFFFF600  }
0x6f: {  	[spmem:s24] =	stream.linear.scatter [tilespmem:s4], [sflag:$0x9], $0xA00, $0x38;
	[tilespmem:$0x1B620] =	vst v63  }
0x70: {  	_ =	swait.ge [sflag:s31], $0xA00  }
0x71: {  	[sflag:s31] =	ssyncset.done $0x0  }
0x72: {  	[sflag:s31] =	ssyncadd.s32 $0xFFFFF600  }
0x73: {  	[spmem:s25] =	stream.linear.scatter [tilespmem:s4], [sflag:$0x9], $0xA00, $0x38;
	[tilespmem:$0x1B620] =	vst v63  }
0x74: {  	_ =	swait.ge [sflag:s31], $0xA00  }
0x75: {  	[sflag:s31] =	ssyncset.done $0x0  }
0x76: {  	s17 =	simm.s32 $0x40;
	s18 =	simm.s32 $0x0;
	[sflag:s31] =	ssyncadd.s32 $0xFFFFF600  }
.LBB2_4:
0x77: {  	p0 =	sne.s32 s17, $0x13FC0;
	[tilespmem:s18+$0x9E20] =	vst v1;
	s18 =	smov.u32 s17;
	s17 =	sadd.s32 $0x40, s17  }
.Ltmp1:
0x78: {  	(pc) =	sbr.rel @p0 .LBB2_4-.Ltmp1, $2  }
0x79: {  	_ =	sdelay $0x2  }
0x7a: {  	s18 =	sshra.s32 s18, $0x2  }
0x7b: {  	[tilespmem:s18+$0x9E20] =	vst v1;
	s19 =	simm.s32 $0x0  }
0x7c: {  	v3 =	vld [tilespmem:s19+$0x0]  }
0x7d: {  	v4 =	vld [tilespmem:s19+$0x2710];
	_ =	sdelay $0x6  }
0x7e: {  	v5 =	vld.idx.msk [tilespmem:v3+s1+$0x0], $0xffff  }
0x7f: {  	v6 =	vld.idx.msk [tilespmem:v4+s0+$0x0], $0xffff;
	_ =	sdelay $0x4  }
0x80: {  	v6 =	vadd.f32 v6, v5  }
0x81: {  	v7 =	vmul.f32 $2.000000030e-01, v5  }
0x82: {  	vm0 =	vlt.f32 v6, $0.0e+00  }
0x83: {  	v6 =	vsel vm0, $0x2800, v2;
	v5 =	vsel vm0, v7, v5  }
0x84: {  	v63 =	vadd.s32 v3, v6;
	v5 =	vmul.f32 $1.442695020e+00, v5  }
0x85: {  	v3 =	vadd.s32 v4, v6;
	[tilespmem:s19+$0x0] =	vst v63  }
0x86: {  	s17 =	simm.s32 $0x40;
	[tilespmem:s19+$0x2710] =	vst v3;
	(erf) = vpow2.f32 v5  }
.LBB2_6:
0x87: {  	_ =	sdelay $0x7  }
0x88: {  	p0 =	sne.s32 s17, $0x9C00;
	s18 =	smov.u32 s17;
	s17 =	sadd.s32 $0x40, s17;
	v4 =	vpop (erf)  }
0x89: {  	s18 =	sshra.s32 s18, $0x2;
	[tilespmem:v3+s5+$0x0] =	vst.idx.add.f32.msk $0xffff, v4  }
0x8a: {  	v3 =	vld [tilespmem:s18+$0x0]  }
0x8b: {  	v4 =	vld [tilespmem:s18+$0x2710];
	_ =	sdelay $0x6  }
0x8c: {  	v5 =	vld.idx.msk [tilespmem:v3+s1+$0x0], $0xffff  }
0x8d: {  	v6 =	vld.idx.msk [tilespmem:v4+s0+$0x0], $0xffff;
	_ =	sdelay $0x5  }
0x8e: {  	v7 =	vmul.f32 $2.000000030e-01, v5;
	v6 =	vadd.f32 v6, v5;
	_ =	sdelay $0x1  }
.Ltmp2:
0x8f: {  	vm0 =	vlt.f32 v6, $0.0e+00;
	(pc) =	sbr.rel @p0 .LBB2_6-.Ltmp2, $4  }
0x90: {  	v6 =	vsel vm0, $0x2800, v2;
	v5 =	vsel vm0, v7, v5  }
0x91: {  	v7 =	vadd.s32 v3, v6;
	v3 =	vadd.s32 v4, v6;
	v4 =	vmul.f32 $1.442695020e+00, v5  }
0x92: {  	[tilespmem:s18+$0x0] =	vst v7  }
0x93: {  	[tilespmem:s18+$0x2710] =	vst v3;
	(erf) = vpow2.f32 v4  }
0x94: {  	_ =	sdelay $0x7  }
0x95: {  	v4 =	vpop (erf)  }
0x96: {  	s17 =	simm.s32 $0x0;
	s18 =	rddreg [dreg:$0x12];
	[tilespmem:v3+s5+$0x0] =	vst.idx.add.f32.msk $0xffff, v4  }
0x97: {  	[hbm4b:s18+s17] =	stream.linear.scatter [tilespmem:s5], [sflag:$0x9], $0x5000, $0x38;
	[tilespmem:$0x1B620] =	vst v63  }
0x98: {  	_ =	swait.ge [sflag:s31], $0x5000  }
0x99: {  	[sflag:s31] =	ssyncset.done $0x0  }
0x9a: {  	[sflag:s31] =	ssyncadd.s32 $0xFFFFB000  }
0x9b: {  	[bflag:$0x0] =	sbarrier.arrive $0xFFFF  }
0x9c: {  	[tilespmem:s4], [sflag:$0x1] =	stream.indirect.gather [hbm4b:s6+s8], $0x20, s17, s8, $0xb8;
	[tilespmem:$0x1B620] =	vst v63  }
0x9d: {  	_ = 	snop  }
0x9e: {  	[tilespmem:s9], [sflag:$0x2] =	stream.indirect.gather [hbm4b:s6+s8], $0x20, s8, s8, $0xb8;
	[tilespmem:$0x1B620] =	vst v63  }
0x9f: {  	s19 =	simm.s32 $0xA0  }
0xa0: {  	[tilespmem:s28], [sflag:$0x3] =	stream.indirect.gather [hbm4b:s6+s8], $0x20, s19, s8, $0xb8;
	[tilespmem:$0x1B620] =	vst v63  }
0xa1: {  	s18 =	simm.s32 $0xF0  }
0xa2: {  	[tilespmem:s29], [sflag:$0x4] =	stream.indirect.gather [hbm4b:s6+s8], $0x20, s18, s8, $0xb8;
	[tilespmem:$0x1B620] =	vst v63  }
0xa3: {  	_ =	swait.ge [sflag:s30], $0xA00  }
0xa4: {  	[sflag:s30] =	ssyncset.done $0x0  }
0xa5: {  	s19 =	simm.s32 $0x2710;
	[sflag:s30] =	ssyncadd.s32 $0xFFFFF600  }
0xa6: {  	[spmem:s2] =	stream.indirect.scatter.add.bf16 [tilespmem:s4], [sflag:$0x5], $0x20, s19, s8, $0xb8;
	[tilespmem:$0x1B620] =	vst v63  }
0xa7: {  	_ =	swait.ge [sflag:s26], $0xA00  }
0xa8: {  	[sflag:s26] =	ssyncset.done $0x0  }
0xa9: {  	s18 =	simm.s32 $0x2760;
	[sflag:s26] =	ssyncadd.s32 $0xFFFFF600  }
0xaa: {  	[spmem:s2] =	stream.indirect.scatter.add.bf16 [tilespmem:s9], [sflag:$0x6], $0x20, s18, s8, $0xb8;
	[tilespmem:$0x1B620] =	vst v63  }
0xab: {  	_ =	swait.ge [sflag:s3], $0xA00  }
0xac: {  	[sflag:s3] =	ssyncset.done $0x0  }
0xad: {  	s19 =	simm.s32 $0x27B0;
	[sflag:s3] =	ssyncadd.s32 $0xFFFFF600  }
0xae: {  	[spmem:s2] =	stream.indirect.scatter.add.bf16 [tilespmem:s28], [sflag:$0x7], $0x20, s19, s8, $0xb8;
	[tilespmem:$0x1B620] =	vst v63  }
0xaf: {  	_ =	swait.ge [sflag:s11], $0xA00  }
0xb0: {  	[sflag:s11] =	ssyncset.done $0x0  }
0xb1: {  	s18 =	simm.s32 $0x2800;
	[sflag:s11] =	ssyncadd.s32 $0xFFFFF600  }
0xb2: {  	[spmem:s2] =	stream.indirect.scatter.add.bf16 [tilespmem:s29], [sflag:$0x8], $0x20, s18, s8, $0xb8;
	[tilespmem:$0x1B620] =	vst v63  }
0xb3: {  	_ =	swait.ge [sflag:s12], $0xA00  }
0xb4: {  	[sflag:s12] =	ssyncset.done $0x0  }
0xb5: {  	s19 =	simm.s32 $0x140;
	[sflag:s12] =	ssyncadd.s32 $0xFFFFF600  }
0xb6: {  	[tilespmem:s4], [sflag:$0x1] =	stream.indirect.gather [hbm4b:s6+s8], $0x20, s19, s8, $0xb8;
	[tilespmem:$0x1B620] =	vst v63  }
0xb7: {  	_ =	swait.ge [sflag:s13], $0xA00  }
0xb8: {  	[sflag:s13] =	ssyncset.done $0x0  }
0xb9: {  	s18 =	simm.s32 $0x190;
	[sflag:s13] =	ssyncadd.s32 $0xFFFFF600  }
0xba: {  	[tilespmem:s9], [sflag:$0x2] =	stream.indirect.gather [hbm4b:s6+s8], $0x20, s18, s8, $0xb8;
	[tilespmem:$0x1B620] =	vst v63  }
0xbb: {  	_ =	swait.ge [sflag:s14], $0xA00  }
0xbc: {  	[sflag:s14] =	ssyncset.done $0x0  }
0xbd: {  	s19 =	simm.s32 $0x1E0;
	[sflag:s14] =	ssyncadd.s32 $0xFFFFF600  }
0xbe: {  	[tilespmem:s28], [sflag:$0x3] =	stream.indirect.gather [hbm4b:s6+s8], $0x20, s19, s8, $0xb8;
	[tilespmem:$0x1B620] =	vst v63  }
0xbf: {  	_ =	swait.ge [sflag:s15], $0xA00  }
0xc0: {  	[sflag:s15] =	ssyncset.done $0x0  }
0xc1: {  	s17 =	simm.s32 $0x500;
	s18 =	simm.s32 $0x230;
	[sflag:s15] =	ssyncadd.s32 $0xFFFFF600  }
.LBB2_8:
0xc2: {  	[tilespmem:s29], [sflag:$0x4] =	stream.indirect.gather [hbm4b:s6+s8], $0x20, s18, s8, $0xb8;
	[tilespmem:$0x1B620] =	vst v63  }
0xc3: {  	s18 =	smov.u32 s17  }
0xc4: {  	p0 =	sne.s32 s17, $0x9100;
	s17 =	sadd.s32 $0x500, s17;
	_ =	swait.ge [sflag:s30], $0xA00  }
0xc5: {  	s18 =	sshra.s32 s18, $0x2;
	[sflag:s30] =	ssyncset.done $0x0  }
0xc6: {  	s19 =	sadd.s32 $0x2710, s18;
	[sflag:s30] =	ssyncadd.s32 $0xFFFFF600  }
0xc7: {  	[spmem:s2] =	stream.indirect.scatter.add.bf16 [tilespmem:s4], [sflag:$0x5], $0x20, s19, s8, $0xb8;
	[tilespmem:$0x1B620] =	vst v63  }
0xc8: {  	_ =	swait.ge [sflag:s26], $0xA00  }
0xc9: {  	[sflag:s26] =	ssyncset.done $0x0  }
0xca: {  	s19 =	sadd.s32 $0x2760, s18;
	[sflag:s26] =	ssyncadd.s32 $0xFFFFF600  }
0xcb: {  	[spmem:s2] =	stream.indirect.scatter.add.bf16 [tilespmem:s9], [sflag:$0x6], $0x20, s19, s8, $0xb8;
	[tilespmem:$0x1B620] =	vst v63  }
0xcc: {  	_ =	swait.ge [sflag:s3], $0xA00  }
0xcd: {  	[sflag:s3] =	ssyncset.done $0x0  }
0xce: {  	s19 =	sadd.s32 $0x27B0, s18;
	[sflag:s3] =	ssyncadd.s32 $0xFFFFF600  }
0xcf: {  	[spmem:s2] =	stream.indirect.scatter.add.bf16 [tilespmem:s28], [sflag:$0x7], $0x20, s19, s8, $0xb8;
	[tilespmem:$0x1B620] =	vst v63  }
0xd0: {  	_ =	swait.ge [sflag:s11], $0xA00  }
0xd1: {  	[sflag:s11] =	ssyncset.done $0x0  }
0xd2: {  	s19 =	sadd.s32 $0x2800, s18;
	[sflag:s11] =	ssyncadd.s32 $0xFFFFF600  }
0xd3: {  	[spmem:s2] =	stream.indirect.scatter.add.bf16 [tilespmem:s29], [sflag:$0x8], $0x20, s19, s8, $0xb8;
	[tilespmem:$0x1B620] =	vst v63  }
0xd4: {  	_ =	swait.ge [sflag:s12], $0xA00  }
0xd5: {  	[sflag:s12] =	ssyncset.done $0x0  }
0xd6: {  	s19 =	sadd.s32 $0x140, s18;
	[sflag:s12] =	ssyncadd.s32 $0xFFFFF600  }
0xd7: {  	[tilespmem:s4], [sflag:$0x1] =	stream.indirect.gather [hbm4b:s6+s8], $0x20, s19, s8, $0xb8;
	[tilespmem:$0x1B620] =	vst v63  }
0xd8: {  	_ =	swait.ge [sflag:s13], $0xA00  }
0xd9: {  	[sflag:s13] =	ssyncset.done $0x0  }
0xda: {  	s19 =	sadd.s32 $0x190, s18;
	[sflag:s13] =	ssyncadd.s32 $0xFFFFF600  }
0xdb: {  	[tilespmem:s9], [sflag:$0x2] =	stream.indirect.gather [hbm4b:s6+s8], $0x20, s19, s8, $0xb8;
	[tilespmem:$0x1B620] =	vst v63  }
0xdc: {  	_ =	swait.ge [sflag:s14], $0xA00  }
0xdd: {  	[sflag:s14] =	ssyncset.done $0x0  }
.Ltmp3:
0xde: {  	s19 =	sadd.s32 $0x1E0, s18;
	[sflag:s14] =	ssyncadd.s32 $0xFFFFF600;
	(pc) =	sbr.rel @p0 .LBB2_8-.Ltmp3, $4  }
0xdf: {  	[tilespmem:s28], [sflag:$0x3] =	stream.indirect.gather [hbm4b:s6+s8], $0x20, s19, s8, $0xb8;
	[tilespmem:$0x1B620] =	vst v63  }
0xe0: {  	_ =	swait.ge [sflag:s15], $0xA00  }
0xe1: {  	[sflag:s15] =	ssyncset.done $0x0  }
0xe2: {  	s18 =	sadd.s32 $0x230, s18;
	[sflag:s15] =	ssyncadd.s32 $0xFFFFF600  }
0xe3: {  	[tilespmem:s29], [sflag:$0x4] =	stream.indirect.gather [hbm4b:s6+s8], $0x20, s18, s8, $0xb8;
	[tilespmem:$0x1B620] =	vst v63  }
0xe4: {  	_ =	swait.ge [sflag:s30], $0xA00  }
0xe5: {  	[sflag:s30] =	ssyncset.done $0x0  }
0xe6: {  	[sflag:s30] =	ssyncadd.s32 $0xFFFFF600  }
0xe7: {  	[spmem:s2] =	stream.indirect.scatter.add.bf16 [tilespmem:s4], [sflag:$0x5], $0x20, s20, s8, $0xb8;
	[tilespmem:$0x1B620] =	vst v63  }
0xe8: {  	_ =	swait.ge [sflag:s26], $0xA00  }
0xe9: {  	[sflag:s26] =	ssyncset.done $0x0  }
0xea: {  	[sflag:s26] =	ssyncadd.s32 $0xFFFFF600  }
0xeb: {  	[spmem:s2] =	stream.indirect.scatter.add.bf16 [tilespmem:s9], [sflag:$0x6], $0x20, s21, s8, $0xb8;
	[tilespmem:$0x1B620] =	vst v63  }
0xec: {  	_ =	swait.ge [sflag:s3], $0xA00  }
0xed: {  	[sflag:s3] =	ssyncset.done $0x0  }
0xee: {  	s17 =	simm.s32 $0x4D30;
	[sflag:s3] =	ssyncadd.s32 $0xFFFFF600  }
0xef: {  	[spmem:s2] =	stream.indirect.scatter.add.bf16 [tilespmem:s28], [sflag:$0x7], $0x20, s17, s8, $0xb8;
	[tilespmem:$0x1B620] =	vst v63  }
0xf0: {  	_ =	swait.ge [sflag:s11], $0xA00  }
0xf1: {  	[sflag:s11] =	ssyncset.done $0x0  }
0xf2: {  	s18 =	simm.s32 $0x4D80;
	[sflag:s11] =	ssyncadd.s32 $0xFFFFF600  }
0xf3: {  	[spmem:s2] =	stream.indirect.scatter.add.bf16 [tilespmem:s29], [sflag:$0x8], $0x20, s18, s8, $0xb8;
	[tilespmem:$0x1B620] =	vst v63  }
0xf4: {  	_ =	swait.ge [sflag:s12], $0xA00  }
0xf5: {  	[sflag:s12] =	ssyncset.done $0x0  }
0xf6: {  	s19 =	simm.s32 $0x26C0;
	[sflag:s12] =	ssyncadd.s32 $0xFFFFF600  }
0xf7: {  	[tilespmem:s4], [sflag:$0x1] =	stream.indirect.gather [hbm4b:s6+s8], $0x20, s19, s8, $0xb8;
	[tilespmem:$0x1B620] =	vst v63  }
0xf8: {  	_ =	swait.ge [sflag:s13], $0xA00  }
0xf9: {  	[sflag:s13] =	ssyncset.done $0x0  }
0xfa: {  	[sflag:s13] =	ssyncadd.s32 $0xFFFFF600  }
0xfb: {  	_ =	swait.ge [sflag:s14], $0xA00  }
0xfc: {  	[sflag:s14] =	ssyncset.done $0x0  }
0xfd: {  	[sflag:s14] =	ssyncadd.s32 $0xFFFFF600  }
0xfe: {  	_ =	swait.ge [sflag:s15], $0xA00  }
0xff: {  	[sflag:s15] =	ssyncset.done $0x0  }
0x100: {  	[sflag:s15] =	ssyncadd.s32 $0xFFFFF600  }
0x101: {  	_ =	swait.ge [sflag:s30], $0xA00  }
0x102: {  	[sflag:s30] =	ssyncset.done $0x0  }
0x103: {  	s20 =	simm.s32 $0x4DD0;
	[sflag:s30] =	ssyncadd.s32 $0xFFFFF600  }
0x104: {  	[spmem:s2] =	stream.indirect.scatter.add.bf16 [tilespmem:s4], [sflag:$0x9], $0x20, s20, s8, $0xb8;
	[tilespmem:$0x1B620] =	vst v63  }
0x105: {  	_ =	swait.ge [sflag:s31], $0xA00  }
0x106: {  	[sflag:s31] =	ssyncset.done $0x0  }
0x107: {  	s21 =	stileid.u32;
	[sflag:s31] =	ssyncadd.s32 $0xFFFFF600  }
0x108: {  	s17 =	sshll.u32 s21, $0x6;
	[bflag:$0x0] =	sbarrier.arrive $0xFFFF  }
0x109: {  	s17 =	sor.u32 $0x1C09, s17;
	s18 =	sshrl.u32 s10, $0x3;
	s19 =	rddreg [dreg:$0x13]  }
0x10a: {  	[hbm:s19], [sflag:s17] =	dma.local [spmem:s18], $0x1400  }
0x10b: {  	_ =	swait.ge [sflag:s31], $0x1400  }
0x10c: {  	[sflag:s31] =	ssyncset.done $0x0  }
0x10d: {  	s20 =	simm.s32 $0x0;
	s19 =	simm.s32 $0x80;
	[sflag:s31] =	ssyncadd.s32 $0xFFFFEC00  }
.LBB2_10:
0x10e: {  	p0 =	sne.s32 s19, $0x2780;
	[tilespmem:s20+$0xEE20] =	vst v0;
	s21 =	smov.u32 s19;
	s19 =	sadd.s32 $0x80, s19  }
.Ltmp4:
0x10f: {  	[tilespmem:s20+$0xEE30] =	vst v0;
	(pc) =	sbr.rel @p0 .LBB2_10-.Ltmp4, $2  }
0x110: {  	_ =	sdelay $0x2  }
0x111: {  	s20 =	sshra.s32 s21, $0x2  }
0x112: {  	[tilespmem:s20+$0xEE20] =	vst v0  }
0x113: {  	[tilespmem:s20+$0xEE30] =	vst v0  }
0x114: {  	[spmem:s10] =	stream.linear.scatter [tilespmem:s4], [sflag:$0x9], $0xA00, $0x38;
	[tilespmem:$0x1B620] =	vst v63  }
0x115: {  	_ =	swait.ge [sflag:s31], $0xA00  }
0x116: {  	[sflag:s31] =	ssyncset.done $0x0  }
0x117: {  	s19 =	rddreg [dreg:$0x7];
	[sflag:s31] =	ssyncadd.s32 $0xFFFFF600  }
0x118: {  	[spmem:s19] =	stream.linear.scatter [tilespmem:s4], [sflag:$0x9], $0xA00, $0x38;
	[tilespmem:$0x1B620] =	vst v63  }
0x119: {  	_ =	swait.ge [sflag:s31], $0xA00  }
0x11a: {  	[sflag:s31] =	ssyncset.done $0x0  }
0x11b: {  	s20 =	rddreg [dreg:$0x8];
	[sflag:s31] =	ssyncadd.s32 $0xFFFFF600  }
0x11c: {  	[spmem:s20] =	stream.linear.scatter [tilespmem:s4], [sflag:$0x9], $0xA00, $0x38;
	[tilespmem:$0x1B620] =	vst v63  }
0x11d: {  	_ =	swait.ge [sflag:s31], $0xA00  }
0x11e: {  	[sflag:s31] =	ssyncset.done $0x0  }
0x11f: {  	s21 =	rddreg [dreg:$0x9];
	[sflag:s31] =	ssyncadd.s32 $0xFFFFF600  }
0x120: {  	[spmem:s21] =	stream.linear.scatter [tilespmem:s4], [sflag:$0x9], $0xA00, $0x38;
	[tilespmem:$0x1B620] =	vst v63  }
0x121: {  	_ =	swait.ge [sflag:s31], $0xA00  }
0x122: {  	[sflag:s31] =	ssyncset.done $0x0  }
0x123: {  	s20 =	rddreg [dreg:$0xa];
	[sflag:s31] =	ssyncadd.s32 $0xFFFFF600  }
0x124: {  	[spmem:s20] =	stream.linear.scatter [tilespmem:s4], [sflag:$0x9], $0xA00, $0x38;
	[tilespmem:$0x1B620] =	vst v63  }
0x125: {  	_ =	swait.ge [sflag:s31], $0xA00  }
0x126: {  	[sflag:s31] =	ssyncset.done $0x0  }
0x127: {  	s21 =	rddreg [dreg:$0xb];
	[sflag:s31] =	ssyncadd.s32 $0xFFFFF600  }
0x128: {  	[spmem:s21] =	stream.linear.scatter [tilespmem:s4], [sflag:$0x9], $0xA00, $0x38;
	[tilespmem:$0x1B620] =	vst v63  }
0x129: {  	_ =	swait.ge [sflag:s31], $0xA00  }
0x12a: {  	[sflag:s31] =	ssyncset.done $0x0  }
0x12b: {  	s20 =	rddreg [dreg:$0xc];
	[sflag:s31] =	ssyncadd.s32 $0xFFFFF600  }
0x12c: {  	[spmem:s20] =	stream.linear.scatter [tilespmem:s4], [sflag:$0x9], $0xA00, $0x38;
	[tilespmem:$0x1B620] =	vst v63  }
0x12d: {  	_ =	swait.ge [sflag:s31], $0xA00  }
0x12e: {  	[sflag:s31] =	ssyncset.done $0x0  }
0x12f: {  	s21 =	rddreg [dreg:$0xd];
	[sflag:s31] =	ssyncadd.s32 $0xFFFFF600  }
0x130: {  	[spmem:s21] =	stream.linear.scatter [tilespmem:s4], [sflag:$0x9], $0xA00, $0x38;
	[tilespmem:$0x1B620] =	vst v63  }
0x131: {  	_ =	swait.ge [sflag:s31], $0xA00  }
0x132: {  	[sflag:s31] =	ssyncset.done $0x0  }
0x133: {  	s20 =	rddreg [dreg:$0xe];
	[sflag:s31] =	ssyncadd.s32 $0xFFFFF600  }
0x134: {  	[spmem:s20] =	stream.linear.scatter [tilespmem:s4], [sflag:$0x9], $0xA00, $0x38;
	[tilespmem:$0x1B620] =	vst v63  }
0x135: {  	_ =	swait.ge [sflag:s31], $0xA00  }
0x136: {  	[sflag:s31] =	ssyncset.done $0x0  }
0x137: {  	s21 =	rddreg [dreg:$0xf];
	[sflag:s31] =	ssyncadd.s32 $0xFFFFF600  }
0x138: {  	[spmem:s21] =	stream.linear.scatter [tilespmem:s4], [sflag:$0x9], $0xA00, $0x38;
	[tilespmem:$0x1B620] =	vst v63  }
0x139: {  	_ =	swait.ge [sflag:s31], $0xA00  }
0x13a: {  	[sflag:s31] =	ssyncset.done $0x0  }
0x13b: {  	s20 =	rddreg [dreg:$0x10];
	[sflag:s31] =	ssyncadd.s32 $0xFFFFF600  }
0x13c: {  	[spmem:s20] =	stream.linear.scatter [tilespmem:s4], [sflag:$0x9], $0xA00, $0x38;
	[tilespmem:$0x1B620] =	vst v63  }
0x13d: {  	_ =	swait.ge [sflag:s31], $0xA00  }
0x13e: {  	[sflag:s31] =	ssyncset.done $0x0  }
0x13f: {  	s21 =	rddreg [dreg:$0x11];
	[sflag:s31] =	ssyncadd.s32 $0xFFFFF600  }
0x140: {  	[spmem:s21] =	stream.linear.scatter [tilespmem:s4], [sflag:$0x9], $0xA00, $0x38;
	[tilespmem:$0x1B620] =	vst v63  }
0x141: {  	_ =	swait.ge [sflag:s31], $0xA00  }
0x142: {  	[sflag:s31] =	ssyncset.done $0x0  }
0x143: {  	[sflag:s31] =	ssyncadd.s32 $0xFFFFF600  }
0x144: {  	[spmem:s22] =	stream.linear.scatter [tilespmem:s4], [sflag:$0x9], $0xA00, $0x38;
	[tilespmem:$0x1B620] =	vst v63  }
0x145: {  	_ =	swait.ge [sflag:s31], $0xA00  }
0x146: {  	[sflag:s31] =	ssyncset.done $0x0  }
0x147: {  	[sflag:s31] =	ssyncadd.s32 $0xFFFFF600  }
0x148: {  	[spmem:s23] =	stream.linear.scatter [tilespmem:s4], [sflag:$0x9], $0xA00, $0x38;
	[tilespmem:$0x1B620] =	vst v63  }
0x149: {  	_ =	swait.ge [sflag:s31], $0xA00  }
0x14a: {  	[sflag:s31] =	ssyncset.done $0x0  }
0x14b: {  	[sflag:s31] =	ssyncadd.s32 $0xFFFFF600  }
0x14c: {  	[spmem:s24] =	stream.linear.scatter [tilespmem:s4], [sflag:$0x9], $0xA00, $0x38;
	[tilespmem:$0x1B620] =	vst v63  }
0x14d: {  	_ =	swait.ge [sflag:s31], $0xA00  }
0x14e: {  	[sflag:s31] =	ssyncset.done $0x0  }
0x14f: {  	[sflag:s31] =	ssyncadd.s32 $0xFFFFF600  }
0x150: {  	[spmem:s25] =	stream.linear.scatter [tilespmem:s4], [sflag:$0x9], $0xA00, $0x38;
	[tilespmem:$0x1B620] =	vst v63  }
0x151: {  	_ =	swait.ge [sflag:s31], $0xA00  }
0x152: {  	[sflag:s31] =	ssyncset.done $0x0  }
0x153: {  	[sflag:s31] =	ssyncadd.s32 $0xFFFFF600  }
0x154: {  	s20 =	simm.s32 $0x0;
	[bflag:$0x0] =	sbarrier.arrive $0xFFFF  }
0x155: {  	[tilespmem:s4], [sflag:$0x1] =	stream.indirect.gather [hbm4b:s7+s8], $0x20, s20, s8, $0xb8;
	[tilespmem:$0x1B620] =	vst v63  }
0x156: {  	_ = 	snop  }
0x157: {  	[tilespmem:s9], [sflag:$0x2] =	stream.indirect.gather [hbm4b:s7+s8], $0x20, s8, s8, $0xb8;
	[tilespmem:$0x1B620] =	vst v63  }
0x158: {  	s21 =	simm.s32 $0xA0  }
0x159: {  	[tilespmem:s28], [sflag:$0x3] =	stream.indirect.gather [hbm4b:s7+s8], $0x20, s21, s8, $0xb8;
	[tilespmem:$0x1B620] =	vst v63  }
0x15a: {  	s20 =	simm.s32 $0xF0  }
0x15b: {  	[tilespmem:s29], [sflag:$0x4] =	stream.indirect.gather [hbm4b:s7+s8], $0x20, s20, s8, $0xb8;
	[tilespmem:$0x1B620] =	vst v63  }
0x15c: {  	_ =	swait.ge [sflag:s30], $0xA00  }
0x15d: {  	[sflag:s30] =	ssyncset.done $0x0  }
0x15e: {  	s21 =	simm.s32 $0x2710;
	[sflag:s30] =	ssyncadd.s32 $0xFFFFF600  }
0x15f: {  	[spmem:s2] =	stream.indirect.scatter.add.bf16 [tilespmem:s4], [sflag:$0x5], $0x20, s21, s8, $0xb8;
	[tilespmem:$0x1B620] =	vst v63  }
0x160: {  	_ =	swait.ge [sflag:s26], $0xA00  }
0x161: {  	[sflag:s26] =	ssyncset.done $0x0  }
0x162: {  	s20 =	simm.s32 $0x2760;
	[sflag:s26] =	ssyncadd.s32 $0xFFFFF600  }
0x163: {  	[spmem:s2] =	stream.indirect.scatter.add.bf16 [tilespmem:s9], [sflag:$0x6], $0x20, s20, s8, $0xb8;
	[tilespmem:$0x1B620] =	vst v63  }
0x164: {  	_ =	swait.ge [sflag:s3], $0xA00  }
0x165: {  	[sflag:s3] =	ssyncset.done $0x0  }
0x166: {  	s21 =	simm.s32 $0x27B0;
	[sflag:s3] =	ssyncadd.s32 $0xFFFFF600  }
0x167: {  	[spmem:s2] =	stream.indirect.scatter.add.bf16 [tilespmem:s28], [sflag:$0x7], $0x20, s21, s8, $0xb8;
	[tilespmem:$0x1B620] =	vst v63  }
0x168: {  	_ =	swait.ge [sflag:s11], $0xA00  }
0x169: {  	[sflag:s11] =	ssyncset.done $0x0  }
0x16a: {  	s20 =	simm.s32 $0x2800;
	[sflag:s11] =	ssyncadd.s32 $0xFFFFF600  }
0x16b: {  	[spmem:s2] =	stream.indirect.scatter.add.bf16 [tilespmem:s29], [sflag:$0x8], $0x20, s20, s8, $0xb8;
	[tilespmem:$0x1B620] =	vst v63  }
0x16c: {  	_ =	swait.ge [sflag:s12], $0xA00  }
0x16d: {  	[sflag:s12] =	ssyncset.done $0x0  }
0x16e: {  	s21 =	simm.s32 $0x140;
	[sflag:s12] =	ssyncadd.s32 $0xFFFFF600  }
0x16f: {  	[tilespmem:s4], [sflag:$0x1] =	stream.indirect.gather [hbm4b:s7+s8], $0x20, s21, s8, $0xb8;
	[tilespmem:$0x1B620] =	vst v63  }
0x170: {  	_ =	swait.ge [sflag:s13], $0xA00  }
0x171: {  	[sflag:s13] =	ssyncset.done $0x0  }
0x172: {  	s20 =	simm.s32 $0x190;
	[sflag:s13] =	ssyncadd.s32 $0xFFFFF600  }
0x173: {  	[tilespmem:s9], [sflag:$0x2] =	stream.indirect.gather [hbm4b:s7+s8], $0x20, s20, s8, $0xb8;
	[tilespmem:$0x1B620] =	vst v63  }
0x174: {  	_ =	swait.ge [sflag:s14], $0xA00  }
0x175: {  	[sflag:s14] =	ssyncset.done $0x0  }
0x176: {  	s21 =	simm.s32 $0x1E0;
	[sflag:s14] =	ssyncadd.s32 $0xFFFFF600  }
0x177: {  	[tilespmem:s28], [sflag:$0x3] =	stream.indirect.gather [hbm4b:s7+s8], $0x20, s21, s8, $0xb8;
	[tilespmem:$0x1B620] =	vst v63  }
0x178: {  	_ =	swait.ge [sflag:s15], $0xA00  }
0x179: {  	[sflag:s15] =	ssyncset.done $0x0  }
0x17a: {  	s19 =	simm.s32 $0x500;
	s20 =	simm.s32 $0x230;
	[sflag:s15] =	ssyncadd.s32 $0xFFFFF600  }
.LBB2_12:
0x17b: {  	[tilespmem:s29], [sflag:$0x4] =	stream.indirect.gather [hbm4b:s7+s8], $0x20, s20, s8, $0xb8;
	[tilespmem:$0x1B620] =	vst v63  }
0x17c: {  	s20 =	smov.u32 s19  }
0x17d: {  	p0 =	sne.s32 s19, $0x9100;
	s19 =	sadd.s32 $0x500, s19;
	_ =	swait.ge [sflag:s30], $0xA00  }
0x17e: {  	s20 =	sshra.s32 s20, $0x2;
	[sflag:s30] =	ssyncset.done $0x0  }
0x17f: {  	s21 =	sadd.s32 $0x2710, s20;
	[sflag:s30] =	ssyncadd.s32 $0xFFFFF600  }
0x180: {  	[spmem:s2] =	stream.indirect.scatter.add.bf16 [tilespmem:s4], [sflag:$0x5], $0x20, s21, s8, $0xb8;
	[tilespmem:$0x1B620] =	vst v63  }
0x181: {  	_ =	swait.ge [sflag:s26], $0xA00  }
0x182: {  	[sflag:s26] =	ssyncset.done $0x0  }
0x183: {  	s21 =	sadd.s32 $0x2760, s20;
	[sflag:s26] =	ssyncadd.s32 $0xFFFFF600  }
0x184: {  	[spmem:s2] =	stream.indirect.scatter.add.bf16 [tilespmem:s9], [sflag:$0x6], $0x20, s21, s8, $0xb8;
	[tilespmem:$0x1B620] =	vst v63  }
0x185: {  	_ =	swait.ge [sflag:s3], $0xA00  }
0x186: {  	[sflag:s3] =	ssyncset.done $0x0  }
0x187: {  	s21 =	sadd.s32 $0x27B0, s20;
	[sflag:s3] =	ssyncadd.s32 $0xFFFFF600  }
0x188: {  	[spmem:s2] =	stream.indirect.scatter.add.bf16 [tilespmem:s28], [sflag:$0x7], $0x20, s21, s8, $0xb8;
	[tilespmem:$0x1B620] =	vst v63  }
0x189: {  	_ =	swait.ge [sflag:s11], $0xA00  }
0x18a: {  	[sflag:s11] =	ssyncset.done $0x0  }
0x18b: {  	s21 =	sadd.s32 $0x2800, s20;
	[sflag:s11] =	ssyncadd.s32 $0xFFFFF600  }
0x18c: {  	[spmem:s2] =	stream.indirect.scatter.add.bf16 [tilespmem:s29], [sflag:$0x8], $0x20, s21, s8, $0xb8;
	[tilespmem:$0x1B620] =	vst v63  }
0x18d: {  	_ =	swait.ge [sflag:s12], $0xA00  }
0x18e: {  	[sflag:s12] =	ssyncset.done $0x0  }
0x18f: {  	s21 =	sadd.s32 $0x140, s20;
	[sflag:s12] =	ssyncadd.s32 $0xFFFFF600  }
0x190: {  	[tilespmem:s4], [sflag:$0x1] =	stream.indirect.gather [hbm4b:s7+s8], $0x20, s21, s8, $0xb8;
	[tilespmem:$0x1B620] =	vst v63  }
0x191: {  	_ =	swait.ge [sflag:s13], $0xA00  }
0x192: {  	[sflag:s13] =	ssyncset.done $0x0  }
0x193: {  	s21 =	sadd.s32 $0x190, s20;
	[sflag:s13] =	ssyncadd.s32 $0xFFFFF600  }
0x194: {  	[tilespmem:s9], [sflag:$0x2] =	stream.indirect.gather [hbm4b:s7+s8], $0x20, s21, s8, $0xb8;
	[tilespmem:$0x1B620] =	vst v63  }
0x195: {  	_ =	swait.ge [sflag:s14], $0xA00  }
0x196: {  	[sflag:s14] =	ssyncset.done $0x0  }
.Ltmp5:
0x197: {  	s21 =	sadd.s32 $0x1E0, s20;
	[sflag:s14] =	ssyncadd.s32 $0xFFFFF600;
	(pc) =	sbr.rel @p0 .LBB2_12-.Ltmp5, $4  }
0x198: {  	[tilespmem:s28], [sflag:$0x3] =	stream.indirect.gather [hbm4b:s7+s8], $0x20, s21, s8, $0xb8;
	[tilespmem:$0x1B620] =	vst v63  }
0x199: {  	_ =	swait.ge [sflag:s15], $0xA00  }
0x19a: {  	[sflag:s15] =	ssyncset.done $0x0  }
0x19b: {  	s20 =	sadd.s32 $0x230, s20;
	[sflag:s15] =	ssyncadd.s32 $0xFFFFF600  }
0x19c: {  	[tilespmem:s29], [sflag:$0x4] =	stream.indirect.gather [hbm4b:s7+s8], $0x20, s20, s8, $0xb8;
	[tilespmem:$0x1B620] =	vst v63  }
0x19d: {  	_ =	swait.ge [sflag:s30], $0xA00  }
0x19e: {  	[sflag:s30] =	ssyncset.done $0x0  }
0x19f: {  	s20 =	simm.s32 $0x4C90;
	[sflag:s30] =	ssyncadd.s32 $0xFFFFF600  }
0x1a0: {  	[spmem:s2] =	stream.indirect.scatter.add.bf16 [tilespmem:s4], [sflag:$0x5], $0x20, s20, s8, $0xb8;
	[tilespmem:$0x1B620] =	vst v63  }
0x1a1: {  	_ =	swait.ge [sflag:s26], $0xA00  }
0x1a2: {  	[sflag:s26] =	ssyncset.done $0x0  }
0x1a3: {  	s21 =	simm.s32 $0x4CE0;
	[sflag:s26] =	ssyncadd.s32 $0xFFFFF600  }
0x1a4: {  	[spmem:s2] =	stream.indirect.scatter.add.bf16 [tilespmem:s9], [sflag:$0x6], $0x20, s21, s8, $0xb8;
	[tilespmem:$0x1B620] =	vst v63  }
0x1a5: {  	_ =	swait.ge [sflag:s3], $0xA00  }
0x1a6: {  	[sflag:s3] =	ssyncset.done $0x0  }
0x1a7: {  	s19 =	simm.s32 $0x4D30;
	[sflag:s3] =	ssyncadd.s32 $0xFFFFF600  }
0x1a8: {  	[spmem:s2] =	stream.indirect.scatter.add.bf16 [tilespmem:s28], [sflag:$0x7], $0x20, s19, s8, $0xb8;
	[tilespmem:$0x1B620] =	vst v63  }
0x1a9: {  	_ =	swait.ge [sflag:s11], $0xA00  }
0x1aa: {  	[sflag:s11] =	ssyncset.done $0x0  }
0x1ab: {  	s19 =	simm.s32 $0x4D80;
	[sflag:s11] =	ssyncadd.s32 $0xFFFFF600  }
0x1ac: {  	[spmem:s2] =	stream.indirect.scatter.add.bf16 [tilespmem:s29], [sflag:$0x8], $0x20, s19, s8, $0xb8;
	[tilespmem:$0x1B620] =	vst v63  }
0x1ad: {  	_ =	swait.ge [sflag:s12], $0xA00  }
0x1ae: {  	[sflag:s12] =	ssyncset.done $0x0  }
0x1af: {  	s19 =	simm.s32 $0x26C0;
	[sflag:s12] =	ssyncadd.s32 $0xFFFFF600  }
0x1b0: {  	[tilespmem:s4], [sflag:$0x1] =	stream.indirect.gather [hbm4b:s7+s8], $0x20, s19, s8, $0xb8;
	[tilespmem:$0x1B620] =	vst v63  }
0x1b1: {  	_ =	swait.ge [sflag:s13], $0xA00  }
0x1b2: {  	[sflag:s13] =	ssyncset.done $0x0  }
0x1b3: {  	[sflag:s13] =	ssyncadd.s32 $0xFFFFF600  }
0x1b4: {  	_ =	swait.ge [sflag:s14], $0xA00  }
0x1b5: {  	[sflag:s14] =	ssyncset.done $0x0  }
0x1b6: {  	[sflag:s14] =	ssyncadd.s32 $0xFFFFF600  }
0x1b7: {  	_ =	swait.ge [sflag:s15], $0xA00  }
0x1b8: {  	[sflag:s15] =	ssyncset.done $0x0  }
0x1b9: {  	[sflag:s15] =	ssyncadd.s32 $0xFFFFF600  }
0x1ba: {  	_ =	swait.ge [sflag:s30], $0xA00  }
0x1bb: {  	[sflag:s30] =	ssyncset.done $0x0  }
0x1bc: {  	s19 =	simm.s32 $0x4DD0;
	[sflag:s30] =	ssyncadd.s32 $0xFFFFF600  }
0x1bd: {  	[spmem:s2] =	stream.indirect.scatter.add.bf16 [tilespmem:s4], [sflag:$0x9], $0x20, s19, s8, $0xb8;
	[tilespmem:$0x1B620] =	vst v63  }
0x1be: {  	_ =	swait.ge [sflag:s31], $0xA00  }
0x1bf: {  	[sflag:s31] =	ssyncset.done $0x0  }
0x1c0: {  	[sflag:s31] =	ssyncadd.s32 $0xFFFFF600  }
0x1c1: {  	[bflag:$0x0] =	sbarrier.arrive $0xFFFF  }
0x1c2: {  	s19 =	rddreg [dreg:$0x14]  }
0x1c3: {  	[hbm:s19], [sflag:s17] =	dma.local [spmem:s18], $0x1400  }
0x1c4: {  	_ =	swait.ge [sflag:s31], $0x1400  }
0x1c5: {  	s16 =	sadd.s32 $0x1, s16;
	s19 =	rddreg [dreg:$0x15]  }
0x1c6: {  	p0 =	sne.s32 s16, s19  }
.Ltmp6:
0x1c7: {  	_ = 	snop;
	(pc) =	sbr.rel @p0 .LBB2_1-.Ltmp6, $3  }
0x1c8: {  	_ =	sdelay $0x1  }
0x1c9: {  	[sflag:s31] =	ssyncset.done $0x0  }
0x1ca: {  	[sflag:s31] =	ssyncadd.s32 $0xFFFFEC00  }
0x1cb: {  	_ =	sfence.sel $0x180000  }
0x1cc: {  	[bflag:$0x0] =	sbarrier.arrive $0xFFFF  }
0x1cd: {  	_ =	strace $0x90000047  }
0x1ce: {  	s0 =	stileid.u32;
	[bflag:$0x2] =	sbarrier.arrive $0xFFFF  }
0x1cf: {  	p0 =	sne.s32 s0, $0x0;
	s0 =	rddreg [dreg:$0x2]  }
0x1d0: {  	s0 =	sadd.s32 @!p0 $0x100000, s0  }
0x1d1: {  	[sflag:s0] =	ssyncadd.tile.s32 @!p0 $0x1;
	_ =	shalt  }
.Lfunc_end2:
_tile_overlayer_lowered:
.L_overlay_start_2:
0x1d2: {  	(tag) =	ssettag $0x2  }
0x1d3: {  	s0 =	rddreg [dreg:$0x0];
	s2 =	stileid.u32  }
0x1d4: {  	s1 =	rddreg [dreg:$0x1];
	p0 =	sne.s32 s2, $0x0  }
0x1d5: {  	s3 =	rddreg [dreg:$0x2];
	[bflag:$0x3] =	sbarrier.arrive $0xFFFF;
	s2 =	simm.s32 @!p0 $0x1C09  }
0x1d6: {  	[timem:s3], [sflag:s2] =	dma.local @!p0 [hbm:s0], s1  }
0x1d7: {  	s0 =	simm.s32 @!p0 $0x9  }
0x1d8: {  	_ =	swait.ge @!p0 [sflag:s0], s1  }
0x1d9: {  	s1 =	ssub.s32 @!p0 $0x0, s1;
	[sflag:s0] =	ssyncset.done @!p0 $0x0  }
0x1da: {  	[sflag:s0] =	ssyncadd.s32 @!p0 s1  }
0x1db: {  	[bflag:$0x3] =	sbarrier.arrive $0xFFFF  }
0x1dc: {  	_ =	shalt  }

</sc_bundles>
